<compile_context>
chip_gen: v7x
topology: tpu7x:2x2x1
jax: 0.10.2.dev20260603
libtpu: 0.0.44.dev20260713+nightly
codegen_flags: <defaults>
</compile_context>

<pallas_src>
import functools

import jax
import jax.numpy as jnp
from jax import lax
from jax.experimental import pallas as pl
from jax.experimental.pallas import tpu as pltpu
from jax.experimental.pallas import tpu_sc as plsc

BATCH = 16384
DIM = 128
LANES = 16
NUM_CORES = 2
NUM_SUBCORES = 16
NUM_WORKERS = NUM_CORES * NUM_SUBCORES
BPW = BATCH // NUM_WORKERS
CHUNK = 64
NCHUNK = BPW // CHUNK
CHUNKP = CHUNK + 1
KBLK = DIM // LANES


NSLOT = 7


def _body(uid_hbm, iid_hbm, uemb_hbm, iemb_hbm, out_hbm,
          uid_v, iid_v, u_bufs, v_bufs, tposed, out_v, sems, id_sems):
    wid = lax.axis_index("s") * NUM_CORES + lax.axis_index("c")
    base = wid * BPW
    cu_ids = pltpu.async_copy(uid_hbm.at[pl.ds(base, BPW)], uid_v,
                              id_sems.at[0])
    cv_ids = pltpu.async_copy(iid_hbm.at[pl.ds(base, BPW)], iid_v,
                              id_sems.at[1])
    cu_ids.wait()
    cv_ids.wait()

    lane_iota = lax.iota(jnp.int32, LANES)
    scat_base = lane_iota * CHUNKP

    def start(c, slot):
        cu = pltpu.async_copy(
            uemb_hbm.at[uid_v.at[pl.ds(c * CHUNK, CHUNK)]], u_bufs.at[slot],
            sems.at[slot, 0])
        cv = pltpu.async_copy(
            iemb_hbm.at[iid_v.at[pl.ds(c * CHUNK, CHUNK)]], v_bufs.at[slot],
            sems.at[slot, 1])
        return cu, cv

    pending = [start(c, c % NSLOT) for c in range(min(NSLOT - 1, NCHUNK))]
    for c in range(NCHUNK):
        slot = c % NSLOT
        if c + NSLOT - 1 < NCHUNK:
            pending.append(start(c + NSLOT - 1, (c + NSLOT - 1) % NSLOT))
        cu, cv = pending.pop(0)
        cu.wait()
        cv.wait()
        u_rows = u_bufs.at[slot]
        v_rows = v_bufs.at[slot]

        @plsc.parallel_loop(0, CHUNK, unroll=1)
        def _(r):
            p = [u_rows[r, pl.ds(k * LANES, LANES)]
                 * v_rows[r, pl.ds(k * LANES, LANES)] for k in range(KBLK)]
            while len(p) > 1:
                p = [p[i] + p[i + 1] for i in range(0, len(p), 2)]
            plsc.store_scatter(tposed, [scat_base + r], p[0])

        for g in range(CHUNK // LANES):
            s = tposed[pl.ds(g * LANES, LANES)]
            for l in range(1, LANES):
                s = s + tposed[pl.ds(l * CHUNKP + g * LANES, LANES)]
            out_v[pl.ds(c * CHUNK + g * LANES, LANES)] = s

    pltpu.sync_copy(out_v, out_hbm.at[pl.ds(base, BPW)])


_tt = functools.partial(
    pl.kernel,
    out_type=jax.ShapeDtypeStruct((BATCH,), jnp.float32),
    mesh=plsc.VectorSubcoreMesh(core_axis_name="c", subcore_axis_name="s"),
    compiler_params=pltpu.CompilerParams(needs_layout_passes=False),
    scratch_types=[
        pltpu.VMEM((BPW,), jnp.int32),
        pltpu.VMEM((BPW,), jnp.int32),
        pltpu.VMEM((NSLOT, CHUNK, DIM), jnp.float32),
        pltpu.VMEM((NSLOT, CHUNK, DIM), jnp.float32),
        pltpu.VMEM((LANES * CHUNKP,), jnp.float32),
        pltpu.VMEM((BPW,), jnp.float32),
        pltpu.SemaphoreType.DMA((NSLOT, 2)),
        pltpu.SemaphoreType.DMA((2,)),
    ],
)(_body)


@jax.jit
def kernel(user_ids, item_ids, user_emb, item_emb):
    return _tt(user_ids.astype(jnp.int32), item_ids.astype(jnp.int32),
               user_emb, item_emb)

# --- scband reference (transcript-rebuilt; emitter-appended) ---
"""Pipeline reference for scband-two-tower-48292612276289 (READ-ONLY COPY).

The authoritative reference and input builder live on the scoring server;
editing this copy changes nothing except your own understanding.
"""

import jax, jax.numpy as jnp
import numpy as np

NUM_USERS = 100000
NUM_ITEMS = 1000000
DIM = 128
BATCH = 16384

def setup_inputs(seed: int = 0) -> dict:
    key = jax.random.key(seed)
    k1, k2, k3, k4 = jax.random.split(key, 4)
    user_ids = jax.random.randint(k1, (BATCH,), 0, NUM_USERS, dtype=jnp.int64) if jax.config.jax_enable_x64 else jax.random.randint(k1, (BATCH,), 0, NUM_USERS, dtype=jnp.int32)
    item_ids = jax.random.randint(k2, (BATCH,), 0, NUM_ITEMS, dtype=jnp.int32)
    user_emb = jax.random.normal(k3, (NUM_USERS, DIM), dtype=jnp.float32) * 0.02
    item_emb = jax.random.normal(k4, (NUM_ITEMS, DIM), dtype=jnp.float32) * 0.02
    return {"user_ids": user_ids, "item_ids": item_ids, "user_emb": user_emb, "item_emb": item_emb}

def reference(user_ids, item_ids, user_emb, item_emb):
    u = jnp.take(user_emb, user_ids, axis=0)
    v = jnp.take(item_emb, item_ids, axis=0)
    return (u * v).sum(axis=-1)

if __name__ == "__main__":
    import jax
    _d = setup_inputs()
    print(jax.jit(kernel)(*tuple(_d.values())))

</pallas_src>

<mosaic_0001>
#map = affine_map<(d0, d1) -> (0)>
#map1 = affine_map<(d0, d1) -> (0, 0)>
module attributes {stable_mosaic.version = 14 : i64} {
  func.func @_body(%arg0: i32, %arg1: i32, %arg2: memref<16384xi32, #tpu.memory_space<hbm>>, %arg3: memref<16384xi32, #tpu.memory_space<hbm>>, %arg4: memref<100000x128xf32, #tpu.memory_space<hbm>>, %arg5: memref<1000000x128xf32, #tpu.memory_space<hbm>>, %arg6: memref<16384xf32, #tpu.memory_space<hbm>>, %arg7: memref<512xi32, #tpu.memory_space<vmem>>, %arg8: memref<512xi32, #tpu.memory_space<vmem>>, %arg9: memref<7x64x128xf32, #tpu.memory_space<vmem>>, %arg10: memref<7x64x128xf32, #tpu.memory_space<vmem>>, %arg11: memref<1040xf32, #tpu.memory_space<vmem>>, %arg12: memref<512xf32, #tpu.memory_space<vmem>>, %arg13: memref<7x2x!tpu.dma_semaphore, #tpu.memory_space<semaphore_mem>>, %arg14: memref<2x!tpu.dma_semaphore, #tpu.memory_space<semaphore_mem>>) attributes {dimension_semantics = [#tpu.dimension_semantics<core_parallel>, #tpu.dimension_semantics<subcore_parallel>], iteration_bounds = array<i64: 2, 16>, scalar_prefetch = 0 : i64, scratch_operands = 8 : i64, tpu.core_type = #tpu.core_type<sc_vector_subcore>, window_params = [{transform_indices = #map}, {transform_indices = #map}, {transform_indices = #map1}, {transform_indices = #map1}, {transform_indices = #map}]} {
    %mul3A = arith.constant 2 : i32
    %mul3A_0 = arith.muli %arg1, %mul3A : i32
    %add3A = arith.addi %mul3A_0, %arg0 : i32
    %mul3A_1 = arith.constant 512 : i32
    %mul3A_2 = arith.muli %add3A, %mul3A_1 : i32
    %dma_start3A = arith.constant 0 : i32
    %dma_start3A_3 = tpu.memref_slice %arg2[%mul3A_2] : memref<16384xi32, #tpu.memory_space<hbm>> -> memref<512xi32, #tpu.memory_space<hbm>>
    %dma_start3A_4 = tpu.memref_slice %arg14[%dma_start3A] : memref<2x!tpu.dma_semaphore, #tpu.memory_space<semaphore_mem>> -> memref<1x!tpu.dma_semaphore, #tpu.memory_space<semaphore_mem>>
    %dma_start3A_5 = tpu.memref_squeeze %dma_start3A_4 : memref<1x!tpu.dma_semaphore, #tpu.memory_space<semaphore_mem>> -> memref<!tpu.dma_semaphore, #tpu.memory_space<semaphore_mem>>
    %dma_start3A_6 = tpu.memref_slice %arg2[%mul3A_2] : memref<16384xi32, #tpu.memory_space<hbm>> -> memref<512xi32, #tpu.memory_space<hbm>>
    tpu.enqueue_dma source(%dma_start3A_6 : memref<512xi32, #tpu.memory_space<hbm>>) target(%arg7 : memref<512xi32, #tpu.memory_space<vmem>>) target_semaphore(%dma_start3A_5 : memref<!tpu.dma_semaphore, #tpu.memory_space<semaphore_mem>>)
    %dma_start3A_7 = arith.constant 1 : i32
    %dma_start3A_8 = tpu.memref_slice %arg3[%mul3A_2] : memref<16384xi32, #tpu.memory_space<hbm>> -> memref<512xi32, #tpu.memory_space<hbm>>
    %dma_start3A_9 = tpu.memref_slice %arg14[%dma_start3A_7] : memref<2x!tpu.dma_semaphore, #tpu.memory_space<semaphore_mem>> -> memref<1x!tpu.dma_semaphore, #tpu.memory_space<semaphore_mem>>
    %dma_start3A_10 = tpu.memref_squeeze %dma_start3A_9 : memref<1x!tpu.dma_semaphore, #tpu.memory_space<semaphore_mem>> -> memref<!tpu.dma_semaphore, #tpu.memory_space<semaphore_mem>>
    %dma_start3A_11 = tpu.memref_slice %arg3[%mul3A_2] : memref<16384xi32, #tpu.memory_space<hbm>> -> memref<512xi32, #tpu.memory_space<hbm>>
    tpu.enqueue_dma source(%dma_start3A_11 : memref<512xi32, #tpu.memory_space<hbm>>) target(%arg8 : memref<512xi32, #tpu.memory_space<vmem>>) target_semaphore(%dma_start3A_10 : memref<!tpu.dma_semaphore, #tpu.memory_space<semaphore_mem>>)
    %dma_wait3A = arith.constant 0 : i32
    %dma_wait3A_12 = tpu.memref_slice %arg2[%mul3A_2] : memref<16384xi32, #tpu.memory_space<hbm>> -> memref<512xi32, #tpu.memory_space<hbm>>
    %dma_wait3A_13 = tpu.memref_slice %arg14[%dma_wait3A] : memref<2x!tpu.dma_semaphore, #tpu.memory_space<semaphore_mem>> -> memref<1x!tpu.dma_semaphore, #tpu.memory_space<semaphore_mem>>
    %dma_wait3A_14 = tpu.memref_squeeze %dma_wait3A_13 : memref<1x!tpu.dma_semaphore, #tpu.memory_space<semaphore_mem>> -> memref<!tpu.dma_semaphore, #tpu.memory_space<semaphore_mem>>
    %dma_wait3A_15 = tpu.memref_slice %arg2[%mul3A_2] : memref<16384xi32, #tpu.memory_space<hbm>> -> memref<512xi32, #tpu.memory_space<hbm>>
    tpu.wait_dma2 semaphore(%dma_wait3A_14 : memref<!tpu.dma_semaphore, #tpu.memory_space<semaphore_mem>>) src(%dma_wait3A_15 : memref<512xi32, #tpu.memory_space<hbm>>) dst(%arg7 : memref<512xi32, #tpu.memory_space<vmem>>)
    %dma_wait3A_16 = arith.constant 1 : i32
    %dma_wait3A_17 = tpu.memref_slice %arg3[%mul3A_2] : memref<16384xi32, #tpu.memory_space<hbm>> -> memref<512xi32, #tpu.memory_space<hbm>>
    %dma_wait3A_18 = tpu.memref_slice %arg14[%dma_wait3A_16] : memref<2x!tpu.dma_semaphore, #tpu.memory_space<semaphore_mem>> -> memref<1x!tpu.dma_semaphore, #tpu.memory_space<semaphore_mem>>
    %dma_wait3A_19 = tpu.memref_squeeze %dma_wait3A_18 : memref<1x!tpu.dma_semaphore, #tpu.memory_space<semaphore_mem>> -> memref<!tpu.dma_semaphore, #tpu.memory_space<semaphore_mem>>
    %dma_wait3A_20 = tpu.memref_slice %arg3[%mul3A_2] : memref<16384xi32, #tpu.memory_space<hbm>> -> memref<512xi32, #tpu.memory_space<hbm>>
    tpu.wait_dma2 semaphore(%dma_wait3A_19 : memref<!tpu.dma_semaphore, #tpu.memory_space<semaphore_mem>>) src(%dma_wait3A_20 : memref<512xi32, #tpu.memory_space<hbm>>) dst(%arg8 : memref<512xi32, #tpu.memory_space<vmem>>)
    %iota3A = tpu.iota {dimensions = array<i32: 0>} : vector<16xi32>
    %mul3A_21 = arith.constant 65 : i32
    %mul3A_22 = vector.broadcast %mul3A_21 : i32 to vector<16xi32>
    %mul3A_23 = arith.muli %iota3A, %mul3A_22 : vector<16xi32>
    %dma_start3A_24 = arith.constant 0 : i32
    %dma_start3A_25 = arith.constant 0 : i32
    %dma_start3A_26 = arith.constant 0 : i32
    %dma_start3A_27 = arith.constant 0 : i32
    %dma_start3A_28 = arith.constant 0 : i32
    %dma_start3A_29 = tpu.memref_slice %arg9[%dma_start3A_24, %dma_start3A_27, %dma_start3A_28] : memref<7x64x128xf32, #tpu.memory_space<vmem>> -> memref<1x64x128xf32, #tpu.memory_space<vmem>>
    %dma_start3A_30 = tpu.memref_squeeze %dma_start3A_29 : memref<1x64x128xf32, #tpu.memory_space<vmem>> -> memref<64x128xf32, #tpu.memory_space<vmem>>
    %dma_start3A_31 = arith.constant 0 : i32
    %dma_start3A_32 = tpu.memref_slice %arg7[%dma_start3A_31] : memref<512xi32, #tpu.memory_space<vmem>> -> memref<64xi32, #tpu.memory_space<vmem>>
    %dma_start3A_33 = arith.constant 0 : i32
    %dma_start3A_34 = arith.constant 0 : i32
    %dma_start3A_35 = tpu.memref_slice %arg4[%dma_start3A_33, %dma_start3A_34] : memref<100000x128xf32, #tpu.memory_space<hbm>> -> memref<100000x128xf32, #tpu.memory_space<hbm>>
    %dma_start3A_36 = tpu.memref_slice %arg13[%dma_start3A_25, %dma_start3A_26] : memref<7x2x!tpu.dma_semaphore, #tpu.memory_space<semaphore_mem>> -> memref<1x1x!tpu.dma_semaphore, #tpu.memory_space<semaphore_mem>>
    %dma_start3A_37 = tpu.memref_squeeze %dma_start3A_36 : memref<1x1x!tpu.dma_semaphore, #tpu.memory_space<semaphore_mem>> -> memref<!tpu.dma_semaphore, #tpu.memory_space<semaphore_mem>>
    tpu.enqueue_indirect_dma source(%dma_start3A_35 : memref<100000x128xf32, #tpu.memory_space<hbm>>) target(%dma_start3A_30 : memref<64x128xf32, #tpu.memory_space<vmem>>) offsets(%dma_start3A_32 : memref<64xi32, #tpu.memory_space<vmem>>) semaphore(%dma_start3A_37 : memref<!tpu.dma_semaphore, #tpu.memory_space<semaphore_mem>>)
    %dma_start3A_38 = arith.constant 0 : i32
    %dma_start3A_39 = arith.constant 0 : i32
    %dma_start3A_40 = arith.constant 1 : i32
    %dma_start3A_41 = arith.constant 0 : i32
    %dma_start3A_42 = arith.constant 0 : i32
    %dma_start3A_43 = tpu.memref_slice %arg10[%dma_start3A_38, %dma_start3A_41, %dma_start3A_42] : memref<7x64x128xf32, #tpu.memory_space<vmem>> -> memref<1x64x128xf32, #tpu.memory_space<vmem>>
    %dma_start3A_44 = tpu.memref_squeeze %dma_start3A_43 : memref<1x64x128xf32, #tpu.memory_space<vmem>> -> memref<64x128xf32, #tpu.memory_space<vmem>>
    %dma_start3A_45 = arith.constant 0 : i32
    %dma_start3A_46 = tpu.memref_slice %arg8[%dma_start3A_45] : memref<512xi32, #tpu.memory_space<vmem>> -> memref<64xi32, #tpu.memory_space<vmem>>
    %dma_start3A_47 = arith.constant 0 : i32
    %dma_start3A_48 = arith.constant 0 : i32
    %dma_start3A_49 = tpu.memref_slice %arg5[%dma_start3A_47, %dma_start3A_48] : memref<1000000x128xf32, #tpu.memory_space<hbm>> -> memref<1000000x128xf32, #tpu.memory_space<hbm>>
    %dma_start3A_50 = tpu.memref_slice %arg13[%dma_start3A_39, %dma_start3A_40] : memref<7x2x!tpu.dma_semaphore, #tpu.memory_space<semaphore_mem>> -> memref<1x1x!tpu.dma_semaphore, #tpu.memory_space<semaphore_mem>>
    %dma_start3A_51 = tpu.memref_squeeze %dma_start3A_50 : memref<1x1x!tpu.dma_semaphore, #tpu.memory_space<semaphore_mem>> -> memref<!tpu.dma_semaphore, #tpu.memory_space<semaphore_mem>>
    tpu.enqueue_indirect_dma source(%dma_start3A_49 : memref<1000000x128xf32, #tpu.memory_space<hbm>>) target(%dma_start3A_44 : memref<64x128xf32, #tpu.memory_space<vmem>>) offsets(%dma_start3A_46 : memref<64xi32, #tpu.memory_space<vmem>>) semaphore(%dma_start3A_51 : memref<!tpu.dma_semaphore, #tpu.memory_space<semaphore_mem>>)
    %dma_start3A_52 = arith.constant 1 : i32
    %dma_start3A_53 = arith.constant 1 : i32
    %dma_start3A_54 = arith.constant 0 : i32
    %dma_start3A_55 = arith.constant 0 : i32
    %dma_start3A_56 = arith.constant 0 : i32
    %dma_start3A_57 = tpu.memref_slice %arg9[%dma_start3A_52, %dma_start3A_55, %dma_start3A_56] : memref<7x64x128xf32, #tpu.memory_space<vmem>> -> memref<1x64x128xf32, #tpu.memory_space<vmem>>
    %dma_start3A_58 = tpu.memref_squeeze %dma_start3A_57 : memref<1x64x128xf32, #tpu.memory_space<vmem>> -> memref<64x128xf32, #tpu.memory_space<vmem>>
    %dma_start3A_59 = arith.constant 64 : i32
    %dma_start3A_60 = tpu.memref_slice %arg7[%dma_start3A_59] : memref<512xi32, #tpu.memory_space<vmem>> -> memref<64xi32, #tpu.memory_space<vmem>>
    %dma_start3A_61 = arith.constant 0 : i32
    %dma_start3A_62 = arith.constant 0 : i32
    %dma_start3A_63 = tpu.memref_slice %arg4[%dma_start3A_61, %dma_start3A_62] : memref<100000x128xf32, #tpu.memory_space<hbm>> -> memref<100000x128xf32, #tpu.memory_space<hbm>>
    %dma_start3A_64 = tpu.memref_slice %arg13[%dma_start3A_53, %dma_start3A_54] : memref<7x2x!tpu.dma_semaphore, #tpu.memory_space<semaphore_mem>> -> memref<1x1x!tpu.dma_semaphore, #tpu.memory_space<semaphore_mem>>
    %dma_start3A_65 = tpu.memref_squeeze %dma_start3A_64 : memref<1x1x!tpu.dma_semaphore, #tpu.memory_space<semaphore_mem>> -> memref<!tpu.dma_semaphore, #tpu.memory_space<semaphore_mem>>
    tpu.enqueue_indirect_dma source(%dma_start3A_63 : memref<100000x128xf32, #tpu.memory_space<hbm>>) target(%dma_start3A_58 : memref<64x128xf32, #tpu.memory_space<vmem>>) offsets(%dma_start3A_60 : memref<64xi32, #tpu.memory_space<vmem>>) semaphore(%dma_start3A_65 : memref<!tpu.dma_semaphore, #tpu.memory_space<semaphore_mem>>)
    %dma_start3A_66 = arith.constant 1 : i32
    %dma_start3A_67 = arith.constant 1 : i32
    %dma_start3A_68 = arith.constant 1 : i32
    %dma_start3A_69 = arith.constant 0 : i32
    %dma_start3A_70 = arith.constant 0 : i32
    %dma_start3A_71 = tpu.memref_slice %arg10[%dma_start3A_66, %dma_start3A_69, %dma_start3A_70] : memref<7x64x128xf32, #tpu.memory_space<vmem>> -> memref<1x64x128xf32, #tpu.memory_space<vmem>>
    %dma_start3A_72 = tpu.memref_squeeze %dma_start3A_71 : memref<1x64x128xf32, #tpu.memory_space<vmem>> -> memref<64x128xf32, #tpu.memory_space<vmem>>
    %dma_start3A_73 = arith.constant 64 : i32
    %dma_start3A_74 = tpu.memref_slice %arg8[%dma_start3A_73] : memref<512xi32, #tpu.memory_space<vmem>> -> memref<64xi32, #tpu.memory_space<vmem>>
    %dma_start3A_75 = arith.constant 0 : i32
    %dma_start3A_76 = arith.constant 0 : i32
    %dma_start3A_77 = tpu.memref_slice %arg5[%dma_start3A_75, %dma_start3A_76] : memref<1000000x128xf32, #tpu.memory_space<hbm>> -> memref<1000000x128xf32, #tpu.memory_space<hbm>>
    %dma_start3A_78 = tpu.memref_slice %arg13[%dma_start3A_67, %dma_start3A_68] : memref<7x2x!tpu.dma_semaphore, #tpu.memory_space<semaphore_mem>> -> memref<1x1x!tpu.dma_semaphore, #tpu.memory_space<semaphore_mem>>
    %dma_start3A_79 = tpu.memref_squeeze %dma_start3A_78 : memref<1x1x!tpu.dma_semaphore, #tpu.memory_space<semaphore_mem>> -> memref<!tpu.dma_semaphore, #tpu.memory_space<semaphore_mem>>
    tpu.enqueue_indirect_dma source(%dma_start3A_77 : memref<1000000x128xf32, #tpu.memory_space<hbm>>) target(%dma_start3A_72 : memref<64x128xf32, #tpu.memory_space<vmem>>) offsets(%dma_start3A_74 : memref<64xi32, #tpu.memory_space<vmem>>) semaphore(%dma_start3A_79 : memref<!tpu.dma_semaphore, #tpu.memory_space<semaphore_mem>>)
    %dma_start3A_80 = arith.constant 2 : i32
    %dma_start3A_81 = arith.constant 2 : i32
    %dma_start3A_82 = arith.constant 0 : i32
    %dma_start3A_83 = arith.constant 0 : i32
    %dma_start3A_84 = arith.constant 0 : i32
    %dma_start3A_85 = tpu.memref_slice %arg9[%dma_start3A_80, %dma_start3A_83, %dma_start3A_84] : memref<7x64x128xf32, #tpu.memory_space<vmem>> -> memref<1x64x128xf32, #tpu.memory_space<vmem>>
    %dma_start3A_86 = tpu.memref_squeeze %dma_start3A_85 : memref<1x64x128xf32, #tpu.memory_space<vmem>> -> memref<64x128xf32, #tpu.memory_space<vmem>>
    %dma_start3A_87 = arith.constant 128 : i32
    %dma_start3A_88 = tpu.memref_slice %arg7[%dma_start3A_87] : memref<512xi32, #tpu.memory_space<vmem>> -> memref<64xi32, #tpu.memory_space<vmem>>
    %dma_start3A_89 = arith.constant 0 : i32
    %dma_start3A_90 = arith.constant 0 : i32
    %dma_start3A_91 = tpu.memref_slice %arg4[%dma_start3A_89, %dma_start3A_90] : memref<100000x128xf32, #tpu.memory_space<hbm>> -> memref<100000x128xf32, #tpu.memory_space<hbm>>
    %dma_start3A_92 = tpu.memref_slice %arg13[%dma_start3A_81, %dma_start3A_82] : memref<7x2x!tpu.dma_semaphore, #tpu.memory_space<semaphore_mem>> -> memref<1x1x!tpu.dma_semaphore, #tpu.memory_space<semaphore_mem>>
    %dma_start3A_93 = tpu.memref_squeeze %dma_start3A_92 : memref<1x1x!tpu.dma_semaphore, #tpu.memory_space<semaphore_mem>> -> memref<!tpu.dma_semaphore, #tpu.memory_space<semaphore_mem>>
    tpu.enqueue_indirect_dma source(%dma_start3A_91 : memref<100000x128xf32, #tpu.memory_space<hbm>>) target(%dma_start3A_86 : memref<64x128xf32, #tpu.memory_space<vmem>>) offsets(%dma_start3A_88 : memref<64xi32, #tpu.memory_space<vmem>>) semaphore(%dma_start3A_93 : memref<!tpu.dma_semaphore, #tpu.memory_space<semaphore_mem>>)
    %dma_start3A_94 = arith.constant 2 : i32
    %dma_start3A_95 = arith.constant 2 : i32
    %dma_start3A_96 = arith.constant 1 : i32
    %dma_start3A_97 = arith.constant 0 : i32
    %dma_start3A_98 = arith.constant 0 : i32
    %dma_start3A_99 = tpu.memref_slice %arg10[%dma_start3A_94, %dma_start3A_97, %dma_start3A_98] : memref<7x64x128xf32, #tpu.memory_space<vmem>> -> memref<1x64x128xf32, #tpu.memory_space<vmem>>
    %dma_start3A_100 = tpu.memref_squeeze %dma_start3A_99 : memref<1x64x128xf32, #tpu.memory_space<vmem>> -> memref<64x128xf32, #tpu.memory_space<vmem>>
    %dma_start3A_101 = arith.constant 128 : i32
    %dma_start3A_102 = tpu.memref_slice %arg8[%dma_start3A_101] : memref<512xi32, #tpu.memory_space<vmem>> -> memref<64xi32, #tpu.memory_space<vmem>>
    %dma_start3A_103 = arith.constant 0 : i32
    %dma_start3A_104 = arith.constant 0 : i32
    %dma_start3A_105 = tpu.memref_slice %arg5[%dma_start3A_103, %dma_start3A_104] : memref<1000000x128xf32, #tpu.memory_space<hbm>> -> memref<1000000x128xf32, #tpu.memory_space<hbm>>
    %dma_start3A_106 = tpu.memref_slice %arg13[%dma_start3A_95, %dma_start3A_96] : memref<7x2x!tpu.dma_semaphore, #tpu.memory_space<semaphore_mem>> -> memref<1x1x!tpu.dma_semaphore, #tpu.memory_space<semaphore_mem>>
    %dma_start3A_107 = tpu.memref_squeeze %dma_start3A_106 : memref<1x1x!tpu.dma_semaphore, #tpu.memory_space<semaphore_mem>> -> memref<!tpu.dma_semaphore, #tpu.memory_space<semaphore_mem>>
    tpu.enqueue_indirect_dma source(%dma_start3A_105 : memref<1000000x128xf32, #tpu.memory_space<hbm>>) target(%dma_start3A_100 : memref<64x128xf32, #tpu.memory_space<vmem>>) offsets(%dma_start3A_102 : memref<64xi32, #tpu.memory_space<vmem>>) semaphore(%dma_start3A_107 : memref<!tpu.dma_semaphore, #tpu.memory_space<semaphore_mem>>)
    %dma_start3A_108 = arith.constant 3 : i32
    %dma_start3A_109 = arith.constant 3 : i32
    %dma_start3A_110 = arith.constant 0 : i32
    %dma_start3A_111 = arith.constant 0 : i32
    %dma_start3A_112 = arith.constant 0 : i32
    %dma_start3A_113 = tpu.memref_slice %arg9[%dma_start3A_108, %dma_start3A_111, %dma_start3A_112] : memref<7x64x128xf32, #tpu.memory_space<vmem>> -> memref<1x64x128xf32, #tpu.memory_space<vmem>>
    %dma_start3A_114 = tpu.memref_squeeze %dma_start3A_113 : memref<1x64x128xf32, #tpu.memory_space<vmem>> -> memref<64x128xf32, #tpu.memory_space<vmem>>
    %dma_start3A_115 = arith.constant 192 : i32
    %dma_start3A_116 = tpu.memref_slice %arg7[%dma_start3A_115] : memref<512xi32, #tpu.memory_space<vmem>> -> memref<64xi32, #tpu.memory_space<vmem>>
    %dma_start3A_117 = arith.constant 0 : i32
    %dma_start3A_118 = arith.constant 0 : i32
    %dma_start3A_119 = tpu.memref_slice %arg4[%dma_start3A_117, %dma_start3A_118] : memref<100000x128xf32, #tpu.memory_space<hbm>> -> memref<100000x128xf32, #tpu.memory_space<hbm>>
    %dma_start3A_120 = tpu.memref_slice %arg13[%dma_start3A_109, %dma_start3A_110] : memref<7x2x!tpu.dma_semaphore, #tpu.memory_space<semaphore_mem>> -> memref<1x1x!tpu.dma_semaphore, #tpu.memory_space<semaphore_mem>>
    %dma_start3A_121 = tpu.memref_squeeze %dma_start3A_120 : memref<1x1x!tpu.dma_semaphore, #tpu.memory_space<semaphore_mem>> -> memref<!tpu.dma_semaphore, #tpu.memory_space<semaphore_mem>>
    tpu.enqueue_indirect_dma source(%dma_start3A_119 : memref<100000x128xf32, #tpu.memory_space<hbm>>) target(%dma_start3A_114 : memref<64x128xf32, #tpu.memory_space<vmem>>) offsets(%dma_start3A_116 : memref<64xi32, #tpu.memory_space<vmem>>) semaphore(%dma_start3A_121 : memref<!tpu.dma_semaphore, #tpu.memory_space<semaphore_mem>>)
    %dma_start3A_122 = arith.constant 3 : i32
    %dma_start3A_123 = arith.constant 3 : i32
    %dma_start3A_124 = arith.constant 1 : i32
    %dma_start3A_125 = arith.constant 0 : i32
    %dma_start3A_126 = arith.constant 0 : i32
    %dma_start3A_127 = tpu.memref_slice %arg10[%dma_start3A_122, %dma_start3A_125, %dma_start3A_126] : memref<7x64x128xf32, #tpu.memory_space<vmem>> -> memref<1x64x128xf32, #tpu.memory_space<vmem>>
    %dma_start3A_128 = tpu.memref_squeeze %dma_start3A_127 : memref<1x64x128xf32, #tpu.memory_space<vmem>> -> memref<64x128xf32, #tpu.memory_space<vmem>>
    %dma_start3A_129 = arith.constant 192 : i32
    %dma_start3A_130 = tpu.memref_slice %arg8[%dma_start3A_129] : memref<512xi32, #tpu.memory_space<vmem>> -> memref<64xi32, #tpu.memory_space<vmem>>
    %dma_start3A_131 = arith.constant 0 : i32
    %dma_start3A_132 = arith.constant 0 : i32
    %dma_start3A_133 = tpu.memref_slice %arg5[%dma_start3A_131, %dma_start3A_132] : memref<1000000x128xf32, #tpu.memory_space<hbm>> -> memref<1000000x128xf32, #tpu.memory_space<hbm>>
    %dma_start3A_134 = tpu.memref_slice %arg13[%dma_start3A_123, %dma_start3A_124] : memref<7x2x!tpu.dma_semaphore, #tpu.memory_space<semaphore_mem>> -> memref<1x1x!tpu.dma_semaphore, #tpu.memory_space<semaphore_mem>>
    %dma_start3A_135 = tpu.memref_squeeze %dma_start3A_134 : memref<1x1x!tpu.dma_semaphore, #tpu.memory_space<semaphore_mem>> -> memref<!tpu.dma_semaphore, #tpu.memory_space<semaphore_mem>>
    tpu.enqueue_indirect_dma source(%dma_start3A_133 : memref<1000000x128xf32, #tpu.memory_space<hbm>>) target(%dma_start3A_128 : memref<64x128xf32, #tpu.memory_space<vmem>>) offsets(%dma_start3A_130 : memref<64xi32, #tpu.memory_space<vmem>>) semaphore(%dma_start3A_135 : memref<!tpu.dma_semaphore, #tpu.memory_space<semaphore_mem>>)
    %dma_start3A_136 = arith.constant 4 : i32
    %dma_start3A_137 = arith.constant 4 : i32
    %dma_start3A_138 = arith.constant 0 : i32
    %dma_start3A_139 = arith.constant 0 : i32
    %dma_start3A_140 = arith.constant 0 : i32
    %dma_start3A_141 = tpu.memref_slice %arg9[%dma_start3A_136, %dma_start3A_139, %dma_start3A_140] : memref<7x64x128xf32, #tpu.memory_space<vmem>> -> memref<1x64x128xf32, #tpu.memory_space<vmem>>
    %dma_start3A_142 = tpu.memref_squeeze %dma_start3A_141 : memref<1x64x128xf32, #tpu.memory_space<vmem>> -> memref<64x128xf32, #tpu.memory_space<vmem>>
    %dma_start3A_143 = arith.constant 256 : i32
    %dma_start3A_144 = tpu.memref_slice %arg7[%dma_start3A_143] : memref<512xi32, #tpu.memory_space<vmem>> -> memref<64xi32, #tpu.memory_space<vmem>>
    %dma_start3A_145 = arith.constant 0 : i32
    %dma_start3A_146 = arith.constant 0 : i32
    %dma_start3A_147 = tpu.memref_slice %arg4[%dma_start3A_145, %dma_start3A_146] : memref<100000x128xf32, #tpu.memory_space<hbm>> -> memref<100000x128xf32, #tpu.memory_space<hbm>>
    %dma_start3A_148 = tpu.memref_slice %arg13[%dma_start3A_137, %dma_start3A_138] : memref<7x2x!tpu.dma_semaphore, #tpu.memory_space<semaphore_mem>> -> memref<1x1x!tpu.dma_semaphore, #tpu.memory_space<semaphore_mem>>
    %dma_start3A_149 = tpu.memref_squeeze %dma_start3A_148 : memref<1x1x!tpu.dma_semaphore, #tpu.memory_space<semaphore_mem>> -> memref<!tpu.dma_semaphore, #tpu.memory_space<semaphore_mem>>
    tpu.enqueue_indirect_dma source(%dma_start3A_147 : memref<100000x128xf32, #tpu.memory_space<hbm>>) target(%dma_start3A_142 : memref<64x128xf32, #tpu.memory_space<vmem>>) offsets(%dma_start3A_144 : memref<64xi32, #tpu.memory_space<vmem>>) semaphore(%dma_start3A_149 : memref<!tpu.dma_semaphore, #tpu.memory_space<semaphore_mem>>)
    %dma_start3A_150 = arith.constant 4 : i32
    %dma_start3A_151 = arith.constant 4 : i32
    %dma_start3A_152 = arith.constant 1 : i32
    %dma_start3A_153 = arith.constant 0 : i32
    %dma_start3A_154 = arith.constant 0 : i32
    %dma_start3A_155 = tpu.memref_slice %arg10[%dma_start3A_150, %dma_start3A_153, %dma_start3A_154] : memref<7x64x128xf32, #tpu.memory_space<vmem>> -> memref<1x64x128xf32, #tpu.memory_space<vmem>>
    %dma_start3A_156 = tpu.memref_squeeze %dma_start3A_155 : memref<1x64x128xf32, #tpu.memory_space<vmem>> -> memref<64x128xf32, #tpu.memory_space<vmem>>
    %dma_start3A_157 = arith.constant 256 : i32
    %dma_start3A_158 = tpu.memref_slice %arg8[%dma_start3A_157] : memref<512xi32, #tpu.memory_space<vmem>> -> memref<64xi32, #tpu.memory_space<vmem>>
    %dma_start3A_159 = arith.constant 0 : i32
    %dma_start3A_160 = arith.constant 0 : i32
    %dma_start3A_161 = tpu.memref_slice %arg5[%dma_start3A_159, %dma_start3A_160] : memref<1000000x128xf32, #tpu.memory_space<hbm>> -> memref<1000000x128xf32, #tpu.memory_space<hbm>>
    %dma_start3A_162 = tpu.memref_slice %arg13[%dma_start3A_151, %dma_start3A_152] : memref<7x2x!tpu.dma_semaphore, #tpu.memory_space<semaphore_mem>> -> memref<1x1x!tpu.dma_semaphore, #tpu.memory_space<semaphore_mem>>
    %dma_start3A_163 = tpu.memref_squeeze %dma_start3A_162 : memref<1x1x!tpu.dma_semaphore, #tpu.memory_space<semaphore_mem>> -> memref<!tpu.dma_semaphore, #tpu.memory_space<semaphore_mem>>
    tpu.enqueue_indirect_dma source(%dma_start3A_161 : memref<1000000x128xf32, #tpu.memory_space<hbm>>) target(%dma_start3A_156 : memref<64x128xf32, #tpu.memory_space<vmem>>) offsets(%dma_start3A_158 : memref<64xi32, #tpu.memory_space<vmem>>) semaphore(%dma_start3A_163 : memref<!tpu.dma_semaphore, #tpu.memory_space<semaphore_mem>>)
    %dma_start3A_164 = arith.constant 5 : i32
    %dma_start3A_165 = arith.constant 5 : i32
    %dma_start3A_166 = arith.constant 0 : i32
    %dma_start3A_167 = arith.constant 0 : i32
    %dma_start3A_168 = arith.constant 0 : i32
    %dma_start3A_169 = tpu.memref_slice %arg9[%dma_start3A_164, %dma_start3A_167, %dma_start3A_168] : memref<7x64x128xf32, #tpu.memory_space<vmem>> -> memref<1x64x128xf32, #tpu.memory_space<vmem>>
    %dma_start3A_170 = tpu.memref_squeeze %dma_start3A_169 : memref<1x64x128xf32, #tpu.memory_space<vmem>> -> memref<64x128xf32, #tpu.memory_space<vmem>>
    %dma_start3A_171 = arith.constant 320 : i32
    %dma_start3A_172 = tpu.memref_slice %arg7[%dma_start3A_171] : memref<512xi32, #tpu.memory_space<vmem>> -> memref<64xi32, #tpu.memory_space<vmem>>
    %dma_start3A_173 = arith.constant 0 : i32
    %dma_start3A_174 = arith.constant 0 : i32
    %dma_start3A_175 = tpu.memref_slice %arg4[%dma_start3A_173, %dma_start3A_174] : memref<100000x128xf32, #tpu.memory_space<hbm>> -> memref<100000x128xf32, #tpu.memory_space<hbm>>
    %dma_start3A_176 = tpu.memref_slice %arg13[%dma_start3A_165, %dma_start3A_166] : memref<7x2x!tpu.dma_semaphore, #tpu.memory_space<semaphore_mem>> -> memref<1x1x!tpu.dma_semaphore, #tpu.memory_space<semaphore_mem>>
    %dma_start3A_177 = tpu.memref_squeeze %dma_start3A_176 : memref<1x1x!tpu.dma_semaphore, #tpu.memory_space<semaphore_mem>> -> memref<!tpu.dma_semaphore, #tpu.memory_space<semaphore_mem>>
    tpu.enqueue_indirect_dma source(%dma_start3A_175 : memref<100000x128xf32, #tpu.memory_space<hbm>>) target(%dma_start3A_170 : memref<64x128xf32, #tpu.memory_space<vmem>>) offsets(%dma_start3A_172 : memref<64xi32, #tpu.memory_space<vmem>>) semaphore(%dma_start3A_177 : memref<!tpu.dma_semaphore, #tpu.memory_space<semaphore_mem>>)
    %dma_start3A_178 = arith.constant 5 : i32
    %dma_start3A_179 = arith.constant 5 : i32
    %dma_start3A_180 = arith.constant 1 : i32
    %dma_start3A_181 = arith.constant 0 : i32
    %dma_start3A_182 = arith.constant 0 : i32
    %dma_start3A_183 = tpu.memref_slice %arg10[%dma_start3A_178, %dma_start3A_181, %dma_start3A_182] : memref<7x64x128xf32, #tpu.memory_space<vmem>> -> memref<1x64x128xf32, #tpu.memory_space<vmem>>
    %dma_start3A_184 = tpu.memref_squeeze %dma_start3A_183 : memref<1x64x128xf32, #tpu.memory_space<vmem>> -> memref<64x128xf32, #tpu.memory_space<vmem>>
    %dma_start3A_185 = arith.constant 320 : i32
    %dma_start3A_186 = tpu.memref_slice %arg8[%dma_start3A_185] : memref<512xi32, #tpu.memory_space<vmem>> -> memref<64xi32, #tpu.memory_space<vmem>>
    %dma_start3A_187 = arith.constant 0 : i32
    %dma_start3A_188 = arith.constant 0 : i32
    %dma_start3A_189 = tpu.memref_slice %arg5[%dma_start3A_187, %dma_start3A_188] : memref<1000000x128xf32, #tpu.memory_space<hbm>> -> memref<1000000x128xf32, #tpu.memory_space<hbm>>
    %dma_start3A_190 = tpu.memref_slice %arg13[%dma_start3A_179, %dma_start3A_180] : memref<7x2x!tpu.dma_semaphore, #tpu.memory_space<semaphore_mem>> -> memref<1x1x!tpu.dma_semaphore, #tpu.memory_space<semaphore_mem>>
    %dma_start3A_191 = tpu.memref_squeeze %dma_start3A_190 : memref<1x1x!tpu.dma_semaphore, #tpu.memory_space<semaphore_mem>> -> memref<!tpu.dma_semaphore, #tpu.memory_space<semaphore_mem>>
    tpu.enqueue_indirect_dma source(%dma_start3A_189 : memref<1000000x128xf32, #tpu.memory_space<hbm>>) target(%dma_start3A_184 : memref<64x128xf32, #tpu.memory_space<vmem>>) offsets(%dma_start3A_186 : memref<64xi32, #tpu.memory_space<vmem>>) semaphore(%dma_start3A_191 : memref<!tpu.dma_semaphore, #tpu.memory_space<semaphore_mem>>)
    %dma_start3A_192 = arith.constant 6 : i32
    %dma_start3A_193 = arith.constant 6 : i32
    %dma_start3A_194 = arith.constant 0 : i32
    %dma_start3A_195 = arith.constant 0 : i32
    %dma_start3A_196 = arith.constant 0 : i32
    %dma_start3A_197 = tpu.memref_slice %arg9[%dma_start3A_192, %dma_start3A_195, %dma_start3A_196] : memref<7x64x128xf32, #tpu.memory_space<vmem>> -> memref<1x64x128xf32, #tpu.memory_space<vmem>>
    %dma_start3A_198 = tpu.memref_squeeze %dma_start3A_197 : memref<1x64x128xf32, #tpu.memory_space<vmem>> -> memref<64x128xf32, #tpu.memory_space<vmem>>
    %dma_start3A_199 = arith.constant 384 : i32
    %dma_start3A_200 = tpu.memref_slice %arg7[%dma_start3A_199] : memref<512xi32, #tpu.memory_space<vmem>> -> memref<64xi32, #tpu.memory_space<vmem>>
    %dma_start3A_201 = arith.constant 0 : i32
    %dma_start3A_202 = arith.constant 0 : i32
    %dma_start3A_203 = tpu.memref_slice %arg4[%dma_start3A_201, %dma_start3A_202] : memref<100000x128xf32, #tpu.memory_space<hbm>> -> memref<100000x128xf32, #tpu.memory_space<hbm>>
    %dma_start3A_204 = tpu.memref_slice %arg13[%dma_start3A_193, %dma_start3A_194] : memref<7x2x!tpu.dma_semaphore, #tpu.memory_space<semaphore_mem>> -> memref<1x1x!tpu.dma_semaphore, #tpu.memory_space<semaphore_mem>>
    %dma_start3A_205 = tpu.memref_squeeze %dma_start3A_204 : memref<1x1x!tpu.dma_semaphore, #tpu.memory_space<semaphore_mem>> -> memref<!tpu.dma_semaphore, #tpu.memory_space<semaphore_mem>>
    tpu.enqueue_indirect_dma source(%dma_start3A_203 : memref<100000x128xf32, #tpu.memory_space<hbm>>) target(%dma_start3A_198 : memref<64x128xf32, #tpu.memory_space<vmem>>) offsets(%dma_start3A_200 : memref<64xi32, #tpu.memory_space<vmem>>) semaphore(%dma_start3A_205 : memref<!tpu.dma_semaphore, #tpu.memory_space<semaphore_mem>>)
    %dma_start3A_206 = arith.constant 6 : i32
    %dma_start3A_207 = arith.constant 6 : i32
    %dma_start3A_208 = arith.constant 1 : i32
    %dma_start3A_209 = arith.constant 0 : i32
    %dma_start3A_210 = arith.constant 0 : i32
    %dma_start3A_211 = tpu.memref_slice %arg10[%dma_start3A_206, %dma_start3A_209, %dma_start3A_210] : memref<7x64x128xf32, #tpu.memory_space<vmem>> -> memref<1x64x128xf32, #tpu.memory_space<vmem>>
    %dma_start3A_212 = tpu.memref_squeeze %dma_start3A_211 : memref<1x64x128xf32, #tpu.memory_space<vmem>> -> memref<64x128xf32, #tpu.memory_space<vmem>>
    %dma_start3A_213 = arith.constant 384 : i32
    %dma_start3A_214 = tpu.memref_slice %arg8[%dma_start3A_213] : memref<512xi32, #tpu.memory_space<vmem>> -> memref<64xi32, #tpu.memory_space<vmem>>
    %dma_start3A_215 = arith.constant 0 : i32
    %dma_start3A_216 = arith.constant 0 : i32
    %dma_start3A_217 = tpu.memref_slice %arg5[%dma_start3A_215, %dma_start3A_216] : memref<1000000x128xf32, #tpu.memory_space<hbm>> -> memref<1000000x128xf32, #tpu.memory_space<hbm>>
    %dma_start3A_218 = tpu.memref_slice %arg13[%dma_start3A_207, %dma_start3A_208] : memref<7x2x!tpu.dma_semaphore, #tpu.memory_space<semaphore_mem>> -> memref<1x1x!tpu.dma_semaphore, #tpu.memory_space<semaphore_mem>>
    %dma_start3A_219 = tpu.memref_squeeze %dma_start3A_218 : memref<1x1x!tpu.dma_semaphore, #tpu.memory_space<semaphore_mem>> -> memref<!tpu.dma_semaphore, #tpu.memory_space<semaphore_mem>>
    tpu.enqueue_indirect_dma source(%dma_start3A_217 : memref<1000000x128xf32, #tpu.memory_space<hbm>>) target(%dma_start3A_212 : memref<64x128xf32, #tpu.memory_space<vmem>>) offsets(%dma_start3A_214 : memref<64xi32, #tpu.memory_space<vmem>>) semaphore(%dma_start3A_219 : memref<!tpu.dma_semaphore, #tpu.memory_space<semaphore_mem>>)
    %dma_wait3A_220 = arith.constant 0 : i32
    %dma_wait3A_221 = arith.constant 0 : i32
    %dma_wait3A_222 = arith.constant 0 : i32
    %dma_wait3A_223 = arith.constant 0 : i32
    %dma_wait3A_224 = arith.constant 0 : i32
    %dma_wait3A_225 = tpu.memref_slice %arg9[%dma_wait3A_220, %dma_wait3A_223, %dma_wait3A_224] : memref<7x64x128xf32, #tpu.memory_space<vmem>> -> memref<1x64x128xf32, #tpu.memory_space<vmem>>
    %dma_wait3A_226 = tpu.memref_squeeze %dma_wait3A_225 : memref<1x64x128xf32, #tpu.memory_space<vmem>> -> memref<64x128xf32, #tpu.memory_space<vmem>>
    %dma_wait3A_227 = arith.constant 0 : i32
    %dma_wait3A_228 = tpu.memref_slice %arg7[%dma_wait3A_227] : memref<512xi32, #tpu.memory_space<vmem>> -> memref<64xi32, #tpu.memory_space<vmem>>
    %dma_wait3A_229 = arith.constant 0 : i32
    %dma_wait3A_230 = arith.constant 0 : i32
    %dma_wait3A_231 = tpu.memref_slice %arg4[%dma_wait3A_229, %dma_wait3A_230] : memref<100000x128xf32, #tpu.memory_space<hbm>> -> memref<100000x128xf32, #tpu.memory_space<hbm>>
    %dma_wait3A_232 = tpu.memref_slice %arg13[%dma_wait3A_221, %dma_wait3A_222] : memref<7x2x!tpu.dma_semaphore, #tpu.memory_space<semaphore_mem>> -> memref<1x1x!tpu.dma_semaphore, #tpu.memory_space<semaphore_mem>>
    %dma_wait3A_233 = tpu.memref_squeeze %dma_wait3A_232 : memref<1x1x!tpu.dma_semaphore, #tpu.memory_space<semaphore_mem>> -> memref<!tpu.dma_semaphore, #tpu.memory_space<semaphore_mem>>
    tpu.wait_indirect_dma semaphore(%dma_wait3A_233 : memref<!tpu.dma_semaphore, #tpu.memory_space<semaphore_mem>>) src(%dma_wait3A_231 : memref<100000x128xf32, #tpu.memory_space<hbm>>) dst(%dma_wait3A_226 : memref<64x128xf32, #tpu.memory_space<vmem>>)
    %dma_wait3A_234 = arith.constant 0 : i32
    %dma_wait3A_235 = arith.constant 0 : i32
    %dma_wait3A_236 = arith.constant 1 : i32
    %dma_wait3A_237 = arith.constant 0 : i32
    %dma_wait3A_238 = arith.constant 0 : i32
    %dma_wait3A_239 = tpu.memref_slice %arg10[%dma_wait3A_234, %dma_wait3A_237, %dma_wait3A_238] : memref<7x64x128xf32, #tpu.memory_space<vmem>> -> memref<1x64x128xf32, #tpu.memory_space<vmem>>
    %dma_wait3A_240 = tpu.memref_squeeze %dma_wait3A_239 : memref<1x64x128xf32, #tpu.memory_space<vmem>> -> memref<64x128xf32, #tpu.memory_space<vmem>>
    %dma_wait3A_241 = arith.constant 0 : i32
    %dma_wait3A_242 = tpu.memref_slice %arg8[%dma_wait3A_241] : memref<512xi32, #tpu.memory_space<vmem>> -> memref<64xi32, #tpu.memory_space<vmem>>
    %dma_wait3A_243 = arith.constant 0 : i32
    %dma_wait3A_244 = arith.constant 0 : i32
    %dma_wait3A_245 = tpu.memref_slice %arg5[%dma_wait3A_243, %dma_wait3A_244] : memref<1000000x128xf32, #tpu.memory_space<hbm>> -> memref<1000000x128xf32, #tpu.memory_space<hbm>>
    %dma_wait3A_246 = tpu.memref_slice %arg13[%dma_wait3A_235, %dma_wait3A_236] : memref<7x2x!tpu.dma_semaphore, #tpu.memory_space<semaphore_mem>> -> memref<1x1x!tpu.dma_semaphore, #tpu.memory_space<semaphore_mem>>
    %dma_wait3A_247 = tpu.memref_squeeze %dma_wait3A_246 : memref<1x1x!tpu.dma_semaphore, #tpu.memory_space<semaphore_mem>> -> memref<!tpu.dma_semaphore, #tpu.memory_space<semaphore_mem>>
    tpu.wait_indirect_dma semaphore(%dma_wait3A_247 : memref<!tpu.dma_semaphore, #tpu.memory_space<semaphore_mem>>) src(%dma_wait3A_245 : memref<1000000x128xf32, #tpu.memory_space<hbm>>) dst(%dma_wait3A_240 : memref<64x128xf32, #tpu.memory_space<vmem>>)
    %parallel_loop3A = arith.constant 0 : i32
    %parallel_loop3A_248 = arith.constant 64 : i32
    %parallel_loop3A_249 = arith.constant 1 : i32
    %parallel_loop3A_250 = arith.constant 0 : i32
    %parallel_loop3A_251 = arith.constant 0 : i32
    scf.for %parallel_loop3A_2077 = %parallel_loop3A to %parallel_loop3A_248 step %parallel_loop3A_249  : i32 {
      %parallel_loop3A_2078 = arith.constant 0 : i32
      %parallel_loop3A_2079 = arith.constant 0 : i32
      %parallel_loop3A_2080 = tpu.memref_slice %arg9[%parallel_loop3A_250, %parallel_loop3A_2078, %parallel_loop3A_2079] : memref<7x64x128xf32, #tpu.memory_space<vmem>> -> memref<1x64x128xf32, #tpu.memory_space<vmem>>
      %parallel_loop3A_2081 = tpu.memref_squeeze %parallel_loop3A_2080 : memref<1x64x128xf32, #tpu.memory_space<vmem>> -> memref<64x128xf32, #tpu.memory_space<vmem>>
      %parallel_loop3A_2082 = arith.index_cast %parallel_loop3A_2077 : i32 to index
      %parallel_loop3A_2083 = arith.constant 0 : index
      %parallel_loop3A_2084 = tpu.vector_load %parallel_loop3A_2081[%parallel_loop3A_2082, %parallel_loop3A_2083] {strides = array<i32>} : memref<64x128xf32, #tpu.memory_space<vmem>>, vector<16xf32>,
      %parallel_loop3A_2085 = arith.constant 0 : i32
      %parallel_loop3A_2086 = arith.constant 0 : i32
      %parallel_loop3A_2087 = tpu.memref_slice %arg10[%parallel_loop3A_251, %parallel_loop3A_2085, %parallel_loop3A_2086] : memref<7x64x128xf32, #tpu.memory_space<vmem>> -> memref<1x64x128xf32, #tpu.memory_space<vmem>>
      %parallel_loop3A_2088 = tpu.memref_squeeze %parallel_loop3A_2087 : memref<1x64x128xf32, #tpu.memory_space<vmem>> -> memref<64x128xf32, #tpu.memory_space<vmem>>
      %parallel_loop3A_2089 = arith.index_cast %parallel_loop3A_2077 : i32 to index
      %parallel_loop3A_2090 = arith.constant 0 : index
      %parallel_loop3A_2091 = tpu.vector_load %parallel_loop3A_2088[%parallel_loop3A_2089, %parallel_loop3A_2090] {strides = array<i32>} : memref<64x128xf32, #tpu.memory_space<vmem>>, vector<16xf32>,
      %parallel_loop3A_2092 = arith.mulf %parallel_loop3A_2084, %parallel_loop3A_2091 : vector<16xf32>
      %parallel_loop3A_2093 = arith.constant 0 : i32
      %parallel_loop3A_2094 = arith.constant 0 : i32
      %parallel_loop3A_2095 = tpu.memref_slice %arg9[%parallel_loop3A_250, %parallel_loop3A_2093, %parallel_loop3A_2094] : memref<7x64x128xf32, #tpu.memory_space<vmem>> -> memref<1x64x128xf32, #tpu.memory_space<vmem>>
      %parallel_loop3A_2096 = tpu.memref_squeeze %parallel_loop3A_2095 : memref<1x64x128xf32, #tpu.memory_space<vmem>> -> memref<64x128xf32, #tpu.memory_space<vmem>>
      %parallel_loop3A_2097 = arith.index_cast %parallel_loop3A_2077 : i32 to index
      %parallel_loop3A_2098 = arith.constant 16 : index
      %parallel_loop3A_2099 = tpu.vector_load %parallel_loop3A_2096[%parallel_loop3A_2097, %parallel_loop3A_2098] {strides = array<i32>} : memref<64x128xf32, #tpu.memory_space<vmem>>, vector<16xf32>,
      %parallel_loop3A_2100 = arith.constant 0 : i32
      %parallel_loop3A_2101 = arith.constant 0 : i32
      %parallel_loop3A_2102 = tpu.memref_slice %arg10[%parallel_loop3A_251, %parallel_loop3A_2100, %parallel_loop3A_2101] : memref<7x64x128xf32, #tpu.memory_space<vmem>> -> memref<1x64x128xf32, #tpu.memory_space<vmem>>
      %parallel_loop3A_2103 = tpu.memref_squeeze %parallel_loop3A_2102 : memref<1x64x128xf32, #tpu.memory_space<vmem>> -> memref<64x128xf32, #tpu.memory_space<vmem>>
      %parallel_loop3A_2104 = arith.index_cast %parallel_loop3A_2077 : i32 to index
      %parallel_loop3A_2105 = arith.constant 16 : index
      %parallel_loop3A_2106 = tpu.vector_load %parallel_loop3A_2103[%parallel_loop3A_2104, %parallel_loop3A_2105] {strides = array<i32>} : memref<64x128xf32, #tpu.memory_space<vmem>>, vector<16xf32>,
      %parallel_loop3A_2107 = arith.mulf %parallel_loop3A_2099, %parallel_loop3A_2106 : vector<16xf32>
      %parallel_loop3A_2108 = arith.constant 0 : i32
      %parallel_loop3A_2109 = arith.constant 0 : i32
      %parallel_loop3A_2110 = tpu.memref_slice %arg9[%parallel_loop3A_250, %parallel_loop3A_2108, %parallel_loop3A_2109] : memref<7x64x128xf32, #tpu.memory_space<vmem>> -> memref<1x64x128xf32, #tpu.memory_space<vmem>>
      %parallel_loop3A_2111 = tpu.memref_squeeze %parallel_loop3A_2110 : memref<1x64x128xf32, #tpu.memory_space<vmem>> -> memref<64x128xf32, #tpu.memory_space<vmem>>
      %parallel_loop3A_2112 = arith.index_cast %parallel_loop3A_2077 : i32 to index
      %parallel_loop3A_2113 = arith.constant 32 : index
      %parallel_loop3A_2114 = tpu.vector_load %parallel_loop3A_2111[%parallel_loop3A_2112, %parallel_loop3A_2113] {strides = array<i32>} : memref<64x128xf32, #tpu.memory_space<vmem>>, vector<16xf32>,
      %parallel_loop3A_2115 = arith.constant 0 : i32
      %parallel_loop3A_2116 = arith.constant 0 : i32
      %parallel_loop3A_2117 = tpu.memref_slice %arg10[%parallel_loop3A_251, %parallel_loop3A_2115, %parallel_loop3A_2116] : memref<7x64x128xf32, #tpu.memory_space<vmem>> -> memref<1x64x128xf32, #tpu.memory_space<vmem>>
      %parallel_loop3A_2118 = tpu.memref_squeeze %parallel_loop3A_2117 : memref<1x64x128xf32, #tpu.memory_space<vmem>> -> memref<64x128xf32, #tpu.memory_space<vmem>>
      %parallel_loop3A_2119 = arith.index_cast %parallel_loop3A_2077 : i32 to index
      %parallel_loop3A_2120 = arith.constant 32 : index
      %parallel_loop3A_2121 = tpu.vector_load %parallel_loop3A_2118[%parallel_loop3A_2119, %parallel_loop3A_2120] {strides = array<i32>} : memref<64x128xf32, #tpu.memory_space<vmem>>, vector<16xf32>,
      %parallel_loop3A_2122 = arith.mulf %parallel_loop3A_2114, %parallel_loop3A_2121 : vector<16xf32>
      %parallel_loop3A_2123 = arith.constant 0 : i32
      %parallel_loop3A_2124 = arith.constant 0 : i32
      %parallel_loop3A_2125 = tpu.memref_slice %arg9[%parallel_loop3A_250, %parallel_loop3A_2123, %parallel_loop3A_2124] : memref<7x64x128xf32, #tpu.memory_space<vmem>> -> memref<1x64x128xf32, #tpu.memory_space<vmem>>
      %parallel_loop3A_2126 = tpu.memref_squeeze %parallel_loop3A_2125 : memref<1x64x128xf32, #tpu.memory_space<vmem>> -> memref<64x128xf32, #tpu.memory_space<vmem>>
      %parallel_loop3A_2127 = arith.index_cast %parallel_loop3A_2077 : i32 to index
      %parallel_loop3A_2128 = arith.constant 48 : index
      %parallel_loop3A_2129 = tpu.vector_load %parallel_loop3A_2126[%parallel_loop3A_2127, %parallel_loop3A_2128] {strides = array<i32>} : memref<64x128xf32, #tpu.memory_space<vmem>>, vector<16xf32>,
      %parallel_loop3A_2130 = arith.constant 0 : i32
      %parallel_loop3A_2131 = arith.constant 0 : i32
      %parallel_loop3A_2132 = tpu.memref_slice %arg10[%parallel_loop3A_251, %parallel_loop3A_2130, %parallel_loop3A_2131] : memref<7x64x128xf32, #tpu.memory_space<vmem>> -> memref<1x64x128xf32, #tpu.memory_space<vmem>>
      %parallel_loop3A_2133 = tpu.memref_squeeze %parallel_loop3A_2132 : memref<1x64x128xf32, #tpu.memory_space<vmem>> -> memref<64x128xf32, #tpu.memory_space<vmem>>
      %parallel_loop3A_2134 = arith.index_cast %parallel_loop3A_2077 : i32 to index
      %parallel_loop3A_2135 = arith.constant 48 : index
      %parallel_loop3A_2136 = tpu.vector_load %parallel_loop3A_2133[%parallel_loop3A_2134, %parallel_loop3A_2135] {strides = array<i32>} : memref<64x128xf32, #tpu.memory_space<vmem>>, vector<16xf32>,
      %parallel_loop3A_2137 = arith.mulf %parallel_loop3A_2129, %parallel_loop3A_2136 : vector<16xf32>
      %parallel_loop3A_2138 = arith.constant 0 : i32
      %parallel_loop3A_2139 = arith.constant 0 : i32
      %parallel_loop3A_2140 = tpu.memref_slice %arg9[%parallel_loop3A_250, %parallel_loop3A_2138, %parallel_loop3A_2139] : memref<7x64x128xf32, #tpu.memory_space<vmem>> -> memref<1x64x128xf32, #tpu.memory_space<vmem>>
      %parallel_loop3A_2141 = tpu.memref_squeeze %parallel_loop3A_2140 : memref<1x64x128xf32, #tpu.memory_space<vmem>> -> memref<64x128xf32, #tpu.memory_space<vmem>>
      %parallel_loop3A_2142 = arith.index_cast %parallel_loop3A_2077 : i32 to index
      %parallel_loop3A_2143 = arith.constant 64 : index
      %parallel_loop3A_2144 = tpu.vector_load %parallel_loop3A_2141[%parallel_loop3A_2142, %parallel_loop3A_2143] {strides = array<i32>} : memref<64x128xf32, #tpu.memory_space<vmem>>, vector<16xf32>,
      %parallel_loop3A_2145 = arith.constant 0 : i32
      %parallel_loop3A_2146 = arith.constant 0 : i32
      %parallel_loop3A_2147 = tpu.memref_slice %arg10[%parallel_loop3A_251, %parallel_loop3A_2145, %parallel_loop3A_2146] : memref<7x64x128xf32, #tpu.memory_space<vmem>> -> memref<1x64x128xf32, #tpu.memory_space<vmem>>
      %parallel_loop3A_2148 = tpu.memref_squeeze %parallel_loop3A_2147 : memref<1x64x128xf32, #tpu.memory_space<vmem>> -> memref<64x128xf32, #tpu.memory_space<vmem>>
      %parallel_loop3A_2149 = arith.index_cast %parallel_loop3A_2077 : i32 to index
      %parallel_loop3A_2150 = arith.constant 64 : index
      %parallel_loop3A_2151 = tpu.vector_load %parallel_loop3A_2148[%parallel_loop3A_2149, %parallel_loop3A_2150] {strides = array<i32>} : memref<64x128xf32, #tpu.memory_space<vmem>>, vector<16xf32>,
      %parallel_loop3A_2152 = arith.mulf %parallel_loop3A_2144, %parallel_loop3A_2151 : vector<16xf32>
      %parallel_loop3A_2153 = arith.constant 0 : i32
      %parallel_loop3A_2154 = arith.constant 0 : i32
      %parallel_loop3A_2155 = tpu.memref_slice %arg9[%parallel_loop3A_250, %parallel_loop3A_2153, %parallel_loop3A_2154] : memref<7x64x128xf32, #tpu.memory_space<vmem>> -> memref<1x64x128xf32, #tpu.memory_space<vmem>>
      %parallel_loop3A_2156 = tpu.memref_squeeze %parallel_loop3A_2155 : memref<1x64x128xf32, #tpu.memory_space<vmem>> -> memref<64x128xf32, #tpu.memory_space<vmem>>
      %parallel_loop3A_2157 = arith.index_cast %parallel_loop3A_2077 : i32 to index
      %parallel_loop3A_2158 = arith.constant 80 : index
      %parallel_loop3A_2159 = tpu.vector_load %parallel_loop3A_2156[%parallel_loop3A_2157, %parallel_loop3A_2158] {strides = array<i32>} : memref<64x128xf32, #tpu.memory_space<vmem>>, vector<16xf32>,
      %parallel_loop3A_2160 = arith.constant 0 : i32
      %parallel_loop3A_2161 = arith.constant 0 : i32
      %parallel_loop3A_2162 = tpu.memref_slice %arg10[%parallel_loop3A_251, %parallel_loop3A_2160, %parallel_loop3A_2161] : memref<7x64x128xf32, #tpu.memory_space<vmem>> -> memref<1x64x128xf32, #tpu.memory_space<vmem>>
      %parallel_loop3A_2163 = tpu.memref_squeeze %parallel_loop3A_2162 : memref<1x64x128xf32, #tpu.memory_space<vmem>> -> memref<64x128xf32, #tpu.memory_space<vmem>>
      %parallel_loop3A_2164 = arith.index_cast %parallel_loop3A_2077 : i32 to index
      %parallel_loop3A_2165 = arith.constant 80 : index
      %parallel_loop3A_2166 = tpu.vector_load %parallel_loop3A_2163[%parallel_loop3A_2164, %parallel_loop3A_2165] {strides = array<i32>} : memref<64x128xf32, #tpu.memory_space<vmem>>, vector<16xf32>,
      %parallel_loop3A_2167 = arith.mulf %parallel_loop3A_2159, %parallel_loop3A_2166 : vector<16xf32>
      %parallel_loop3A_2168 = arith.constant 0 : i32
      %parallel_loop3A_2169 = arith.constant 0 : i32
      %parallel_loop3A_2170 = tpu.memref_slice %arg9[%parallel_loop3A_250, %parallel_loop3A_2168, %parallel_loop3A_2169] : memref<7x64x128xf32, #tpu.memory_space<vmem>> -> memref<1x64x128xf32, #tpu.memory_space<vmem>>
      %parallel_loop3A_2171 = tpu.memref_squeeze %parallel_loop3A_2170 : memref<1x64x128xf32, #tpu.memory_space<vmem>> -> memref<64x128xf32, #tpu.memory_space<vmem>>
      %parallel_loop3A_2172 = arith.index_cast %parallel_loop3A_2077 : i32 to index
      %parallel_loop3A_2173 = arith.constant 96 : index
      %parallel_loop3A_2174 = tpu.vector_load %parallel_loop3A_2171[%parallel_loop3A_2172, %parallel_loop3A_2173] {strides = array<i32>} : memref<64x128xf32, #tpu.memory_space<vmem>>, vector<16xf32>,
      %parallel_loop3A_2175 = arith.constant 0 : i32
      %parallel_loop3A_2176 = arith.constant 0 : i32
      %parallel_loop3A_2177 = tpu.memref_slice %arg10[%parallel_loop3A_251, %parallel_loop3A_2175, %parallel_loop3A_2176] : memref<7x64x128xf32, #tpu.memory_space<vmem>> -> memref<1x64x128xf32, #tpu.memory_space<vmem>>
      %parallel_loop3A_2178 = tpu.memref_squeeze %parallel_loop3A_2177 : memref<1x64x128xf32, #tpu.memory_space<vmem>> -> memref<64x128xf32, #tpu.memory_space<vmem>>
      %parallel_loop3A_2179 = arith.index_cast %parallel_loop3A_2077 : i32 to index
      %parallel_loop3A_2180 = arith.constant 96 : index
      %parallel_loop3A_2181 = tpu.vector_load %parallel_loop3A_2178[%parallel_loop3A_2179, %parallel_loop3A_2180] {strides = array<i32>} : memref<64x128xf32, #tpu.memory_space<vmem>>, vector<16xf32>,
      %parallel_loop3A_2182 = arith.mulf %parallel_loop3A_2174, %parallel_loop3A_2181 : vector<16xf32>
      %parallel_loop3A_2183 = arith.constant 0 : i32
      %parallel_loop3A_2184 = arith.constant 0 : i32
      %parallel_loop3A_2185 = tpu.memref_slice %arg9[%parallel_loop3A_250, %parallel_loop3A_2183, %parallel_loop3A_2184] : memref<7x64x128xf32, #tpu.memory_space<vmem>> -> memref<1x64x128xf32, #tpu.memory_space<vmem>>
      %parallel_loop3A_2186 = tpu.memref_squeeze %parallel_loop3A_2185 : memref<1x64x128xf32, #tpu.memory_space<vmem>> -> memref<64x128xf32, #tpu.memory_space<vmem>>
      %parallel_loop3A_2187 = arith.index_cast %parallel_loop3A_2077 : i32 to index
      %parallel_loop3A_2188 = arith.constant 112 : index
      %parallel_loop3A_2189 = tpu.vector_load %parallel_loop3A_2186[%parallel_loop3A_2187, %parallel_loop3A_2188] {strides = array<i32>} : memref<64x128xf32, #tpu.memory_space<vmem>>, vector<16xf32>,
      %parallel_loop3A_2190 = arith.constant 0 : i32
      %parallel_loop3A_2191 = arith.constant 0 : i32
      %parallel_loop3A_2192 = tpu.memref_slice %arg10[%parallel_loop3A_251, %parallel_loop3A_2190, %parallel_loop3A_2191] : memref<7x64x128xf32, #tpu.memory_space<vmem>> -> memref<1x64x128xf32, #tpu.memory_space<vmem>>
      %parallel_loop3A_2193 = tpu.memref_squeeze %parallel_loop3A_2192 : memref<1x64x128xf32, #tpu.memory_space<vmem>> -> memref<64x128xf32, #tpu.memory_space<vmem>>
      %parallel_loop3A_2194 = arith.index_cast %parallel_loop3A_2077 : i32 to index
      %parallel_loop3A_2195 = arith.constant 112 : index
      %parallel_loop3A_2196 = tpu.vector_load %parallel_loop3A_2193[%parallel_loop3A_2194, %parallel_loop3A_2195] {strides = array<i32>} : memref<64x128xf32, #tpu.memory_space<vmem>>, vector<16xf32>,
      %parallel_loop3A_2197 = arith.mulf %parallel_loop3A_2189, %parallel_loop3A_2196 : vector<16xf32>
      %parallel_loop3A_2198 = arith.addf %parallel_loop3A_2092, %parallel_loop3A_2107 : vector<16xf32>
      %parallel_loop3A_2199 = arith.addf %parallel_loop3A_2122, %parallel_loop3A_2137 : vector<16xf32>
      %parallel_loop3A_2200 = arith.addf %parallel_loop3A_2152, %parallel_loop3A_2167 : vector<16xf32>
      %parallel_loop3A_2201 = arith.addf %parallel_loop3A_2182, %parallel_loop3A_2197 : vector<16xf32>
      %parallel_loop3A_2202 = arith.addf %parallel_loop3A_2198, %parallel_loop3A_2199 : vector<16xf32>
      %parallel_loop3A_2203 = arith.addf %parallel_loop3A_2200, %parallel_loop3A_2201 : vector<16xf32>
      %parallel_loop3A_2204 = arith.addf %parallel_loop3A_2202, %parallel_loop3A_2203 : vector<16xf32>
      %parallel_loop3A_2205 = vector.broadcast %parallel_loop3A_2077 : i32 to vector<16xi32>
      %parallel_loop3A_2206 = arith.addi %mul3A_23, %parallel_loop3A_2205 : vector<16xi32>
      tpu.vector_store_idx %arg11[%parallel_loop3A_2206], %parallel_loop3A_2204 : memref<1040xf32, #tpu.memory_space<vmem>>[vector<16xi32>], vector<16xf32>,
    } {sc.loop_unroll_factor = 1 : i64, sc.parallel_access}
    %get3A = arith.constant 0 : index
    %get3A_252 = tpu.vector_load %arg11[%get3A] {strides = array<i32>} : memref<1040xf32, #tpu.memory_space<vmem>>, vector<16xf32>,
    %get3A_253 = arith.constant 65 : index
    %get3A_254 = tpu.vector_load %arg11[%get3A_253] {strides = array<i32>} : memref<1040xf32, #tpu.memory_space<vmem>>, vector<16xf32>,
    %add3A_255 = arith.addf %get3A_252, %get3A_254 : vector<16xf32>
    %get3A_256 = arith.constant 130 : index
    %get3A_257 = tpu.vector_load %arg11[%get3A_256] {strides = array<i32>} : memref<1040xf32, #tpu.memory_space<vmem>>, vector<16xf32>,
    %add3A_258 = arith.addf %add3A_255, %get3A_257 : vector<16xf32>
    %get3A_259 = arith.constant 195 : index
    %get3A_260 = tpu.vector_load %arg11[%get3A_259] {strides = array<i32>} : memref<1040xf32, #tpu.memory_space<vmem>>, vector<16xf32>,
    %add3A_261 = arith.addf %add3A_258, %get3A_260 : vector<16xf32>
    %get3A_262 = arith.constant 260 : index
    %get3A_263 = tpu.vector_load %arg11[%get3A_262] {strides = array<i32>} : memref<1040xf32, #tpu.memory_space<vmem>>, vector<16xf32>,
    %add3A_264 = arith.addf %add3A_261, %get3A_263 : vector<16xf32>
    %get3A_265 = arith.constant 325 : index
    %get3A_266 = tpu.vector_load %arg11[%get3A_265] {strides = array<i32>} : memref<1040xf32, #tpu.memory_space<vmem>>, vector<16xf32>,
    %add3A_267 = arith.addf %add3A_264, %get3A_266 : vector<16xf32>
    %get3A_268 = arith.constant 390 : index
    %get3A_269 = tpu.vector_load %arg11[%get3A_268] {strides = array<i32>} : memref<1040xf32, #tpu.memory_space<vmem>>, vector<16xf32>,
    %add3A_270 = arith.addf %add3A_267, %get3A_269 : vector<16xf32>
    %get3A_271 = arith.constant 455 : index
    %get3A_272 = tpu.vector_load %arg11[%get3A_271] {strides = array<i32>} : memref<1040xf32, #tpu.memory_space<vmem>>, vector<16xf32>,
    %add3A_273 = arith.addf %add3A_270, %get3A_272 : vector<16xf32>
    %get3A_274 = arith.constant 520 : index
    %get3A_275 = tpu.vector_load %arg11[%get3A_274] {strides = array<i32>} : memref<1040xf32, #tpu.memory_space<vmem>>, vector<16xf32>,
    %add3A_276 = arith.addf %add3A_273, %get3A_275 : vector<16xf32>
    %get3A_277 = arith.constant 585 : index
    %get3A_278 = tpu.vector_load %arg11[%get3A_277] {strides = array<i32>} : memref<1040xf32, #tpu.memory_space<vmem>>, vector<16xf32>,
    %add3A_279 = arith.addf %add3A_276, %get3A_278 : vector<16xf32>
    %get3A_280 = arith.constant 650 : index
    %get3A_281 = tpu.vector_load %arg11[%get3A_280] {strides = array<i32>} : memref<1040xf32, #tpu.memory_space<vmem>>, vector<16xf32>,
    %add3A_282 = arith.addf %add3A_279, %get3A_281 : vector<16xf32>
    %get3A_283 = arith.constant 715 : index
    %get3A_284 = tpu.vector_load %arg11[%get3A_283] {strides = array<i32>} : memref<1040xf32, #tpu.memory_space<vmem>>, vector<16xf32>,
    %add3A_285 = arith.addf %add3A_282, %get3A_284 : vector<16xf32>
    %get3A_286 = arith.constant 780 : index
    %get3A_287 = tpu.vector_load %arg11[%get3A_286] {strides = array<i32>} : memref<1040xf32, #tpu.memory_space<vmem>>, vector<16xf32>,
    %add3A_288 = arith.addf %add3A_285, %get3A_287 : vector<16xf32>
    %get3A_289 = arith.constant 845 : index
    %get3A_290 = tpu.vector_load %arg11[%get3A_289] {strides = array<i32>} : memref<1040xf32, #tpu.memory_space<vmem>>, vector<16xf32>,
    %add3A_291 = arith.addf %add3A_288, %get3A_290 : vector<16xf32>
    %get3A_292 = arith.constant 910 : index
    %get3A_293 = tpu.vector_load %arg11[%get3A_292] {strides = array<i32>} : memref<1040xf32, #tpu.memory_space<vmem>>, vector<16xf32>,
    %add3A_294 = arith.addf %add3A_291, %get3A_293 : vector<16xf32>
    %get3A_295 = arith.constant 975 : index
    %get3A_296 = tpu.vector_load %arg11[%get3A_295] {strides = array<i32>} : memref<1040xf32, #tpu.memory_space<vmem>>, vector<16xf32>,
    %add3A_297 = arith.addf %add3A_294, %get3A_296 : vector<16xf32>
    %swap3A = arith.constant 0 : index
    %swap3A_298 = tpu.vector_load %arg12[%swap3A] {strides = array<i32>} : memref<512xf32, #tpu.memory_space<vmem>>, vector<16xf32>,
    tpu.vector_store %arg12[%swap3A], %add3A_297 {strides = array<i32>} : memref<512xf32, #tpu.memory_space<vmem>>, vector<16xf32>,
    %get3A_299 = arith.constant 16 : index
    %get3A_300 = tpu.vector_load %arg11[%get3A_299] {strides = array<i32>} : memref<1040xf32, #tpu.memory_space<vmem>>, vector<16xf32>,
    %get3A_301 = arith.constant 81 : index
    %get3A_302 = tpu.vector_load %arg11[%get3A_301] {strides = array<i32>} : memref<1040xf32, #tpu.memory_space<vmem>>, vector<16xf32>,
    %add3A_303 = arith.addf %get3A_300, %get3A_302 : vector<16xf32>
    %get3A_304 = arith.constant 146 : index
    %get3A_305 = tpu.vector_load %arg11[%get3A_304] {strides = array<i32>} : memref<1040xf32, #tpu.memory_space<vmem>>, vector<16xf32>,
    %add3A_306 = arith.addf %add3A_303, %get3A_305 : vector<16xf32>
    %get3A_307 = arith.constant 211 : index
    %get3A_308 = tpu.vector_load %arg11[%get3A_307] {strides = array<i32>} : memref<1040xf32, #tpu.memory_space<vmem>>, vector<16xf32>,
    %add3A_309 = arith.addf %add3A_306, %get3A_308 : vector<16xf32>
    %get3A_310 = arith.constant 276 : index
    %get3A_311 = tpu.vector_load %arg11[%get3A_310] {strides = array<i32>} : memref<1040xf32, #tpu.memory_space<vmem>>, vector<16xf32>,
    %add3A_312 = arith.addf %add3A_309, %get3A_311 : vector<16xf32>
    %get3A_313 = arith.constant 341 : index
    %get3A_314 = tpu.vector_load %arg11[%get3A_313] {strides = array<i32>} : memref<1040xf32, #tpu.memory_space<vmem>>, vector<16xf32>,
    %add3A_315 = arith.addf %add3A_312, %get3A_314 : vector<16xf32>
    %get3A_316 = arith.constant 406 : index
    %get3A_317 = tpu.vector_load %arg11[%get3A_316] {strides = array<i32>} : memref<1040xf32, #tpu.memory_space<vmem>>, vector<16xf32>,
    %add3A_318 = arith.addf %add3A_315, %get3A_317 : vector<16xf32>
    %get3A_319 = arith.constant 471 : index
    %get3A_320 = tpu.vector_load %arg11[%get3A_319] {strides = array<i32>} : memref<1040xf32, #tpu.memory_space<vmem>>, vector<16xf32>,
    %add3A_321 = arith.addf %add3A_318, %get3A_320 : vector<16xf32>
    %get3A_322 = arith.constant 536 : index
    %get3A_323 = tpu.vector_load %arg11[%get3A_322] {strides = array<i32>} : memref<1040xf32, #tpu.memory_space<vmem>>, vector<16xf32>,
    %add3A_324 = arith.addf %add3A_321, %get3A_323 : vector<16xf32>
    %get3A_325 = arith.constant 601 : index
    %get3A_326 = tpu.vector_load %arg11[%get3A_325] {strides = array<i32>} : memref<1040xf32, #tpu.memory_space<vmem>>, vector<16xf32>,
    %add3A_327 = arith.addf %add3A_324, %get3A_326 : vector<16xf32>
    %get3A_328 = arith.constant 666 : index
    %get3A_329 = tpu.vector_load %arg11[%get3A_328] {strides = array<i32>} : memref<1040xf32, #tpu.memory_space<vmem>>, vector<16xf32>,
    %add3A_330 = arith.addf %add3A_327, %get3A_329 : vector<16xf32>
    %get3A_331 = arith.constant 731 : index
    %get3A_332 = tpu.vector_load %arg11[%get3A_331] {strides = array<i32>} : memref<1040xf32, #tpu.memory_space<vmem>>, vector<16xf32>,
    %add3A_333 = arith.addf %add3A_330, %get3A_332 : vector<16xf32>
    %get3A_334 = arith.constant 796 : index
    %get3A_335 = tpu.vector_load %arg11[%get3A_334] {strides = array<i32>} : memref<1040xf32, #tpu.memory_space<vmem>>, vector<16xf32>,
    %add3A_336 = arith.addf %add3A_333, %get3A_335 : vector<16xf32>
    %get3A_337 = arith.constant 861 : index
    %get3A_338 = tpu.vector_load %arg11[%get3A_337] {strides = array<i32>} : memref<1040xf32, #tpu.memory_space<vmem>>, vector<16xf32>,
    %add3A_339 = arith.addf %add3A_336, %get3A_338 : vector<16xf32>
    %get3A_340 = arith.constant 926 : index
    %get3A_341 = tpu.vector_load %arg11[%get3A_340] {strides = array<i32>} : memref<1040xf32, #tpu.memory_space<vmem>>, vector<16xf32>,
    %add3A_342 = arith.addf %add3A_339, %get3A_341 : vector<16xf32>
    %get3A_343 = arith.constant 991 : index
    %get3A_344 = tpu.vector_load %arg11[%get3A_343] {strides = array<i32>} : memref<1040xf32, #tpu.memory_space<vmem>>, vector<16xf32>,
    %add3A_345 = arith.addf %add3A_342, %get3A_344 : vector<16xf32>
    %swap3A_346 = arith.constant 16 : index
    %swap3A_347 = tpu.vector_load %arg12[%swap3A_346] {strides = array<i32>} : memref<512xf32, #tpu.memory_space<vmem>>, vector<16xf32>,
    tpu.vector_store %arg12[%swap3A_346], %add3A_345 {strides = array<i32>} : memref<512xf32, #tpu.memory_space<vmem>>, vector<16xf32>,
    %get3A_348 = arith.constant 32 : index
    %get3A_349 = tpu.vector_load %arg11[%get3A_348] {strides = array<i32>} : memref<1040xf32, #tpu.memory_space<vmem>>, vector<16xf32>,
    %get3A_350 = arith.constant 97 : index
    %get3A_351 = tpu.vector_load %arg11[%get3A_350] {strides = array<i32>} : memref<1040xf32, #tpu.memory_space<vmem>>, vector<16xf32>,
    %add3A_352 = arith.addf %get3A_349, %get3A_351 : vector<16xf32>
    %get3A_353 = arith.constant 162 : index
    %get3A_354 = tpu.vector_load %arg11[%get3A_353] {strides = array<i32>} : memref<1040xf32, #tpu.memory_space<vmem>>, vector<16xf32>,
    %add3A_355 = arith.addf %add3A_352, %get3A_354 : vector<16xf32>
    %get3A_356 = arith.constant 227 : index
    %get3A_357 = tpu.vector_load %arg11[%get3A_356] {strides = array<i32>} : memref<1040xf32, #tpu.memory_space<vmem>>, vector<16xf32>,
    %add3A_358 = arith.addf %add3A_355, %get3A_357 : vector<16xf32>
    %get3A_359 = arith.constant 292 : index
    %get3A_360 = tpu.vector_load %arg11[%get3A_359] {strides = array<i32>} : memref<1040xf32, #tpu.memory_space<vmem>>, vector<16xf32>,
    %add3A_361 = arith.addf %add3A_358, %get3A_360 : vector<16xf32>
    %get3A_362 = arith.constant 357 : index
    %get3A_363 = tpu.vector_load %arg11[%get3A_362] {strides = array<i32>} : memref<1040xf32, #tpu.memory_space<vmem>>, vector<16xf32>,
    %add3A_364 = arith.addf %add3A_361, %get3A_363 : vector<16xf32>
    %get3A_365 = arith.constant 422 : index
    %get3A_366 = tpu.vector_load %arg11[%get3A_365] {strides = array<i32>} : memref<1040xf32, #tpu.memory_space<vmem>>, vector<16xf32>,
    %add3A_367 = arith.addf %add3A_364, %get3A_366 : vector<16xf32>
    %get3A_368 = arith.constant 487 : index
    %get3A_369 = tpu.vector_load %arg11[%get3A_368] {strides = array<i32>} : memref<1040xf32, #tpu.memory_space<vmem>>, vector<16xf32>,
    %add3A_370 = arith.addf %add3A_367, %get3A_369 : vector<16xf32>
    %get3A_371 = arith.constant 552 : index
    %get3A_372 = tpu.vector_load %arg11[%get3A_371] {strides = array<i32>} : memref<1040xf32, #tpu.memory_space<vmem>>, vector<16xf32>,
    %add3A_373 = arith.addf %add3A_370, %get3A_372 : vector<16xf32>
    %get3A_374 = arith.constant 617 : index
    %get3A_375 = tpu.vector_load %arg11[%get3A_374] {strides = array<i32>} : memref<1040xf32, #tpu.memory_space<vmem>>, vector<16xf32>,
    %add3A_376 = arith.addf %add3A_373, %get3A_375 : vector<16xf32>
    %get3A_377 = arith.constant 682 : index
    %get3A_378 = tpu.vector_load %arg11[%get3A_377] {strides = array<i32>} : memref<1040xf32, #tpu.memory_space<vmem>>, vector<16xf32>,
    %add3A_379 = arith.addf %add3A_376, %get3A_378 : vector<16xf32>
    %get3A_380 = arith.constant 747 : index
    %get3A_381 = tpu.vector_load %arg11[%get3A_380] {strides = array<i32>} : memref<1040xf32, #tpu.memory_space<vmem>>, vector<16xf32>,
    %add3A_382 = arith.addf %add3A_379, %get3A_381 : vector<16xf32>
    %get3A_383 = arith.constant 812 : index
    %get3A_384 = tpu.vector_load %arg11[%get3A_383] {strides = array<i32>} : memref<1040xf32, #tpu.memory_space<vmem>>, vector<16xf32>,
    %add3A_385 = arith.addf %add3A_382, %get3A_384 : vector<16xf32>
    %get3A_386 = arith.constant 877 : index
    %get3A_387 = tpu.vector_load %arg11[%get3A_386] {strides = array<i32>} : memref<1040xf32, #tpu.memory_space<vmem>>, vector<16xf32>,
    %add3A_388 = arith.addf %add3A_385, %get3A_387 : vector<16xf32>
    %get3A_389 = arith.constant 942 : index
    %get3A_390 = tpu.vector_load %arg11[%get3A_389] {strides = array<i32>} : memref<1040xf32, #tpu.memory_space<vmem>>, vector<16xf32>,
    %add3A_391 = arith.addf %add3A_388, %get3A_390 : vector<16xf32>
    %get3A_392 = arith.constant 1007 : index
    %get3A_393 = tpu.vector_load %arg11[%get3A_392] {strides = array<i32>} : memref<1040xf32, #tpu.memory_space<vmem>>, vector<16xf32>,
    %add3A_394 = arith.addf %add3A_391, %get3A_393 : vector<16xf32>
    %swap3A_395 = arith.constant 32 : index
    %swap3A_396 = tpu.vector_load %arg12[%swap3A_395] {strides = array<i32>} : memref<512xf32, #tpu.memory_space<vmem>>, vector<16xf32>,
    tpu.vector_store %arg12[%swap3A_395], %add3A_394 {strides = array<i32>} : memref<512xf32, #tpu.memory_space<vmem>>, vector<16xf32>,
    %get3A_397 = arith.constant 48 : index
    %get3A_398 = tpu.vector_load %arg11[%get3A_397] {strides = array<i32>} : memref<1040xf32, #tpu.memory_space<vmem>>, vector<16xf32>,
    %get3A_399 = arith.constant 113 : index
    %get3A_400 = tpu.vector_load %arg11[%get3A_399] {strides = array<i32>} : memref<1040xf32, #tpu.memory_space<vmem>>, vector<16xf32>,
    %add3A_401 = arith.addf %get3A_398, %get3A_400 : vector<16xf32>
    %get3A_402 = arith.constant 178 : index
    %get3A_403 = tpu.vector_load %arg11[%get3A_402] {strides = array<i32>} : memref<1040xf32, #tpu.memory_space<vmem>>, vector<16xf32>,
    %add3A_404 = arith.addf %add3A_401, %get3A_403 : vector<16xf32>
    %get3A_405 = arith.constant 243 : index
    %get3A_406 = tpu.vector_load %arg11[%get3A_405] {strides = array<i32>} : memref<1040xf32, #tpu.memory_space<vmem>>, vector<16xf32>,
    %add3A_407 = arith.addf %add3A_404, %get3A_406 : vector<16xf32>
    %get3A_408 = arith.constant 308 : index
    %get3A_409 = tpu.vector_load %arg11[%get3A_408] {strides = array<i32>} : memref<1040xf32, #tpu.memory_space<vmem>>, vector<16xf32>,
    %add3A_410 = arith.addf %add3A_407, %get3A_409 : vector<16xf32>
    %get3A_411 = arith.constant 373 : index
    %get3A_412 = tpu.vector_load %arg11[%get3A_411] {strides = array<i32>} : memref<1040xf32, #tpu.memory_space<vmem>>, vector<16xf32>,
    %add3A_413 = arith.addf %add3A_410, %get3A_412 : vector<16xf32>
    %get3A_414 = arith.constant 438 : index
    %get3A_415 = tpu.vector_load %arg11[%get3A_414] {strides = array<i32>} : memref<1040xf32, #tpu.memory_space<vmem>>, vector<16xf32>,
    %add3A_416 = arith.addf %add3A_413, %get3A_415 : vector<16xf32>
    %get3A_417 = arith.constant 503 : index
    %get3A_418 = tpu.vector_load %arg11[%get3A_417] {strides = array<i32>} : memref<1040xf32, #tpu.memory_space<vmem>>, vector<16xf32>,
    %add3A_419 = arith.addf %add3A_416, %get3A_418 : vector<16xf32>
    %get3A_420 = arith.constant 568 : index
    %get3A_421 = tpu.vector_load %arg11[%get3A_420] {strides = array<i32>} : memref<1040xf32, #tpu.memory_space<vmem>>, vector<16xf32>,
    %add3A_422 = arith.addf %add3A_419, %get3A_421 : vector<16xf32>
    %get3A_423 = arith.constant 633 : index
    %get3A_424 = tpu.vector_load %arg11[%get3A_423] {strides = array<i32>} : memref<1040xf32, #tpu.memory_space<vmem>>, vector<16xf32>,
    %add3A_425 = arith.addf %add3A_422, %get3A_424 : vector<16xf32>
    %get3A_426 = arith.constant 698 : index
    %get3A_427 = tpu.vector_load %arg11[%get3A_426] {strides = array<i32>} : memref<1040xf32, #tpu.memory_space<vmem>>, vector<16xf32>,
    %add3A_428 = arith.addf %add3A_425, %get3A_427 : vector<16xf32>
    %get3A_429 = arith.constant 763 : index
    %get3A_430 = tpu.vector_load %arg11[%get3A_429] {strides = array<i32>} : memref<1040xf32, #tpu.memory_space<vmem>>, vector<16xf32>,
    %add3A_431 = arith.addf %add3A_428, %get3A_430 : vector<16xf32>
    %get3A_432 = arith.constant 828 : index
    %get3A_433 = tpu.vector_load %arg11[%get3A_432] {strides = array<i32>} : memref<1040xf32, #tpu.memory_space<vmem>>, vector<16xf32>,
    %add3A_434 = arith.addf %add3A_431, %get3A_433 : vector<16xf32>
    %get3A_435 = arith.constant 893 : index
    %get3A_436 = tpu.vector_load %arg11[%get3A_435] {strides = array<i32>} : memref<1040xf32, #tpu.memory_space<vmem>>, vector<16xf32>,
    %add3A_437 = arith.addf %add3A_434, %get3A_436 : vector<16xf32>
    %get3A_438 = arith.constant 958 : index
    %get3A_439 = tpu.vector_load %arg11[%get3A_438] {strides = array<i32>} : memref<1040xf32, #tpu.memory_space<vmem>>, vector<16xf32>,
    %add3A_440 = arith.addf %add3A_437, %get3A_439 : vector<16xf32>
    %get3A_441 = arith.constant 1023 : index
    %get3A_442 = tpu.vector_load %arg11[%get3A_441] {strides = array<i32>} : memref<1040xf32, #tpu.memory_space<vmem>>, vector<16xf32>,
    %add3A_443 = arith.addf %add3A_440, %get3A_442 : vector<16xf32>
    %swap3A_444 = arith.constant 48 : index
    %swap3A_445 = tpu.vector_load %arg12[%swap3A_444] {strides = array<i32>} : memref<512xf32, #tpu.memory_space<vmem>>, vector<16xf32>,
    tpu.vector_store %arg12[%swap3A_444], %add3A_443 {strides = array<i32>} : memref<512xf32, #tpu.memory_space<vmem>>, vector<16xf32>,
    %dma_start3A_446 = arith.constant 0 : i32
    %dma_start3A_447 = arith.constant 0 : i32
    %dma_start3A_448 = arith.constant 0 : i32
    %dma_start3A_449 = arith.constant 0 : i32
    %dma_start3A_450 = arith.constant 0 : i32
    %dma_start3A_451 = tpu.memref_slice %arg9[%dma_start3A_446, %dma_start3A_449, %dma_start3A_450] : memref<7x64x128xf32, #tpu.memory_space<vmem>> -> memref<1x64x128xf32, #tpu.memory_space<vmem>>
    %dma_start3A_452 = tpu.memref_squeeze %dma_start3A_451 : memref<1x64x128xf32, #tpu.memory_space<vmem>> -> memref<64x128xf32, #tpu.memory_space<vmem>>
    %dma_start3A_453 = arith.constant 448 : i32
    %dma_start3A_454 = tpu.memref_slice %arg7[%dma_start3A_453] : memref<512xi32, #tpu.memory_space<vmem>> -> memref<64xi32, #tpu.memory_space<vmem>>
    %dma_start3A_455 = arith.constant 0 : i32
    %dma_start3A_456 = arith.constant 0 : i32
    %dma_start3A_457 = tpu.memref_slice %arg4[%dma_start3A_455, %dma_start3A_456] : memref<100000x128xf32, #tpu.memory_space<hbm>> -> memref<100000x128xf32, #tpu.memory_space<hbm>>
    %dma_start3A_458 = tpu.memref_slice %arg13[%dma_start3A_447, %dma_start3A_448] : memref<7x2x!tpu.dma_semaphore, #tpu.memory_space<semaphore_mem>> -> memref<1x1x!tpu.dma_semaphore, #tpu.memory_space<semaphore_mem>>
    %dma_start3A_459 = tpu.memref_squeeze %dma_start3A_458 : memref<1x1x!tpu.dma_semaphore, #tpu.memory_space<semaphore_mem>> -> memref<!tpu.dma_semaphore, #tpu.memory_space<semaphore_mem>>
    tpu.enqueue_indirect_dma source(%dma_start3A_457 : memref<100000x128xf32, #tpu.memory_space<hbm>>) target(%dma_start3A_452 : memref<64x128xf32, #tpu.memory_space<vmem>>) offsets(%dma_start3A_454 : memref<64xi32, #tpu.memory_space<vmem>>) semaphore(%dma_start3A_459 : memref<!tpu.dma_semaphore, #tpu.memory_space<semaphore_mem>>)
    %dma_start3A_460 = arith.constant 0 : i32
    %dma_start3A_461 = arith.constant 0 : i32
    %dma_start3A_462 = arith.constant 1 : i32
    %dma_start3A_463 = arith.constant 0 : i32
    %dma_start3A_464 = arith.constant 0 : i32
    %dma_start3A_465 = tpu.memref_slice %arg10[%dma_start3A_460, %dma_start3A_463, %dma_start3A_464] : memref<7x64x128xf32, #tpu.memory_space<vmem>> -> memref<1x64x128xf32, #tpu.memory_space<vmem>>
    %dma_start3A_466 = tpu.memref_squeeze %dma_start3A_465 : memref<1x64x128xf32, #tpu.memory_space<vmem>> -> memref<64x128xf32, #tpu.memory_space<vmem>>
    %dma_start3A_467 = arith.constant 448 : i32
    %dma_start3A_468 = tpu.memref_slice %arg8[%dma_start3A_467] : memref<512xi32, #tpu.memory_space<vmem>> -> memref<64xi32, #tpu.memory_space<vmem>>
    %dma_start3A_469 = arith.constant 0 : i32
    %dma_start3A_470 = arith.constant 0 : i32
    %dma_start3A_471 = tpu.memref_slice %arg5[%dma_start3A_469, %dma_start3A_470] : memref<1000000x128xf32, #tpu.memory_space<hbm>> -> memref<1000000x128xf32, #tpu.memory_space<hbm>>
    %dma_start3A_472 = tpu.memref_slice %arg13[%dma_start3A_461, %dma_start3A_462] : memref<7x2x!tpu.dma_semaphore, #tpu.memory_space<semaphore_mem>> -> memref<1x1x!tpu.dma_semaphore, #tpu.memory_space<semaphore_mem>>
    %dma_start3A_473 = tpu.memref_squeeze %dma_start3A_472 : memref<1x1x!tpu.dma_semaphore, #tpu.memory_space<semaphore_mem>> -> memref<!tpu.dma_semaphore, #tpu.memory_space<semaphore_mem>>
    tpu.enqueue_indirect_dma source(%dma_start3A_471 : memref<1000000x128xf32, #tpu.memory_space<hbm>>) target(%dma_start3A_466 : memref<64x128xf32, #tpu.memory_space<vmem>>) offsets(%dma_start3A_468 : memref<64xi32, #tpu.memory_space<vmem>>) semaphore(%dma_start3A_473 : memref<!tpu.dma_semaphore, #tpu.memory_space<semaphore_mem>>)
    %dma_wait3A_474 = arith.constant 1 : i32
    %dma_wait3A_475 = arith.constant 1 : i32
    %dma_wait3A_476 = arith.constant 0 : i32
    %dma_wait3A_477 = arith.constant 0 : i32
    %dma_wait3A_478 = arith.constant 0 : i32
    %dma_wait3A_479 = tpu.memref_slice %arg9[%dma_wait3A_474, %dma_wait3A_477, %dma_wait3A_478] : memref<7x64x128xf32, #tpu.memory_space<vmem>> -> memref<1x64x128xf32, #tpu.memory_space<vmem>>
    %dma_wait3A_480 = tpu.memref_squeeze %dma_wait3A_479 : memref<1x64x128xf32, #tpu.memory_space<vmem>> -> memref<64x128xf32, #tpu.memory_space<vmem>>
    %dma_wait3A_481 = arith.constant 64 : i32
    %dma_wait3A_482 = tpu.memref_slice %arg7[%dma_wait3A_481] : memref<512xi32, #tpu.memory_space<vmem>> -> memref<64xi32, #tpu.memory_space<vmem>>
    %dma_wait3A_483 = arith.constant 0 : i32
    %dma_wait3A_484 = arith.constant 0 : i32
    %dma_wait3A_485 = tpu.memref_slice %arg4[%dma_wait3A_483, %dma_wait3A_484] : memref<100000x128xf32, #tpu.memory_space<hbm>> -> memref<100000x128xf32, #tpu.memory_space<hbm>>
    %dma_wait3A_486 = tpu.memref_slice %arg13[%dma_wait3A_475, %dma_wait3A_476] : memref<7x2x!tpu.dma_semaphore, #tpu.memory_space<semaphore_mem>> -> memref<1x1x!tpu.dma_semaphore, #tpu.memory_space<semaphore_mem>>
    %dma_wait3A_487 = tpu.memref_squeeze %dma_wait3A_486 : memref<1x1x!tpu.dma_semaphore, #tpu.memory_space<semaphore_mem>> -> memref<!tpu.dma_semaphore, #tpu.memory_space<semaphore_mem>>
    tpu.wait_indirect_dma semaphore(%dma_wait3A_487 : memref<!tpu.dma_semaphore, #tpu.memory_space<semaphore_mem>>) src(%dma_wait3A_485 : memref<100000x128xf32, #tpu.memory_space<hbm>>) dst(%dma_wait3A_480 : memref<64x128xf32, #tpu.memory_space<vmem>>)
    %dma_wait3A_488 = arith.constant 1 : i32
    %dma_wait3A_489 = arith.constant 1 : i32
    %dma_wait3A_490 = arith.constant 1 : i32
    %dma_wait3A_491 = arith.constant 0 : i32
    %dma_wait3A_492 = arith.constant 0 : i32
    %dma_wait3A_493 = tpu.memref_slice %arg10[%dma_wait3A_488, %dma_wait3A_491, %dma_wait3A_492] : memref<7x64x128xf32, #tpu.memory_space<vmem>> -> memref<1x64x128xf32, #tpu.memory_space<vmem>>
    %dma_wait3A_494 = tpu.memref_squeeze %dma_wait3A_493 : memref<1x64x128xf32, #tpu.memory_space<vmem>> -> memref<64x128xf32, #tpu.memory_space<vmem>>
    %dma_wait3A_495 = arith.constant 64 : i32
    %dma_wait3A_496 = tpu.memref_slice %arg8[%dma_wait3A_495] : memref<512xi32, #tpu.memory_space<vmem>> -> memref<64xi32, #tpu.memory_space<vmem>>
    %dma_wait3A_497 = arith.constant 0 : i32
    %dma_wait3A_498 = arith.constant 0 : i32
    %dma_wait3A_499 = tpu.memref_slice %arg5[%dma_wait3A_497, %dma_wait3A_498] : memref<1000000x128xf32, #tpu.memory_space<hbm>> -> memref<1000000x128xf32, #tpu.memory_space<hbm>>
    %dma_wait3A_500 = tpu.memref_slice %arg13[%dma_wait3A_489, %dma_wait3A_490] : memref<7x2x!tpu.dma_semaphore, #tpu.memory_space<semaphore_mem>> -> memref<1x1x!tpu.dma_semaphore, #tpu.memory_space<semaphore_mem>>
    %dma_wait3A_501 = tpu.memref_squeeze %dma_wait3A_500 : memref<1x1x!tpu.dma_semaphore, #tpu.memory_space<semaphore_mem>> -> memref<!tpu.dma_semaphore, #tpu.memory_space<semaphore_mem>>
    tpu.wait_indirect_dma semaphore(%dma_wait3A_501 : memref<!tpu.dma_semaphore, #tpu.memory_space<semaphore_mem>>) src(%dma_wait3A_499 : memref<1000000x128xf32, #tpu.memory_space<hbm>>) dst(%dma_wait3A_494 : memref<64x128xf32, #tpu.memory_space<vmem>>)
    %parallel_loop3A_502 = arith.constant 0 : i32
    %parallel_loop3A_503 = arith.constant 64 : i32
    %parallel_loop3A_504 = arith.constant 1 : i32
    %parallel_loop3A_505 = arith.constant 1 : i32
    %parallel_loop3A_506 = arith.constant 1 : i32
    scf.for %parallel_loop3A_2077 = %parallel_loop3A_502 to %parallel_loop3A_503 step %parallel_loop3A_504  : i32 {
      %parallel_loop3A_2078 = arith.constant 0 : i32
      %parallel_loop3A_2079 = arith.constant 0 : i32
      %parallel_loop3A_2080 = tpu.memref_slice %arg9[%parallel_loop3A_505, %parallel_loop3A_2078, %parallel_loop3A_2079] : memref<7x64x128xf32, #tpu.memory_space<vmem>> -> memref<1x64x128xf32, #tpu.memory_space<vmem>>
      %parallel_loop3A_2081 = tpu.memref_squeeze %parallel_loop3A_2080 : memref<1x64x128xf32, #tpu.memory_space<vmem>> -> memref<64x128xf32, #tpu.memory_space<vmem>>
      %parallel_loop3A_2082 = arith.index_cast %parallel_loop3A_2077 : i32 to index
      %parallel_loop3A_2083 = arith.constant 0 : index
      %parallel_loop3A_2084 = tpu.vector_load %parallel_loop3A_2081[%parallel_loop3A_2082, %parallel_loop3A_2083] {strides = array<i32>} : memref<64x128xf32, #tpu.memory_space<vmem>>, vector<16xf32>,
      %parallel_loop3A_2085 = arith.constant 0 : i32
      %parallel_loop3A_2086 = arith.constant 0 : i32
      %parallel_loop3A_2087 = tpu.memref_slice %arg10[%parallel_loop3A_506, %parallel_loop3A_2085, %parallel_loop3A_2086] : memref<7x64x128xf32, #tpu.memory_space<vmem>> -> memref<1x64x128xf32, #tpu.memory_space<vmem>>
      %parallel_loop3A_2088 = tpu.memref_squeeze %parallel_loop3A_2087 : memref<1x64x128xf32, #tpu.memory_space<vmem>> -> memref<64x128xf32, #tpu.memory_space<vmem>>
      %parallel_loop3A_2089 = arith.index_cast %parallel_loop3A_2077 : i32 to index
      %parallel_loop3A_2090 = arith.constant 0 : index
      %parallel_loop3A_2091 = tpu.vector_load %parallel_loop3A_2088[%parallel_loop3A_2089, %parallel_loop3A_2090] {strides = array<i32>} : memref<64x128xf32, #tpu.memory_space<vmem>>, vector<16xf32>,
      %parallel_loop3A_2092 = arith.mulf %parallel_loop3A_2084, %parallel_loop3A_2091 : vector<16xf32>
      %parallel_loop3A_2093 = arith.constant 0 : i32
      %parallel_loop3A_2094 = arith.constant 0 : i32
      %parallel_loop3A_2095 = tpu.memref_slice %arg9[%parallel_loop3A_505, %parallel_loop3A_2093, %parallel_loop3A_2094] : memref<7x64x128xf32, #tpu.memory_space<vmem>> -> memref<1x64x128xf32, #tpu.memory_space<vmem>>
      %parallel_loop3A_2096 = tpu.memref_squeeze %parallel_loop3A_2095 : memref<1x64x128xf32, #tpu.memory_space<vmem>> -> memref<64x128xf32, #tpu.memory_space<vmem>>
      %parallel_loop3A_2097 = arith.index_cast %parallel_loop3A_2077 : i32 to index
      %parallel_loop3A_2098 = arith.constant 16 : index
      %parallel_loop3A_2099 = tpu.vector_load %parallel_loop3A_2096[%parallel_loop3A_2097, %parallel_loop3A_2098] {strides = array<i32>} : memref<64x128xf32, #tpu.memory_space<vmem>>, vector<16xf32>,
      %parallel_loop3A_2100 = arith.constant 0 : i32
      %parallel_loop3A_2101 = arith.constant 0 : i32
      %parallel_loop3A_2102 = tpu.memref_slice %arg10[%parallel_loop3A_506, %parallel_loop3A_2100, %parallel_loop3A_2101] : memref<7x64x128xf32, #tpu.memory_space<vmem>> -> memref<1x64x128xf32, #tpu.memory_space<vmem>>
      %parallel_loop3A_2103 = tpu.memref_squeeze %parallel_loop3A_2102 : memref<1x64x128xf32, #tpu.memory_space<vmem>> -> memref<64x128xf32, #tpu.memory_space<vmem>>
      %parallel_loop3A_2104 = arith.index_cast %parallel_loop3A_2077 : i32 to index
      %parallel_loop3A_2105 = arith.constant 16 : index
      %parallel_loop3A_2106 = tpu.vector_load %parallel_loop3A_2103[%parallel_loop3A_2104, %parallel_loop3A_2105] {strides = array<i32>} : memref<64x128xf32, #tpu.memory_space<vmem>>, vector<16xf32>,
      %parallel_loop3A_2107 = arith.mulf %parallel_loop3A_2099, %parallel_loop3A_2106 : vector<16xf32>
      %parallel_loop3A_2108 = arith.constant 0 : i32
      %parallel_loop3A_2109 = arith.constant 0 : i32
      %parallel_loop3A_2110 = tpu.memref_slice %arg9[%parallel_loop3A_505, %parallel_loop3A_2108, %parallel_loop3A_2109] : memref<7x64x128xf32, #tpu.memory_space<vmem>> -> memref<1x64x128xf32, #tpu.memory_space<vmem>>
      %parallel_loop3A_2111 = tpu.memref_squeeze %parallel_loop3A_2110 : memref<1x64x128xf32, #tpu.memory_space<vmem>> -> memref<64x128xf32, #tpu.memory_space<vmem>>
      %parallel_loop3A_2112 = arith.index_cast %parallel_loop3A_2077 : i32 to index
      %parallel_loop3A_2113 = arith.constant 32 : index
      %parallel_loop3A_2114 = tpu.vector_load %parallel_loop3A_2111[%parallel_loop3A_2112, %parallel_loop3A_2113] {strides = array<i32>} : memref<64x128xf32, #tpu.memory_space<vmem>>, vector<16xf32>,
      %parallel_loop3A_2115 = arith.constant 0 : i32
      %parallel_loop3A_2116 = arith.constant 0 : i32
      %parallel_loop3A_2117 = tpu.memref_slice %arg10[%parallel_loop3A_506, %parallel_loop3A_2115, %parallel_loop3A_2116] : memref<7x64x128xf32, #tpu.memory_space<vmem>> -> memref<1x64x128xf32, #tpu.memory_space<vmem>>
      %parallel_loop3A_2118 = tpu.memref_squeeze %parallel_loop3A_2117 : memref<1x64x128xf32, #tpu.memory_space<vmem>> -> memref<64x128xf32, #tpu.memory_space<vmem>>
      %parallel_loop3A_2119 = arith.index_cast %parallel_loop3A_2077 : i32 to index
      %parallel_loop3A_2120 = arith.constant 32 : index
      %parallel_loop3A_2121 = tpu.vector_load %parallel_loop3A_2118[%parallel_loop3A_2119, %parallel_loop3A_2120] {strides = array<i32>} : memref<64x128xf32, #tpu.memory_space<vmem>>, vector<16xf32>,
      %parallel_loop3A_2122 = arith.mulf %parallel_loop3A_2114, %parallel_loop3A_2121 : vector<16xf32>
      %parallel_loop3A_2123 = arith.constant 0 : i32
      %parallel_loop3A_2124 = arith.constant 0 : i32
      %parallel_loop3A_2125 = tpu.memref_slice %arg9[%parallel_loop3A_505, %parallel_loop3A_2123, %parallel_loop3A_2124] : memref<7x64x128xf32, #tpu.memory_space<vmem>> -> memref<1x64x128xf32, #tpu.memory_space<vmem>>
      %parallel_loop3A_2126 = tpu.memref_squeeze %parallel_loop3A_2125 : memref<1x64x128xf32, #tpu.memory_space<vmem>> -> memref<64x128xf32, #tpu.memory_space<vmem>>
      %parallel_loop3A_2127 = arith.index_cast %parallel_loop3A_2077 : i32 to index
      %parallel_loop3A_2128 = arith.constant 48 : index
      %parallel_loop3A_2129 = tpu.vector_load %parallel_loop3A_2126[%parallel_loop3A_2127, %parallel_loop3A_2128] {strides = array<i32>} : memref<64x128xf32, #tpu.memory_space<vmem>>, vector<16xf32>,
      %parallel_loop3A_2130 = arith.constant 0 : i32
      %parallel_loop3A_2131 = arith.constant 0 : i32
      %parallel_loop3A_2132 = tpu.memref_slice %arg10[%parallel_loop3A_506, %parallel_loop3A_2130, %parallel_loop3A_2131] : memref<7x64x128xf32, #tpu.memory_space<vmem>> -> memref<1x64x128xf32, #tpu.memory_space<vmem>>
      %parallel_loop3A_2133 = tpu.memref_squeeze %parallel_loop3A_2132 : memref<1x64x128xf32, #tpu.memory_space<vmem>> -> memref<64x128xf32, #tpu.memory_space<vmem>>
      %parallel_loop3A_2134 = arith.index_cast %parallel_loop3A_2077 : i32 to index
      %parallel_loop3A_2135 = arith.constant 48 : index
      %parallel_loop3A_2136 = tpu.vector_load %parallel_loop3A_2133[%parallel_loop3A_2134, %parallel_loop3A_2135] {strides = array<i32>} : memref<64x128xf32, #tpu.memory_space<vmem>>, vector<16xf32>,
      %parallel_loop3A_2137 = arith.mulf %parallel_loop3A_2129, %parallel_loop3A_2136 : vector<16xf32>
      %parallel_loop3A_2138 = arith.constant 0 : i32
      %parallel_loop3A_2139 = arith.constant 0 : i32
      %parallel_loop3A_2140 = tpu.memref_slice %arg9[%parallel_loop3A_505, %parallel_loop3A_2138, %parallel_loop3A_2139] : memref<7x64x128xf32, #tpu.memory_space<vmem>> -> memref<1x64x128xf32, #tpu.memory_space<vmem>>
      %parallel_loop3A_2141 = tpu.memref_squeeze %parallel_loop3A_2140 : memref<1x64x128xf32, #tpu.memory_space<vmem>> -> memref<64x128xf32, #tpu.memory_space<vmem>>
      %parallel_loop3A_2142 = arith.index_cast %parallel_loop3A_2077 : i32 to index
      %parallel_loop3A_2143 = arith.constant 64 : index
      %parallel_loop3A_2144 = tpu.vector_load %parallel_loop3A_2141[%parallel_loop3A_2142, %parallel_loop3A_2143] {strides = array<i32>} : memref<64x128xf32, #tpu.memory_space<vmem>>, vector<16xf32>,
      %parallel_loop3A_2145 = arith.constant 0 : i32
      %parallel_loop3A_2146 = arith.constant 0 : i32
      %parallel_loop3A_2147 = tpu.memref_slice %arg10[%parallel_loop3A_506, %parallel_loop3A_2145, %parallel_loop3A_2146] : memref<7x64x128xf32, #tpu.memory_space<vmem>> -> memref<1x64x128xf32, #tpu.memory_space<vmem>>
      %parallel_loop3A_2148 = tpu.memref_squeeze %parallel_loop3A_2147 : memref<1x64x128xf32, #tpu.memory_space<vmem>> -> memref<64x128xf32, #tpu.memory_space<vmem>>
      %parallel_loop3A_2149 = arith.index_cast %parallel_loop3A_2077 : i32 to index
      %parallel_loop3A_2150 = arith.constant 64 : index
      %parallel_loop3A_2151 = tpu.vector_load %parallel_loop3A_2148[%parallel_loop3A_2149, %parallel_loop3A_2150] {strides = array<i32>} : memref<64x128xf32, #tpu.memory_space<vmem>>, vector<16xf32>,
      %parallel_loop3A_2152 = arith.mulf %parallel_loop3A_2144, %parallel_loop3A_2151 : vector<16xf32>
      %parallel_loop3A_2153 = arith.constant 0 : i32
      %parallel_loop3A_2154 = arith.constant 0 : i32
      %parallel_loop3A_2155 = tpu.memref_slice %arg9[%parallel_loop3A_505, %parallel_loop3A_2153, %parallel_loop3A_2154] : memref<7x64x128xf32, #tpu.memory_space<vmem>> -> memref<1x64x128xf32, #tpu.memory_space<vmem>>
      %parallel_loop3A_2156 = tpu.memref_squeeze %parallel_loop3A_2155 : memref<1x64x128xf32, #tpu.memory_space<vmem>> -> memref<64x128xf32, #tpu.memory_space<vmem>>
      %parallel_loop3A_2157 = arith.index_cast %parallel_loop3A_2077 : i32 to index
      %parallel_loop3A_2158 = arith.constant 80 : index
      %parallel_loop3A_2159 = tpu.vector_load %parallel_loop3A_2156[%parallel_loop3A_2157, %parallel_loop3A_2158] {strides = array<i32>} : memref<64x128xf32, #tpu.memory_space<vmem>>, vector<16xf32>,
      %parallel_loop3A_2160 = arith.constant 0 : i32
      %parallel_loop3A_2161 = arith.constant 0 : i32
      %parallel_loop3A_2162 = tpu.memref_slice %arg10[%parallel_loop3A_506, %parallel_loop3A_2160, %parallel_loop3A_2161] : memref<7x64x128xf32, #tpu.memory_space<vmem>> -> memref<1x64x128xf32, #tpu.memory_space<vmem>>
      %parallel_loop3A_2163 = tpu.memref_squeeze %parallel_loop3A_2162 : memref<1x64x128xf32, #tpu.memory_space<vmem>> -> memref<64x128xf32, #tpu.memory_space<vmem>>
      %parallel_loop3A_2164 = arith.index_cast %parallel_loop3A_2077 : i32 to index
      %parallel_loop3A_2165 = arith.constant 80 : index
      %parallel_loop3A_2166 = tpu.vector_load %parallel_loop3A_2163[%parallel_loop3A_2164, %parallel_loop3A_2165] {strides = array<i32>} : memref<64x128xf32, #tpu.memory_space<vmem>>, vector<16xf32>,
      %parallel_loop3A_2167 = arith.mulf %parallel_loop3A_2159, %parallel_loop3A_2166 : vector<16xf32>
      %parallel_loop3A_2168 = arith.constant 0 : i32
      %parallel_loop3A_2169 = arith.constant 0 : i32
      %parallel_loop3A_2170 = tpu.memref_slice %arg9[%parallel_loop3A_505, %parallel_loop3A_2168, %parallel_loop3A_2169] : memref<7x64x128xf32, #tpu.memory_space<vmem>> -> memref<1x64x128xf32, #tpu.memory_space<vmem>>
      %parallel_loop3A_2171 = tpu.memref_squeeze %parallel_loop3A_2170 : memref<1x64x128xf32, #tpu.memory_space<vmem>> -> memref<64x128xf32, #tpu.memory_space<vmem>>
      %parallel_loop3A_2172 = arith.index_cast %parallel_loop3A_2077 : i32 to index
      %parallel_loop3A_2173 = arith.constant 96 : index
      %parallel_loop3A_2174 = tpu.vector_load %parallel_loop3A_2171[%parallel_loop3A_2172, %parallel_loop3A_2173] {strides = array<i32>} : memref<64x128xf32, #tpu.memory_space<vmem>>, vector<16xf32>,
      %parallel_loop3A_2175 = arith.constant 0 : i32
      %parallel_loop3A_2176 = arith.constant 0 : i32
      %parallel_loop3A_2177 = tpu.memref_slice %arg10[%parallel_loop3A_506, %parallel_loop3A_2175, %parallel_loop3A_2176] : memref<7x64x128xf32, #tpu.memory_space<vmem>> -> memref<1x64x128xf32, #tpu.memory_space<vmem>>
      %parallel_loop3A_2178 = tpu.memref_squeeze %parallel_loop3A_2177 : memref<1x64x128xf32, #tpu.memory_space<vmem>> -> memref<64x128xf32, #tpu.memory_space<vmem>>
      %parallel_loop3A_2179 = arith.index_cast %parallel_loop3A_2077 : i32 to index
      %parallel_loop3A_2180 = arith.constant 96 : index
      %parallel_loop3A_2181 = tpu.vector_load %parallel_loop3A_2178[%parallel_loop3A_2179, %parallel_loop3A_2180] {strides = array<i32>} : memref<64x128xf32, #tpu.memory_space<vmem>>, vector<16xf32>,
      %parallel_loop3A_2182 = arith.mulf %parallel_loop3A_2174, %parallel_loop3A_2181 : vector<16xf32>
      %parallel_loop3A_2183 = arith.constant 0 : i32
      %parallel_loop3A_2184 = arith.constant 0 : i32
      %parallel_loop3A_2185 = tpu.memref_slice %arg9[%parallel_loop3A_505, %parallel_loop3A_2183, %parallel_loop3A_2184] : memref<7x64x128xf32, #tpu.memory_space<vmem>> -> memref<1x64x128xf32, #tpu.memory_space<vmem>>
      %parallel_loop3A_2186 = tpu.memref_squeeze %parallel_loop3A_2185 : memref<1x64x128xf32, #tpu.memory_space<vmem>> -> memref<64x128xf32, #tpu.memory_space<vmem>>
      %parallel_loop3A_2187 = arith.index_cast %parallel_loop3A_2077 : i32 to index
      %parallel_loop3A_2188 = arith.constant 112 : index
      %parallel_loop3A_2189 = tpu.vector_load %parallel_loop3A_2186[%parallel_loop3A_2187, %parallel_loop3A_2188] {strides = array<i32>} : memref<64x128xf32, #tpu.memory_space<vmem>>, vector<16xf32>,
      %parallel_loop3A_2190 = arith.constant 0 : i32
      %parallel_loop3A_2191 = arith.constant 0 : i32
      %parallel_loop3A_2192 = tpu.memref_slice %arg10[%parallel_loop3A_506, %parallel_loop3A_2190, %parallel_loop3A_2191] : memref<7x64x128xf32, #tpu.memory_space<vmem>> -> memref<1x64x128xf32, #tpu.memory_space<vmem>>
      %parallel_loop3A_2193 = tpu.memref_squeeze %parallel_loop3A_2192 : memref<1x64x128xf32, #tpu.memory_space<vmem>> -> memref<64x128xf32, #tpu.memory_space<vmem>>
      %parallel_loop3A_2194 = arith.index_cast %parallel_loop3A_2077 : i32 to index
      %parallel_loop3A_2195 = arith.constant 112 : index
      %parallel_loop3A_2196 = tpu.vector_load %parallel_loop3A_2193[%parallel_loop3A_2194, %parallel_loop3A_2195] {strides = array<i32>} : memref<64x128xf32, #tpu.memory_space<vmem>>, vector<16xf32>,
      %parallel_loop3A_2197 = arith.mulf %parallel_loop3A_2189, %parallel_loop3A_2196 : vector<16xf32>
      %parallel_loop3A_2198 = arith.addf %parallel_loop3A_2092, %parallel_loop3A_2107 : vector<16xf32>
      %parallel_loop3A_2199 = arith.addf %parallel_loop3A_2122, %parallel_loop3A_2137 : vector<16xf32>
      %parallel_loop3A_2200 = arith.addf %parallel_loop3A_2152, %parallel_loop3A_2167 : vector<16xf32>
      %parallel_loop3A_2201 = arith.addf %parallel_loop3A_2182, %parallel_loop3A_2197 : vector<16xf32>
      %parallel_loop3A_2202 = arith.addf %parallel_loop3A_2198, %parallel_loop3A_2199 : vector<16xf32>
      %parallel_loop3A_2203 = arith.addf %parallel_loop3A_2200, %parallel_loop3A_2201 : vector<16xf32>
      %parallel_loop3A_2204 = arith.addf %parallel_loop3A_2202, %parallel_loop3A_2203 : vector<16xf32>
      %parallel_loop3A_2205 = vector.broadcast %parallel_loop3A_2077 : i32 to vector<16xi32>
      %parallel_loop3A_2206 = arith.addi %mul3A_23, %parallel_loop3A_2205 : vector<16xi32>
      tpu.vector_store_idx %arg11[%parallel_loop3A_2206], %parallel_loop3A_2204 : memref<1040xf32, #tpu.memory_space<vmem>>[vector<16xi32>], vector<16xf32>,
    } {sc.loop_unroll_factor = 1 : i64, sc.parallel_access}
    %get3A_507 = arith.constant 0 : index
    %get3A_508 = tpu.vector_load %arg11[%get3A_507] {strides = array<i32>} : memref<1040xf32, #tpu.memory_space<vmem>>, vector<16xf32>,
    %get3A_509 = arith.constant 65 : index
    %get3A_510 = tpu.vector_load %arg11[%get3A_509] {strides = array<i32>} : memref<1040xf32, #tpu.memory_space<vmem>>, vector<16xf32>,
    %add3A_511 = arith.addf %get3A_508, %get3A_510 : vector<16xf32>
    %get3A_512 = arith.constant 130 : index
    %get3A_513 = tpu.vector_load %arg11[%get3A_512] {strides = array<i32>} : memref<1040xf32, #tpu.memory_space<vmem>>, vector<16xf32>,
    %add3A_514 = arith.addf %add3A_511, %get3A_513 : vector<16xf32>
    %get3A_515 = arith.constant 195 : index
    %get3A_516 = tpu.vector_load %arg11[%get3A_515] {strides = array<i32>} : memref<1040xf32, #tpu.memory_space<vmem>>, vector<16xf32>,
    %add3A_517 = arith.addf %add3A_514, %get3A_516 : vector<16xf32>
    %get3A_518 = arith.constant 260 : index
    %get3A_519 = tpu.vector_load %arg11[%get3A_518] {strides = array<i32>} : memref<1040xf32, #tpu.memory_space<vmem>>, vector<16xf32>,
    %add3A_520 = arith.addf %add3A_517, %get3A_519 : vector<16xf32>
    %get3A_521 = arith.constant 325 : index
    %get3A_522 = tpu.vector_load %arg11[%get3A_521] {strides = array<i32>} : memref<1040xf32, #tpu.memory_space<vmem>>, vector<16xf32>,
    %add3A_523 = arith.addf %add3A_520, %get3A_522 : vector<16xf32>
    %get3A_524 = arith.constant 390 : index
    %get3A_525 = tpu.vector_load %arg11[%get3A_524] {strides = array<i32>} : memref<1040xf32, #tpu.memory_space<vmem>>, vector<16xf32>,
    %add3A_526 = arith.addf %add3A_523, %get3A_525 : vector<16xf32>
    %get3A_527 = arith.constant 455 : index
    %get3A_528 = tpu.vector_load %arg11[%get3A_527] {strides = array<i32>} : memref<1040xf32, #tpu.memory_space<vmem>>, vector<16xf32>,
    %add3A_529 = arith.addf %add3A_526, %get3A_528 : vector<16xf32>
    %get3A_530 = arith.constant 520 : index
    %get3A_531 = tpu.vector_load %arg11[%get3A_530] {strides = array<i32>} : memref<1040xf32, #tpu.memory_space<vmem>>, vector<16xf32>,
    %add3A_532 = arith.addf %add3A_529, %get3A_531 : vector<16xf32>
    %get3A_533 = arith.constant 585 : index
    %get3A_534 = tpu.vector_load %arg11[%get3A_533] {strides = array<i32>} : memref<1040xf32, #tpu.memory_space<vmem>>, vector<16xf32>,
    %add3A_535 = arith.addf %add3A_532, %get3A_534 : vector<16xf32>
    %get3A_536 = arith.constant 650 : index
    %get3A_537 = tpu.vector_load %arg11[%get3A_536] {strides = array<i32>} : memref<1040xf32, #tpu.memory_space<vmem>>, vector<16xf32>,
    %add3A_538 = arith.addf %add3A_535, %get3A_537 : vector<16xf32>
    %get3A_539 = arith.constant 715 : index
    %get3A_540 = tpu.vector_load %arg11[%get3A_539] {strides = array<i32>} : memref<1040xf32, #tpu.memory_space<vmem>>, vector<16xf32>,
    %add3A_541 = arith.addf %add3A_538, %get3A_540 : vector<16xf32>
    %get3A_542 = arith.constant 780 : index
    %get3A_543 = tpu.vector_load %arg11[%get3A_542] {strides = array<i32>} : memref<1040xf32, #tpu.memory_space<vmem>>, vector<16xf32>,
    %add3A_544 = arith.addf %add3A_541, %get3A_543 : vector<16xf32>
    %get3A_545 = arith.constant 845 : index
    %get3A_546 = tpu.vector_load %arg11[%get3A_545] {strides = array<i32>} : memref<1040xf32, #tpu.memory_space<vmem>>, vector<16xf32>,
    %add3A_547 = arith.addf %add3A_544, %get3A_546 : vector<16xf32>
    %get3A_548 = arith.constant 910 : index
    %get3A_549 = tpu.vector_load %arg11[%get3A_548] {strides = array<i32>} : memref<1040xf32, #tpu.memory_space<vmem>>, vector<16xf32>,
    %add3A_550 = arith.addf %add3A_547, %get3A_549 : vector<16xf32>
    %get3A_551 = arith.constant 975 : index
    %get3A_552 = tpu.vector_load %arg11[%get3A_551] {strides = array<i32>} : memref<1040xf32, #tpu.memory_space<vmem>>, vector<16xf32>,
    %add3A_553 = arith.addf %add3A_550, %get3A_552 : vector<16xf32>
    %swap3A_554 = arith.constant 64 : index
    %swap3A_555 = tpu.vector_load %arg12[%swap3A_554] {strides = array<i32>} : memref<512xf32, #tpu.memory_space<vmem>>, vector<16xf32>,
    tpu.vector_store %arg12[%swap3A_554], %add3A_553 {strides = array<i32>} : memref<512xf32, #tpu.memory_space<vmem>>, vector<16xf32>,
    %get3A_556 = arith.constant 16 : index
    %get3A_557 = tpu.vector_load %arg11[%get3A_556] {strides = array<i32>} : memref<1040xf32, #tpu.memory_space<vmem>>, vector<16xf32>,
    %get3A_558 = arith.constant 81 : index
    %get3A_559 = tpu.vector_load %arg11[%get3A_558] {strides = array<i32>} : memref<1040xf32, #tpu.memory_space<vmem>>, vector<16xf32>,
    %add3A_560 = arith.addf %get3A_557, %get3A_559 : vector<16xf32>
    %get3A_561 = arith.constant 146 : index
    %get3A_562 = tpu.vector_load %arg11[%get3A_561] {strides = array<i32>} : memref<1040xf32, #tpu.memory_space<vmem>>, vector<16xf32>,
    %add3A_563 = arith.addf %add3A_560, %get3A_562 : vector<16xf32>
    %get3A_564 = arith.constant 211 : index
    %get3A_565 = tpu.vector_load %arg11[%get3A_564] {strides = array<i32>} : memref<1040xf32, #tpu.memory_space<vmem>>, vector<16xf32>,
    %add3A_566 = arith.addf %add3A_563, %get3A_565 : vector<16xf32>
    %get3A_567 = arith.constant 276 : index
    %get3A_568 = tpu.vector_load %arg11[%get3A_567] {strides = array<i32>} : memref<1040xf32, #tpu.memory_space<vmem>>, vector<16xf32>,
    %add3A_569 = arith.addf %add3A_566, %get3A_568 : vector<16xf32>
    %get3A_570 = arith.constant 341 : index
    %get3A_571 = tpu.vector_load %arg11[%get3A_570] {strides = array<i32>} : memref<1040xf32, #tpu.memory_space<vmem>>, vector<16xf32>,
    %add3A_572 = arith.addf %add3A_569, %get3A_571 : vector<16xf32>
    %get3A_573 = arith.constant 406 : index
    %get3A_574 = tpu.vector_load %arg11[%get3A_573] {strides = array<i32>} : memref<1040xf32, #tpu.memory_space<vmem>>, vector<16xf32>,
    %add3A_575 = arith.addf %add3A_572, %get3A_574 : vector<16xf32>
    %get3A_576 = arith.constant 471 : index
    %get3A_577 = tpu.vector_load %arg11[%get3A_576] {strides = array<i32>} : memref<1040xf32, #tpu.memory_space<vmem>>, vector<16xf32>,
    %add3A_578 = arith.addf %add3A_575, %get3A_577 : vector<16xf32>
    %get3A_579 = arith.constant 536 : index
    %get3A_580 = tpu.vector_load %arg11[%get3A_579] {strides = array<i32>} : memref<1040xf32, #tpu.memory_space<vmem>>, vector<16xf32>,
    %add3A_581 = arith.addf %add3A_578, %get3A_580 : vector<16xf32>
    %get3A_582 = arith.constant 601 : index
    %get3A_583 = tpu.vector_load %arg11[%get3A_582] {strides = array<i32>} : memref<1040xf32, #tpu.memory_space<vmem>>, vector<16xf32>,
    %add3A_584 = arith.addf %add3A_581, %get3A_583 : vector<16xf32>
    %get3A_585 = arith.constant 666 : index
    %get3A_586 = tpu.vector_load %arg11[%get3A_585] {strides = array<i32>} : memref<1040xf32, #tpu.memory_space<vmem>>, vector<16xf32>,
    %add3A_587 = arith.addf %add3A_584, %get3A_586 : vector<16xf32>
    %get3A_588 = arith.constant 731 : index
    %get3A_589 = tpu.vector_load %arg11[%get3A_588] {strides = array<i32>} : memref<1040xf32, #tpu.memory_space<vmem>>, vector<16xf32>,
    %add3A_590 = arith.addf %add3A_587, %get3A_589 : vector<16xf32>
    %get3A_591 = arith.constant 796 : index
    %get3A_592 = tpu.vector_load %arg11[%get3A_591] {strides = array<i32>} : memref<1040xf32, #tpu.memory_space<vmem>>, vector<16xf32>,
    %add3A_593 = arith.addf %add3A_590, %get3A_592 : vector<16xf32>
    %get3A_594 = arith.constant 861 : index
    %get3A_595 = tpu.vector_load %arg11[%get3A_594] {strides = array<i32>} : memref<1040xf32, #tpu.memory_space<vmem>>, vector<16xf32>,
    %add3A_596 = arith.addf %add3A_593, %get3A_595 : vector<16xf32>
    %get3A_597 = arith.constant 926 : index
    %get3A_598 = tpu.vector_load %arg11[%get3A_597] {strides = array<i32>} : memref<1040xf32, #tpu.memory_space<vmem>>, vector<16xf32>,
    %add3A_599 = arith.addf %add3A_596, %get3A_598 : vector<16xf32>
    %get3A_600 = arith.constant 991 : index
    %get3A_601 = tpu.vector_load %arg11[%get3A_600] {strides = array<i32>} : memref<1040xf32, #tpu.memory_space<vmem>>, vector<16xf32>,
    %add3A_602 = arith.addf %add3A_599, %get3A_601 : vector<16xf32>
    %swap3A_603 = arith.constant 80 : index
    %swap3A_604 = tpu.vector_load %arg12[%swap3A_603] {strides = array<i32>} : memref<512xf32, #tpu.memory_space<vmem>>, vector<16xf32>,
    tpu.vector_store %arg12[%swap3A_603], %add3A_602 {strides = array<i32>} : memref<512xf32, #tpu.memory_space<vmem>>, vector<16xf32>,
    %get3A_605 = arith.constant 32 : index
    %get3A_606 = tpu.vector_load %arg11[%get3A_605] {strides = array<i32>} : memref<1040xf32, #tpu.memory_space<vmem>>, vector<16xf32>,
    %get3A_607 = arith.constant 97 : index
    %get3A_608 = tpu.vector_load %arg11[%get3A_607] {strides = array<i32>} : memref<1040xf32, #tpu.memory_space<vmem>>, vector<16xf32>,
    %add3A_609 = arith.addf %get3A_606, %get3A_608 : vector<16xf32>
    %get3A_610 = arith.constant 162 : index
    %get3A_611 = tpu.vector_load %arg11[%get3A_610] {strides = array<i32>} : memref<1040xf32, #tpu.memory_space<vmem>>, vector<16xf32>,
    %add3A_612 = arith.addf %add3A_609, %get3A_611 : vector<16xf32>
    %get3A_613 = arith.constant 227 : index
    %get3A_614 = tpu.vector_load %arg11[%get3A_613] {strides = array<i32>} : memref<1040xf32, #tpu.memory_space<vmem>>, vector<16xf32>,
    %add3A_615 = arith.addf %add3A_612, %get3A_614 : vector<16xf32>
    %get3A_616 = arith.constant 292 : index
    %get3A_617 = tpu.vector_load %arg11[%get3A_616] {strides = array<i32>} : memref<1040xf32, #tpu.memory_space<vmem>>, vector<16xf32>,
    %add3A_618 = arith.addf %add3A_615, %get3A_617 : vector<16xf32>
    %get3A_619 = arith.constant 357 : index
    %get3A_620 = tpu.vector_load %arg11[%get3A_619] {strides = array<i32>} : memref<1040xf32, #tpu.memory_space<vmem>>, vector<16xf32>,
    %add3A_621 = arith.addf %add3A_618, %get3A_620 : vector<16xf32>
    %get3A_622 = arith.constant 422 : index
    %get3A_623 = tpu.vector_load %arg11[%get3A_622] {strides = array<i32>} : memref<1040xf32, #tpu.memory_space<vmem>>, vector<16xf32>,
    %add3A_624 = arith.addf %add3A_621, %get3A_623 : vector<16xf32>
    %get3A_625 = arith.constant 487 : index
    %get3A_626 = tpu.vector_load %arg11[%get3A_625] {strides = array<i32>} : memref<1040xf32, #tpu.memory_space<vmem>>, vector<16xf32>,
    %add3A_627 = arith.addf %add3A_624, %get3A_626 : vector<16xf32>
    %get3A_628 = arith.constant 552 : index
    %get3A_629 = tpu.vector_load %arg11[%get3A_628] {strides = array<i32>} : memref<1040xf32, #tpu.memory_space<vmem>>, vector<16xf32>,
    %add3A_630 = arith.addf %add3A_627, %get3A_629 : vector<16xf32>
    %get3A_631 = arith.constant 617 : index
    %get3A_632 = tpu.vector_load %arg11[%get3A_631] {strides = array<i32>} : memref<1040xf32, #tpu.memory_space<vmem>>, vector<16xf32>,
    %add3A_633 = arith.addf %add3A_630, %get3A_632 : vector<16xf32>
    %get3A_634 = arith.constant 682 : index
    %get3A_635 = tpu.vector_load %arg11[%get3A_634] {strides = array<i32>} : memref<1040xf32, #tpu.memory_space<vmem>>, vector<16xf32>,
    %add3A_636 = arith.addf %add3A_633, %get3A_635 : vector<16xf32>
    %get3A_637 = arith.constant 747 : index
    %get3A_638 = tpu.vector_load %arg11[%get3A_637] {strides = array<i32>} : memref<1040xf32, #tpu.memory_space<vmem>>, vector<16xf32>,
    %add3A_639 = arith.addf %add3A_636, %get3A_638 : vector<16xf32>
    %get3A_640 = arith.constant 812 : index
    %get3A_641 = tpu.vector_load %arg11[%get3A_640] {strides = array<i32>} : memref<1040xf32, #tpu.memory_space<vmem>>, vector<16xf32>,
    %add3A_642 = arith.addf %add3A_639, %get3A_641 : vector<16xf32>
    %get3A_643 = arith.constant 877 : index
    %get3A_644 = tpu.vector_load %arg11[%get3A_643] {strides = array<i32>} : memref<1040xf32, #tpu.memory_space<vmem>>, vector<16xf32>,
    %add3A_645 = arith.addf %add3A_642, %get3A_644 : vector<16xf32>
    %get3A_646 = arith.constant 942 : index
    %get3A_647 = tpu.vector_load %arg11[%get3A_646] {strides = array<i32>} : memref<1040xf32, #tpu.memory_space<vmem>>, vector<16xf32>,
    %add3A_648 = arith.addf %add3A_645, %get3A_647 : vector<16xf32>
    %get3A_649 = arith.constant 1007 : index
    %get3A_650 = tpu.vector_load %arg11[%get3A_649] {strides = array<i32>} : memref<1040xf32, #tpu.memory_space<vmem>>, vector<16xf32>,
    %add3A_651 = arith.addf %add3A_648, %get3A_650 : vector<16xf32>
    %swap3A_652 = arith.constant 96 : index
    %swap3A_653 = tpu.vector_load %arg12[%swap3A_652] {strides = array<i32>} : memref<512xf32, #tpu.memory_space<vmem>>, vector<16xf32>,
    tpu.vector_store %arg12[%swap3A_652], %add3A_651 {strides = array<i32>} : memref<512xf32, #tpu.memory_space<vmem>>, vector<16xf32>,
    %get3A_654 = arith.constant 48 : index
    %get3A_655 = tpu.vector_load %arg11[%get3A_654] {strides = array<i32>} : memref<1040xf32, #tpu.memory_space<vmem>>, vector<16xf32>,
    %get3A_656 = arith.constant 113 : index
    %get3A_657 = tpu.vector_load %arg11[%get3A_656] {strides = array<i32>} : memref<1040xf32, #tpu.memory_space<vmem>>, vector<16xf32>,
    %add3A_658 = arith.addf %get3A_655, %get3A_657 : vector<16xf32>
    %get3A_659 = arith.constant 178 : index
    %get3A_660 = tpu.vector_load %arg11[%get3A_659] {strides = array<i32>} : memref<1040xf32, #tpu.memory_space<vmem>>, vector<16xf32>,
    %add3A_661 = arith.addf %add3A_658, %get3A_660 : vector<16xf32>
    %get3A_662 = arith.constant 243 : index
    %get3A_663 = tpu.vector_load %arg11[%get3A_662] {strides = array<i32>} : memref<1040xf32, #tpu.memory_space<vmem>>, vector<16xf32>,
    %add3A_664 = arith.addf %add3A_661, %get3A_663 : vector<16xf32>
    %get3A_665 = arith.constant 308 : index
    %get3A_666 = tpu.vector_load %arg11[%get3A_665] {strides = array<i32>} : memref<1040xf32, #tpu.memory_space<vmem>>, vector<16xf32>,
    %add3A_667 = arith.addf %add3A_664, %get3A_666 : vector<16xf32>
    %get3A_668 = arith.constant 373 : index
    %get3A_669 = tpu.vector_load %arg11[%get3A_668] {strides = array<i32>} : memref<1040xf32, #tpu.memory_space<vmem>>, vector<16xf32>,
    %add3A_670 = arith.addf %add3A_667, %get3A_669 : vector<16xf32>
    %get3A_671 = arith.constant 438 : index
    %get3A_672 = tpu.vector_load %arg11[%get3A_671] {strides = array<i32>} : memref<1040xf32, #tpu.memory_space<vmem>>, vector<16xf32>,
    %add3A_673 = arith.addf %add3A_670, %get3A_672 : vector<16xf32>
    %get3A_674 = arith.constant 503 : index
    %get3A_675 = tpu.vector_load %arg11[%get3A_674] {strides = array<i32>} : memref<1040xf32, #tpu.memory_space<vmem>>, vector<16xf32>,
    %add3A_676 = arith.addf %add3A_673, %get3A_675 : vector<16xf32>
    %get3A_677 = arith.constant 568 : index
    %get3A_678 = tpu.vector_load %arg11[%get3A_677] {strides = array<i32>} : memref<1040xf32, #tpu.memory_space<vmem>>, vector<16xf32>,
    %add3A_679 = arith.addf %add3A_676, %get3A_678 : vector<16xf32>
    %get3A_680 = arith.constant 633 : index
    %get3A_681 = tpu.vector_load %arg11[%get3A_680] {strides = array<i32>} : memref<1040xf32, #tpu.memory_space<vmem>>, vector<16xf32>,
    %add3A_682 = arith.addf %add3A_679, %get3A_681 : vector<16xf32>
    %get3A_683 = arith.constant 698 : index
    %get3A_684 = tpu.vector_load %arg11[%get3A_683] {strides = array<i32>} : memref<1040xf32, #tpu.memory_space<vmem>>, vector<16xf32>,
    %add3A_685 = arith.addf %add3A_682, %get3A_684 : vector<16xf32>
    %get3A_686 = arith.constant 763 : index
    %get3A_687 = tpu.vector_load %arg11[%get3A_686] {strides = array<i32>} : memref<1040xf32, #tpu.memory_space<vmem>>, vector<16xf32>,
    %add3A_688 = arith.addf %add3A_685, %get3A_687 : vector<16xf32>
    %get3A_689 = arith.constant 828 : index
    %get3A_690 = tpu.vector_load %arg11[%get3A_689] {strides = array<i32>} : memref<1040xf32, #tpu.memory_space<vmem>>, vector<16xf32>,
    %add3A_691 = arith.addf %add3A_688, %get3A_690 : vector<16xf32>
    %get3A_692 = arith.constant 893 : index
    %get3A_693 = tpu.vector_load %arg11[%get3A_692] {strides = array<i32>} : memref<1040xf32, #tpu.memory_space<vmem>>, vector<16xf32>,
    %add3A_694 = arith.addf %add3A_691, %get3A_693 : vector<16xf32>
    %get3A_695 = arith.constant 958 : index
    %get3A_696 = tpu.vector_load %arg11[%get3A_695] {strides = array<i32>} : memref<1040xf32, #tpu.memory_space<vmem>>, vector<16xf32>,
    %add3A_697 = arith.addf %add3A_694, %get3A_696 : vector<16xf32>
    %get3A_698 = arith.constant 1023 : index
    %get3A_699 = tpu.vector_load %arg11[%get3A_698] {strides = array<i32>} : memref<1040xf32, #tpu.memory_space<vmem>>, vector<16xf32>,
    %add3A_700 = arith.addf %add3A_697, %get3A_699 : vector<16xf32>
    %swap3A_701 = arith.constant 112 : index
    %swap3A_702 = tpu.vector_load %arg12[%swap3A_701] {strides = array<i32>} : memref<512xf32, #tpu.memory_space<vmem>>, vector<16xf32>,
    tpu.vector_store %arg12[%swap3A_701], %add3A_700 {strides = array<i32>} : memref<512xf32, #tpu.memory_space<vmem>>, vector<16xf32>,
    %dma_wait3A_703 = arith.constant 2 : i32
    %dma_wait3A_704 = arith.constant 2 : i32
    %dma_wait3A_705 = arith.constant 0 : i32
    %dma_wait3A_706 = arith.constant 0 : i32
    %dma_wait3A_707 = arith.constant 0 : i32
    %dma_wait3A_708 = tpu.memref_slice %arg9[%dma_wait3A_703, %dma_wait3A_706, %dma_wait3A_707] : memref<7x64x128xf32, #tpu.memory_space<vmem>> -> memref<1x64x128xf32, #tpu.memory_space<vmem>>
    %dma_wait3A_709 = tpu.memref_squeeze %dma_wait3A_708 : memref<1x64x128xf32, #tpu.memory_space<vmem>> -> memref<64x128xf32, #tpu.memory_space<vmem>>
    %dma_wait3A_710 = arith.constant 128 : i32
    %dma_wait3A_711 = tpu.memref_slice %arg7[%dma_wait3A_710] : memref<512xi32, #tpu.memory_space<vmem>> -> memref<64xi32, #tpu.memory_space<vmem>>
    %dma_wait3A_712 = arith.constant 0 : i32
    %dma_wait3A_713 = arith.constant 0 : i32
    %dma_wait3A_714 = tpu.memref_slice %arg4[%dma_wait3A_712, %dma_wait3A_713] : memref<100000x128xf32, #tpu.memory_space<hbm>> -> memref<100000x128xf32, #tpu.memory_space<hbm>>
    %dma_wait3A_715 = tpu.memref_slice %arg13[%dma_wait3A_704, %dma_wait3A_705] : memref<7x2x!tpu.dma_semaphore, #tpu.memory_space<semaphore_mem>> -> memref<1x1x!tpu.dma_semaphore, #tpu.memory_space<semaphore_mem>>
    %dma_wait3A_716 = tpu.memref_squeeze %dma_wait3A_715 : memref<1x1x!tpu.dma_semaphore, #tpu.memory_space<semaphore_mem>> -> memref<!tpu.dma_semaphore, #tpu.memory_space<semaphore_mem>>
    tpu.wait_indirect_dma semaphore(%dma_wait3A_716 : memref<!tpu.dma_semaphore, #tpu.memory_space<semaphore_mem>>) src(%dma_wait3A_714 : memref<100000x128xf32, #tpu.memory_space<hbm>>) dst(%dma_wait3A_709 : memref<64x128xf32, #tpu.memory_space<vmem>>)
    %dma_wait3A_717 = arith.constant 2 : i32
    %dma_wait3A_718 = arith.constant 2 : i32
    %dma_wait3A_719 = arith.constant 1 : i32
    %dma_wait3A_720 = arith.constant 0 : i32
    %dma_wait3A_721 = arith.constant 0 : i32
    %dma_wait3A_722 = tpu.memref_slice %arg10[%dma_wait3A_717, %dma_wait3A_720, %dma_wait3A_721] : memref<7x64x128xf32, #tpu.memory_space<vmem>> -> memref<1x64x128xf32, #tpu.memory_space<vmem>>
    %dma_wait3A_723 = tpu.memref_squeeze %dma_wait3A_722 : memref<1x64x128xf32, #tpu.memory_space<vmem>> -> memref<64x128xf32, #tpu.memory_space<vmem>>
    %dma_wait3A_724 = arith.constant 128 : i32
    %dma_wait3A_725 = tpu.memref_slice %arg8[%dma_wait3A_724] : memref<512xi32, #tpu.memory_space<vmem>> -> memref<64xi32, #tpu.memory_space<vmem>>
    %dma_wait3A_726 = arith.constant 0 : i32
    %dma_wait3A_727 = arith.constant 0 : i32
    %dma_wait3A_728 = tpu.memref_slice %arg5[%dma_wait3A_726, %dma_wait3A_727] : memref<1000000x128xf32, #tpu.memory_space<hbm>> -> memref<1000000x128xf32, #tpu.memory_space<hbm>>
    %dma_wait3A_729 = tpu.memref_slice %arg13[%dma_wait3A_718, %dma_wait3A_719] : memref<7x2x!tpu.dma_semaphore, #tpu.memory_space<semaphore_mem>> -> memref<1x1x!tpu.dma_semaphore, #tpu.memory_space<semaphore_mem>>
    %dma_wait3A_730 = tpu.memref_squeeze %dma_wait3A_729 : memref<1x1x!tpu.dma_semaphore, #tpu.memory_space<semaphore_mem>> -> memref<!tpu.dma_semaphore, #tpu.memory_space<semaphore_mem>>
    tpu.wait_indirect_dma semaphore(%dma_wait3A_730 : memref<!tpu.dma_semaphore, #tpu.memory_space<semaphore_mem>>) src(%dma_wait3A_728 : memref<1000000x128xf32, #tpu.memory_space<hbm>>) dst(%dma_wait3A_723 : memref<64x128xf32, #tpu.memory_space<vmem>>)
    %parallel_loop3A_731 = arith.constant 0 : i32
    %parallel_loop3A_732 = arith.constant 64 : i32
    %parallel_loop3A_733 = arith.constant 1 : i32
    %parallel_loop3A_734 = arith.constant 2 : i32
    %parallel_loop3A_735 = arith.constant 2 : i32
    scf.for %parallel_loop3A_2077 = %parallel_loop3A_731 to %parallel_loop3A_732 step %parallel_loop3A_733  : i32 {
      %parallel_loop3A_2078 = arith.constant 0 : i32
      %parallel_loop3A_2079 = arith.constant 0 : i32
      %parallel_loop3A_2080 = tpu.memref_slice %arg9[%parallel_loop3A_734, %parallel_loop3A_2078, %parallel_loop3A_2079] : memref<7x64x128xf32, #tpu.memory_space<vmem>> -> memref<1x64x128xf32, #tpu.memory_space<vmem>>
      %parallel_loop3A_2081 = tpu.memref_squeeze %parallel_loop3A_2080 : memref<1x64x128xf32, #tpu.memory_space<vmem>> -> memref<64x128xf32, #tpu.memory_space<vmem>>
      %parallel_loop3A_2082 = arith.index_cast %parallel_loop3A_2077 : i32 to index
      %parallel_loop3A_2083 = arith.constant 0 : index
      %parallel_loop3A_2084 = tpu.vector_load %parallel_loop3A_2081[%parallel_loop3A_2082, %parallel_loop3A_2083] {strides = array<i32>} : memref<64x128xf32, #tpu.memory_space<vmem>>, vector<16xf32>,
      %parallel_loop3A_2085 = arith.constant 0 : i32
      %parallel_loop3A_2086 = arith.constant 0 : i32
      %parallel_loop3A_2087 = tpu.memref_slice %arg10[%parallel_loop3A_735, %parallel_loop3A_2085, %parallel_loop3A_2086] : memref<7x64x128xf32, #tpu.memory_space<vmem>> -> memref<1x64x128xf32, #tpu.memory_space<vmem>>
      %parallel_loop3A_2088 = tpu.memref_squeeze %parallel_loop3A_2087 : memref<1x64x128xf32, #tpu.memory_space<vmem>> -> memref<64x128xf32, #tpu.memory_space<vmem>>
      %parallel_loop3A_2089 = arith.index_cast %parallel_loop3A_2077 : i32 to index
      %parallel_loop3A_2090 = arith.constant 0 : index
      %parallel_loop3A_2091 = tpu.vector_load %parallel_loop3A_2088[%parallel_loop3A_2089, %parallel_loop3A_2090] {strides = array<i32>} : memref<64x128xf32, #tpu.memory_space<vmem>>, vector<16xf32>,
      %parallel_loop3A_2092 = arith.mulf %parallel_loop3A_2084, %parallel_loop3A_2091 : vector<16xf32>
      %parallel_loop3A_2093 = arith.constant 0 : i32
      %parallel_loop3A_2094 = arith.constant 0 : i32
      %parallel_loop3A_2095 = tpu.memref_slice %arg9[%parallel_loop3A_734, %parallel_loop3A_2093, %parallel_loop3A_2094] : memref<7x64x128xf32, #tpu.memory_space<vmem>> -> memref<1x64x128xf32, #tpu.memory_space<vmem>>
      %parallel_loop3A_2096 = tpu.memref_squeeze %parallel_loop3A_2095 : memref<1x64x128xf32, #tpu.memory_space<vmem>> -> memref<64x128xf32, #tpu.memory_space<vmem>>
      %parallel_loop3A_2097 = arith.index_cast %parallel_loop3A_2077 : i32 to index
      %parallel_loop3A_2098 = arith.constant 16 : index
      %parallel_loop3A_2099 = tpu.vector_load %parallel_loop3A_2096[%parallel_loop3A_2097, %parallel_loop3A_2098] {strides = array<i32>} : memref<64x128xf32, #tpu.memory_space<vmem>>, vector<16xf32>,
      %parallel_loop3A_2100 = arith.constant 0 : i32
      %parallel_loop3A_2101 = arith.constant 0 : i32
      %parallel_loop3A_2102 = tpu.memref_slice %arg10[%parallel_loop3A_735, %parallel_loop3A_2100, %parallel_loop3A_2101] : memref<7x64x128xf32, #tpu.memory_space<vmem>> -> memref<1x64x128xf32, #tpu.memory_space<vmem>>
      %parallel_loop3A_2103 = tpu.memref_squeeze %parallel_loop3A_2102 : memref<1x64x128xf32, #tpu.memory_space<vmem>> -> memref<64x128xf32, #tpu.memory_space<vmem>>
      %parallel_loop3A_2104 = arith.index_cast %parallel_loop3A_2077 : i32 to index
      %parallel_loop3A_2105 = arith.constant 16 : index
      %parallel_loop3A_2106 = tpu.vector_load %parallel_loop3A_2103[%parallel_loop3A_2104, %parallel_loop3A_2105] {strides = array<i32>} : memref<64x128xf32, #tpu.memory_space<vmem>>, vector<16xf32>,
      %parallel_loop3A_2107 = arith.mulf %parallel_loop3A_2099, %parallel_loop3A_2106 : vector<16xf32>
      %parallel_loop3A_2108 = arith.constant 0 : i32
      %parallel_loop3A_2109 = arith.constant 0 : i32
      %parallel_loop3A_2110 = tpu.memref_slice %arg9[%parallel_loop3A_734, %parallel_loop3A_2108, %parallel_loop3A_2109] : memref<7x64x128xf32, #tpu.memory_space<vmem>> -> memref<1x64x128xf32, #tpu.memory_space<vmem>>
      %parallel_loop3A_2111 = tpu.memref_squeeze %parallel_loop3A_2110 : memref<1x64x128xf32, #tpu.memory_space<vmem>> -> memref<64x128xf32, #tpu.memory_space<vmem>>
      %parallel_loop3A_2112 = arith.index_cast %parallel_loop3A_2077 : i32 to index
      %parallel_loop3A_2113 = arith.constant 32 : index
      %parallel_loop3A_2114 = tpu.vector_load %parallel_loop3A_2111[%parallel_loop3A_2112, %parallel_loop3A_2113] {strides = array<i32>} : memref<64x128xf32, #tpu.memory_space<vmem>>, vector<16xf32>,
      %parallel_loop3A_2115 = arith.constant 0 : i32
      %parallel_loop3A_2116 = arith.constant 0 : i32
      %parallel_loop3A_2117 = tpu.memref_slice %arg10[%parallel_loop3A_735, %parallel_loop3A_2115, %parallel_loop3A_2116] : memref<7x64x128xf32, #tpu.memory_space<vmem>> -> memref<1x64x128xf32, #tpu.memory_space<vmem>>
      %parallel_loop3A_2118 = tpu.memref_squeeze %parallel_loop3A_2117 : memref<1x64x128xf32, #tpu.memory_space<vmem>> -> memref<64x128xf32, #tpu.memory_space<vmem>>
      %parallel_loop3A_2119 = arith.index_cast %parallel_loop3A_2077 : i32 to index
      %parallel_loop3A_2120 = arith.constant 32 : index
      %parallel_loop3A_2121 = tpu.vector_load %parallel_loop3A_2118[%parallel_loop3A_2119, %parallel_loop3A_2120] {strides = array<i32>} : memref<64x128xf32, #tpu.memory_space<vmem>>, vector<16xf32>,
      %parallel_loop3A_2122 = arith.mulf %parallel_loop3A_2114, %parallel_loop3A_2121 : vector<16xf32>
      %parallel_loop3A_2123 = arith.constant 0 : i32
      %parallel_loop3A_2124 = arith.constant 0 : i32
      %parallel_loop3A_2125 = tpu.memref_slice %arg9[%parallel_loop3A_734, %parallel_loop3A_2123, %parallel_loop3A_2124] : memref<7x64x128xf32, #tpu.memory_space<vmem>> -> memref<1x64x128xf32, #tpu.memory_space<vmem>>
      %parallel_loop3A_2126 = tpu.memref_squeeze %parallel_loop3A_2125 : memref<1x64x128xf32, #tpu.memory_space<vmem>> -> memref<64x128xf32, #tpu.memory_space<vmem>>
      %parallel_loop3A_2127 = arith.index_cast %parallel_loop3A_2077 : i32 to index
      %parallel_loop3A_2128 = arith.constant 48 : index
      %parallel_loop3A_2129 = tpu.vector_load %parallel_loop3A_2126[%parallel_loop3A_2127, %parallel_loop3A_2128] {strides = array<i32>} : memref<64x128xf32, #tpu.memory_space<vmem>>, vector<16xf32>,
      %parallel_loop3A_2130 = arith.constant 0 : i32
      %parallel_loop3A_2131 = arith.constant 0 : i32
      %parallel_loop3A_2132 = tpu.memref_slice %arg10[%parallel_loop3A_735, %parallel_loop3A_2130, %parallel_loop3A_2131] : memref<7x64x128xf32, #tpu.memory_space<vmem>> -> memref<1x64x128xf32, #tpu.memory_space<vmem>>
      %parallel_loop3A_2133 = tpu.memref_squeeze %parallel_loop3A_2132 : memref<1x64x128xf32, #tpu.memory_space<vmem>> -> memref<64x128xf32, #tpu.memory_space<vmem>>
      %parallel_loop3A_2134 = arith.index_cast %parallel_loop3A_2077 : i32 to index
      %parallel_loop3A_2135 = arith.constant 48 : index
      %parallel_loop3A_2136 = tpu.vector_load %parallel_loop3A_2133[%parallel_loop3A_2134, %parallel_loop3A_2135] {strides = array<i32>} : memref<64x128xf32, #tpu.memory_space<vmem>>, vector<16xf32>,
      %parallel_loop3A_2137 = arith.mulf %parallel_loop3A_2129, %parallel_loop3A_2136 : vector<16xf32>
      %parallel_loop3A_2138 = arith.constant 0 : i32
      %parallel_loop3A_2139 = arith.constant 0 : i32
      %parallel_loop3A_2140 = tpu.memref_slice %arg9[%parallel_loop3A_734, %parallel_loop3A_2138, %parallel_loop3A_2139] : memref<7x64x128xf32, #tpu.memory_space<vmem>> -> memref<1x64x128xf32, #tpu.memory_space<vmem>>
      %parallel_loop3A_2141 = tpu.memref_squeeze %parallel_loop3A_2140 : memref<1x64x128xf32, #tpu.memory_space<vmem>> -> memref<64x128xf32, #tpu.memory_space<vmem>>
      %parallel_loop3A_2142 = arith.index_cast %parallel_loop3A_2077 : i32 to index
      %parallel_loop3A_2143 = arith.constant 64 : index
      %parallel_loop3A_2144 = tpu.vector_load %parallel_loop3A_2141[%parallel_loop3A_2142, %parallel_loop3A_2143] {strides = array<i32>} : memref<64x128xf32, #tpu.memory_space<vmem>>, vector<16xf32>,
      %parallel_loop3A_2145 = arith.constant 0 : i32
      %parallel_loop3A_2146 = arith.constant 0 : i32
      %parallel_loop3A_2147 = tpu.memref_slice %arg10[%parallel_loop3A_735, %parallel_loop3A_2145, %parallel_loop3A_2146] : memref<7x64x128xf32, #tpu.memory_space<vmem>> -> memref<1x64x128xf32, #tpu.memory_space<vmem>>
      %parallel_loop3A_2148 = tpu.memref_squeeze %parallel_loop3A_2147 : memref<1x64x128xf32, #tpu.memory_space<vmem>> -> memref<64x128xf32, #tpu.memory_space<vmem>>
      %parallel_loop3A_2149 = arith.index_cast %parallel_loop3A_2077 : i32 to index
      %parallel_loop3A_2150 = arith.constant 64 : index
      %parallel_loop3A_2151 = tpu.vector_load %parallel_loop3A_2148[%parallel_loop3A_2149, %parallel_loop3A_2150] {strides = array<i32>} : memref<64x128xf32, #tpu.memory_space<vmem>>, vector<16xf32>,
      %parallel_loop3A_2152 = arith.mulf %parallel_loop3A_2144, %parallel_loop3A_2151 : vector<16xf32>
      %parallel_loop3A_2153 = arith.constant 0 : i32
      %parallel_loop3A_2154 = arith.constant 0 : i32
      %parallel_loop3A_2155 = tpu.memref_slice %arg9[%parallel_loop3A_734, %parallel_loop3A_2153, %parallel_loop3A_2154] : memref<7x64x128xf32, #tpu.memory_space<vmem>> -> memref<1x64x128xf32, #tpu.memory_space<vmem>>
      %parallel_loop3A_2156 = tpu.memref_squeeze %parallel_loop3A_2155 : memref<1x64x128xf32, #tpu.memory_space<vmem>> -> memref<64x128xf32, #tpu.memory_space<vmem>>
      %parallel_loop3A_2157 = arith.index_cast %parallel_loop3A_2077 : i32 to index
      %parallel_loop3A_2158 = arith.constant 80 : index
      %parallel_loop3A_2159 = tpu.vector_load %parallel_loop3A_2156[%parallel_loop3A_2157, %parallel_loop3A_2158] {strides = array<i32>} : memref<64x128xf32, #tpu.memory_space<vmem>>, vector<16xf32>,
      %parallel_loop3A_2160 = arith.constant 0 : i32
      %parallel_loop3A_2161 = arith.constant 0 : i32
      %parallel_loop3A_2162 = tpu.memref_slice %arg10[%parallel_loop3A_735, %parallel_loop3A_2160, %parallel_loop3A_2161] : memref<7x64x128xf32, #tpu.memory_space<vmem>> -> memref<1x64x128xf32, #tpu.memory_space<vmem>>
      %parallel_loop3A_2163 = tpu.memref_squeeze %parallel_loop3A_2162 : memref<1x64x128xf32, #tpu.memory_space<vmem>> -> memref<64x128xf32, #tpu.memory_space<vmem>>
      %parallel_loop3A_2164 = arith.index_cast %parallel_loop3A_2077 : i32 to index
      %parallel_loop3A_2165 = arith.constant 80 : index
      %parallel_loop3A_2166 = tpu.vector_load %parallel_loop3A_2163[%parallel_loop3A_2164, %parallel_loop3A_2165] {strides = array<i32>} : memref<64x128xf32, #tpu.memory_space<vmem>>, vector<16xf32>,
      %parallel_loop3A_2167 = arith.mulf %parallel_loop3A_2159, %parallel_loop3A_2166 : vector<16xf32>
      %parallel_loop3A_2168 = arith.constant 0 : i32
      %parallel_loop3A_2169 = arith.constant 0 : i32
      %parallel_loop3A_2170 = tpu.memref_slice %arg9[%parallel_loop3A_734, %parallel_loop3A_2168, %parallel_loop3A_2169] : memref<7x64x128xf32, #tpu.memory_space<vmem>> -> memref<1x64x128xf32, #tpu.memory_space<vmem>>
      %parallel_loop3A_2171 = tpu.memref_squeeze %parallel_loop3A_2170 : memref<1x64x128xf32, #tpu.memory_space<vmem>> -> memref<64x128xf32, #tpu.memory_space<vmem>>
      %parallel_loop3A_2172 = arith.index_cast %parallel_loop3A_2077 : i32 to index
      %parallel_loop3A_2173 = arith.constant 96 : index
      %parallel_loop3A_2174 = tpu.vector_load %parallel_loop3A_2171[%parallel_loop3A_2172, %parallel_loop3A_2173] {strides = array<i32>} : memref<64x128xf32, #tpu.memory_space<vmem>>, vector<16xf32>,
      %parallel_loop3A_2175 = arith.constant 0 : i32
      %parallel_loop3A_2176 = arith.constant 0 : i32
      %parallel_loop3A_2177 = tpu.memref_slice %arg10[%parallel_loop3A_735, %parallel_loop3A_2175, %parallel_loop3A_2176] : memref<7x64x128xf32, #tpu.memory_space<vmem>> -> memref<1x64x128xf32, #tpu.memory_space<vmem>>
      %parallel_loop3A_2178 = tpu.memref_squeeze %parallel_loop3A_2177 : memref<1x64x128xf32, #tpu.memory_space<vmem>> -> memref<64x128xf32, #tpu.memory_space<vmem>>
      %parallel_loop3A_2179 = arith.index_cast %parallel_loop3A_2077 : i32 to index
      %parallel_loop3A_2180 = arith.constant 96 : index
      %parallel_loop3A_2181 = tpu.vector_load %parallel_loop3A_2178[%parallel_loop3A_2179, %parallel_loop3A_2180] {strides = array<i32>} : memref<64x128xf32, #tpu.memory_space<vmem>>, vector<16xf32>,
      %parallel_loop3A_2182 = arith.mulf %parallel_loop3A_2174, %parallel_loop3A_2181 : vector<16xf32>
      %parallel_loop3A_2183 = arith.constant 0 : i32
      %parallel_loop3A_2184 = arith.constant 0 : i32
      %parallel_loop3A_2185 = tpu.memref_slice %arg9[%parallel_loop3A_734, %parallel_loop3A_2183, %parallel_loop3A_2184] : memref<7x64x128xf32, #tpu.memory_space<vmem>> -> memref<1x64x128xf32, #tpu.memory_space<vmem>>
      %parallel_loop3A_2186 = tpu.memref_squeeze %parallel_loop3A_2185 : memref<1x64x128xf32, #tpu.memory_space<vmem>> -> memref<64x128xf32, #tpu.memory_space<vmem>>
      %parallel_loop3A_2187 = arith.index_cast %parallel_loop3A_2077 : i32 to index
      %parallel_loop3A_2188 = arith.constant 112 : index
      %parallel_loop3A_2189 = tpu.vector_load %parallel_loop3A_2186[%parallel_loop3A_2187, %parallel_loop3A_2188] {strides = array<i32>} : memref<64x128xf32, #tpu.memory_space<vmem>>, vector<16xf32>,
      %parallel_loop3A_2190 = arith.constant 0 : i32
      %parallel_loop3A_2191 = arith.constant 0 : i32
      %parallel_loop3A_2192 = tpu.memref_slice %arg10[%parallel_loop3A_735, %parallel_loop3A_2190, %parallel_loop3A_2191] : memref<7x64x128xf32, #tpu.memory_space<vmem>> -> memref<1x64x128xf32, #tpu.memory_space<vmem>>
      %parallel_loop3A_2193 = tpu.memref_squeeze %parallel_loop3A_2192 : memref<1x64x128xf32, #tpu.memory_space<vmem>> -> memref<64x128xf32, #tpu.memory_space<vmem>>
      %parallel_loop3A_2194 = arith.index_cast %parallel_loop3A_2077 : i32 to index
      %parallel_loop3A_2195 = arith.constant 112 : index
      %parallel_loop3A_2196 = tpu.vector_load %parallel_loop3A_2193[%parallel_loop3A_2194, %parallel_loop3A_2195] {strides = array<i32>} : memref<64x128xf32, #tpu.memory_space<vmem>>, vector<16xf32>,
      %parallel_loop3A_2197 = arith.mulf %parallel_loop3A_2189, %parallel_loop3A_2196 : vector<16xf32>
      %parallel_loop3A_2198 = arith.addf %parallel_loop3A_2092, %parallel_loop3A_2107 : vector<16xf32>
      %parallel_loop3A_2199 = arith.addf %parallel_loop3A_2122, %parallel_loop3A_2137 : vector<16xf32>
      %parallel_loop3A_2200 = arith.addf %parallel_loop3A_2152, %parallel_loop3A_2167 : vector<16xf32>
      %parallel_loop3A_2201 = arith.addf %parallel_loop3A_2182, %parallel_loop3A_2197 : vector<16xf32>
      %parallel_loop3A_2202 = arith.addf %parallel_loop3A_2198, %parallel_loop3A_2199 : vector<16xf32>
      %parallel_loop3A_2203 = arith.addf %parallel_loop3A_2200, %parallel_loop3A_2201 : vector<16xf32>
      %parallel_loop3A_2204 = arith.addf %parallel_loop3A_2202, %parallel_loop3A_2203 : vector<16xf32>
      %parallel_loop3A_2205 = vector.broadcast %parallel_loop3A_2077 : i32 to vector<16xi32>
      %parallel_loop3A_2206 = arith.addi %mul3A_23, %parallel_loop3A_2205 : vector<16xi32>
      tpu.vector_store_idx %arg11[%parallel_loop3A_2206], %parallel_loop3A_2204 : memref<1040xf32, #tpu.memory_space<vmem>>[vector<16xi32>], vector<16xf32>,
    } {sc.loop_unroll_factor = 1 : i64, sc.parallel_access}
    %get3A_736 = arith.constant 0 : index
    %get3A_737 = tpu.vector_load %arg11[%get3A_736] {strides = array<i32>} : memref<1040xf32, #tpu.memory_space<vmem>>, vector<16xf32>,
    %get3A_738 = arith.constant 65 : index
    %get3A_739 = tpu.vector_load %arg11[%get3A_738] {strides = array<i32>} : memref<1040xf32, #tpu.memory_space<vmem>>, vector<16xf32>,
    %add3A_740 = arith.addf %get3A_737, %get3A_739 : vector<16xf32>
    %get3A_741 = arith.constant 130 : index
    %get3A_742 = tpu.vector_load %arg11[%get3A_741] {strides = array<i32>} : memref<1040xf32, #tpu.memory_space<vmem>>, vector<16xf32>,
    %add3A_743 = arith.addf %add3A_740, %get3A_742 : vector<16xf32>
    %get3A_744 = arith.constant 195 : index
    %get3A_745 = tpu.vector_load %arg11[%get3A_744] {strides = array<i32>} : memref<1040xf32, #tpu.memory_space<vmem>>, vector<16xf32>,
    %add3A_746 = arith.addf %add3A_743, %get3A_745 : vector<16xf32>
    %get3A_747 = arith.constant 260 : index
    %get3A_748 = tpu.vector_load %arg11[%get3A_747] {strides = array<i32>} : memref<1040xf32, #tpu.memory_space<vmem>>, vector<16xf32>,
    %add3A_749 = arith.addf %add3A_746, %get3A_748 : vector<16xf32>
    %get3A_750 = arith.constant 325 : index
    %get3A_751 = tpu.vector_load %arg11[%get3A_750] {strides = array<i32>} : memref<1040xf32, #tpu.memory_space<vmem>>, vector<16xf32>,
    %add3A_752 = arith.addf %add3A_749, %get3A_751 : vector<16xf32>
    %get3A_753 = arith.constant 390 : index
    %get3A_754 = tpu.vector_load %arg11[%get3A_753] {strides = array<i32>} : memref<1040xf32, #tpu.memory_space<vmem>>, vector<16xf32>,
    %add3A_755 = arith.addf %add3A_752, %get3A_754 : vector<16xf32>
    %get3A_756 = arith.constant 455 : index
    %get3A_757 = tpu.vector_load %arg11[%get3A_756] {strides = array<i32>} : memref<1040xf32, #tpu.memory_space<vmem>>, vector<16xf32>,
    %add3A_758 = arith.addf %add3A_755, %get3A_757 : vector<16xf32>
    %get3A_759 = arith.constant 520 : index
    %get3A_760 = tpu.vector_load %arg11[%get3A_759] {strides = array<i32>} : memref<1040xf32, #tpu.memory_space<vmem>>, vector<16xf32>,
    %add3A_761 = arith.addf %add3A_758, %get3A_760 : vector<16xf32>
    %get3A_762 = arith.constant 585 : index
    %get3A_763 = tpu.vector_load %arg11[%get3A_762] {strides = array<i32>} : memref<1040xf32, #tpu.memory_space<vmem>>, vector<16xf32>,
    %add3A_764 = arith.addf %add3A_761, %get3A_763 : vector<16xf32>
    %get3A_765 = arith.constant 650 : index
    %get3A_766 = tpu.vector_load %arg11[%get3A_765] {strides = array<i32>} : memref<1040xf32, #tpu.memory_space<vmem>>, vector<16xf32>,
    %add3A_767 = arith.addf %add3A_764, %get3A_766 : vector<16xf32>
    %get3A_768 = arith.constant 715 : index
    %get3A_769 = tpu.vector_load %arg11[%get3A_768] {strides = array<i32>} : memref<1040xf32, #tpu.memory_space<vmem>>, vector<16xf32>,
    %add3A_770 = arith.addf %add3A_767, %get3A_769 : vector<16xf32>
    %get3A_771 = arith.constant 780 : index
    %get3A_772 = tpu.vector_load %arg11[%get3A_771] {strides = array<i32>} : memref<1040xf32, #tpu.memory_space<vmem>>, vector<16xf32>,
    %add3A_773 = arith.addf %add3A_770, %get3A_772 : vector<16xf32>
    %get3A_774 = arith.constant 845 : index
    %get3A_775 = tpu.vector_load %arg11[%get3A_774] {strides = array<i32>} : memref<1040xf32, #tpu.memory_space<vmem>>, vector<16xf32>,
    %add3A_776 = arith.addf %add3A_773, %get3A_775 : vector<16xf32>
    %get3A_777 = arith.constant 910 : index
    %get3A_778 = tpu.vector_load %arg11[%get3A_777] {strides = array<i32>} : memref<1040xf32, #tpu.memory_space<vmem>>, vector<16xf32>,
    %add3A_779 = arith.addf %add3A_776, %get3A_778 : vector<16xf32>
    %get3A_780 = arith.constant 975 : index
    %get3A_781 = tpu.vector_load %arg11[%get3A_780] {strides = array<i32>} : memref<1040xf32, #tpu.memory_space<vmem>>, vector<16xf32>,
    %add3A_782 = arith.addf %add3A_779, %get3A_781 : vector<16xf32>
    %swap3A_783 = arith.constant 128 : index
    %swap3A_784 = tpu.vector_load %arg12[%swap3A_783] {strides = array<i32>} : memref<512xf32, #tpu.memory_space<vmem>>, vector<16xf32>,
    tpu.vector_store %arg12[%swap3A_783], %add3A_782 {strides = array<i32>} : memref<512xf32, #tpu.memory_space<vmem>>, vector<16xf32>,
    %get3A_785 = arith.constant 16 : index
    %get3A_786 = tpu.vector_load %arg11[%get3A_785] {strides = array<i32>} : memref<1040xf32, #tpu.memory_space<vmem>>, vector<16xf32>,
    %get3A_787 = arith.constant 81 : index
    %get3A_788 = tpu.vector_load %arg11[%get3A_787] {strides = array<i32>} : memref<1040xf32, #tpu.memory_space<vmem>>, vector<16xf32>,
    %add3A_789 = arith.addf %get3A_786, %get3A_788 : vector<16xf32>
    %get3A_790 = arith.constant 146 : index
    %get3A_791 = tpu.vector_load %arg11[%get3A_790] {strides = array<i32>} : memref<1040xf32, #tpu.memory_space<vmem>>, vector<16xf32>,
    %add3A_792 = arith.addf %add3A_789, %get3A_791 : vector<16xf32>
    %get3A_793 = arith.constant 211 : index
    %get3A_794 = tpu.vector_load %arg11[%get3A_793] {strides = array<i32>} : memref<1040xf32, #tpu.memory_space<vmem>>, vector<16xf32>,
    %add3A_795 = arith.addf %add3A_792, %get3A_794 : vector<16xf32>
    %get3A_796 = arith.constant 276 : index
    %get3A_797 = tpu.vector_load %arg11[%get3A_796] {strides = array<i32>} : memref<1040xf32, #tpu.memory_space<vmem>>, vector<16xf32>,
    %add3A_798 = arith.addf %add3A_795, %get3A_797 : vector<16xf32>
    %get3A_799 = arith.constant 341 : index
    %get3A_800 = tpu.vector_load %arg11[%get3A_799] {strides = array<i32>} : memref<1040xf32, #tpu.memory_space<vmem>>, vector<16xf32>,
    %add3A_801 = arith.addf %add3A_798, %get3A_800 : vector<16xf32>
    %get3A_802 = arith.constant 406 : index
    %get3A_803 = tpu.vector_load %arg11[%get3A_802] {strides = array<i32>} : memref<1040xf32, #tpu.memory_space<vmem>>, vector<16xf32>,
    %add3A_804 = arith.addf %add3A_801, %get3A_803 : vector<16xf32>
    %get3A_805 = arith.constant 471 : index
    %get3A_806 = tpu.vector_load %arg11[%get3A_805] {strides = array<i32>} : memref<1040xf32, #tpu.memory_space<vmem>>, vector<16xf32>,
    %add3A_807 = arith.addf %add3A_804, %get3A_806 : vector<16xf32>
    %get3A_808 = arith.constant 536 : index
    %get3A_809 = tpu.vector_load %arg11[%get3A_808] {strides = array<i32>} : memref<1040xf32, #tpu.memory_space<vmem>>, vector<16xf32>,
    %add3A_810 = arith.addf %add3A_807, %get3A_809 : vector<16xf32>
    %get3A_811 = arith.constant 601 : index
    %get3A_812 = tpu.vector_load %arg11[%get3A_811] {strides = array<i32>} : memref<1040xf32, #tpu.memory_space<vmem>>, vector<16xf32>,
    %add3A_813 = arith.addf %add3A_810, %get3A_812 : vector<16xf32>
    %get3A_814 = arith.constant 666 : index
    %get3A_815 = tpu.vector_load %arg11[%get3A_814] {strides = array<i32>} : memref<1040xf32, #tpu.memory_space<vmem>>, vector<16xf32>,
    %add3A_816 = arith.addf %add3A_813, %get3A_815 : vector<16xf32>
    %get3A_817 = arith.constant 731 : index
    %get3A_818 = tpu.vector_load %arg11[%get3A_817] {strides = array<i32>} : memref<1040xf32, #tpu.memory_space<vmem>>, vector<16xf32>,
    %add3A_819 = arith.addf %add3A_816, %get3A_818 : vector<16xf32>
    %get3A_820 = arith.constant 796 : index
    %get3A_821 = tpu.vector_load %arg11[%get3A_820] {strides = array<i32>} : memref<1040xf32, #tpu.memory_space<vmem>>, vector<16xf32>,
    %add3A_822 = arith.addf %add3A_819, %get3A_821 : vector<16xf32>
    %get3A_823 = arith.constant 861 : index
    %get3A_824 = tpu.vector_load %arg11[%get3A_823] {strides = array<i32>} : memref<1040xf32, #tpu.memory_space<vmem>>, vector<16xf32>,
    %add3A_825 = arith.addf %add3A_822, %get3A_824 : vector<16xf32>
    %get3A_826 = arith.constant 926 : index
    %get3A_827 = tpu.vector_load %arg11[%get3A_826] {strides = array<i32>} : memref<1040xf32, #tpu.memory_space<vmem>>, vector<16xf32>,
    %add3A_828 = arith.addf %add3A_825, %get3A_827 : vector<16xf32>
    %get3A_829 = arith.constant 991 : index
    %get3A_830 = tpu.vector_load %arg11[%get3A_829] {strides = array<i32>} : memref<1040xf32, #tpu.memory_space<vmem>>, vector<16xf32>,
    %add3A_831 = arith.addf %add3A_828, %get3A_830 : vector<16xf32>
    %swap3A_832 = arith.constant 144 : index
    %swap3A_833 = tpu.vector_load %arg12[%swap3A_832] {strides = array<i32>} : memref<512xf32, #tpu.memory_space<vmem>>, vector<16xf32>,
    tpu.vector_store %arg12[%swap3A_832], %add3A_831 {strides = array<i32>} : memref<512xf32, #tpu.memory_space<vmem>>, vector<16xf32>,
    %get3A_834 = arith.constant 32 : index
    %get3A_835 = tpu.vector_load %arg11[%get3A_834] {strides = array<i32>} : memref<1040xf32, #tpu.memory_space<vmem>>, vector<16xf32>,
    %get3A_836 = arith.constant 97 : index
    %get3A_837 = tpu.vector_load %arg11[%get3A_836] {strides = array<i32>} : memref<1040xf32, #tpu.memory_space<vmem>>, vector<16xf32>,
    %add3A_838 = arith.addf %get3A_835, %get3A_837 : vector<16xf32>
    %get3A_839 = arith.constant 162 : index
    %get3A_840 = tpu.vector_load %arg11[%get3A_839] {strides = array<i32>} : memref<1040xf32, #tpu.memory_space<vmem>>, vector<16xf32>,
    %add3A_841 = arith.addf %add3A_838, %get3A_840 : vector<16xf32>
    %get3A_842 = arith.constant 227 : index
    %get3A_843 = tpu.vector_load %arg11[%get3A_842] {strides = array<i32>} : memref<1040xf32, #tpu.memory_space<vmem>>, vector<16xf32>,
    %add3A_844 = arith.addf %add3A_841, %get3A_843 : vector<16xf32>
    %get3A_845 = arith.constant 292 : index
    %get3A_846 = tpu.vector_load %arg11[%get3A_845] {strides = array<i32>} : memref<1040xf32, #tpu.memory_space<vmem>>, vector<16xf32>,
    %add3A_847 = arith.addf %add3A_844, %get3A_846 : vector<16xf32>
    %get3A_848 = arith.constant 357 : index
    %get3A_849 = tpu.vector_load %arg11[%get3A_848] {strides = array<i32>} : memref<1040xf32, #tpu.memory_space<vmem>>, vector<16xf32>,
    %add3A_850 = arith.addf %add3A_847, %get3A_849 : vector<16xf32>
    %get3A_851 = arith.constant 422 : index
    %get3A_852 = tpu.vector_load %arg11[%get3A_851] {strides = array<i32>} : memref<1040xf32, #tpu.memory_space<vmem>>, vector<16xf32>,
    %add3A_853 = arith.addf %add3A_850, %get3A_852 : vector<16xf32>
    %get3A_854 = arith.constant 487 : index
    %get3A_855 = tpu.vector_load %arg11[%get3A_854] {strides = array<i32>} : memref<1040xf32, #tpu.memory_space<vmem>>, vector<16xf32>,
    %add3A_856 = arith.addf %add3A_853, %get3A_855 : vector<16xf32>
    %get3A_857 = arith.constant 552 : index
    %get3A_858 = tpu.vector_load %arg11[%get3A_857] {strides = array<i32>} : memref<1040xf32, #tpu.memory_space<vmem>>, vector<16xf32>,
    %add3A_859 = arith.addf %add3A_856, %get3A_858 : vector<16xf32>
    %get3A_860 = arith.constant 617 : index
    %get3A_861 = tpu.vector_load %arg11[%get3A_860] {strides = array<i32>} : memref<1040xf32, #tpu.memory_space<vmem>>, vector<16xf32>,
    %add3A_862 = arith.addf %add3A_859, %get3A_861 : vector<16xf32>
    %get3A_863 = arith.constant 682 : index
    %get3A_864 = tpu.vector_load %arg11[%get3A_863] {strides = array<i32>} : memref<1040xf32, #tpu.memory_space<vmem>>, vector<16xf32>,
    %add3A_865 = arith.addf %add3A_862, %get3A_864 : vector<16xf32>
    %get3A_866 = arith.constant 747 : index
    %get3A_867 = tpu.vector_load %arg11[%get3A_866] {strides = array<i32>} : memref<1040xf32, #tpu.memory_space<vmem>>, vector<16xf32>,
    %add3A_868 = arith.addf %add3A_865, %get3A_867 : vector<16xf32>
    %get3A_869 = arith.constant 812 : index
    %get3A_870 = tpu.vector_load %arg11[%get3A_869] {strides = array<i32>} : memref<1040xf32, #tpu.memory_space<vmem>>, vector<16xf32>,
    %add3A_871 = arith.addf %add3A_868, %get3A_870 : vector<16xf32>
    %get3A_872 = arith.constant 877 : index
    %get3A_873 = tpu.vector_load %arg11[%get3A_872] {strides = array<i32>} : memref<1040xf32, #tpu.memory_space<vmem>>, vector<16xf32>,
    %add3A_874 = arith.addf %add3A_871, %get3A_873 : vector<16xf32>
    %get3A_875 = arith.constant 942 : index
    %get3A_876 = tpu.vector_load %arg11[%get3A_875] {strides = array<i32>} : memref<1040xf32, #tpu.memory_space<vmem>>, vector<16xf32>,
    %add3A_877 = arith.addf %add3A_874, %get3A_876 : vector<16xf32>
    %get3A_878 = arith.constant 1007 : index
    %get3A_879 = tpu.vector_load %arg11[%get3A_878] {strides = array<i32>} : memref<1040xf32, #tpu.memory_space<vmem>>, vector<16xf32>,
    %add3A_880 = arith.addf %add3A_877, %get3A_879 : vector<16xf32>
    %swap3A_881 = arith.constant 160 : index
    %swap3A_882 = tpu.vector_load %arg12[%swap3A_881] {strides = array<i32>} : memref<512xf32, #tpu.memory_space<vmem>>, vector<16xf32>,
    tpu.vector_store %arg12[%swap3A_881], %add3A_880 {strides = array<i32>} : memref<512xf32, #tpu.memory_space<vmem>>, vector<16xf32>,
    %get3A_883 = arith.constant 48 : index
    %get3A_884 = tpu.vector_load %arg11[%get3A_883] {strides = array<i32>} : memref<1040xf32, #tpu.memory_space<vmem>>, vector<16xf32>,
    %get3A_885 = arith.constant 113 : index
    %get3A_886 = tpu.vector_load %arg11[%get3A_885] {strides = array<i32>} : memref<1040xf32, #tpu.memory_space<vmem>>, vector<16xf32>,
    %add3A_887 = arith.addf %get3A_884, %get3A_886 : vector<16xf32>
    %get3A_888 = arith.constant 178 : index
    %get3A_889 = tpu.vector_load %arg11[%get3A_888] {strides = array<i32>} : memref<1040xf32, #tpu.memory_space<vmem>>, vector<16xf32>,
    %add3A_890 = arith.addf %add3A_887, %get3A_889 : vector<16xf32>
    %get3A_891 = arith.constant 243 : index
    %get3A_892 = tpu.vector_load %arg11[%get3A_891] {strides = array<i32>} : memref<1040xf32, #tpu.memory_space<vmem>>, vector<16xf32>,
    %add3A_893 = arith.addf %add3A_890, %get3A_892 : vector<16xf32>
    %get3A_894 = arith.constant 308 : index
    %get3A_895 = tpu.vector_load %arg11[%get3A_894] {strides = array<i32>} : memref<1040xf32, #tpu.memory_space<vmem>>, vector<16xf32>,
    %add3A_896 = arith.addf %add3A_893, %get3A_895 : vector<16xf32>
    %get3A_897 = arith.constant 373 : index
    %get3A_898 = tpu.vector_load %arg11[%get3A_897] {strides = array<i32>} : memref<1040xf32, #tpu.memory_space<vmem>>, vector<16xf32>,
    %add3A_899 = arith.addf %add3A_896, %get3A_898 : vector<16xf32>
    %get3A_900 = arith.constant 438 : index
    %get3A_901 = tpu.vector_load %arg11[%get3A_900] {strides = array<i32>} : memref<1040xf32, #tpu.memory_space<vmem>>, vector<16xf32>,
    %add3A_902 = arith.addf %add3A_899, %get3A_901 : vector<16xf32>
    %get3A_903 = arith.constant 503 : index
    %get3A_904 = tpu.vector_load %arg11[%get3A_903] {strides = array<i32>} : memref<1040xf32, #tpu.memory_space<vmem>>, vector<16xf32>,
    %add3A_905 = arith.addf %add3A_902, %get3A_904 : vector<16xf32>
    %get3A_906 = arith.constant 568 : index
    %get3A_907 = tpu.vector_load %arg11[%get3A_906] {strides = array<i32>} : memref<1040xf32, #tpu.memory_space<vmem>>, vector<16xf32>,
    %add3A_908 = arith.addf %add3A_905, %get3A_907 : vector<16xf32>
    %get3A_909 = arith.constant 633 : index
    %get3A_910 = tpu.vector_load %arg11[%get3A_909] {strides = array<i32>} : memref<1040xf32, #tpu.memory_space<vmem>>, vector<16xf32>,
    %add3A_911 = arith.addf %add3A_908, %get3A_910 : vector<16xf32>
    %get3A_912 = arith.constant 698 : index
    %get3A_913 = tpu.vector_load %arg11[%get3A_912] {strides = array<i32>} : memref<1040xf32, #tpu.memory_space<vmem>>, vector<16xf32>,
    %add3A_914 = arith.addf %add3A_911, %get3A_913 : vector<16xf32>
    %get3A_915 = arith.constant 763 : index
    %get3A_916 = tpu.vector_load %arg11[%get3A_915] {strides = array<i32>} : memref<1040xf32, #tpu.memory_space<vmem>>, vector<16xf32>,
    %add3A_917 = arith.addf %add3A_914, %get3A_916 : vector<16xf32>
    %get3A_918 = arith.constant 828 : index
    %get3A_919 = tpu.vector_load %arg11[%get3A_918] {strides = array<i32>} : memref<1040xf32, #tpu.memory_space<vmem>>, vector<16xf32>,
    %add3A_920 = arith.addf %add3A_917, %get3A_919 : vector<16xf32>
    %get3A_921 = arith.constant 893 : index
    %get3A_922 = tpu.vector_load %arg11[%get3A_921] {strides = array<i32>} : memref<1040xf32, #tpu.memory_space<vmem>>, vector<16xf32>,
    %add3A_923 = arith.addf %add3A_920, %get3A_922 : vector<16xf32>
    %get3A_924 = arith.constant 958 : index
    %get3A_925 = tpu.vector_load %arg11[%get3A_924] {strides = array<i32>} : memref<1040xf32, #tpu.memory_space<vmem>>, vector<16xf32>,
    %add3A_926 = arith.addf %add3A_923, %get3A_925 : vector<16xf32>
    %get3A_927 = arith.constant 1023 : index
    %get3A_928 = tpu.vector_load %arg11[%get3A_927] {strides = array<i32>} : memref<1040xf32, #tpu.memory_space<vmem>>, vector<16xf32>,
    %add3A_929 = arith.addf %add3A_926, %get3A_928 : vector<16xf32>
    %swap3A_930 = arith.constant 176 : index
    %swap3A_931 = tpu.vector_load %arg12[%swap3A_930] {strides = array<i32>} : memref<512xf32, #tpu.memory_space<vmem>>, vector<16xf32>,
    tpu.vector_store %arg12[%swap3A_930], %add3A_929 {strides = array<i32>} : memref<512xf32, #tpu.memory_space<vmem>>, vector<16xf32>,
    %dma_wait3A_932 = arith.constant 3 : i32
    %dma_wait3A_933 = arith.constant 3 : i32
    %dma_wait3A_934 = arith.constant 0 : i32
    %dma_wait3A_935 = arith.constant 0 : i32
    %dma_wait3A_936 = arith.constant 0 : i32
    %dma_wait3A_937 = tpu.memref_slice %arg9[%dma_wait3A_932, %dma_wait3A_935, %dma_wait3A_936] : memref<7x64x128xf32, #tpu.memory_space<vmem>> -> memref<1x64x128xf32, #tpu.memory_space<vmem>>
    %dma_wait3A_938 = tpu.memref_squeeze %dma_wait3A_937 : memref<1x64x128xf32, #tpu.memory_space<vmem>> -> memref<64x128xf32, #tpu.memory_space<vmem>>
    %dma_wait3A_939 = arith.constant 192 : i32
    %dma_wait3A_940 = tpu.memref_slice %arg7[%dma_wait3A_939] : memref<512xi32, #tpu.memory_space<vmem>> -> memref<64xi32, #tpu.memory_space<vmem>>
    %dma_wait3A_941 = arith.constant 0 : i32
    %dma_wait3A_942 = arith.constant 0 : i32
    %dma_wait3A_943 = tpu.memref_slice %arg4[%dma_wait3A_941, %dma_wait3A_942] : memref<100000x128xf32, #tpu.memory_space<hbm>> -> memref<100000x128xf32, #tpu.memory_space<hbm>>
    %dma_wait3A_944 = tpu.memref_slice %arg13[%dma_wait3A_933, %dma_wait3A_934] : memref<7x2x!tpu.dma_semaphore, #tpu.memory_space<semaphore_mem>> -> memref<1x1x!tpu.dma_semaphore, #tpu.memory_space<semaphore_mem>>
    %dma_wait3A_945 = tpu.memref_squeeze %dma_wait3A_944 : memref<1x1x!tpu.dma_semaphore, #tpu.memory_space<semaphore_mem>> -> memref<!tpu.dma_semaphore, #tpu.memory_space<semaphore_mem>>
    tpu.wait_indirect_dma semaphore(%dma_wait3A_945 : memref<!tpu.dma_semaphore, #tpu.memory_space<semaphore_mem>>) src(%dma_wait3A_943 : memref<100000x128xf32, #tpu.memory_space<hbm>>) dst(%dma_wait3A_938 : memref<64x128xf32, #tpu.memory_space<vmem>>)
    %dma_wait3A_946 = arith.constant 3 : i32
    %dma_wait3A_947 = arith.constant 3 : i32
    %dma_wait3A_948 = arith.constant 1 : i32
    %dma_wait3A_949 = arith.constant 0 : i32
    %dma_wait3A_950 = arith.constant 0 : i32
    %dma_wait3A_951 = tpu.memref_slice %arg10[%dma_wait3A_946, %dma_wait3A_949, %dma_wait3A_950] : memref<7x64x128xf32, #tpu.memory_space<vmem>> -> memref<1x64x128xf32, #tpu.memory_space<vmem>>
    %dma_wait3A_952 = tpu.memref_squeeze %dma_wait3A_951 : memref<1x64x128xf32, #tpu.memory_space<vmem>> -> memref<64x128xf32, #tpu.memory_space<vmem>>
    %dma_wait3A_953 = arith.constant 192 : i32
    %dma_wait3A_954 = tpu.memref_slice %arg8[%dma_wait3A_953] : memref<512xi32, #tpu.memory_space<vmem>> -> memref<64xi32, #tpu.memory_space<vmem>>
    %dma_wait3A_955 = arith.constant 0 : i32
    %dma_wait3A_956 = arith.constant 0 : i32
    %dma_wait3A_957 = tpu.memref_slice %arg5[%dma_wait3A_955, %dma_wait3A_956] : memref<1000000x128xf32, #tpu.memory_space<hbm>> -> memref<1000000x128xf32, #tpu.memory_space<hbm>>
    %dma_wait3A_958 = tpu.memref_slice %arg13[%dma_wait3A_947, %dma_wait3A_948] : memref<7x2x!tpu.dma_semaphore, #tpu.memory_space<semaphore_mem>> -> memref<1x1x!tpu.dma_semaphore, #tpu.memory_space<semaphore_mem>>
    %dma_wait3A_959 = tpu.memref_squeeze %dma_wait3A_958 : memref<1x1x!tpu.dma_semaphore, #tpu.memory_space<semaphore_mem>> -> memref<!tpu.dma_semaphore, #tpu.memory_space<semaphore_mem>>
    tpu.wait_indirect_dma semaphore(%dma_wait3A_959 : memref<!tpu.dma_semaphore, #tpu.memory_space<semaphore_mem>>) src(%dma_wait3A_957 : memref<1000000x128xf32, #tpu.memory_space<hbm>>) dst(%dma_wait3A_952 : memref<64x128xf32, #tpu.memory_space<vmem>>)
    %parallel_loop3A_960 = arith.constant 0 : i32
    %parallel_loop3A_961 = arith.constant 64 : i32
    %parallel_loop3A_962 = arith.constant 1 : i32
    %parallel_loop3A_963 = arith.constant 3 : i32
    %parallel_loop3A_964 = arith.constant 3 : i32
    scf.for %parallel_loop3A_2077 = %parallel_loop3A_960 to %parallel_loop3A_961 step %parallel_loop3A_962  : i32 {
      %parallel_loop3A_2078 = arith.constant 0 : i32
      %parallel_loop3A_2079 = arith.constant 0 : i32
      %parallel_loop3A_2080 = tpu.memref_slice %arg9[%parallel_loop3A_963, %parallel_loop3A_2078, %parallel_loop3A_2079] : memref<7x64x128xf32, #tpu.memory_space<vmem>> -> memref<1x64x128xf32, #tpu.memory_space<vmem>>
      %parallel_loop3A_2081 = tpu.memref_squeeze %parallel_loop3A_2080 : memref<1x64x128xf32, #tpu.memory_space<vmem>> -> memref<64x128xf32, #tpu.memory_space<vmem>>
      %parallel_loop3A_2082 = arith.index_cast %parallel_loop3A_2077 : i32 to index
      %parallel_loop3A_2083 = arith.constant 0 : index
      %parallel_loop3A_2084 = tpu.vector_load %parallel_loop3A_2081[%parallel_loop3A_2082, %parallel_loop3A_2083] {strides = array<i32>} : memref<64x128xf32, #tpu.memory_space<vmem>>, vector<16xf32>,
      %parallel_loop3A_2085 = arith.constant 0 : i32
      %parallel_loop3A_2086 = arith.constant 0 : i32
      %parallel_loop3A_2087 = tpu.memref_slice %arg10[%parallel_loop3A_964, %parallel_loop3A_2085, %parallel_loop3A_2086] : memref<7x64x128xf32, #tpu.memory_space<vmem>> -> memref<1x64x128xf32, #tpu.memory_space<vmem>>
      %parallel_loop3A_2088 = tpu.memref_squeeze %parallel_loop3A_2087 : memref<1x64x128xf32, #tpu.memory_space<vmem>> -> memref<64x128xf32, #tpu.memory_space<vmem>>
      %parallel_loop3A_2089 = arith.index_cast %parallel_loop3A_2077 : i32 to index
      %parallel_loop3A_2090 = arith.constant 0 : index
      %parallel_loop3A_2091 = tpu.vector_load %parallel_loop3A_2088[%parallel_loop3A_2089, %parallel_loop3A_2090] {strides = array<i32>} : memref<64x128xf32, #tpu.memory_space<vmem>>, vector<16xf32>,
      %parallel_loop3A_2092 = arith.mulf %parallel_loop3A_2084, %parallel_loop3A_2091 : vector<16xf32>
      %parallel_loop3A_2093 = arith.constant 0 : i32
      %parallel_loop3A_2094 = arith.constant 0 : i32
      %parallel_loop3A_2095 = tpu.memref_slice %arg9[%parallel_loop3A_963, %parallel_loop3A_2093, %parallel_loop3A_2094] : memref<7x64x128xf32, #tpu.memory_space<vmem>> -> memref<1x64x128xf32, #tpu.memory_space<vmem>>
      %parallel_loop3A_2096 = tpu.memref_squeeze %parallel_loop3A_2095 : memref<1x64x128xf32, #tpu.memory_space<vmem>> -> memref<64x128xf32, #tpu.memory_space<vmem>>
      %parallel_loop3A_2097 = arith.index_cast %parallel_loop3A_2077 : i32 to index
      %parallel_loop3A_2098 = arith.constant 16 : index
      %parallel_loop3A_2099 = tpu.vector_load %parallel_loop3A_2096[%parallel_loop3A_2097, %parallel_loop3A_2098] {strides = array<i32>} : memref<64x128xf32, #tpu.memory_space<vmem>>, vector<16xf32>,
      %parallel_loop3A_2100 = arith.constant 0 : i32
      %parallel_loop3A_2101 = arith.constant 0 : i32
      %parallel_loop3A_2102 = tpu.memref_slice %arg10[%parallel_loop3A_964, %parallel_loop3A_2100, %parallel_loop3A_2101] : memref<7x64x128xf32, #tpu.memory_space<vmem>> -> memref<1x64x128xf32, #tpu.memory_space<vmem>>
      %parallel_loop3A_2103 = tpu.memref_squeeze %parallel_loop3A_2102 : memref<1x64x128xf32, #tpu.memory_space<vmem>> -> memref<64x128xf32, #tpu.memory_space<vmem>>
      %parallel_loop3A_2104 = arith.index_cast %parallel_loop3A_2077 : i32 to index
      %parallel_loop3A_2105 = arith.constant 16 : index
      %parallel_loop3A_2106 = tpu.vector_load %parallel_loop3A_2103[%parallel_loop3A_2104, %parallel_loop3A_2105] {strides = array<i32>} : memref<64x128xf32, #tpu.memory_space<vmem>>, vector<16xf32>,
      %parallel_loop3A_2107 = arith.mulf %parallel_loop3A_2099, %parallel_loop3A_2106 : vector<16xf32>
      %parallel_loop3A_2108 = arith.constant 0 : i32
      %parallel_loop3A_2109 = arith.constant 0 : i32
      %parallel_loop3A_2110 = tpu.memref_slice %arg9[%parallel_loop3A_963, %parallel_loop3A_2108, %parallel_loop3A_2109] : memref<7x64x128xf32, #tpu.memory_space<vmem>> -> memref<1x64x128xf32, #tpu.memory_space<vmem>>
      %parallel_loop3A_2111 = tpu.memref_squeeze %parallel_loop3A_2110 : memref<1x64x128xf32, #tpu.memory_space<vmem>> -> memref<64x128xf32, #tpu.memory_space<vmem>>
      %parallel_loop3A_2112 = arith.index_cast %parallel_loop3A_2077 : i32 to index
      %parallel_loop3A_2113 = arith.constant 32 : index
      %parallel_loop3A_2114 = tpu.vector_load %parallel_loop3A_2111[%parallel_loop3A_2112, %parallel_loop3A_2113] {strides = array<i32>} : memref<64x128xf32, #tpu.memory_space<vmem>>, vector<16xf32>,
      %parallel_loop3A_2115 = arith.constant 0 : i32
      %parallel_loop3A_2116 = arith.constant 0 : i32
      %parallel_loop3A_2117 = tpu.memref_slice %arg10[%parallel_loop3A_964, %parallel_loop3A_2115, %parallel_loop3A_2116] : memref<7x64x128xf32, #tpu.memory_space<vmem>> -> memref<1x64x128xf32, #tpu.memory_space<vmem>>
      %parallel_loop3A_2118 = tpu.memref_squeeze %parallel_loop3A_2117 : memref<1x64x128xf32, #tpu.memory_space<vmem>> -> memref<64x128xf32, #tpu.memory_space<vmem>>
      %parallel_loop3A_2119 = arith.index_cast %parallel_loop3A_2077 : i32 to index
      %parallel_loop3A_2120 = arith.constant 32 : index
      %parallel_loop3A_2121 = tpu.vector_load %parallel_loop3A_2118[%parallel_loop3A_2119, %parallel_loop3A_2120] {strides = array<i32>} : memref<64x128xf32, #tpu.memory_space<vmem>>, vector<16xf32>,
      %parallel_loop3A_2122 = arith.mulf %parallel_loop3A_2114, %parallel_loop3A_2121 : vector<16xf32>
      %parallel_loop3A_2123 = arith.constant 0 : i32
      %parallel_loop3A_2124 = arith.constant 0 : i32
      %parallel_loop3A_2125 = tpu.memref_slice %arg9[%parallel_loop3A_963, %parallel_loop3A_2123, %parallel_loop3A_2124] : memref<7x64x128xf32, #tpu.memory_space<vmem>> -> memref<1x64x128xf32, #tpu.memory_space<vmem>>
      %parallel_loop3A_2126 = tpu.memref_squeeze %parallel_loop3A_2125 : memref<1x64x128xf32, #tpu.memory_space<vmem>> -> memref<64x128xf32, #tpu.memory_space<vmem>>
      %parallel_loop3A_2127 = arith.index_cast %parallel_loop3A_2077 : i32 to index
      %parallel_loop3A_2128 = arith.constant 48 : index
      %parallel_loop3A_2129 = tpu.vector_load %parallel_loop3A_2126[%parallel_loop3A_2127, %parallel_loop3A_2128] {strides = array<i32>} : memref<64x128xf32, #tpu.memory_space<vmem>>, vector<16xf32>,
      %parallel_loop3A_2130 = arith.constant 0 : i32
      %parallel_loop3A_2131 = arith.constant 0 : i32
      %parallel_loop3A_2132 = tpu.memref_slice %arg10[%parallel_loop3A_964, %parallel_loop3A_2130, %parallel_loop3A_2131] : memref<7x64x128xf32, #tpu.memory_space<vmem>> -> memref<1x64x128xf32, #tpu.memory_space<vmem>>
      %parallel_loop3A_2133 = tpu.memref_squeeze %parallel_loop3A_2132 : memref<1x64x128xf32, #tpu.memory_space<vmem>> -> memref<64x128xf32, #tpu.memory_space<vmem>>
      %parallel_loop3A_2134 = arith.index_cast %parallel_loop3A_2077 : i32 to index
      %parallel_loop3A_2135 = arith.constant 48 : index
      %parallel_loop3A_2136 = tpu.vector_load %parallel_loop3A_2133[%parallel_loop3A_2134, %parallel_loop3A_2135] {strides = array<i32>} : memref<64x128xf32, #tpu.memory_space<vmem>>, vector<16xf32>,
      %parallel_loop3A_2137 = arith.mulf %parallel_loop3A_2129, %parallel_loop3A_2136 : vector<16xf32>
      %parallel_loop3A_2138 = arith.constant 0 : i32
      %parallel_loop3A_2139 = arith.constant 0 : i32
      %parallel_loop3A_2140 = tpu.memref_slice %arg9[%parallel_loop3A_963, %parallel_loop3A_2138, %parallel_loop3A_2139] : memref<7x64x128xf32, #tpu.memory_space<vmem>> -> memref<1x64x128xf32, #tpu.memory_space<vmem>>
      %parallel_loop3A_2141 = tpu.memref_squeeze %parallel_loop3A_2140 : memref<1x64x128xf32, #tpu.memory_space<vmem>> -> memref<64x128xf32, #tpu.memory_space<vmem>>
      %parallel_loop3A_2142 = arith.index_cast %parallel_loop3A_2077 : i32 to index
      %parallel_loop3A_2143 = arith.constant 64 : index
      %parallel_loop3A_2144 = tpu.vector_load %parallel_loop3A_2141[%parallel_loop3A_2142, %parallel_loop3A_2143] {strides = array<i32>} : memref<64x128xf32, #tpu.memory_space<vmem>>, vector<16xf32>,
      %parallel_loop3A_2145 = arith.constant 0 : i32
      %parallel_loop3A_2146 = arith.constant 0 : i32
      %parallel_loop3A_2147 = tpu.memref_slice %arg10[%parallel_loop3A_964, %parallel_loop3A_2145, %parallel_loop3A_2146] : memref<7x64x128xf32, #tpu.memory_space<vmem>> -> memref<1x64x128xf32, #tpu.memory_space<vmem>>
      %parallel_loop3A_2148 = tpu.memref_squeeze %parallel_loop3A_2147 : memref<1x64x128xf32, #tpu.memory_space<vmem>> -> memref<64x128xf32, #tpu.memory_space<vmem>>
      %parallel_loop3A_2149 = arith.index_cast %parallel_loop3A_2077 : i32 to index
      %parallel_loop3A_2150 = arith.constant 64 : index
      %parallel_loop3A_2151 = tpu.vector_load %parallel_loop3A_2148[%parallel_loop3A_2149, %parallel_loop3A_2150] {strides = array<i32>} : memref<64x128xf32, #tpu.memory_space<vmem>>, vector<16xf32>,
      %parallel_loop3A_2152 = arith.mulf %parallel_loop3A_2144, %parallel_loop3A_2151 : vector<16xf32>
      %parallel_loop3A_2153 = arith.constant 0 : i32
      %parallel_loop3A_2154 = arith.constant 0 : i32
      %parallel_loop3A_2155 = tpu.memref_slice %arg9[%parallel_loop3A_963, %parallel_loop3A_2153, %parallel_loop3A_2154] : memref<7x64x128xf32, #tpu.memory_space<vmem>> -> memref<1x64x128xf32, #tpu.memory_space<vmem>>
      %parallel_loop3A_2156 = tpu.memref_squeeze %parallel_loop3A_2155 : memref<1x64x128xf32, #tpu.memory_space<vmem>> -> memref<64x128xf32, #tpu.memory_space<vmem>>
      %parallel_loop3A_2157 = arith.index_cast %parallel_loop3A_2077 : i32 to index
      %parallel_loop3A_2158 = arith.constant 80 : index
      %parallel_loop3A_2159 = tpu.vector_load %parallel_loop3A_2156[%parallel_loop3A_2157, %parallel_loop3A_2158] {strides = array<i32>} : memref<64x128xf32, #tpu.memory_space<vmem>>, vector<16xf32>,
      %parallel_loop3A_2160 = arith.constant 0 : i32
      %parallel_loop3A_2161 = arith.constant 0 : i32
      %parallel_loop3A_2162 = tpu.memref_slice %arg10[%parallel_loop3A_964, %parallel_loop3A_2160, %parallel_loop3A_2161] : memref<7x64x128xf32, #tpu.memory_space<vmem>> -> memref<1x64x128xf32, #tpu.memory_space<vmem>>
      %parallel_loop3A_2163 = tpu.memref_squeeze %parallel_loop3A_2162 : memref<1x64x128xf32, #tpu.memory_space<vmem>> -> memref<64x128xf32, #tpu.memory_space<vmem>>
      %parallel_loop3A_2164 = arith.index_cast %parallel_loop3A_2077 : i32 to index
      %parallel_loop3A_2165 = arith.constant 80 : index
      %parallel_loop3A_2166 = tpu.vector_load %parallel_loop3A_2163[%parallel_loop3A_2164, %parallel_loop3A_2165] {strides = array<i32>} : memref<64x128xf32, #tpu.memory_space<vmem>>, vector<16xf32>,
      %parallel_loop3A_2167 = arith.mulf %parallel_loop3A_2159, %parallel_loop3A_2166 : vector<16xf32>
      %parallel_loop3A_2168 = arith.constant 0 : i32
      %parallel_loop3A_2169 = arith.constant 0 : i32
      %parallel_loop3A_2170 = tpu.memref_slice %arg9[%parallel_loop3A_963, %parallel_loop3A_2168, %parallel_loop3A_2169] : memref<7x64x128xf32, #tpu.memory_space<vmem>> -> memref<1x64x128xf32, #tpu.memory_space<vmem>>
      %parallel_loop3A_2171 = tpu.memref_squeeze %parallel_loop3A_2170 : memref<1x64x128xf32, #tpu.memory_space<vmem>> -> memref<64x128xf32, #tpu.memory_space<vmem>>
      %parallel_loop3A_2172 = arith.index_cast %parallel_loop3A_2077 : i32 to index
      %parallel_loop3A_2173 = arith.constant 96 : index
      %parallel_loop3A_2174 = tpu.vector_load %parallel_loop3A_2171[%parallel_loop3A_2172, %parallel_loop3A_2173] {strides = array<i32>} : memref<64x128xf32, #tpu.memory_space<vmem>>, vector<16xf32>,
      %parallel_loop3A_2175 = arith.constant 0 : i32
      %parallel_loop3A_2176 = arith.constant 0 : i32
      %parallel_loop3A_2177 = tpu.memref_slice %arg10[%parallel_loop3A_964, %parallel_loop3A_2175, %parallel_loop3A_2176] : memref<7x64x128xf32, #tpu.memory_space<vmem>> -> memref<1x64x128xf32, #tpu.memory_space<vmem>>
      %parallel_loop3A_2178 = tpu.memref_squeeze %parallel_loop3A_2177 : memref<1x64x128xf32, #tpu.memory_space<vmem>> -> memref<64x128xf32, #tpu.memory_space<vmem>>
      %parallel_loop3A_2179 = arith.index_cast %parallel_loop3A_2077 : i32 to index
      %parallel_loop3A_2180 = arith.constant 96 : index
      %parallel_loop3A_2181 = tpu.vector_load %parallel_loop3A_2178[%parallel_loop3A_2179, %parallel_loop3A_2180] {strides = array<i32>} : memref<64x128xf32, #tpu.memory_space<vmem>>, vector<16xf32>,
      %parallel_loop3A_2182 = arith.mulf %parallel_loop3A_2174, %parallel_loop3A_2181 : vector<16xf32>
      %parallel_loop3A_2183 = arith.constant 0 : i32
      %parallel_loop3A_2184 = arith.constant 0 : i32
      %parallel_loop3A_2185 = tpu.memref_slice %arg9[%parallel_loop3A_963, %parallel_loop3A_2183, %parallel_loop3A_2184] : memref<7x64x128xf32, #tpu.memory_space<vmem>> -> memref<1x64x128xf32, #tpu.memory_space<vmem>>
      %parallel_loop3A_2186 = tpu.memref_squeeze %parallel_loop3A_2185 : memref<1x64x128xf32, #tpu.memory_space<vmem>> -> memref<64x128xf32, #tpu.memory_space<vmem>>
      %parallel_loop3A_2187 = arith.index_cast %parallel_loop3A_2077 : i32 to index
      %parallel_loop3A_2188 = arith.constant 112 : index
      %parallel_loop3A_2189 = tpu.vector_load %parallel_loop3A_2186[%parallel_loop3A_2187, %parallel_loop3A_2188] {strides = array<i32>} : memref<64x128xf32, #tpu.memory_space<vmem>>, vector<16xf32>,
      %parallel_loop3A_2190 = arith.constant 0 : i32
      %parallel_loop3A_2191 = arith.constant 0 : i32
      %parallel_loop3A_2192 = tpu.memref_slice %arg10[%parallel_loop3A_964, %parallel_loop3A_2190, %parallel_loop3A_2191] : memref<7x64x128xf32, #tpu.memory_space<vmem>> -> memref<1x64x128xf32, #tpu.memory_space<vmem>>
      %parallel_loop3A_2193 = tpu.memref_squeeze %parallel_loop3A_2192 : memref<1x64x128xf32, #tpu.memory_space<vmem>> -> memref<64x128xf32, #tpu.memory_space<vmem>>
      %parallel_loop3A_2194 = arith.index_cast %parallel_loop3A_2077 : i32 to index
      %parallel_loop3A_2195 = arith.constant 112 : index
      %parallel_loop3A_2196 = tpu.vector_load %parallel_loop3A_2193[%parallel_loop3A_2194, %parallel_loop3A_2195] {strides = array<i32>} : memref<64x128xf32, #tpu.memory_space<vmem>>, vector<16xf32>,
      %parallel_loop3A_2197 = arith.mulf %parallel_loop3A_2189, %parallel_loop3A_2196 : vector<16xf32>
      %parallel_loop3A_2198 = arith.addf %parallel_loop3A_2092, %parallel_loop3A_2107 : vector<16xf32>
      %parallel_loop3A_2199 = arith.addf %parallel_loop3A_2122, %parallel_loop3A_2137 : vector<16xf32>
      %parallel_loop3A_2200 = arith.addf %parallel_loop3A_2152, %parallel_loop3A_2167 : vector<16xf32>
      %parallel_loop3A_2201 = arith.addf %parallel_loop3A_2182, %parallel_loop3A_2197 : vector<16xf32>
      %parallel_loop3A_2202 = arith.addf %parallel_loop3A_2198, %parallel_loop3A_2199 : vector<16xf32>
      %parallel_loop3A_2203 = arith.addf %parallel_loop3A_2200, %parallel_loop3A_2201 : vector<16xf32>
      %parallel_loop3A_2204 = arith.addf %parallel_loop3A_2202, %parallel_loop3A_2203 : vector<16xf32>
      %parallel_loop3A_2205 = vector.broadcast %parallel_loop3A_2077 : i32 to vector<16xi32>
      %parallel_loop3A_2206 = arith.addi %mul3A_23, %parallel_loop3A_2205 : vector<16xi32>
      tpu.vector_store_idx %arg11[%parallel_loop3A_2206], %parallel_loop3A_2204 : memref<1040xf32, #tpu.memory_space<vmem>>[vector<16xi32>], vector<16xf32>,
    } {sc.loop_unroll_factor = 1 : i64, sc.parallel_access}
    %get3A_965 = arith.constant 0 : index
    %get3A_966 = tpu.vector_load %arg11[%get3A_965] {strides = array<i32>} : memref<1040xf32, #tpu.memory_space<vmem>>, vector<16xf32>,
    %get3A_967 = arith.constant 65 : index
    %get3A_968 = tpu.vector_load %arg11[%get3A_967] {strides = array<i32>} : memref<1040xf32, #tpu.memory_space<vmem>>, vector<16xf32>,
    %add3A_969 = arith.addf %get3A_966, %get3A_968 : vector<16xf32>
    %get3A_970 = arith.constant 130 : index
    %get3A_971 = tpu.vector_load %arg11[%get3A_970] {strides = array<i32>} : memref<1040xf32, #tpu.memory_space<vmem>>, vector<16xf32>,
    %add3A_972 = arith.addf %add3A_969, %get3A_971 : vector<16xf32>
    %get3A_973 = arith.constant 195 : index
    %get3A_974 = tpu.vector_load %arg11[%get3A_973] {strides = array<i32>} : memref<1040xf32, #tpu.memory_space<vmem>>, vector<16xf32>,
    %add3A_975 = arith.addf %add3A_972, %get3A_974 : vector<16xf32>
    %get3A_976 = arith.constant 260 : index
    %get3A_977 = tpu.vector_load %arg11[%get3A_976] {strides = array<i32>} : memref<1040xf32, #tpu.memory_space<vmem>>, vector<16xf32>,
    %add3A_978 = arith.addf %add3A_975, %get3A_977 : vector<16xf32>
    %get3A_979 = arith.constant 325 : index
    %get3A_980 = tpu.vector_load %arg11[%get3A_979] {strides = array<i32>} : memref<1040xf32, #tpu.memory_space<vmem>>, vector<16xf32>,
    %add3A_981 = arith.addf %add3A_978, %get3A_980 : vector<16xf32>
    %get3A_982 = arith.constant 390 : index
    %get3A_983 = tpu.vector_load %arg11[%get3A_982] {strides = array<i32>} : memref<1040xf32, #tpu.memory_space<vmem>>, vector<16xf32>,
    %add3A_984 = arith.addf %add3A_981, %get3A_983 : vector<16xf32>
    %get3A_985 = arith.constant 455 : index
    %get3A_986 = tpu.vector_load %arg11[%get3A_985] {strides = array<i32>} : memref<1040xf32, #tpu.memory_space<vmem>>, vector<16xf32>,
    %add3A_987 = arith.addf %add3A_984, %get3A_986 : vector<16xf32>
    %get3A_988 = arith.constant 520 : index
    %get3A_989 = tpu.vector_load %arg11[%get3A_988] {strides = array<i32>} : memref<1040xf32, #tpu.memory_space<vmem>>, vector<16xf32>,
    %add3A_990 = arith.addf %add3A_987, %get3A_989 : vector<16xf32>
    %get3A_991 = arith.constant 585 : index
    %get3A_992 = tpu.vector_load %arg11[%get3A_991] {strides = array<i32>} : memref<1040xf32, #tpu.memory_space<vmem>>, vector<16xf32>,
    %add3A_993 = arith.addf %add3A_990, %get3A_992 : vector<16xf32>
    %get3A_994 = arith.constant 650 : index
    %get3A_995 = tpu.vector_load %arg11[%get3A_994] {strides = array<i32>} : memref<1040xf32, #tpu.memory_space<vmem>>, vector<16xf32>,
    %add3A_996 = arith.addf %add3A_993, %get3A_995 : vector<16xf32>
    %get3A_997 = arith.constant 715 : index
    %get3A_998 = tpu.vector_load %arg11[%get3A_997] {strides = array<i32>} : memref<1040xf32, #tpu.memory_space<vmem>>, vector<16xf32>,
    %add3A_999 = arith.addf %add3A_996, %get3A_998 : vector<16xf32>
    %get3A_1000 = arith.constant 780 : index
    %get3A_1001 = tpu.vector_load %arg11[%get3A_1000] {strides = array<i32>} : memref<1040xf32, #tpu.memory_space<vmem>>, vector<16xf32>,
    %add3A_1002 = arith.addf %add3A_999, %get3A_1001 : vector<16xf32>
    %get3A_1003 = arith.constant 845 : index
    %get3A_1004 = tpu.vector_load %arg11[%get3A_1003] {strides = array<i32>} : memref<1040xf32, #tpu.memory_space<vmem>>, vector<16xf32>,
    %add3A_1005 = arith.addf %add3A_1002, %get3A_1004 : vector<16xf32>
    %get3A_1006 = arith.constant 910 : index
    %get3A_1007 = tpu.vector_load %arg11[%get3A_1006] {strides = array<i32>} : memref<1040xf32, #tpu.memory_space<vmem>>, vector<16xf32>,
    %add3A_1008 = arith.addf %add3A_1005, %get3A_1007 : vector<16xf32>
    %get3A_1009 = arith.constant 975 : index
    %get3A_1010 = tpu.vector_load %arg11[%get3A_1009] {strides = array<i32>} : memref<1040xf32, #tpu.memory_space<vmem>>, vector<16xf32>,
    %add3A_1011 = arith.addf %add3A_1008, %get3A_1010 : vector<16xf32>
    %swap3A_1012 = arith.constant 192 : index
    %swap3A_1013 = tpu.vector_load %arg12[%swap3A_1012] {strides = array<i32>} : memref<512xf32, #tpu.memory_space<vmem>>, vector<16xf32>,
    tpu.vector_store %arg12[%swap3A_1012], %add3A_1011 {strides = array<i32>} : memref<512xf32, #tpu.memory_space<vmem>>, vector<16xf32>,
    %get3A_1014 = arith.constant 16 : index
    %get3A_1015 = tpu.vector_load %arg11[%get3A_1014] {strides = array<i32>} : memref<1040xf32, #tpu.memory_space<vmem>>, vector<16xf32>,
    %get3A_1016 = arith.constant 81 : index
    %get3A_1017 = tpu.vector_load %arg11[%get3A_1016] {strides = array<i32>} : memref<1040xf32, #tpu.memory_space<vmem>>, vector<16xf32>,
    %add3A_1018 = arith.addf %get3A_1015, %get3A_1017 : vector<16xf32>
    %get3A_1019 = arith.constant 146 : index
    %get3A_1020 = tpu.vector_load %arg11[%get3A_1019] {strides = array<i32>} : memref<1040xf32, #tpu.memory_space<vmem>>, vector<16xf32>,
    %add3A_1021 = arith.addf %add3A_1018, %get3A_1020 : vector<16xf32>
    %get3A_1022 = arith.constant 211 : index
    %get3A_1023 = tpu.vector_load %arg11[%get3A_1022] {strides = array<i32>} : memref<1040xf32, #tpu.memory_space<vmem>>, vector<16xf32>,
    %add3A_1024 = arith.addf %add3A_1021, %get3A_1023 : vector<16xf32>
    %get3A_1025 = arith.constant 276 : index
    %get3A_1026 = tpu.vector_load %arg11[%get3A_1025] {strides = array<i32>} : memref<1040xf32, #tpu.memory_space<vmem>>, vector<16xf32>,
    %add3A_1027 = arith.addf %add3A_1024, %get3A_1026 : vector<16xf32>
    %get3A_1028 = arith.constant 341 : index
    %get3A_1029 = tpu.vector_load %arg11[%get3A_1028] {strides = array<i32>} : memref<1040xf32, #tpu.memory_space<vmem>>, vector<16xf32>,
    %add3A_1030 = arith.addf %add3A_1027, %get3A_1029 : vector<16xf32>
    %get3A_1031 = arith.constant 406 : index
    %get3A_1032 = tpu.vector_load %arg11[%get3A_1031] {strides = array<i32>} : memref<1040xf32, #tpu.memory_space<vmem>>, vector<16xf32>,
    %add3A_1033 = arith.addf %add3A_1030, %get3A_1032 : vector<16xf32>
    %get3A_1034 = arith.constant 471 : index
    %get3A_1035 = tpu.vector_load %arg11[%get3A_1034] {strides = array<i32>} : memref<1040xf32, #tpu.memory_space<vmem>>, vector<16xf32>,
    %add3A_1036 = arith.addf %add3A_1033, %get3A_1035 : vector<16xf32>
    %get3A_1037 = arith.constant 536 : index
    %get3A_1038 = tpu.vector_load %arg11[%get3A_1037] {strides = array<i32>} : memref<1040xf32, #tpu.memory_space<vmem>>, vector<16xf32>,
    %add3A_1039 = arith.addf %add3A_1036, %get3A_1038 : vector<16xf32>
    %get3A_1040 = arith.constant 601 : index
    %get3A_1041 = tpu.vector_load %arg11[%get3A_1040] {strides = array<i32>} : memref<1040xf32, #tpu.memory_space<vmem>>, vector<16xf32>,
    %add3A_1042 = arith.addf %add3A_1039, %get3A_1041 : vector<16xf32>
    %get3A_1043 = arith.constant 666 : index
    %get3A_1044 = tpu.vector_load %arg11[%get3A_1043] {strides = array<i32>} : memref<1040xf32, #tpu.memory_space<vmem>>, vector<16xf32>,
    %add3A_1045 = arith.addf %add3A_1042, %get3A_1044 : vector<16xf32>
    %get3A_1046 = arith.constant 731 : index
    %get3A_1047 = tpu.vector_load %arg11[%get3A_1046] {strides = array<i32>} : memref<1040xf32, #tpu.memory_space<vmem>>, vector<16xf32>,
    %add3A_1048 = arith.addf %add3A_1045, %get3A_1047 : vector<16xf32>
    %get3A_1049 = arith.constant 796 : index
    %get3A_1050 = tpu.vector_load %arg11[%get3A_1049] {strides = array<i32>} : memref<1040xf32, #tpu.memory_space<vmem>>, vector<16xf32>,
    %add3A_1051 = arith.addf %add3A_1048, %get3A_1050 : vector<16xf32>
    %get3A_1052 = arith.constant 861 : index
    %get3A_1053 = tpu.vector_load %arg11[%get3A_1052] {strides = array<i32>} : memref<1040xf32, #tpu.memory_space<vmem>>, vector<16xf32>,
    %add3A_1054 = arith.addf %add3A_1051, %get3A_1053 : vector<16xf32>
    %get3A_1055 = arith.constant 926 : index
    %get3A_1056 = tpu.vector_load %arg11[%get3A_1055] {strides = array<i32>} : memref<1040xf32, #tpu.memory_space<vmem>>, vector<16xf32>,
    %add3A_1057 = arith.addf %add3A_1054, %get3A_1056 : vector<16xf32>
    %get3A_1058 = arith.constant 991 : index
    %get3A_1059 = tpu.vector_load %arg11[%get3A_1058] {strides = array<i32>} : memref<1040xf32, #tpu.memory_space<vmem>>, vector<16xf32>,
    %add3A_1060 = arith.addf %add3A_1057, %get3A_1059 : vector<16xf32>
    %swap3A_1061 = arith.constant 208 : index
    %swap3A_1062 = tpu.vector_load %arg12[%swap3A_1061] {strides = array<i32>} : memref<512xf32, #tpu.memory_space<vmem>>, vector<16xf32>,
    tpu.vector_store %arg12[%swap3A_1061], %add3A_1060 {strides = array<i32>} : memref<512xf32, #tpu.memory_space<vmem>>, vector<16xf32>,
    %get3A_1063 = arith.constant 32 : index
    %get3A_1064 = tpu.vector_load %arg11[%get3A_1063] {strides = array<i32>} : memref<1040xf32, #tpu.memory_space<vmem>>, vector<16xf32>,
    %get3A_1065 = arith.constant 97 : index
    %get3A_1066 = tpu.vector_load %arg11[%get3A_1065] {strides = array<i32>} : memref<1040xf32, #tpu.memory_space<vmem>>, vector<16xf32>,
    %add3A_1067 = arith.addf %get3A_1064, %get3A_1066 : vector<16xf32>
    %get3A_1068 = arith.constant 162 : index
    %get3A_1069 = tpu.vector_load %arg11[%get3A_1068] {strides = array<i32>} : memref<1040xf32, #tpu.memory_space<vmem>>, vector<16xf32>,
    %add3A_1070 = arith.addf %add3A_1067, %get3A_1069 : vector<16xf32>
    %get3A_1071 = arith.constant 227 : index
    %get3A_1072 = tpu.vector_load %arg11[%get3A_1071] {strides = array<i32>} : memref<1040xf32, #tpu.memory_space<vmem>>, vector<16xf32>,
    %add3A_1073 = arith.addf %add3A_1070, %get3A_1072 : vector<16xf32>
    %get3A_1074 = arith.constant 292 : index
    %get3A_1075 = tpu.vector_load %arg11[%get3A_1074] {strides = array<i32>} : memref<1040xf32, #tpu.memory_space<vmem>>, vector<16xf32>,
    %add3A_1076 = arith.addf %add3A_1073, %get3A_1075 : vector<16xf32>
    %get3A_1077 = arith.constant 357 : index
    %get3A_1078 = tpu.vector_load %arg11[%get3A_1077] {strides = array<i32>} : memref<1040xf32, #tpu.memory_space<vmem>>, vector<16xf32>,
    %add3A_1079 = arith.addf %add3A_1076, %get3A_1078 : vector<16xf32>
    %get3A_1080 = arith.constant 422 : index
    %get3A_1081 = tpu.vector_load %arg11[%get3A_1080] {strides = array<i32>} : memref<1040xf32, #tpu.memory_space<vmem>>, vector<16xf32>,
    %add3A_1082 = arith.addf %add3A_1079, %get3A_1081 : vector<16xf32>
    %get3A_1083 = arith.constant 487 : index
    %get3A_1084 = tpu.vector_load %arg11[%get3A_1083] {strides = array<i32>} : memref<1040xf32, #tpu.memory_space<vmem>>, vector<16xf32>,
    %add3A_1085 = arith.addf %add3A_1082, %get3A_1084 : vector<16xf32>
    %get3A_1086 = arith.constant 552 : index
    %get3A_1087 = tpu.vector_load %arg11[%get3A_1086] {strides = array<i32>} : memref<1040xf32, #tpu.memory_space<vmem>>, vector<16xf32>,
    %add3A_1088 = arith.addf %add3A_1085, %get3A_1087 : vector<16xf32>
    %get3A_1089 = arith.constant 617 : index
    %get3A_1090 = tpu.vector_load %arg11[%get3A_1089] {strides = array<i32>} : memref<1040xf32, #tpu.memory_space<vmem>>, vector<16xf32>,
    %add3A_1091 = arith.addf %add3A_1088, %get3A_1090 : vector<16xf32>
    %get3A_1092 = arith.constant 682 : index
    %get3A_1093 = tpu.vector_load %arg11[%get3A_1092] {strides = array<i32>} : memref<1040xf32, #tpu.memory_space<vmem>>, vector<16xf32>,
    %add3A_1094 = arith.addf %add3A_1091, %get3A_1093 : vector<16xf32>
    %get3A_1095 = arith.constant 747 : index
    %get3A_1096 = tpu.vector_load %arg11[%get3A_1095] {strides = array<i32>} : memref<1040xf32, #tpu.memory_space<vmem>>, vector<16xf32>,
    %add3A_1097 = arith.addf %add3A_1094, %get3A_1096 : vector<16xf32>
    %get3A_1098 = arith.constant 812 : index
    %get3A_1099 = tpu.vector_load %arg11[%get3A_1098] {strides = array<i32>} : memref<1040xf32, #tpu.memory_space<vmem>>, vector<16xf32>,
    %add3A_1100 = arith.addf %add3A_1097, %get3A_1099 : vector<16xf32>
    %get3A_1101 = arith.constant 877 : index
    %get3A_1102 = tpu.vector_load %arg11[%get3A_1101] {strides = array<i32>} : memref<1040xf32, #tpu.memory_space<vmem>>, vector<16xf32>,
    %add3A_1103 = arith.addf %add3A_1100, %get3A_1102 : vector<16xf32>
    %get3A_1104 = arith.constant 942 : index
    %get3A_1105 = tpu.vector_load %arg11[%get3A_1104] {strides = array<i32>} : memref<1040xf32, #tpu.memory_space<vmem>>, vector<16xf32>,
    %add3A_1106 = arith.addf %add3A_1103, %get3A_1105 : vector<16xf32>
    %get3A_1107 = arith.constant 1007 : index
    %get3A_1108 = tpu.vector_load %arg11[%get3A_1107] {strides = array<i32>} : memref<1040xf32, #tpu.memory_space<vmem>>, vector<16xf32>,
    %add3A_1109 = arith.addf %add3A_1106, %get3A_1108 : vector<16xf32>
    %swap3A_1110 = arith.constant 224 : index
    %swap3A_1111 = tpu.vector_load %arg12[%swap3A_1110] {strides = array<i32>} : memref<512xf32, #tpu.memory_space<vmem>>, vector<16xf32>,
    tpu.vector_store %arg12[%swap3A_1110], %add3A_1109 {strides = array<i32>} : memref<512xf32, #tpu.memory_space<vmem>>, vector<16xf32>,
    %get3A_1112 = arith.constant 48 : index
    %get3A_1113 = tpu.vector_load %arg11[%get3A_1112] {strides = array<i32>} : memref<1040xf32, #tpu.memory_space<vmem>>, vector<16xf32>,
    %get3A_1114 = arith.constant 113 : index
    %get3A_1115 = tpu.vector_load %arg11[%get3A_1114] {strides = array<i32>} : memref<1040xf32, #tpu.memory_space<vmem>>, vector<16xf32>,
    %add3A_1116 = arith.addf %get3A_1113, %get3A_1115 : vector<16xf32>
    %get3A_1117 = arith.constant 178 : index
    %get3A_1118 = tpu.vector_load %arg11[%get3A_1117] {strides = array<i32>} : memref<1040xf32, #tpu.memory_space<vmem>>, vector<16xf32>,
    %add3A_1119 = arith.addf %add3A_1116, %get3A_1118 : vector<16xf32>
    %get3A_1120 = arith.constant 243 : index
    %get3A_1121 = tpu.vector_load %arg11[%get3A_1120] {strides = array<i32>} : memref<1040xf32, #tpu.memory_space<vmem>>, vector<16xf32>,
    %add3A_1122 = arith.addf %add3A_1119, %get3A_1121 : vector<16xf32>
    %get3A_1123 = arith.constant 308 : index
    %get3A_1124 = tpu.vector_load %arg11[%get3A_1123] {strides = array<i32>} : memref<1040xf32, #tpu.memory_space<vmem>>, vector<16xf32>,
    %add3A_1125 = arith.addf %add3A_1122, %get3A_1124 : vector<16xf32>
    %get3A_1126 = arith.constant 373 : index
    %get3A_1127 = tpu.vector_load %arg11[%get3A_1126] {strides = array<i32>} : memref<1040xf32, #tpu.memory_space<vmem>>, vector<16xf32>,
    %add3A_1128 = arith.addf %add3A_1125, %get3A_1127 : vector<16xf32>
    %get3A_1129 = arith.constant 438 : index
    %get3A_1130 = tpu.vector_load %arg11[%get3A_1129] {strides = array<i32>} : memref<1040xf32, #tpu.memory_space<vmem>>, vector<16xf32>,
    %add3A_1131 = arith.addf %add3A_1128, %get3A_1130 : vector<16xf32>
    %get3A_1132 = arith.constant 503 : index
    %get3A_1133 = tpu.vector_load %arg11[%get3A_1132] {strides = array<i32>} : memref<1040xf32, #tpu.memory_space<vmem>>, vector<16xf32>,
    %add3A_1134 = arith.addf %add3A_1131, %get3A_1133 : vector<16xf32>
    %get3A_1135 = arith.constant 568 : index
    %get3A_1136 = tpu.vector_load %arg11[%get3A_1135] {strides = array<i32>} : memref<1040xf32, #tpu.memory_space<vmem>>, vector<16xf32>,
    %add3A_1137 = arith.addf %add3A_1134, %get3A_1136 : vector<16xf32>
    %get3A_1138 = arith.constant 633 : index
    %get3A_1139 = tpu.vector_load %arg11[%get3A_1138] {strides = array<i32>} : memref<1040xf32, #tpu.memory_space<vmem>>, vector<16xf32>,
    %add3A_1140 = arith.addf %add3A_1137, %get3A_1139 : vector<16xf32>
    %get3A_1141 = arith.constant 698 : index
    %get3A_1142 = tpu.vector_load %arg11[%get3A_1141] {strides = array<i32>} : memref<1040xf32, #tpu.memory_space<vmem>>, vector<16xf32>,
    %add3A_1143 = arith.addf %add3A_1140, %get3A_1142 : vector<16xf32>
    %get3A_1144 = arith.constant 763 : index
    %get3A_1145 = tpu.vector_load %arg11[%get3A_1144] {strides = array<i32>} : memref<1040xf32, #tpu.memory_space<vmem>>, vector<16xf32>,
    %add3A_1146 = arith.addf %add3A_1143, %get3A_1145 : vector<16xf32>
    %get3A_1147 = arith.constant 828 : index
    %get3A_1148 = tpu.vector_load %arg11[%get3A_1147] {strides = array<i32>} : memref<1040xf32, #tpu.memory_space<vmem>>, vector<16xf32>,
    %add3A_1149 = arith.addf %add3A_1146, %get3A_1148 : vector<16xf32>
    %get3A_1150 = arith.constant 893 : index
    %get3A_1151 = tpu.vector_load %arg11[%get3A_1150] {strides = array<i32>} : memref<1040xf32, #tpu.memory_space<vmem>>, vector<16xf32>,
    %add3A_1152 = arith.addf %add3A_1149, %get3A_1151 : vector<16xf32>
    %get3A_1153 = arith.constant 958 : index
    %get3A_1154 = tpu.vector_load %arg11[%get3A_1153] {strides = array<i32>} : memref<1040xf32, #tpu.memory_space<vmem>>, vector<16xf32>,
    %add3A_1155 = arith.addf %add3A_1152, %get3A_1154 : vector<16xf32>
    %get3A_1156 = arith.constant 1023 : index
    %get3A_1157 = tpu.vector_load %arg11[%get3A_1156] {strides = array<i32>} : memref<1040xf32, #tpu.memory_space<vmem>>, vector<16xf32>,
    %add3A_1158 = arith.addf %add3A_1155, %get3A_1157 : vector<16xf32>
    %swap3A_1159 = arith.constant 240 : index
    %swap3A_1160 = tpu.vector_load %arg12[%swap3A_1159] {strides = array<i32>} : memref<512xf32, #tpu.memory_space<vmem>>, vector<16xf32>,
    tpu.vector_store %arg12[%swap3A_1159], %add3A_1158 {strides = array<i32>} : memref<512xf32, #tpu.memory_space<vmem>>, vector<16xf32>,
    %dma_wait3A_1161 = arith.constant 4 : i32
    %dma_wait3A_1162 = arith.constant 4 : i32
    %dma_wait3A_1163 = arith.constant 0 : i32
    %dma_wait3A_1164 = arith.constant 0 : i32
    %dma_wait3A_1165 = arith.constant 0 : i32
    %dma_wait3A_1166 = tpu.memref_slice %arg9[%dma_wait3A_1161, %dma_wait3A_1164, %dma_wait3A_1165] : memref<7x64x128xf32, #tpu.memory_space<vmem>> -> memref<1x64x128xf32, #tpu.memory_space<vmem>>
    %dma_wait3A_1167 = tpu.memref_squeeze %dma_wait3A_1166 : memref<1x64x128xf32, #tpu.memory_space<vmem>> -> memref<64x128xf32, #tpu.memory_space<vmem>>
    %dma_wait3A_1168 = arith.constant 256 : i32
    %dma_wait3A_1169 = tpu.memref_slice %arg7[%dma_wait3A_1168] : memref<512xi32, #tpu.memory_space<vmem>> -> memref<64xi32, #tpu.memory_space<vmem>>
    %dma_wait3A_1170 = arith.constant 0 : i32
    %dma_wait3A_1171 = arith.constant 0 : i32
    %dma_wait3A_1172 = tpu.memref_slice %arg4[%dma_wait3A_1170, %dma_wait3A_1171] : memref<100000x128xf32, #tpu.memory_space<hbm>> -> memref<100000x128xf32, #tpu.memory_space<hbm>>
    %dma_wait3A_1173 = tpu.memref_slice %arg13[%dma_wait3A_1162, %dma_wait3A_1163] : memref<7x2x!tpu.dma_semaphore, #tpu.memory_space<semaphore_mem>> -> memref<1x1x!tpu.dma_semaphore, #tpu.memory_space<semaphore_mem>>
    %dma_wait3A_1174 = tpu.memref_squeeze %dma_wait3A_1173 : memref<1x1x!tpu.dma_semaphore, #tpu.memory_space<semaphore_mem>> -> memref<!tpu.dma_semaphore, #tpu.memory_space<semaphore_mem>>
    tpu.wait_indirect_dma semaphore(%dma_wait3A_1174 : memref<!tpu.dma_semaphore, #tpu.memory_space<semaphore_mem>>) src(%dma_wait3A_1172 : memref<100000x128xf32, #tpu.memory_space<hbm>>) dst(%dma_wait3A_1167 : memref<64x128xf32, #tpu.memory_space<vmem>>)
    %dma_wait3A_1175 = arith.constant 4 : i32
    %dma_wait3A_1176 = arith.constant 4 : i32
    %dma_wait3A_1177 = arith.constant 1 : i32
    %dma_wait3A_1178 = arith.constant 0 : i32
    %dma_wait3A_1179 = arith.constant 0 : i32
    %dma_wait3A_1180 = tpu.memref_slice %arg10[%dma_wait3A_1175, %dma_wait3A_1178, %dma_wait3A_1179] : memref<7x64x128xf32, #tpu.memory_space<vmem>> -> memref<1x64x128xf32, #tpu.memory_space<vmem>>
    %dma_wait3A_1181 = tpu.memref_squeeze %dma_wait3A_1180 : memref<1x64x128xf32, #tpu.memory_space<vmem>> -> memref<64x128xf32, #tpu.memory_space<vmem>>
    %dma_wait3A_1182 = arith.constant 256 : i32
    %dma_wait3A_1183 = tpu.memref_slice %arg8[%dma_wait3A_1182] : memref<512xi32, #tpu.memory_space<vmem>> -> memref<64xi32, #tpu.memory_space<vmem>>
    %dma_wait3A_1184 = arith.constant 0 : i32
    %dma_wait3A_1185 = arith.constant 0 : i32
    %dma_wait3A_1186 = tpu.memref_slice %arg5[%dma_wait3A_1184, %dma_wait3A_1185] : memref<1000000x128xf32, #tpu.memory_space<hbm>> -> memref<1000000x128xf32, #tpu.memory_space<hbm>>
    %dma_wait3A_1187 = tpu.memref_slice %arg13[%dma_wait3A_1176, %dma_wait3A_1177] : memref<7x2x!tpu.dma_semaphore, #tpu.memory_space<semaphore_mem>> -> memref<1x1x!tpu.dma_semaphore, #tpu.memory_space<semaphore_mem>>
    %dma_wait3A_1188 = tpu.memref_squeeze %dma_wait3A_1187 : memref<1x1x!tpu.dma_semaphore, #tpu.memory_space<semaphore_mem>> -> memref<!tpu.dma_semaphore, #tpu.memory_space<semaphore_mem>>
    tpu.wait_indirect_dma semaphore(%dma_wait3A_1188 : memref<!tpu.dma_semaphore, #tpu.memory_space<semaphore_mem>>) src(%dma_wait3A_1186 : memref<1000000x128xf32, #tpu.memory_space<hbm>>) dst(%dma_wait3A_1181 : memref<64x128xf32, #tpu.memory_space<vmem>>)
    %parallel_loop3A_1189 = arith.constant 0 : i32
    %parallel_loop3A_1190 = arith.constant 64 : i32
    %parallel_loop3A_1191 = arith.constant 1 : i32
    %parallel_loop3A_1192 = arith.constant 4 : i32
    %parallel_loop3A_1193 = arith.constant 4 : i32
    scf.for %parallel_loop3A_2077 = %parallel_loop3A_1189 to %parallel_loop3A_1190 step %parallel_loop3A_1191  : i32 {
      %parallel_loop3A_2078 = arith.constant 0 : i32
      %parallel_loop3A_2079 = arith.constant 0 : i32
      %parallel_loop3A_2080 = tpu.memref_slice %arg9[%parallel_loop3A_1192, %parallel_loop3A_2078, %parallel_loop3A_2079] : memref<7x64x128xf32, #tpu.memory_space<vmem>> -> memref<1x64x128xf32, #tpu.memory_space<vmem>>
      %parallel_loop3A_2081 = tpu.memref_squeeze %parallel_loop3A_2080 : memref<1x64x128xf32, #tpu.memory_space<vmem>> -> memref<64x128xf32, #tpu.memory_space<vmem>>
      %parallel_loop3A_2082 = arith.index_cast %parallel_loop3A_2077 : i32 to index
      %parallel_loop3A_2083 = arith.constant 0 : index
      %parallel_loop3A_2084 = tpu.vector_load %parallel_loop3A_2081[%parallel_loop3A_2082, %parallel_loop3A_2083] {strides = array<i32>} : memref<64x128xf32, #tpu.memory_space<vmem>>, vector<16xf32>,
      %parallel_loop3A_2085 = arith.constant 0 : i32
      %parallel_loop3A_2086 = arith.constant 0 : i32
      %parallel_loop3A_2087 = tpu.memref_slice %arg10[%parallel_loop3A_1193, %parallel_loop3A_2085, %parallel_loop3A_2086] : memref<7x64x128xf32, #tpu.memory_space<vmem>> -> memref<1x64x128xf32, #tpu.memory_space<vmem>>
      %parallel_loop3A_2088 = tpu.memref_squeeze %parallel_loop3A_2087 : memref<1x64x128xf32, #tpu.memory_space<vmem>> -> memref<64x128xf32, #tpu.memory_space<vmem>>
      %parallel_loop3A_2089 = arith.index_cast %parallel_loop3A_2077 : i32 to index
      %parallel_loop3A_2090 = arith.constant 0 : index
      %parallel_loop3A_2091 = tpu.vector_load %parallel_loop3A_2088[%parallel_loop3A_2089, %parallel_loop3A_2090] {strides = array<i32>} : memref<64x128xf32, #tpu.memory_space<vmem>>, vector<16xf32>,
      %parallel_loop3A_2092 = arith.mulf %parallel_loop3A_2084, %parallel_loop3A_2091 : vector<16xf32>
      %parallel_loop3A_2093 = arith.constant 0 : i32
      %parallel_loop3A_2094 = arith.constant 0 : i32
      %parallel_loop3A_2095 = tpu.memref_slice %arg9[%parallel_loop3A_1192, %parallel_loop3A_2093, %parallel_loop3A_2094] : memref<7x64x128xf32, #tpu.memory_space<vmem>> -> memref<1x64x128xf32, #tpu.memory_space<vmem>>
      %parallel_loop3A_2096 = tpu.memref_squeeze %parallel_loop3A_2095 : memref<1x64x128xf32, #tpu.memory_space<vmem>> -> memref<64x128xf32, #tpu.memory_space<vmem>>
      %parallel_loop3A_2097 = arith.index_cast %parallel_loop3A_2077 : i32 to index
      %parallel_loop3A_2098 = arith.constant 16 : index
      %parallel_loop3A_2099 = tpu.vector_load %parallel_loop3A_2096[%parallel_loop3A_2097, %parallel_loop3A_2098] {strides = array<i32>} : memref<64x128xf32, #tpu.memory_space<vmem>>, vector<16xf32>,
      %parallel_loop3A_2100 = arith.constant 0 : i32
      %parallel_loop3A_2101 = arith.constant 0 : i32
      %parallel_loop3A_2102 = tpu.memref_slice %arg10[%parallel_loop3A_1193, %parallel_loop3A_2100, %parallel_loop3A_2101] : memref<7x64x128xf32, #tpu.memory_space<vmem>> -> memref<1x64x128xf32, #tpu.memory_space<vmem>>
      %parallel_loop3A_2103 = tpu.memref_squeeze %parallel_loop3A_2102 : memref<1x64x128xf32, #tpu.memory_space<vmem>> -> memref<64x128xf32, #tpu.memory_space<vmem>>
      %parallel_loop3A_2104 = arith.index_cast %parallel_loop3A_2077 : i32 to index
      %parallel_loop3A_2105 = arith.constant 16 : index
      %parallel_loop3A_2106 = tpu.vector_load %parallel_loop3A_2103[%parallel_loop3A_2104, %parallel_loop3A_2105] {strides = array<i32>} : memref<64x128xf32, #tpu.memory_space<vmem>>, vector<16xf32>,
      %parallel_loop3A_2107 = arith.mulf %parallel_loop3A_2099, %parallel_loop3A_2106 : vector<16xf32>
      %parallel_loop3A_2108 = arith.constant 0 : i32
      %parallel_loop3A_2109 = arith.constant 0 : i32
      %parallel_loop3A_2110 = tpu.memref_slice %arg9[%parallel_loop3A_1192, %parallel_loop3A_2108, %parallel_loop3A_2109] : memref<7x64x128xf32, #tpu.memory_space<vmem>> -> memref<1x64x128xf32, #tpu.memory_space<vmem>>
      %parallel_loop3A_2111 = tpu.memref_squeeze %parallel_loop3A_2110 : memref<1x64x128xf32, #tpu.memory_space<vmem>> -> memref<64x128xf32, #tpu.memory_space<vmem>>
      %parallel_loop3A_2112 = arith.index_cast %parallel_loop3A_2077 : i32 to index
      %parallel_loop3A_2113 = arith.constant 32 : index
      %parallel_loop3A_2114 = tpu.vector_load %parallel_loop3A_2111[%parallel_loop3A_2112, %parallel_loop3A_2113] {strides = array<i32>} : memref<64x128xf32, #tpu.memory_space<vmem>>, vector<16xf32>,
      %parallel_loop3A_2115 = arith.constant 0 : i32
      %parallel_loop3A_2116 = arith.constant 0 : i32
      %parallel_loop3A_2117 = tpu.memref_slice %arg10[%parallel_loop3A_1193, %parallel_loop3A_2115, %parallel_loop3A_2116] : memref<7x64x128xf32, #tpu.memory_space<vmem>> -> memref<1x64x128xf32, #tpu.memory_space<vmem>>
      %parallel_loop3A_2118 = tpu.memref_squeeze %parallel_loop3A_2117 : memref<1x64x128xf32, #tpu.memory_space<vmem>> -> memref<64x128xf32, #tpu.memory_space<vmem>>
      %parallel_loop3A_2119 = arith.index_cast %parallel_loop3A_2077 : i32 to index
      %parallel_loop3A_2120 = arith.constant 32 : index
      %parallel_loop3A_2121 = tpu.vector_load %parallel_loop3A_2118[%parallel_loop3A_2119, %parallel_loop3A_2120] {strides = array<i32>} : memref<64x128xf32, #tpu.memory_space<vmem>>, vector<16xf32>,
      %parallel_loop3A_2122 = arith.mulf %parallel_loop3A_2114, %parallel_loop3A_2121 : vector<16xf32>
      %parallel_loop3A_2123 = arith.constant 0 : i32
      %parallel_loop3A_2124 = arith.constant 0 : i32
      %parallel_loop3A_2125 = tpu.memref_slice %arg9[%parallel_loop3A_1192, %parallel_loop3A_2123, %parallel_loop3A_2124] : memref<7x64x128xf32, #tpu.memory_space<vmem>> -> memref<1x64x128xf32, #tpu.memory_space<vmem>>
      %parallel_loop3A_2126 = tpu.memref_squeeze %parallel_loop3A_2125 : memref<1x64x128xf32, #tpu.memory_space<vmem>> -> memref<64x128xf32, #tpu.memory_space<vmem>>
      %parallel_loop3A_2127 = arith.index_cast %parallel_loop3A_2077 : i32 to index
      %parallel_loop3A_2128 = arith.constant 48 : index
      %parallel_loop3A_2129 = tpu.vector_load %parallel_loop3A_2126[%parallel_loop3A_2127, %parallel_loop3A_2128] {strides = array<i32>} : memref<64x128xf32, #tpu.memory_space<vmem>>, vector<16xf32>,
      %parallel_loop3A_2130 = arith.constant 0 : i32
      %parallel_loop3A_2131 = arith.constant 0 : i32
      %parallel_loop3A_2132 = tpu.memref_slice %arg10[%parallel_loop3A_1193, %parallel_loop3A_2130, %parallel_loop3A_2131] : memref<7x64x128xf32, #tpu.memory_space<vmem>> -> memref<1x64x128xf32, #tpu.memory_space<vmem>>
      %parallel_loop3A_2133 = tpu.memref_squeeze %parallel_loop3A_2132 : memref<1x64x128xf32, #tpu.memory_space<vmem>> -> memref<64x128xf32, #tpu.memory_space<vmem>>
      %parallel_loop3A_2134 = arith.index_cast %parallel_loop3A_2077 : i32 to index
      %parallel_loop3A_2135 = arith.constant 48 : index
      %parallel_loop3A_2136 = tpu.vector_load %parallel_loop3A_2133[%parallel_loop3A_2134, %parallel_loop3A_2135] {strides = array<i32>} : memref<64x128xf32, #tpu.memory_space<vmem>>, vector<16xf32>,
      %parallel_loop3A_2137 = arith.mulf %parallel_loop3A_2129, %parallel_loop3A_2136 : vector<16xf32>
      %parallel_loop3A_2138 = arith.constant 0 : i32
      %parallel_loop3A_2139 = arith.constant 0 : i32
      %parallel_loop3A_2140 = tpu.memref_slice %arg9[%parallel_loop3A_1192, %parallel_loop3A_2138, %parallel_loop3A_2139] : memref<7x64x128xf32, #tpu.memory_space<vmem>> -> memref<1x64x128xf32, #tpu.memory_space<vmem>>
      %parallel_loop3A_2141 = tpu.memref_squeeze %parallel_loop3A_2140 : memref<1x64x128xf32, #tpu.memory_space<vmem>> -> memref<64x128xf32, #tpu.memory_space<vmem>>
      %parallel_loop3A_2142 = arith.index_cast %parallel_loop3A_2077 : i32 to index
      %parallel_loop3A_2143 = arith.constant 64 : index
      %parallel_loop3A_2144 = tpu.vector_load %parallel_loop3A_2141[%parallel_loop3A_2142, %parallel_loop3A_2143] {strides = array<i32>} : memref<64x128xf32, #tpu.memory_space<vmem>>, vector<16xf32>,
      %parallel_loop3A_2145 = arith.constant 0 : i32
      %parallel_loop3A_2146 = arith.constant 0 : i32
      %parallel_loop3A_2147 = tpu.memref_slice %arg10[%parallel_loop3A_1193, %parallel_loop3A_2145, %parallel_loop3A_2146] : memref<7x64x128xf32, #tpu.memory_space<vmem>> -> memref<1x64x128xf32, #tpu.memory_space<vmem>>
      %parallel_loop3A_2148 = tpu.memref_squeeze %parallel_loop3A_2147 : memref<1x64x128xf32, #tpu.memory_space<vmem>> -> memref<64x128xf32, #tpu.memory_space<vmem>>
      %parallel_loop3A_2149 = arith.index_cast %parallel_loop3A_2077 : i32 to index
      %parallel_loop3A_2150 = arith.constant 64 : index
      %parallel_loop3A_2151 = tpu.vector_load %parallel_loop3A_2148[%parallel_loop3A_2149, %parallel_loop3A_2150] {strides = array<i32>} : memref<64x128xf32, #tpu.memory_space<vmem>>, vector<16xf32>,
      %parallel_loop3A_2152 = arith.mulf %parallel_loop3A_2144, %parallel_loop3A_2151 : vector<16xf32>
      %parallel_loop3A_2153 = arith.constant 0 : i32
      %parallel_loop3A_2154 = arith.constant 0 : i32
      %parallel_loop3A_2155 = tpu.memref_slice %arg9[%parallel_loop3A_1192, %parallel_loop3A_2153, %parallel_loop3A_2154] : memref<7x64x128xf32, #tpu.memory_space<vmem>> -> memref<1x64x128xf32, #tpu.memory_space<vmem>>
      %parallel_loop3A_2156 = tpu.memref_squeeze %parallel_loop3A_2155 : memref<1x64x128xf32, #tpu.memory_space<vmem>> -> memref<64x128xf32, #tpu.memory_space<vmem>>
      %parallel_loop3A_2157 = arith.index_cast %parallel_loop3A_2077 : i32 to index
      %parallel_loop3A_2158 = arith.constant 80 : index
      %parallel_loop3A_2159 = tpu.vector_load %parallel_loop3A_2156[%parallel_loop3A_2157, %parallel_loop3A_2158] {strides = array<i32>} : memref<64x128xf32, #tpu.memory_space<vmem>>, vector<16xf32>,
      %parallel_loop3A_2160 = arith.constant 0 : i32
      %parallel_loop3A_2161 = arith.constant 0 : i32
      %parallel_loop3A_2162 = tpu.memref_slice %arg10[%parallel_loop3A_1193, %parallel_loop3A_2160, %parallel_loop3A_2161] : memref<7x64x128xf32, #tpu.memory_space<vmem>> -> memref<1x64x128xf32, #tpu.memory_space<vmem>>
      %parallel_loop3A_2163 = tpu.memref_squeeze %parallel_loop3A_2162 : memref<1x64x128xf32, #tpu.memory_space<vmem>> -> memref<64x128xf32, #tpu.memory_space<vmem>>
      %parallel_loop3A_2164 = arith.index_cast %parallel_loop3A_2077 : i32 to index
      %parallel_loop3A_2165 = arith.constant 80 : index
      %parallel_loop3A_2166 = tpu.vector_load %parallel_loop3A_2163[%parallel_loop3A_2164, %parallel_loop3A_2165] {strides = array<i32>} : memref<64x128xf32, #tpu.memory_space<vmem>>, vector<16xf32>,
      %parallel_loop3A_2167 = arith.mulf %parallel_loop3A_2159, %parallel_loop3A_2166 : vector<16xf32>
      %parallel_loop3A_2168 = arith.constant 0 : i32
      %parallel_loop3A_2169 = arith.constant 0 : i32
      %parallel_loop3A_2170 = tpu.memref_slice %arg9[%parallel_loop3A_1192, %parallel_loop3A_2168, %parallel_loop3A_2169] : memref<7x64x128xf32, #tpu.memory_space<vmem>> -> memref<1x64x128xf32, #tpu.memory_space<vmem>>
      %parallel_loop3A_2171 = tpu.memref_squeeze %parallel_loop3A_2170 : memref<1x64x128xf32, #tpu.memory_space<vmem>> -> memref<64x128xf32, #tpu.memory_space<vmem>>
      %parallel_loop3A_2172 = arith.index_cast %parallel_loop3A_2077 : i32 to index
      %parallel_loop3A_2173 = arith.constant 96 : index
      %parallel_loop3A_2174 = tpu.vector_load %parallel_loop3A_2171[%parallel_loop3A_2172, %parallel_loop3A_2173] {strides = array<i32>} : memref<64x128xf32, #tpu.memory_space<vmem>>, vector<16xf32>,
      %parallel_loop3A_2175 = arith.constant 0 : i32
      %parallel_loop3A_2176 = arith.constant 0 : i32
      %parallel_loop3A_2177 = tpu.memref_slice %arg10[%parallel_loop3A_1193, %parallel_loop3A_2175, %parallel_loop3A_2176] : memref<7x64x128xf32, #tpu.memory_space<vmem>> -> memref<1x64x128xf32, #tpu.memory_space<vmem>>
      %parallel_loop3A_2178 = tpu.memref_squeeze %parallel_loop3A_2177 : memref<1x64x128xf32, #tpu.memory_space<vmem>> -> memref<64x128xf32, #tpu.memory_space<vmem>>
      %parallel_loop3A_2179 = arith.index_cast %parallel_loop3A_2077 : i32 to index
      %parallel_loop3A_2180 = arith.constant 96 : index
      %parallel_loop3A_2181 = tpu.vector_load %parallel_loop3A_2178[%parallel_loop3A_2179, %parallel_loop3A_2180] {strides = array<i32>} : memref<64x128xf32, #tpu.memory_space<vmem>>, vector<16xf32>,
      %parallel_loop3A_2182 = arith.mulf %parallel_loop3A_2174, %parallel_loop3A_2181 : vector<16xf32>
      %parallel_loop3A_2183 = arith.constant 0 : i32
      %parallel_loop3A_2184 = arith.constant 0 : i32
      %parallel_loop3A_2185 = tpu.memref_slice %arg9[%parallel_loop3A_1192, %parallel_loop3A_2183, %parallel_loop3A_2184] : memref<7x64x128xf32, #tpu.memory_space<vmem>> -> memref<1x64x128xf32, #tpu.memory_space<vmem>>
      %parallel_loop3A_2186 = tpu.memref_squeeze %parallel_loop3A_2185 : memref<1x64x128xf32, #tpu.memory_space<vmem>> -> memref<64x128xf32, #tpu.memory_space<vmem>>
      %parallel_loop3A_2187 = arith.index_cast %parallel_loop3A_2077 : i32 to index
      %parallel_loop3A_2188 = arith.constant 112 : index
      %parallel_loop3A_2189 = tpu.vector_load %parallel_loop3A_2186[%parallel_loop3A_2187, %parallel_loop3A_2188] {strides = array<i32>} : memref<64x128xf32, #tpu.memory_space<vmem>>, vector<16xf32>,
      %parallel_loop3A_2190 = arith.constant 0 : i32
      %parallel_loop3A_2191 = arith.constant 0 : i32
      %parallel_loop3A_2192 = tpu.memref_slice %arg10[%parallel_loop3A_1193, %parallel_loop3A_2190, %parallel_loop3A_2191] : memref<7x64x128xf32, #tpu.memory_space<vmem>> -> memref<1x64x128xf32, #tpu.memory_space<vmem>>
      %parallel_loop3A_2193 = tpu.memref_squeeze %parallel_loop3A_2192 : memref<1x64x128xf32, #tpu.memory_space<vmem>> -> memref<64x128xf32, #tpu.memory_space<vmem>>
      %parallel_loop3A_2194 = arith.index_cast %parallel_loop3A_2077 : i32 to index
      %parallel_loop3A_2195 = arith.constant 112 : index
      %parallel_loop3A_2196 = tpu.vector_load %parallel_loop3A_2193[%parallel_loop3A_2194, %parallel_loop3A_2195] {strides = array<i32>} : memref<64x128xf32, #tpu.memory_space<vmem>>, vector<16xf32>,
      %parallel_loop3A_2197 = arith.mulf %parallel_loop3A_2189, %parallel_loop3A_2196 : vector<16xf32>
      %parallel_loop3A_2198 = arith.addf %parallel_loop3A_2092, %parallel_loop3A_2107 : vector<16xf32>
      %parallel_loop3A_2199 = arith.addf %parallel_loop3A_2122, %parallel_loop3A_2137 : vector<16xf32>
      %parallel_loop3A_2200 = arith.addf %parallel_loop3A_2152, %parallel_loop3A_2167 : vector<16xf32>
      %parallel_loop3A_2201 = arith.addf %parallel_loop3A_2182, %parallel_loop3A_2197 : vector<16xf32>
      %parallel_loop3A_2202 = arith.addf %parallel_loop3A_2198, %parallel_loop3A_2199 : vector<16xf32>
      %parallel_loop3A_2203 = arith.addf %parallel_loop3A_2200, %parallel_loop3A_2201 : vector<16xf32>
      %parallel_loop3A_2204 = arith.addf %parallel_loop3A_2202, %parallel_loop3A_2203 : vector<16xf32>
      %parallel_loop3A_2205 = vector.broadcast %parallel_loop3A_2077 : i32 to vector<16xi32>
      %parallel_loop3A_2206 = arith.addi %mul3A_23, %parallel_loop3A_2205 : vector<16xi32>
      tpu.vector_store_idx %arg11[%parallel_loop3A_2206], %parallel_loop3A_2204 : memref<1040xf32, #tpu.memory_space<vmem>>[vector<16xi32>], vector<16xf32>,
    } {sc.loop_unroll_factor = 1 : i64, sc.parallel_access}
    %get3A_1194 = arith.constant 0 : index
    %get3A_1195 = tpu.vector_load %arg11[%get3A_1194] {strides = array<i32>} : memref<1040xf32, #tpu.memory_space<vmem>>, vector<16xf32>,
    %get3A_1196 = arith.constant 65 : index
    %get3A_1197 = tpu.vector_load %arg11[%get3A_1196] {strides = array<i32>} : memref<1040xf32, #tpu.memory_space<vmem>>, vector<16xf32>,
    %add3A_1198 = arith.addf %get3A_1195, %get3A_1197 : vector<16xf32>
    %get3A_1199 = arith.constant 130 : index
    %get3A_1200 = tpu.vector_load %arg11[%get3A_1199] {strides = array<i32>} : memref<1040xf32, #tpu.memory_space<vmem>>, vector<16xf32>,
    %add3A_1201 = arith.addf %add3A_1198, %get3A_1200 : vector<16xf32>
    %get3A_1202 = arith.constant 195 : index
    %get3A_1203 = tpu.vector_load %arg11[%get3A_1202] {strides = array<i32>} : memref<1040xf32, #tpu.memory_space<vmem>>, vector<16xf32>,
    %add3A_1204 = arith.addf %add3A_1201, %get3A_1203 : vector<16xf32>
    %get3A_1205 = arith.constant 260 : index
    %get3A_1206 = tpu.vector_load %arg11[%get3A_1205] {strides = array<i32>} : memref<1040xf32, #tpu.memory_space<vmem>>, vector<16xf32>,
    %add3A_1207 = arith.addf %add3A_1204, %get3A_1206 : vector<16xf32>
    %get3A_1208 = arith.constant 325 : index
    %get3A_1209 = tpu.vector_load %arg11[%get3A_1208] {strides = array<i32>} : memref<1040xf32, #tpu.memory_space<vmem>>, vector<16xf32>,
    %add3A_1210 = arith.addf %add3A_1207, %get3A_1209 : vector<16xf32>
    %get3A_1211 = arith.constant 390 : index
    %get3A_1212 = tpu.vector_load %arg11[%get3A_1211] {strides = array<i32>} : memref<1040xf32, #tpu.memory_space<vmem>>, vector<16xf32>,
    %add3A_1213 = arith.addf %add3A_1210, %get3A_1212 : vector<16xf32>
    %get3A_1214 = arith.constant 455 : index
    %get3A_1215 = tpu.vector_load %arg11[%get3A_1214] {strides = array<i32>} : memref<1040xf32, #tpu.memory_space<vmem>>, vector<16xf32>,
    %add3A_1216 = arith.addf %add3A_1213, %get3A_1215 : vector<16xf32>
    %get3A_1217 = arith.constant 520 : index
    %get3A_1218 = tpu.vector_load %arg11[%get3A_1217] {strides = array<i32>} : memref<1040xf32, #tpu.memory_space<vmem>>, vector<16xf32>,
    %add3A_1219 = arith.addf %add3A_1216, %get3A_1218 : vector<16xf32>
    %get3A_1220 = arith.constant 585 : index
    %get3A_1221 = tpu.vector_load %arg11[%get3A_1220] {strides = array<i32>} : memref<1040xf32, #tpu.memory_space<vmem>>, vector<16xf32>,
    %add3A_1222 = arith.addf %add3A_1219, %get3A_1221 : vector<16xf32>
    %get3A_1223 = arith.constant 650 : index
    %get3A_1224 = tpu.vector_load %arg11[%get3A_1223] {strides = array<i32>} : memref<1040xf32, #tpu.memory_space<vmem>>, vector<16xf32>,
    %add3A_1225 = arith.addf %add3A_1222, %get3A_1224 : vector<16xf32>
    %get3A_1226 = arith.constant 715 : index
    %get3A_1227 = tpu.vector_load %arg11[%get3A_1226] {strides = array<i32>} : memref<1040xf32, #tpu.memory_space<vmem>>, vector<16xf32>,
    %add3A_1228 = arith.addf %add3A_1225, %get3A_1227 : vector<16xf32>
    %get3A_1229 = arith.constant 780 : index
    %get3A_1230 = tpu.vector_load %arg11[%get3A_1229] {strides = array<i32>} : memref<1040xf32, #tpu.memory_space<vmem>>, vector<16xf32>,
    %add3A_1231 = arith.addf %add3A_1228, %get3A_1230 : vector<16xf32>
    %get3A_1232 = arith.constant 845 : index
    %get3A_1233 = tpu.vector_load %arg11[%get3A_1232] {strides = array<i32>} : memref<1040xf32, #tpu.memory_space<vmem>>, vector<16xf32>,
    %add3A_1234 = arith.addf %add3A_1231, %get3A_1233 : vector<16xf32>
    %get3A_1235 = arith.constant 910 : index
    %get3A_1236 = tpu.vector_load %arg11[%get3A_1235] {strides = array<i32>} : memref<1040xf32, #tpu.memory_space<vmem>>, vector<16xf32>,
    %add3A_1237 = arith.addf %add3A_1234, %get3A_1236 : vector<16xf32>
    %get3A_1238 = arith.constant 975 : index
    %get3A_1239 = tpu.vector_load %arg11[%get3A_1238] {strides = array<i32>} : memref<1040xf32, #tpu.memory_space<vmem>>, vector<16xf32>,
    %add3A_1240 = arith.addf %add3A_1237, %get3A_1239 : vector<16xf32>
    %swap3A_1241 = arith.constant 256 : index
    %swap3A_1242 = tpu.vector_load %arg12[%swap3A_1241] {strides = array<i32>} : memref<512xf32, #tpu.memory_space<vmem>>, vector<16xf32>,
    tpu.vector_store %arg12[%swap3A_1241], %add3A_1240 {strides = array<i32>} : memref<512xf32, #tpu.memory_space<vmem>>, vector<16xf32>,
    %get3A_1243 = arith.constant 16 : index
    %get3A_1244 = tpu.vector_load %arg11[%get3A_1243] {strides = array<i32>} : memref<1040xf32, #tpu.memory_space<vmem>>, vector<16xf32>,
    %get3A_1245 = arith.constant 81 : index
    %get3A_1246 = tpu.vector_load %arg11[%get3A_1245] {strides = array<i32>} : memref<1040xf32, #tpu.memory_space<vmem>>, vector<16xf32>,
    %add3A_1247 = arith.addf %get3A_1244, %get3A_1246 : vector<16xf32>
    %get3A_1248 = arith.constant 146 : index
    %get3A_1249 = tpu.vector_load %arg11[%get3A_1248] {strides = array<i32>} : memref<1040xf32, #tpu.memory_space<vmem>>, vector<16xf32>,
    %add3A_1250 = arith.addf %add3A_1247, %get3A_1249 : vector<16xf32>
    %get3A_1251 = arith.constant 211 : index
    %get3A_1252 = tpu.vector_load %arg11[%get3A_1251] {strides = array<i32>} : memref<1040xf32, #tpu.memory_space<vmem>>, vector<16xf32>,
    %add3A_1253 = arith.addf %add3A_1250, %get3A_1252 : vector<16xf32>
    %get3A_1254 = arith.constant 276 : index
    %get3A_1255 = tpu.vector_load %arg11[%get3A_1254] {strides = array<i32>} : memref<1040xf32, #tpu.memory_space<vmem>>, vector<16xf32>,
    %add3A_1256 = arith.addf %add3A_1253, %get3A_1255 : vector<16xf32>
    %get3A_1257 = arith.constant 341 : index
    %get3A_1258 = tpu.vector_load %arg11[%get3A_1257] {strides = array<i32>} : memref<1040xf32, #tpu.memory_space<vmem>>, vector<16xf32>,
    %add3A_1259 = arith.addf %add3A_1256, %get3A_1258 : vector<16xf32>
    %get3A_1260 = arith.constant 406 : index
    %get3A_1261 = tpu.vector_load %arg11[%get3A_1260] {strides = array<i32>} : memref<1040xf32, #tpu.memory_space<vmem>>, vector<16xf32>,
    %add3A_1262 = arith.addf %add3A_1259, %get3A_1261 : vector<16xf32>
    %get3A_1263 = arith.constant 471 : index
    %get3A_1264 = tpu.vector_load %arg11[%get3A_1263] {strides = array<i32>} : memref<1040xf32, #tpu.memory_space<vmem>>, vector<16xf32>,
    %add3A_1265 = arith.addf %add3A_1262, %get3A_1264 : vector<16xf32>
    %get3A_1266 = arith.constant 536 : index
    %get3A_1267 = tpu.vector_load %arg11[%get3A_1266] {strides = array<i32>} : memref<1040xf32, #tpu.memory_space<vmem>>, vector<16xf32>,
    %add3A_1268 = arith.addf %add3A_1265, %get3A_1267 : vector<16xf32>
    %get3A_1269 = arith.constant 601 : index
    %get3A_1270 = tpu.vector_load %arg11[%get3A_1269] {strides = array<i32>} : memref<1040xf32, #tpu.memory_space<vmem>>, vector<16xf32>,
    %add3A_1271 = arith.addf %add3A_1268, %get3A_1270 : vector<16xf32>
    %get3A_1272 = arith.constant 666 : index
    %get3A_1273 = tpu.vector_load %arg11[%get3A_1272] {strides = array<i32>} : memref<1040xf32, #tpu.memory_space<vmem>>, vector<16xf32>,
    %add3A_1274 = arith.addf %add3A_1271, %get3A_1273 : vector<16xf32>
    %get3A_1275 = arith.constant 731 : index
    %get3A_1276 = tpu.vector_load %arg11[%get3A_1275] {strides = array<i32>} : memref<1040xf32, #tpu.memory_space<vmem>>, vector<16xf32>,
    %add3A_1277 = arith.addf %add3A_1274, %get3A_1276 : vector<16xf32>
    %get3A_1278 = arith.constant 796 : index
    %get3A_1279 = tpu.vector_load %arg11[%get3A_1278] {strides = array<i32>} : memref<1040xf32, #tpu.memory_space<vmem>>, vector<16xf32>,
    %add3A_1280 = arith.addf %add3A_1277, %get3A_1279 : vector<16xf32>
    %get3A_1281 = arith.constant 861 : index
    %get3A_1282 = tpu.vector_load %arg11[%get3A_1281] {strides = array<i32>} : memref<1040xf32, #tpu.memory_space<vmem>>, vector<16xf32>,
    %add3A_1283 = arith.addf %add3A_1280, %get3A_1282 : vector<16xf32>
    %get3A_1284 = arith.constant 926 : index
    %get3A_1285 = tpu.vector_load %arg11[%get3A_1284] {strides = array<i32>} : memref<1040xf32, #tpu.memory_space<vmem>>, vector<16xf32>,
    %add3A_1286 = arith.addf %add3A_1283, %get3A_1285 : vector<16xf32>
    %get3A_1287 = arith.constant 991 : index
    %get3A_1288 = tpu.vector_load %arg11[%get3A_1287] {strides = array<i32>} : memref<1040xf32, #tpu.memory_space<vmem>>, vector<16xf32>,
    %add3A_1289 = arith.addf %add3A_1286, %get3A_1288 : vector<16xf32>
    %swap3A_1290 = arith.constant 272 : index
    %swap3A_1291 = tpu.vector_load %arg12[%swap3A_1290] {strides = array<i32>} : memref<512xf32, #tpu.memory_space<vmem>>, vector<16xf32>,
    tpu.vector_store %arg12[%swap3A_1290], %add3A_1289 {strides = array<i32>} : memref<512xf32, #tpu.memory_space<vmem>>, vector<16xf32>,
    %get3A_1292 = arith.constant 32 : index
    %get3A_1293 = tpu.vector_load %arg11[%get3A_1292] {strides = array<i32>} : memref<1040xf32, #tpu.memory_space<vmem>>, vector<16xf32>,
    %get3A_1294 = arith.constant 97 : index
    %get3A_1295 = tpu.vector_load %arg11[%get3A_1294] {strides = array<i32>} : memref<1040xf32, #tpu.memory_space<vmem>>, vector<16xf32>,
    %add3A_1296 = arith.addf %get3A_1293, %get3A_1295 : vector<16xf32>
    %get3A_1297 = arith.constant 162 : index
    %get3A_1298 = tpu.vector_load %arg11[%get3A_1297] {strides = array<i32>} : memref<1040xf32, #tpu.memory_space<vmem>>, vector<16xf32>,
    %add3A_1299 = arith.addf %add3A_1296, %get3A_1298 : vector<16xf32>
    %get3A_1300 = arith.constant 227 : index
    %get3A_1301 = tpu.vector_load %arg11[%get3A_1300] {strides = array<i32>} : memref<1040xf32, #tpu.memory_space<vmem>>, vector<16xf32>,
    %add3A_1302 = arith.addf %add3A_1299, %get3A_1301 : vector<16xf32>
    %get3A_1303 = arith.constant 292 : index
    %get3A_1304 = tpu.vector_load %arg11[%get3A_1303] {strides = array<i32>} : memref<1040xf32, #tpu.memory_space<vmem>>, vector<16xf32>,
    %add3A_1305 = arith.addf %add3A_1302, %get3A_1304 : vector<16xf32>
    %get3A_1306 = arith.constant 357 : index
    %get3A_1307 = tpu.vector_load %arg11[%get3A_1306] {strides = array<i32>} : memref<1040xf32, #tpu.memory_space<vmem>>, vector<16xf32>,
    %add3A_1308 = arith.addf %add3A_1305, %get3A_1307 : vector<16xf32>
    %get3A_1309 = arith.constant 422 : index
    %get3A_1310 = tpu.vector_load %arg11[%get3A_1309] {strides = array<i32>} : memref<1040xf32, #tpu.memory_space<vmem>>, vector<16xf32>,
    %add3A_1311 = arith.addf %add3A_1308, %get3A_1310 : vector<16xf32>
    %get3A_1312 = arith.constant 487 : index
    %get3A_1313 = tpu.vector_load %arg11[%get3A_1312] {strides = array<i32>} : memref<1040xf32, #tpu.memory_space<vmem>>, vector<16xf32>,
    %add3A_1314 = arith.addf %add3A_1311, %get3A_1313 : vector<16xf32>
    %get3A_1315 = arith.constant 552 : index
    %get3A_1316 = tpu.vector_load %arg11[%get3A_1315] {strides = array<i32>} : memref<1040xf32, #tpu.memory_space<vmem>>, vector<16xf32>,
    %add3A_1317 = arith.addf %add3A_1314, %get3A_1316 : vector<16xf32>
    %get3A_1318 = arith.constant 617 : index
    %get3A_1319 = tpu.vector_load %arg11[%get3A_1318] {strides = array<i32>} : memref<1040xf32, #tpu.memory_space<vmem>>, vector<16xf32>,
    %add3A_1320 = arith.addf %add3A_1317, %get3A_1319 : vector<16xf32>
    %get3A_1321 = arith.constant 682 : index
    %get3A_1322 = tpu.vector_load %arg11[%get3A_1321] {strides = array<i32>} : memref<1040xf32, #tpu.memory_space<vmem>>, vector<16xf32>,
    %add3A_1323 = arith.addf %add3A_1320, %get3A_1322 : vector<16xf32>
    %get3A_1324 = arith.constant 747 : index
    %get3A_1325 = tpu.vector_load %arg11[%get3A_1324] {strides = array<i32>} : memref<1040xf32, #tpu.memory_space<vmem>>, vector<16xf32>,
    %add3A_1326 = arith.addf %add3A_1323, %get3A_1325 : vector<16xf32>
    %get3A_1327 = arith.constant 812 : index
    %get3A_1328 = tpu.vector_load %arg11[%get3A_1327] {strides = array<i32>} : memref<1040xf32, #tpu.memory_space<vmem>>, vector<16xf32>,
    %add3A_1329 = arith.addf %add3A_1326, %get3A_1328 : vector<16xf32>
    %get3A_1330 = arith.constant 877 : index
    %get3A_1331 = tpu.vector_load %arg11[%get3A_1330] {strides = array<i32>} : memref<1040xf32, #tpu.memory_space<vmem>>, vector<16xf32>,
    %add3A_1332 = arith.addf %add3A_1329, %get3A_1331 : vector<16xf32>
    %get3A_1333 = arith.constant 942 : index
    %get3A_1334 = tpu.vector_load %arg11[%get3A_1333] {strides = array<i32>} : memref<1040xf32, #tpu.memory_space<vmem>>, vector<16xf32>,
    %add3A_1335 = arith.addf %add3A_1332, %get3A_1334 : vector<16xf32>
    %get3A_1336 = arith.constant 1007 : index
    %get3A_1337 = tpu.vector_load %arg11[%get3A_1336] {strides = array<i32>} : memref<1040xf32, #tpu.memory_space<vmem>>, vector<16xf32>,
    %add3A_1338 = arith.addf %add3A_1335, %get3A_1337 : vector<16xf32>
    %swap3A_1339 = arith.constant 288 : index
    %swap3A_1340 = tpu.vector_load %arg12[%swap3A_1339] {strides = array<i32>} : memref<512xf32, #tpu.memory_space<vmem>>, vector<16xf32>,
    tpu.vector_store %arg12[%swap3A_1339], %add3A_1338 {strides = array<i32>} : memref<512xf32, #tpu.memory_space<vmem>>, vector<16xf32>,
    %get3A_1341 = arith.constant 48 : index
    %get3A_1342 = tpu.vector_load %arg11[%get3A_1341] {strides = array<i32>} : memref<1040xf32, #tpu.memory_space<vmem>>, vector<16xf32>,
    %get3A_1343 = arith.constant 113 : index
    %get3A_1344 = tpu.vector_load %arg11[%get3A_1343] {strides = array<i32>} : memref<1040xf32, #tpu.memory_space<vmem>>, vector<16xf32>,
    %add3A_1345 = arith.addf %get3A_1342, %get3A_1344 : vector<16xf32>
    %get3A_1346 = arith.constant 178 : index
    %get3A_1347 = tpu.vector_load %arg11[%get3A_1346] {strides = array<i32>} : memref<1040xf32, #tpu.memory_space<vmem>>, vector<16xf32>,
    %add3A_1348 = arith.addf %add3A_1345, %get3A_1347 : vector<16xf32>
    %get3A_1349 = arith.constant 243 : index
    %get3A_1350 = tpu.vector_load %arg11[%get3A_1349] {strides = array<i32>} : memref<1040xf32, #tpu.memory_space<vmem>>, vector<16xf32>,
    %add3A_1351 = arith.addf %add3A_1348, %get3A_1350 : vector<16xf32>
    %get3A_1352 = arith.constant 308 : index
    %get3A_1353 = tpu.vector_load %arg11[%get3A_1352] {strides = array<i32>} : memref<1040xf32, #tpu.memory_space<vmem>>, vector<16xf32>,
    %add3A_1354 = arith.addf %add3A_1351, %get3A_1353 : vector<16xf32>
    %get3A_1355 = arith.constant 373 : index
    %get3A_1356 = tpu.vector_load %arg11[%get3A_1355] {strides = array<i32>} : memref<1040xf32, #tpu.memory_space<vmem>>, vector<16xf32>,
    %add3A_1357 = arith.addf %add3A_1354, %get3A_1356 : vector<16xf32>
    %get3A_1358 = arith.constant 438 : index
    %get3A_1359 = tpu.vector_load %arg11[%get3A_1358] {strides = array<i32>} : memref<1040xf32, #tpu.memory_space<vmem>>, vector<16xf32>,
    %add3A_1360 = arith.addf %add3A_1357, %get3A_1359 : vector<16xf32>
    %get3A_1361 = arith.constant 503 : index
    %get3A_1362 = tpu.vector_load %arg11[%get3A_1361] {strides = array<i32>} : memref<1040xf32, #tpu.memory_space<vmem>>, vector<16xf32>,
    %add3A_1363 = arith.addf %add3A_1360, %get3A_1362 : vector<16xf32>
    %get3A_1364 = arith.constant 568 : index
    %get3A_1365 = tpu.vector_load %arg11[%get3A_1364] {strides = array<i32>} : memref<1040xf32, #tpu.memory_space<vmem>>, vector<16xf32>,
    %add3A_1366 = arith.addf %add3A_1363, %get3A_1365 : vector<16xf32>
    %get3A_1367 = arith.constant 633 : index
    %get3A_1368 = tpu.vector_load %arg11[%get3A_1367] {strides = array<i32>} : memref<1040xf32, #tpu.memory_space<vmem>>, vector<16xf32>,
    %add3A_1369 = arith.addf %add3A_1366, %get3A_1368 : vector<16xf32>
    %get3A_1370 = arith.constant 698 : index
    %get3A_1371 = tpu.vector_load %arg11[%get3A_1370] {strides = array<i32>} : memref<1040xf32, #tpu.memory_space<vmem>>, vector<16xf32>,
    %add3A_1372 = arith.addf %add3A_1369, %get3A_1371 : vector<16xf32>
    %get3A_1373 = arith.constant 763 : index
    %get3A_1374 = tpu.vector_load %arg11[%get3A_1373] {strides = array<i32>} : memref<1040xf32, #tpu.memory_space<vmem>>, vector<16xf32>,
    %add3A_1375 = arith.addf %add3A_1372, %get3A_1374 : vector<16xf32>
    %get3A_1376 = arith.constant 828 : index
    %get3A_1377 = tpu.vector_load %arg11[%get3A_1376] {strides = array<i32>} : memref<1040xf32, #tpu.memory_space<vmem>>, vector<16xf32>,
    %add3A_1378 = arith.addf %add3A_1375, %get3A_1377 : vector<16xf32>
    %get3A_1379 = arith.constant 893 : index
    %get3A_1380 = tpu.vector_load %arg11[%get3A_1379] {strides = array<i32>} : memref<1040xf32, #tpu.memory_space<vmem>>, vector<16xf32>,
    %add3A_1381 = arith.addf %add3A_1378, %get3A_1380 : vector<16xf32>
    %get3A_1382 = arith.constant 958 : index
    %get3A_1383 = tpu.vector_load %arg11[%get3A_1382] {strides = array<i32>} : memref<1040xf32, #tpu.memory_space<vmem>>, vector<16xf32>,
    %add3A_1384 = arith.addf %add3A_1381, %get3A_1383 : vector<16xf32>
    %get3A_1385 = arith.constant 1023 : index
    %get3A_1386 = tpu.vector_load %arg11[%get3A_1385] {strides = array<i32>} : memref<1040xf32, #tpu.memory_space<vmem>>, vector<16xf32>,
    %add3A_1387 = arith.addf %add3A_1384, %get3A_1386 : vector<16xf32>
    %swap3A_1388 = arith.constant 304 : index
    %swap3A_1389 = tpu.vector_load %arg12[%swap3A_1388] {strides = array<i32>} : memref<512xf32, #tpu.memory_space<vmem>>, vector<16xf32>,
    tpu.vector_store %arg12[%swap3A_1388], %add3A_1387 {strides = array<i32>} : memref<512xf32, #tpu.memory_space<vmem>>, vector<16xf32>,
    %dma_wait3A_1390 = arith.constant 5 : i32
    %dma_wait3A_1391 = arith.constant 5 : i32
    %dma_wait3A_1392 = arith.constant 0 : i32
    %dma_wait3A_1393 = arith.constant 0 : i32
    %dma_wait3A_1394 = arith.constant 0 : i32
    %dma_wait3A_1395 = tpu.memref_slice %arg9[%dma_wait3A_1390, %dma_wait3A_1393, %dma_wait3A_1394] : memref<7x64x128xf32, #tpu.memory_space<vmem>> -> memref<1x64x128xf32, #tpu.memory_space<vmem>>
    %dma_wait3A_1396 = tpu.memref_squeeze %dma_wait3A_1395 : memref<1x64x128xf32, #tpu.memory_space<vmem>> -> memref<64x128xf32, #tpu.memory_space<vmem>>
    %dma_wait3A_1397 = arith.constant 320 : i32
    %dma_wait3A_1398 = tpu.memref_slice %arg7[%dma_wait3A_1397] : memref<512xi32, #tpu.memory_space<vmem>> -> memref<64xi32, #tpu.memory_space<vmem>>
    %dma_wait3A_1399 = arith.constant 0 : i32
    %dma_wait3A_1400 = arith.constant 0 : i32
    %dma_wait3A_1401 = tpu.memref_slice %arg4[%dma_wait3A_1399, %dma_wait3A_1400] : memref<100000x128xf32, #tpu.memory_space<hbm>> -> memref<100000x128xf32, #tpu.memory_space<hbm>>
    %dma_wait3A_1402 = tpu.memref_slice %arg13[%dma_wait3A_1391, %dma_wait3A_1392] : memref<7x2x!tpu.dma_semaphore, #tpu.memory_space<semaphore_mem>> -> memref<1x1x!tpu.dma_semaphore, #tpu.memory_space<semaphore_mem>>
    %dma_wait3A_1403 = tpu.memref_squeeze %dma_wait3A_1402 : memref<1x1x!tpu.dma_semaphore, #tpu.memory_space<semaphore_mem>> -> memref<!tpu.dma_semaphore, #tpu.memory_space<semaphore_mem>>
    tpu.wait_indirect_dma semaphore(%dma_wait3A_1403 : memref<!tpu.dma_semaphore, #tpu.memory_space<semaphore_mem>>) src(%dma_wait3A_1401 : memref<100000x128xf32, #tpu.memory_space<hbm>>) dst(%dma_wait3A_1396 : memref<64x128xf32, #tpu.memory_space<vmem>>)
    %dma_wait3A_1404 = arith.constant 5 : i32
    %dma_wait3A_1405 = arith.constant 5 : i32
    %dma_wait3A_1406 = arith.constant 1 : i32
    %dma_wait3A_1407 = arith.constant 0 : i32
    %dma_wait3A_1408 = arith.constant 0 : i32
    %dma_wait3A_1409 = tpu.memref_slice %arg10[%dma_wait3A_1404, %dma_wait3A_1407, %dma_wait3A_1408] : memref<7x64x128xf32, #tpu.memory_space<vmem>> -> memref<1x64x128xf32, #tpu.memory_space<vmem>>
    %dma_wait3A_1410 = tpu.memref_squeeze %dma_wait3A_1409 : memref<1x64x128xf32, #tpu.memory_space<vmem>> -> memref<64x128xf32, #tpu.memory_space<vmem>>
    %dma_wait3A_1411 = arith.constant 320 : i32
    %dma_wait3A_1412 = tpu.memref_slice %arg8[%dma_wait3A_1411] : memref<512xi32, #tpu.memory_space<vmem>> -> memref<64xi32, #tpu.memory_space<vmem>>
    %dma_wait3A_1413 = arith.constant 0 : i32
    %dma_wait3A_1414 = arith.constant 0 : i32
    %dma_wait3A_1415 = tpu.memref_slice %arg5[%dma_wait3A_1413, %dma_wait3A_1414] : memref<1000000x128xf32, #tpu.memory_space<hbm>> -> memref<1000000x128xf32, #tpu.memory_space<hbm>>
    %dma_wait3A_1416 = tpu.memref_slice %arg13[%dma_wait3A_1405, %dma_wait3A_1406] : memref<7x2x!tpu.dma_semaphore, #tpu.memory_space<semaphore_mem>> -> memref<1x1x!tpu.dma_semaphore, #tpu.memory_space<semaphore_mem>>
    %dma_wait3A_1417 = tpu.memref_squeeze %dma_wait3A_1416 : memref<1x1x!tpu.dma_semaphore, #tpu.memory_space<semaphore_mem>> -> memref<!tpu.dma_semaphore, #tpu.memory_space<semaphore_mem>>
    tpu.wait_indirect_dma semaphore(%dma_wait3A_1417 : memref<!tpu.dma_semaphore, #tpu.memory_space<semaphore_mem>>) src(%dma_wait3A_1415 : memref<1000000x128xf32, #tpu.memory_space<hbm>>) dst(%dma_wait3A_1410 : memref<64x128xf32, #tpu.memory_space<vmem>>)
    %parallel_loop3A_1418 = arith.constant 0 : i32
    %parallel_loop3A_1419 = arith.constant 64 : i32
    %parallel_loop3A_1420 = arith.constant 1 : i32
    %parallel_loop3A_1421 = arith.constant 5 : i32
    %parallel_loop3A_1422 = arith.constant 5 : i32
    scf.for %parallel_loop3A_2077 = %parallel_loop3A_1418 to %parallel_loop3A_1419 step %parallel_loop3A_1420  : i32 {
      %parallel_loop3A_2078 = arith.constant 0 : i32
      %parallel_loop3A_2079 = arith.constant 0 : i32
      %parallel_loop3A_2080 = tpu.memref_slice %arg9[%parallel_loop3A_1421, %parallel_loop3A_2078, %parallel_loop3A_2079] : memref<7x64x128xf32, #tpu.memory_space<vmem>> -> memref<1x64x128xf32, #tpu.memory_space<vmem>>
      %parallel_loop3A_2081 = tpu.memref_squeeze %parallel_loop3A_2080 : memref<1x64x128xf32, #tpu.memory_space<vmem>> -> memref<64x128xf32, #tpu.memory_space<vmem>>
      %parallel_loop3A_2082 = arith.index_cast %parallel_loop3A_2077 : i32 to index
      %parallel_loop3A_2083 = arith.constant 0 : index
      %parallel_loop3A_2084 = tpu.vector_load %parallel_loop3A_2081[%parallel_loop3A_2082, %parallel_loop3A_2083] {strides = array<i32>} : memref<64x128xf32, #tpu.memory_space<vmem>>, vector<16xf32>,
      %parallel_loop3A_2085 = arith.constant 0 : i32
      %parallel_loop3A_2086 = arith.constant 0 : i32
      %parallel_loop3A_2087 = tpu.memref_slice %arg10[%parallel_loop3A_1422, %parallel_loop3A_2085, %parallel_loop3A_2086] : memref<7x64x128xf32, #tpu.memory_space<vmem>> -> memref<1x64x128xf32, #tpu.memory_space<vmem>>
      %parallel_loop3A_2088 = tpu.memref_squeeze %parallel_loop3A_2087 : memref<1x64x128xf32, #tpu.memory_space<vmem>> -> memref<64x128xf32, #tpu.memory_space<vmem>>
      %parallel_loop3A_2089 = arith.index_cast %parallel_loop3A_2077 : i32 to index
      %parallel_loop3A_2090 = arith.constant 0 : index
      %parallel_loop3A_2091 = tpu.vector_load %parallel_loop3A_2088[%parallel_loop3A_2089, %parallel_loop3A_2090] {strides = array<i32>} : memref<64x128xf32, #tpu.memory_space<vmem>>, vector<16xf32>,
      %parallel_loop3A_2092 = arith.mulf %parallel_loop3A_2084, %parallel_loop3A_2091 : vector<16xf32>
      %parallel_loop3A_2093 = arith.constant 0 : i32
      %parallel_loop3A_2094 = arith.constant 0 : i32
      %parallel_loop3A_2095 = tpu.memref_slice %arg9[%parallel_loop3A_1421, %parallel_loop3A_2093, %parallel_loop3A_2094] : memref<7x64x128xf32, #tpu.memory_space<vmem>> -> memref<1x64x128xf32, #tpu.memory_space<vmem>>
      %parallel_loop3A_2096 = tpu.memref_squeeze %parallel_loop3A_2095 : memref<1x64x128xf32, #tpu.memory_space<vmem>> -> memref<64x128xf32, #tpu.memory_space<vmem>>
      %parallel_loop3A_2097 = arith.index_cast %parallel_loop3A_2077 : i32 to index
      %parallel_loop3A_2098 = arith.constant 16 : index
      %parallel_loop3A_2099 = tpu.vector_load %parallel_loop3A_2096[%parallel_loop3A_2097, %parallel_loop3A_2098] {strides = array<i32>} : memref<64x128xf32, #tpu.memory_space<vmem>>, vector<16xf32>,
      %parallel_loop3A_2100 = arith.constant 0 : i32
      %parallel_loop3A_2101 = arith.constant 0 : i32
      %parallel_loop3A_2102 = tpu.memref_slice %arg10[%parallel_loop3A_1422, %parallel_loop3A_2100, %parallel_loop3A_2101] : memref<7x64x128xf32, #tpu.memory_space<vmem>> -> memref<1x64x128xf32, #tpu.memory_space<vmem>>
      %parallel_loop3A_2103 = tpu.memref_squeeze %parallel_loop3A_2102 : memref<1x64x128xf32, #tpu.memory_space<vmem>> -> memref<64x128xf32, #tpu.memory_space<vmem>>
      %parallel_loop3A_2104 = arith.index_cast %parallel_loop3A_2077 : i32 to index
      %parallel_loop3A_2105 = arith.constant 16 : index
      %parallel_loop3A_2106 = tpu.vector_load %parallel_loop3A_2103[%parallel_loop3A_2104, %parallel_loop3A_2105] {strides = array<i32>} : memref<64x128xf32, #tpu.memory_space<vmem>>, vector<16xf32>,
      %parallel_loop3A_2107 = arith.mulf %parallel_loop3A_2099, %parallel_loop3A_2106 : vector<16xf32>
      %parallel_loop3A_2108 = arith.constant 0 : i32
      %parallel_loop3A_2109 = arith.constant 0 : i32
      %parallel_loop3A_2110 = tpu.memref_slice %arg9[%parallel_loop3A_1421, %parallel_loop3A_2108, %parallel_loop3A_2109] : memref<7x64x128xf32, #tpu.memory_space<vmem>> -> memref<1x64x128xf32, #tpu.memory_space<vmem>>
      %parallel_loop3A_2111 = tpu.memref_squeeze %parallel_loop3A_2110 : memref<1x64x128xf32, #tpu.memory_space<vmem>> -> memref<64x128xf32, #tpu.memory_space<vmem>>
      %parallel_loop3A_2112 = arith.index_cast %parallel_loop3A_2077 : i32 to index
      %parallel_loop3A_2113 = arith.constant 32 : index
      %parallel_loop3A_2114 = tpu.vector_load %parallel_loop3A_2111[%parallel_loop3A_2112, %parallel_loop3A_2113] {strides = array<i32>} : memref<64x128xf32, #tpu.memory_space<vmem>>, vector<16xf32>,
      %parallel_loop3A_2115 = arith.constant 0 : i32
      %parallel_loop3A_2116 = arith.constant 0 : i32
      %parallel_loop3A_2117 = tpu.memref_slice %arg10[%parallel_loop3A_1422, %parallel_loop3A_2115, %parallel_loop3A_2116] : memref<7x64x128xf32, #tpu.memory_space<vmem>> -> memref<1x64x128xf32, #tpu.memory_space<vmem>>
      %parallel_loop3A_2118 = tpu.memref_squeeze %parallel_loop3A_2117 : memref<1x64x128xf32, #tpu.memory_space<vmem>> -> memref<64x128xf32, #tpu.memory_space<vmem>>
      %parallel_loop3A_2119 = arith.index_cast %parallel_loop3A_2077 : i32 to index
      %parallel_loop3A_2120 = arith.constant 32 : index
      %parallel_loop3A_2121 = tpu.vector_load %parallel_loop3A_2118[%parallel_loop3A_2119, %parallel_loop3A_2120] {strides = array<i32>} : memref<64x128xf32, #tpu.memory_space<vmem>>, vector<16xf32>,
      %parallel_loop3A_2122 = arith.mulf %parallel_loop3A_2114, %parallel_loop3A_2121 : vector<16xf32>
      %parallel_loop3A_2123 = arith.constant 0 : i32
      %parallel_loop3A_2124 = arith.constant 0 : i32
      %parallel_loop3A_2125 = tpu.memref_slice %arg9[%parallel_loop3A_1421, %parallel_loop3A_2123, %parallel_loop3A_2124] : memref<7x64x128xf32, #tpu.memory_space<vmem>> -> memref<1x64x128xf32, #tpu.memory_space<vmem>>
      %parallel_loop3A_2126 = tpu.memref_squeeze %parallel_loop3A_2125 : memref<1x64x128xf32, #tpu.memory_space<vmem>> -> memref<64x128xf32, #tpu.memory_space<vmem>>
      %parallel_loop3A_2127 = arith.index_cast %parallel_loop3A_2077 : i32 to index
      %parallel_loop3A_2128 = arith.constant 48 : index
      %parallel_loop3A_2129 = tpu.vector_load %parallel_loop3A_2126[%parallel_loop3A_2127, %parallel_loop3A_2128] {strides = array<i32>} : memref<64x128xf32, #tpu.memory_space<vmem>>, vector<16xf32>,
      %parallel_loop3A_2130 = arith.constant 0 : i32
      %parallel_loop3A_2131 = arith.constant 0 : i32
      %parallel_loop3A_2132 = tpu.memref_slice %arg10[%parallel_loop3A_1422, %parallel_loop3A_2130, %parallel_loop3A_2131] : memref<7x64x128xf32, #tpu.memory_space<vmem>> -> memref<1x64x128xf32, #tpu.memory_space<vmem>>
      %parallel_loop3A_2133 = tpu.memref_squeeze %parallel_loop3A_2132 : memref<1x64x128xf32, #tpu.memory_space<vmem>> -> memref<64x128xf32, #tpu.memory_space<vmem>>
      %parallel_loop3A_2134 = arith.index_cast %parallel_loop3A_2077 : i32 to index
      %parallel_loop3A_2135 = arith.constant 48 : index
      %parallel_loop3A_2136 = tpu.vector_load %parallel_loop3A_2133[%parallel_loop3A_2134, %parallel_loop3A_2135] {strides = array<i32>} : memref<64x128xf32, #tpu.memory_space<vmem>>, vector<16xf32>,
      %parallel_loop3A_2137 = arith.mulf %parallel_loop3A_2129, %parallel_loop3A_2136 : vector<16xf32>
      %parallel_loop3A_2138 = arith.constant 0 : i32
      %parallel_loop3A_2139 = arith.constant 0 : i32
      %parallel_loop3A_2140 = tpu.memref_slice %arg9[%parallel_loop3A_1421, %parallel_loop3A_2138, %parallel_loop3A_2139] : memref<7x64x128xf32, #tpu.memory_space<vmem>> -> memref<1x64x128xf32, #tpu.memory_space<vmem>>
      %parallel_loop3A_2141 = tpu.memref_squeeze %parallel_loop3A_2140 : memref<1x64x128xf32, #tpu.memory_space<vmem>> -> memref<64x128xf32, #tpu.memory_space<vmem>>
      %parallel_loop3A_2142 = arith.index_cast %parallel_loop3A_2077 : i32 to index
      %parallel_loop3A_2143 = arith.constant 64 : index
      %parallel_loop3A_2144 = tpu.vector_load %parallel_loop3A_2141[%parallel_loop3A_2142, %parallel_loop3A_2143] {strides = array<i32>} : memref<64x128xf32, #tpu.memory_space<vmem>>, vector<16xf32>,
      %parallel_loop3A_2145 = arith.constant 0 : i32
      %parallel_loop3A_2146 = arith.constant 0 : i32
      %parallel_loop3A_2147 = tpu.memref_slice %arg10[%parallel_loop3A_1422, %parallel_loop3A_2145, %parallel_loop3A_2146] : memref<7x64x128xf32, #tpu.memory_space<vmem>> -> memref<1x64x128xf32, #tpu.memory_space<vmem>>
      %parallel_loop3A_2148 = tpu.memref_squeeze %parallel_loop3A_2147 : memref<1x64x128xf32, #tpu.memory_space<vmem>> -> memref<64x128xf32, #tpu.memory_space<vmem>>
      %parallel_loop3A_2149 = arith.index_cast %parallel_loop3A_2077 : i32 to index
      %parallel_loop3A_2150 = arith.constant 64 : index
      %parallel_loop3A_2151 = tpu.vector_load %parallel_loop3A_2148[%parallel_loop3A_2149, %parallel_loop3A_2150] {strides = array<i32>} : memref<64x128xf32, #tpu.memory_space<vmem>>, vector<16xf32>,
      %parallel_loop3A_2152 = arith.mulf %parallel_loop3A_2144, %parallel_loop3A_2151 : vector<16xf32>
      %parallel_loop3A_2153 = arith.constant 0 : i32
      %parallel_loop3A_2154 = arith.constant 0 : i32
      %parallel_loop3A_2155 = tpu.memref_slice %arg9[%parallel_loop3A_1421, %parallel_loop3A_2153, %parallel_loop3A_2154] : memref<7x64x128xf32, #tpu.memory_space<vmem>> -> memref<1x64x128xf32, #tpu.memory_space<vmem>>
      %parallel_loop3A_2156 = tpu.memref_squeeze %parallel_loop3A_2155 : memref<1x64x128xf32, #tpu.memory_space<vmem>> -> memref<64x128xf32, #tpu.memory_space<vmem>>
      %parallel_loop3A_2157 = arith.index_cast %parallel_loop3A_2077 : i32 to index
      %parallel_loop3A_2158 = arith.constant 80 : index
      %parallel_loop3A_2159 = tpu.vector_load %parallel_loop3A_2156[%parallel_loop3A_2157, %parallel_loop3A_2158] {strides = array<i32>} : memref<64x128xf32, #tpu.memory_space<vmem>>, vector<16xf32>,
      %parallel_loop3A_2160 = arith.constant 0 : i32
      %parallel_loop3A_2161 = arith.constant 0 : i32
      %parallel_loop3A_2162 = tpu.memref_slice %arg10[%parallel_loop3A_1422, %parallel_loop3A_2160, %parallel_loop3A_2161] : memref<7x64x128xf32, #tpu.memory_space<vmem>> -> memref<1x64x128xf32, #tpu.memory_space<vmem>>
      %parallel_loop3A_2163 = tpu.memref_squeeze %parallel_loop3A_2162 : memref<1x64x128xf32, #tpu.memory_space<vmem>> -> memref<64x128xf32, #tpu.memory_space<vmem>>
      %parallel_loop3A_2164 = arith.index_cast %parallel_loop3A_2077 : i32 to index
      %parallel_loop3A_2165 = arith.constant 80 : index
      %parallel_loop3A_2166 = tpu.vector_load %parallel_loop3A_2163[%parallel_loop3A_2164, %parallel_loop3A_2165] {strides = array<i32>} : memref<64x128xf32, #tpu.memory_space<vmem>>, vector<16xf32>,
      %parallel_loop3A_2167 = arith.mulf %parallel_loop3A_2159, %parallel_loop3A_2166 : vector<16xf32>
      %parallel_loop3A_2168 = arith.constant 0 : i32
      %parallel_loop3A_2169 = arith.constant 0 : i32
      %parallel_loop3A_2170 = tpu.memref_slice %arg9[%parallel_loop3A_1421, %parallel_loop3A_2168, %parallel_loop3A_2169] : memref<7x64x128xf32, #tpu.memory_space<vmem>> -> memref<1x64x128xf32, #tpu.memory_space<vmem>>
      %parallel_loop3A_2171 = tpu.memref_squeeze %parallel_loop3A_2170 : memref<1x64x128xf32, #tpu.memory_space<vmem>> -> memref<64x128xf32, #tpu.memory_space<vmem>>
      %parallel_loop3A_2172 = arith.index_cast %parallel_loop3A_2077 : i32 to index
      %parallel_loop3A_2173 = arith.constant 96 : index
      %parallel_loop3A_2174 = tpu.vector_load %parallel_loop3A_2171[%parallel_loop3A_2172, %parallel_loop3A_2173] {strides = array<i32>} : memref<64x128xf32, #tpu.memory_space<vmem>>, vector<16xf32>,
      %parallel_loop3A_2175 = arith.constant 0 : i32
      %parallel_loop3A_2176 = arith.constant 0 : i32
      %parallel_loop3A_2177 = tpu.memref_slice %arg10[%parallel_loop3A_1422, %parallel_loop3A_2175, %parallel_loop3A_2176] : memref<7x64x128xf32, #tpu.memory_space<vmem>> -> memref<1x64x128xf32, #tpu.memory_space<vmem>>
      %parallel_loop3A_2178 = tpu.memref_squeeze %parallel_loop3A_2177 : memref<1x64x128xf32, #tpu.memory_space<vmem>> -> memref<64x128xf32, #tpu.memory_space<vmem>>
      %parallel_loop3A_2179 = arith.index_cast %parallel_loop3A_2077 : i32 to index
      %parallel_loop3A_2180 = arith.constant 96 : index
      %parallel_loop3A_2181 = tpu.vector_load %parallel_loop3A_2178[%parallel_loop3A_2179, %parallel_loop3A_2180] {strides = array<i32>} : memref<64x128xf32, #tpu.memory_space<vmem>>, vector<16xf32>,
      %parallel_loop3A_2182 = arith.mulf %parallel_loop3A_2174, %parallel_loop3A_2181 : vector<16xf32>
      %parallel_loop3A_2183 = arith.constant 0 : i32
      %parallel_loop3A_2184 = arith.constant 0 : i32
      %parallel_loop3A_2185 = tpu.memref_slice %arg9[%parallel_loop3A_1421, %parallel_loop3A_2183, %parallel_loop3A_2184] : memref<7x64x128xf32, #tpu.memory_space<vmem>> -> memref<1x64x128xf32, #tpu.memory_space<vmem>>
      %parallel_loop3A_2186 = tpu.memref_squeeze %parallel_loop3A_2185 : memref<1x64x128xf32, #tpu.memory_space<vmem>> -> memref<64x128xf32, #tpu.memory_space<vmem>>
      %parallel_loop3A_2187 = arith.index_cast %parallel_loop3A_2077 : i32 to index
      %parallel_loop3A_2188 = arith.constant 112 : index
      %parallel_loop3A_2189 = tpu.vector_load %parallel_loop3A_2186[%parallel_loop3A_2187, %parallel_loop3A_2188] {strides = array<i32>} : memref<64x128xf32, #tpu.memory_space<vmem>>, vector<16xf32>,
      %parallel_loop3A_2190 = arith.constant 0 : i32
      %parallel_loop3A_2191 = arith.constant 0 : i32
      %parallel_loop3A_2192 = tpu.memref_slice %arg10[%parallel_loop3A_1422, %parallel_loop3A_2190, %parallel_loop3A_2191] : memref<7x64x128xf32, #tpu.memory_space<vmem>> -> memref<1x64x128xf32, #tpu.memory_space<vmem>>
      %parallel_loop3A_2193 = tpu.memref_squeeze %parallel_loop3A_2192 : memref<1x64x128xf32, #tpu.memory_space<vmem>> -> memref<64x128xf32, #tpu.memory_space<vmem>>
      %parallel_loop3A_2194 = arith.index_cast %parallel_loop3A_2077 : i32 to index
      %parallel_loop3A_2195 = arith.constant 112 : index
      %parallel_loop3A_2196 = tpu.vector_load %parallel_loop3A_2193[%parallel_loop3A_2194, %parallel_loop3A_2195] {strides = array<i32>} : memref<64x128xf32, #tpu.memory_space<vmem>>, vector<16xf32>,
      %parallel_loop3A_2197 = arith.mulf %parallel_loop3A_2189, %parallel_loop3A_2196 : vector<16xf32>
      %parallel_loop3A_2198 = arith.addf %parallel_loop3A_2092, %parallel_loop3A_2107 : vector<16xf32>
      %parallel_loop3A_2199 = arith.addf %parallel_loop3A_2122, %parallel_loop3A_2137 : vector<16xf32>
      %parallel_loop3A_2200 = arith.addf %parallel_loop3A_2152, %parallel_loop3A_2167 : vector<16xf32>
      %parallel_loop3A_2201 = arith.addf %parallel_loop3A_2182, %parallel_loop3A_2197 : vector<16xf32>
      %parallel_loop3A_2202 = arith.addf %parallel_loop3A_2198, %parallel_loop3A_2199 : vector<16xf32>
      %parallel_loop3A_2203 = arith.addf %parallel_loop3A_2200, %parallel_loop3A_2201 : vector<16xf32>
      %parallel_loop3A_2204 = arith.addf %parallel_loop3A_2202, %parallel_loop3A_2203 : vector<16xf32>
      %parallel_loop3A_2205 = vector.broadcast %parallel_loop3A_2077 : i32 to vector<16xi32>
      %parallel_loop3A_2206 = arith.addi %mul3A_23, %parallel_loop3A_2205 : vector<16xi32>
      tpu.vector_store_idx %arg11[%parallel_loop3A_2206], %parallel_loop3A_2204 : memref<1040xf32, #tpu.memory_space<vmem>>[vector<16xi32>], vector<16xf32>,
    } {sc.loop_unroll_factor = 1 : i64, sc.parallel_access}
    %get3A_1423 = arith.constant 0 : index
    %get3A_1424 = tpu.vector_load %arg11[%get3A_1423] {strides = array<i32>} : memref<1040xf32, #tpu.memory_space<vmem>>, vector<16xf32>,
    %get3A_1425 = arith.constant 65 : index
    %get3A_1426 = tpu.vector_load %arg11[%get3A_1425] {strides = array<i32>} : memref<1040xf32, #tpu.memory_space<vmem>>, vector<16xf32>,
    %add3A_1427 = arith.addf %get3A_1424, %get3A_1426 : vector<16xf32>
    %get3A_1428 = arith.constant 130 : index
    %get3A_1429 = tpu.vector_load %arg11[%get3A_1428] {strides = array<i32>} : memref<1040xf32, #tpu.memory_space<vmem>>, vector<16xf32>,
    %add3A_1430 = arith.addf %add3A_1427, %get3A_1429 : vector<16xf32>
    %get3A_1431 = arith.constant 195 : index
    %get3A_1432 = tpu.vector_load %arg11[%get3A_1431] {strides = array<i32>} : memref<1040xf32, #tpu.memory_space<vmem>>, vector<16xf32>,
    %add3A_1433 = arith.addf %add3A_1430, %get3A_1432 : vector<16xf32>
    %get3A_1434 = arith.constant 260 : index
    %get3A_1435 = tpu.vector_load %arg11[%get3A_1434] {strides = array<i32>} : memref<1040xf32, #tpu.memory_space<vmem>>, vector<16xf32>,
    %add3A_1436 = arith.addf %add3A_1433, %get3A_1435 : vector<16xf32>
    %get3A_1437 = arith.constant 325 : index
    %get3A_1438 = tpu.vector_load %arg11[%get3A_1437] {strides = array<i32>} : memref<1040xf32, #tpu.memory_space<vmem>>, vector<16xf32>,
    %add3A_1439 = arith.addf %add3A_1436, %get3A_1438 : vector<16xf32>
    %get3A_1440 = arith.constant 390 : index
    %get3A_1441 = tpu.vector_load %arg11[%get3A_1440] {strides = array<i32>} : memref<1040xf32, #tpu.memory_space<vmem>>, vector<16xf32>,
    %add3A_1442 = arith.addf %add3A_1439, %get3A_1441 : vector<16xf32>
    %get3A_1443 = arith.constant 455 : index
    %get3A_1444 = tpu.vector_load %arg11[%get3A_1443] {strides = array<i32>} : memref<1040xf32, #tpu.memory_space<vmem>>, vector<16xf32>,
    %add3A_1445 = arith.addf %add3A_1442, %get3A_1444 : vector<16xf32>
    %get3A_1446 = arith.constant 520 : index
    %get3A_1447 = tpu.vector_load %arg11[%get3A_1446] {strides = array<i32>} : memref<1040xf32, #tpu.memory_space<vmem>>, vector<16xf32>,
    %add3A_1448 = arith.addf %add3A_1445, %get3A_1447 : vector<16xf32>
    %get3A_1449 = arith.constant 585 : index
    %get3A_1450 = tpu.vector_load %arg11[%get3A_1449] {strides = array<i32>} : memref<1040xf32, #tpu.memory_space<vmem>>, vector<16xf32>,
    %add3A_1451 = arith.addf %add3A_1448, %get3A_1450 : vector<16xf32>
    %get3A_1452 = arith.constant 650 : index
    %get3A_1453 = tpu.vector_load %arg11[%get3A_1452] {strides = array<i32>} : memref<1040xf32, #tpu.memory_space<vmem>>, vector<16xf32>,
    %add3A_1454 = arith.addf %add3A_1451, %get3A_1453 : vector<16xf32>
    %get3A_1455 = arith.constant 715 : index
    %get3A_1456 = tpu.vector_load %arg11[%get3A_1455] {strides = array<i32>} : memref<1040xf32, #tpu.memory_space<vmem>>, vector<16xf32>,
    %add3A_1457 = arith.addf %add3A_1454, %get3A_1456 : vector<16xf32>
    %get3A_1458 = arith.constant 780 : index
    %get3A_1459 = tpu.vector_load %arg11[%get3A_1458] {strides = array<i32>} : memref<1040xf32, #tpu.memory_space<vmem>>, vector<16xf32>,
    %add3A_1460 = arith.addf %add3A_1457, %get3A_1459 : vector<16xf32>
    %get3A_1461 = arith.constant 845 : index
    %get3A_1462 = tpu.vector_load %arg11[%get3A_1461] {strides = array<i32>} : memref<1040xf32, #tpu.memory_space<vmem>>, vector<16xf32>,
    %add3A_1463 = arith.addf %add3A_1460, %get3A_1462 : vector<16xf32>
    %get3A_1464 = arith.constant 910 : index
    %get3A_1465 = tpu.vector_load %arg11[%get3A_1464] {strides = array<i32>} : memref<1040xf32, #tpu.memory_space<vmem>>, vector<16xf32>,
    %add3A_1466 = arith.addf %add3A_1463, %get3A_1465 : vector<16xf32>
    %get3A_1467 = arith.constant 975 : index
    %get3A_1468 = tpu.vector_load %arg11[%get3A_1467] {strides = array<i32>} : memref<1040xf32, #tpu.memory_space<vmem>>, vector<16xf32>,
    %add3A_1469 = arith.addf %add3A_1466, %get3A_1468 : vector<16xf32>
    %swap3A_1470 = arith.constant 320 : index
    %swap3A_1471 = tpu.vector_load %arg12[%swap3A_1470] {strides = array<i32>} : memref<512xf32, #tpu.memory_space<vmem>>, vector<16xf32>,
    tpu.vector_store %arg12[%swap3A_1470], %add3A_1469 {strides = array<i32>} : memref<512xf32, #tpu.memory_space<vmem>>, vector<16xf32>,
    %get3A_1472 = arith.constant 16 : index
    %get3A_1473 = tpu.vector_load %arg11[%get3A_1472] {strides = array<i32>} : memref<1040xf32, #tpu.memory_space<vmem>>, vector<16xf32>,
    %get3A_1474 = arith.constant 81 : index
    %get3A_1475 = tpu.vector_load %arg11[%get3A_1474] {strides = array<i32>} : memref<1040xf32, #tpu.memory_space<vmem>>, vector<16xf32>,
    %add3A_1476 = arith.addf %get3A_1473, %get3A_1475 : vector<16xf32>
    %get3A_1477 = arith.constant 146 : index
    %get3A_1478 = tpu.vector_load %arg11[%get3A_1477] {strides = array<i32>} : memref<1040xf32, #tpu.memory_space<vmem>>, vector<16xf32>,
    %add3A_1479 = arith.addf %add3A_1476, %get3A_1478 : vector<16xf32>
    %get3A_1480 = arith.constant 211 : index
    %get3A_1481 = tpu.vector_load %arg11[%get3A_1480] {strides = array<i32>} : memref<1040xf32, #tpu.memory_space<vmem>>, vector<16xf32>,
    %add3A_1482 = arith.addf %add3A_1479, %get3A_1481 : vector<16xf32>
    %get3A_1483 = arith.constant 276 : index
    %get3A_1484 = tpu.vector_load %arg11[%get3A_1483] {strides = array<i32>} : memref<1040xf32, #tpu.memory_space<vmem>>, vector<16xf32>,
    %add3A_1485 = arith.addf %add3A_1482, %get3A_1484 : vector<16xf32>
    %get3A_1486 = arith.constant 341 : index
    %get3A_1487 = tpu.vector_load %arg11[%get3A_1486] {strides = array<i32>} : memref<1040xf32, #tpu.memory_space<vmem>>, vector<16xf32>,
    %add3A_1488 = arith.addf %add3A_1485, %get3A_1487 : vector<16xf32>
    %get3A_1489 = arith.constant 406 : index
    %get3A_1490 = tpu.vector_load %arg11[%get3A_1489] {strides = array<i32>} : memref<1040xf32, #tpu.memory_space<vmem>>, vector<16xf32>,
    %add3A_1491 = arith.addf %add3A_1488, %get3A_1490 : vector<16xf32>
    %get3A_1492 = arith.constant 471 : index
    %get3A_1493 = tpu.vector_load %arg11[%get3A_1492] {strides = array<i32>} : memref<1040xf32, #tpu.memory_space<vmem>>, vector<16xf32>,
    %add3A_1494 = arith.addf %add3A_1491, %get3A_1493 : vector<16xf32>
    %get3A_1495 = arith.constant 536 : index
    %get3A_1496 = tpu.vector_load %arg11[%get3A_1495] {strides = array<i32>} : memref<1040xf32, #tpu.memory_space<vmem>>, vector<16xf32>,
    %add3A_1497 = arith.addf %add3A_1494, %get3A_1496 : vector<16xf32>
    %get3A_1498 = arith.constant 601 : index
    %get3A_1499 = tpu.vector_load %arg11[%get3A_1498] {strides = array<i32>} : memref<1040xf32, #tpu.memory_space<vmem>>, vector<16xf32>,
    %add3A_1500 = arith.addf %add3A_1497, %get3A_1499 : vector<16xf32>
    %get3A_1501 = arith.constant 666 : index
    %get3A_1502 = tpu.vector_load %arg11[%get3A_1501] {strides = array<i32>} : memref<1040xf32, #tpu.memory_space<vmem>>, vector<16xf32>,
    %add3A_1503 = arith.addf %add3A_1500, %get3A_1502 : vector<16xf32>
    %get3A_1504 = arith.constant 731 : index
    %get3A_1505 = tpu.vector_load %arg11[%get3A_1504] {strides = array<i32>} : memref<1040xf32, #tpu.memory_space<vmem>>, vector<16xf32>,
    %add3A_1506 = arith.addf %add3A_1503, %get3A_1505 : vector<16xf32>
    %get3A_1507 = arith.constant 796 : index
    %get3A_1508 = tpu.vector_load %arg11[%get3A_1507] {strides = array<i32>} : memref<1040xf32, #tpu.memory_space<vmem>>, vector<16xf32>,
    %add3A_1509 = arith.addf %add3A_1506, %get3A_1508 : vector<16xf32>
    %get3A_1510 = arith.constant 861 : index
    %get3A_1511 = tpu.vector_load %arg11[%get3A_1510] {strides = array<i32>} : memref<1040xf32, #tpu.memory_space<vmem>>, vector<16xf32>,
    %add3A_1512 = arith.addf %add3A_1509, %get3A_1511 : vector<16xf32>
    %get3A_1513 = arith.constant 926 : index
    %get3A_1514 = tpu.vector_load %arg11[%get3A_1513] {strides = array<i32>} : memref<1040xf32, #tpu.memory_space<vmem>>, vector<16xf32>,
    %add3A_1515 = arith.addf %add3A_1512, %get3A_1514 : vector<16xf32>
    %get3A_1516 = arith.constant 991 : index
    %get3A_1517 = tpu.vector_load %arg11[%get3A_1516] {strides = array<i32>} : memref<1040xf32, #tpu.memory_space<vmem>>, vector<16xf32>,
    %add3A_1518 = arith.addf %add3A_1515, %get3A_1517 : vector<16xf32>
    %swap3A_1519 = arith.constant 336 : index
    %swap3A_1520 = tpu.vector_load %arg12[%swap3A_1519] {strides = array<i32>} : memref<512xf32, #tpu.memory_space<vmem>>, vector<16xf32>,
    tpu.vector_store %arg12[%swap3A_1519], %add3A_1518 {strides = array<i32>} : memref<512xf32, #tpu.memory_space<vmem>>, vector<16xf32>,
    %get3A_1521 = arith.constant 32 : index
    %get3A_1522 = tpu.vector_load %arg11[%get3A_1521] {strides = array<i32>} : memref<1040xf32, #tpu.memory_space<vmem>>, vector<16xf32>,
    %get3A_1523 = arith.constant 97 : index
    %get3A_1524 = tpu.vector_load %arg11[%get3A_1523] {strides = array<i32>} : memref<1040xf32, #tpu.memory_space<vmem>>, vector<16xf32>,
    %add3A_1525 = arith.addf %get3A_1522, %get3A_1524 : vector<16xf32>
    %get3A_1526 = arith.constant 162 : index
    %get3A_1527 = tpu.vector_load %arg11[%get3A_1526] {strides = array<i32>} : memref<1040xf32, #tpu.memory_space<vmem>>, vector<16xf32>,
    %add3A_1528 = arith.addf %add3A_1525, %get3A_1527 : vector<16xf32>
    %get3A_1529 = arith.constant 227 : index
    %get3A_1530 = tpu.vector_load %arg11[%get3A_1529] {strides = array<i32>} : memref<1040xf32, #tpu.memory_space<vmem>>, vector<16xf32>,
    %add3A_1531 = arith.addf %add3A_1528, %get3A_1530 : vector<16xf32>
    %get3A_1532 = arith.constant 292 : index
    %get3A_1533 = tpu.vector_load %arg11[%get3A_1532] {strides = array<i32>} : memref<1040xf32, #tpu.memory_space<vmem>>, vector<16xf32>,
    %add3A_1534 = arith.addf %add3A_1531, %get3A_1533 : vector<16xf32>
    %get3A_1535 = arith.constant 357 : index
    %get3A_1536 = tpu.vector_load %arg11[%get3A_1535] {strides = array<i32>} : memref<1040xf32, #tpu.memory_space<vmem>>, vector<16xf32>,
    %add3A_1537 = arith.addf %add3A_1534, %get3A_1536 : vector<16xf32>
    %get3A_1538 = arith.constant 422 : index
    %get3A_1539 = tpu.vector_load %arg11[%get3A_1538] {strides = array<i32>} : memref<1040xf32, #tpu.memory_space<vmem>>, vector<16xf32>,
    %add3A_1540 = arith.addf %add3A_1537, %get3A_1539 : vector<16xf32>
    %get3A_1541 = arith.constant 487 : index
    %get3A_1542 = tpu.vector_load %arg11[%get3A_1541] {strides = array<i32>} : memref<1040xf32, #tpu.memory_space<vmem>>, vector<16xf32>,
    %add3A_1543 = arith.addf %add3A_1540, %get3A_1542 : vector<16xf32>
    %get3A_1544 = arith.constant 552 : index
    %get3A_1545 = tpu.vector_load %arg11[%get3A_1544] {strides = array<i32>} : memref<1040xf32, #tpu.memory_space<vmem>>, vector<16xf32>,
    %add3A_1546 = arith.addf %add3A_1543, %get3A_1545 : vector<16xf32>
    %get3A_1547 = arith.constant 617 : index
    %get3A_1548 = tpu.vector_load %arg11[%get3A_1547] {strides = array<i32>} : memref<1040xf32, #tpu.memory_space<vmem>>, vector<16xf32>,
    %add3A_1549 = arith.addf %add3A_1546, %get3A_1548 : vector<16xf32>
    %get3A_1550 = arith.constant 682 : index
    %get3A_1551 = tpu.vector_load %arg11[%get3A_1550] {strides = array<i32>} : memref<1040xf32, #tpu.memory_space<vmem>>, vector<16xf32>,
    %add3A_1552 = arith.addf %add3A_1549, %get3A_1551 : vector<16xf32>
    %get3A_1553 = arith.constant 747 : index
    %get3A_1554 = tpu.vector_load %arg11[%get3A_1553] {strides = array<i32>} : memref<1040xf32, #tpu.memory_space<vmem>>, vector<16xf32>,
    %add3A_1555 = arith.addf %add3A_1552, %get3A_1554 : vector<16xf32>
    %get3A_1556 = arith.constant 812 : index
    %get3A_1557 = tpu.vector_load %arg11[%get3A_1556] {strides = array<i32>} : memref<1040xf32, #tpu.memory_space<vmem>>, vector<16xf32>,
    %add3A_1558 = arith.addf %add3A_1555, %get3A_1557 : vector<16xf32>
    %get3A_1559 = arith.constant 877 : index
    %get3A_1560 = tpu.vector_load %arg11[%get3A_1559] {strides = array<i32>} : memref<1040xf32, #tpu.memory_space<vmem>>, vector<16xf32>,
    %add3A_1561 = arith.addf %add3A_1558, %get3A_1560 : vector<16xf32>
    %get3A_1562 = arith.constant 942 : index
    %get3A_1563 = tpu.vector_load %arg11[%get3A_1562] {strides = array<i32>} : memref<1040xf32, #tpu.memory_space<vmem>>, vector<16xf32>,
    %add3A_1564 = arith.addf %add3A_1561, %get3A_1563 : vector<16xf32>
    %get3A_1565 = arith.constant 1007 : index
    %get3A_1566 = tpu.vector_load %arg11[%get3A_1565] {strides = array<i32>} : memref<1040xf32, #tpu.memory_space<vmem>>, vector<16xf32>,
    %add3A_1567 = arith.addf %add3A_1564, %get3A_1566 : vector<16xf32>
    %swap3A_1568 = arith.constant 352 : index
    %swap3A_1569 = tpu.vector_load %arg12[%swap3A_1568] {strides = array<i32>} : memref<512xf32, #tpu.memory_space<vmem>>, vector<16xf32>,
    tpu.vector_store %arg12[%swap3A_1568], %add3A_1567 {strides = array<i32>} : memref<512xf32, #tpu.memory_space<vmem>>, vector<16xf32>,
    %get3A_1570 = arith.constant 48 : index
    %get3A_1571 = tpu.vector_load %arg11[%get3A_1570] {strides = array<i32>} : memref<1040xf32, #tpu.memory_space<vmem>>, vector<16xf32>,
    %get3A_1572 = arith.constant 113 : index
    %get3A_1573 = tpu.vector_load %arg11[%get3A_1572] {strides = array<i32>} : memref<1040xf32, #tpu.memory_space<vmem>>, vector<16xf32>,
    %add3A_1574 = arith.addf %get3A_1571, %get3A_1573 : vector<16xf32>
    %get3A_1575 = arith.constant 178 : index
    %get3A_1576 = tpu.vector_load %arg11[%get3A_1575] {strides = array<i32>} : memref<1040xf32, #tpu.memory_space<vmem>>, vector<16xf32>,
    %add3A_1577 = arith.addf %add3A_1574, %get3A_1576 : vector<16xf32>
    %get3A_1578 = arith.constant 243 : index
    %get3A_1579 = tpu.vector_load %arg11[%get3A_1578] {strides = array<i32>} : memref<1040xf32, #tpu.memory_space<vmem>>, vector<16xf32>,
    %add3A_1580 = arith.addf %add3A_1577, %get3A_1579 : vector<16xf32>
    %get3A_1581 = arith.constant 308 : index
    %get3A_1582 = tpu.vector_load %arg11[%get3A_1581] {strides = array<i32>} : memref<1040xf32, #tpu.memory_space<vmem>>, vector<16xf32>,
    %add3A_1583 = arith.addf %add3A_1580, %get3A_1582 : vector<16xf32>
    %get3A_1584 = arith.constant 373 : index
    %get3A_1585 = tpu.vector_load %arg11[%get3A_1584] {strides = array<i32>} : memref<1040xf32, #tpu.memory_space<vmem>>, vector<16xf32>,
    %add3A_1586 = arith.addf %add3A_1583, %get3A_1585 : vector<16xf32>
    %get3A_1587 = arith.constant 438 : index
    %get3A_1588 = tpu.vector_load %arg11[%get3A_1587] {strides = array<i32>} : memref<1040xf32, #tpu.memory_space<vmem>>, vector<16xf32>,
    %add3A_1589 = arith.addf %add3A_1586, %get3A_1588 : vector<16xf32>
    %get3A_1590 = arith.constant 503 : index
    %get3A_1591 = tpu.vector_load %arg11[%get3A_1590] {strides = array<i32>} : memref<1040xf32, #tpu.memory_space<vmem>>, vector<16xf32>,
    %add3A_1592 = arith.addf %add3A_1589, %get3A_1591 : vector<16xf32>
    %get3A_1593 = arith.constant 568 : index
    %get3A_1594 = tpu.vector_load %arg11[%get3A_1593] {strides = array<i32>} : memref<1040xf32, #tpu.memory_space<vmem>>, vector<16xf32>,
    %add3A_1595 = arith.addf %add3A_1592, %get3A_1594 : vector<16xf32>
    %get3A_1596 = arith.constant 633 : index
    %get3A_1597 = tpu.vector_load %arg11[%get3A_1596] {strides = array<i32>} : memref<1040xf32, #tpu.memory_space<vmem>>, vector<16xf32>,
    %add3A_1598 = arith.addf %add3A_1595, %get3A_1597 : vector<16xf32>
    %get3A_1599 = arith.constant 698 : index
    %get3A_1600 = tpu.vector_load %arg11[%get3A_1599] {strides = array<i32>} : memref<1040xf32, #tpu.memory_space<vmem>>, vector<16xf32>,
    %add3A_1601 = arith.addf %add3A_1598, %get3A_1600 : vector<16xf32>
    %get3A_1602 = arith.constant 763 : index
    %get3A_1603 = tpu.vector_load %arg11[%get3A_1602] {strides = array<i32>} : memref<1040xf32, #tpu.memory_space<vmem>>, vector<16xf32>,
    %add3A_1604 = arith.addf %add3A_1601, %get3A_1603 : vector<16xf32>
    %get3A_1605 = arith.constant 828 : index
    %get3A_1606 = tpu.vector_load %arg11[%get3A_1605] {strides = array<i32>} : memref<1040xf32, #tpu.memory_space<vmem>>, vector<16xf32>,
    %add3A_1607 = arith.addf %add3A_1604, %get3A_1606 : vector<16xf32>
    %get3A_1608 = arith.constant 893 : index
    %get3A_1609 = tpu.vector_load %arg11[%get3A_1608] {strides = array<i32>} : memref<1040xf32, #tpu.memory_space<vmem>>, vector<16xf32>,
    %add3A_1610 = arith.addf %add3A_1607, %get3A_1609 : vector<16xf32>
    %get3A_1611 = arith.constant 958 : index
    %get3A_1612 = tpu.vector_load %arg11[%get3A_1611] {strides = array<i32>} : memref<1040xf32, #tpu.memory_space<vmem>>, vector<16xf32>,
    %add3A_1613 = arith.addf %add3A_1610, %get3A_1612 : vector<16xf32>
    %get3A_1614 = arith.constant 1023 : index
    %get3A_1615 = tpu.vector_load %arg11[%get3A_1614] {strides = array<i32>} : memref<1040xf32, #tpu.memory_space<vmem>>, vector<16xf32>,
    %add3A_1616 = arith.addf %add3A_1613, %get3A_1615 : vector<16xf32>
    %swap3A_1617 = arith.constant 368 : index
    %swap3A_1618 = tpu.vector_load %arg12[%swap3A_1617] {strides = array<i32>} : memref<512xf32, #tpu.memory_space<vmem>>, vector<16xf32>,
    tpu.vector_store %arg12[%swap3A_1617], %add3A_1616 {strides = array<i32>} : memref<512xf32, #tpu.memory_space<vmem>>, vector<16xf32>,
    %dma_wait3A_1619 = arith.constant 6 : i32
    %dma_wait3A_1620 = arith.constant 6 : i32
    %dma_wait3A_1621 = arith.constant 0 : i32
    %dma_wait3A_1622 = arith.constant 0 : i32
    %dma_wait3A_1623 = arith.constant 0 : i32
    %dma_wait3A_1624 = tpu.memref_slice %arg9[%dma_wait3A_1619, %dma_wait3A_1622, %dma_wait3A_1623] : memref<7x64x128xf32, #tpu.memory_space<vmem>> -> memref<1x64x128xf32, #tpu.memory_space<vmem>>
    %dma_wait3A_1625 = tpu.memref_squeeze %dma_wait3A_1624 : memref<1x64x128xf32, #tpu.memory_space<vmem>> -> memref<64x128xf32, #tpu.memory_space<vmem>>
    %dma_wait3A_1626 = arith.constant 384 : i32
    %dma_wait3A_1627 = tpu.memref_slice %arg7[%dma_wait3A_1626] : memref<512xi32, #tpu.memory_space<vmem>> -> memref<64xi32, #tpu.memory_space<vmem>>
    %dma_wait3A_1628 = arith.constant 0 : i32
    %dma_wait3A_1629 = arith.constant 0 : i32
    %dma_wait3A_1630 = tpu.memref_slice %arg4[%dma_wait3A_1628, %dma_wait3A_1629] : memref<100000x128xf32, #tpu.memory_space<hbm>> -> memref<100000x128xf32, #tpu.memory_space<hbm>>
    %dma_wait3A_1631 = tpu.memref_slice %arg13[%dma_wait3A_1620, %dma_wait3A_1621] : memref<7x2x!tpu.dma_semaphore, #tpu.memory_space<semaphore_mem>> -> memref<1x1x!tpu.dma_semaphore, #tpu.memory_space<semaphore_mem>>
    %dma_wait3A_1632 = tpu.memref_squeeze %dma_wait3A_1631 : memref<1x1x!tpu.dma_semaphore, #tpu.memory_space<semaphore_mem>> -> memref<!tpu.dma_semaphore, #tpu.memory_space<semaphore_mem>>
    tpu.wait_indirect_dma semaphore(%dma_wait3A_1632 : memref<!tpu.dma_semaphore, #tpu.memory_space<semaphore_mem>>) src(%dma_wait3A_1630 : memref<100000x128xf32, #tpu.memory_space<hbm>>) dst(%dma_wait3A_1625 : memref<64x128xf32, #tpu.memory_space<vmem>>)
    %dma_wait3A_1633 = arith.constant 6 : i32
    %dma_wait3A_1634 = arith.constant 6 : i32
    %dma_wait3A_1635 = arith.constant 1 : i32
    %dma_wait3A_1636 = arith.constant 0 : i32
    %dma_wait3A_1637 = arith.constant 0 : i32
    %dma_wait3A_1638 = tpu.memref_slice %arg10[%dma_wait3A_1633, %dma_wait3A_1636, %dma_wait3A_1637] : memref<7x64x128xf32, #tpu.memory_space<vmem>> -> memref<1x64x128xf32, #tpu.memory_space<vmem>>
    %dma_wait3A_1639 = tpu.memref_squeeze %dma_wait3A_1638 : memref<1x64x128xf32, #tpu.memory_space<vmem>> -> memref<64x128xf32, #tpu.memory_space<vmem>>
    %dma_wait3A_1640 = arith.constant 384 : i32
    %dma_wait3A_1641 = tpu.memref_slice %arg8[%dma_wait3A_1640] : memref<512xi32, #tpu.memory_space<vmem>> -> memref<64xi32, #tpu.memory_space<vmem>>
    %dma_wait3A_1642 = arith.constant 0 : i32
    %dma_wait3A_1643 = arith.constant 0 : i32
    %dma_wait3A_1644 = tpu.memref_slice %arg5[%dma_wait3A_1642, %dma_wait3A_1643] : memref<1000000x128xf32, #tpu.memory_space<hbm>> -> memref<1000000x128xf32, #tpu.memory_space<hbm>>
    %dma_wait3A_1645 = tpu.memref_slice %arg13[%dma_wait3A_1634, %dma_wait3A_1635] : memref<7x2x!tpu.dma_semaphore, #tpu.memory_space<semaphore_mem>> -> memref<1x1x!tpu.dma_semaphore, #tpu.memory_space<semaphore_mem>>
    %dma_wait3A_1646 = tpu.memref_squeeze %dma_wait3A_1645 : memref<1x1x!tpu.dma_semaphore, #tpu.memory_space<semaphore_mem>> -> memref<!tpu.dma_semaphore, #tpu.memory_space<semaphore_mem>>
    tpu.wait_indirect_dma semaphore(%dma_wait3A_1646 : memref<!tpu.dma_semaphore, #tpu.memory_space<semaphore_mem>>) src(%dma_wait3A_1644 : memref<1000000x128xf32, #tpu.memory_space<hbm>>) dst(%dma_wait3A_1639 : memref<64x128xf32, #tpu.memory_space<vmem>>)
    %parallel_loop3A_1647 = arith.constant 0 : i32
    %parallel_loop3A_1648 = arith.constant 64 : i32
    %parallel_loop3A_1649 = arith.constant 1 : i32
    %parallel_loop3A_1650 = arith.constant 6 : i32
    %parallel_loop3A_1651 = arith.constant 6 : i32
    scf.for %parallel_loop3A_2077 = %parallel_loop3A_1647 to %parallel_loop3A_1648 step %parallel_loop3A_1649  : i32 {
      %parallel_loop3A_2078 = arith.constant 0 : i32
      %parallel_loop3A_2079 = arith.constant 0 : i32
      %parallel_loop3A_2080 = tpu.memref_slice %arg9[%parallel_loop3A_1650, %parallel_loop3A_2078, %parallel_loop3A_2079] : memref<7x64x128xf32, #tpu.memory_space<vmem>> -> memref<1x64x128xf32, #tpu.memory_space<vmem>>
      %parallel_loop3A_2081 = tpu.memref_squeeze %parallel_loop3A_2080 : memref<1x64x128xf32, #tpu.memory_space<vmem>> -> memref<64x128xf32, #tpu.memory_space<vmem>>
      %parallel_loop3A_2082 = arith.index_cast %parallel_loop3A_2077 : i32 to index
      %parallel_loop3A_2083 = arith.constant 0 : index
      %parallel_loop3A_2084 = tpu.vector_load %parallel_loop3A_2081[%parallel_loop3A_2082, %parallel_loop3A_2083] {strides = array<i32>} : memref<64x128xf32, #tpu.memory_space<vmem>>, vector<16xf32>,
      %parallel_loop3A_2085 = arith.constant 0 : i32
      %parallel_loop3A_2086 = arith.constant 0 : i32
      %parallel_loop3A_2087 = tpu.memref_slice %arg10[%parallel_loop3A_1651, %parallel_loop3A_2085, %parallel_loop3A_2086] : memref<7x64x128xf32, #tpu.memory_space<vmem>> -> memref<1x64x128xf32, #tpu.memory_space<vmem>>
      %parallel_loop3A_2088 = tpu.memref_squeeze %parallel_loop3A_2087 : memref<1x64x128xf32, #tpu.memory_space<vmem>> -> memref<64x128xf32, #tpu.memory_space<vmem>>
      %parallel_loop3A_2089 = arith.index_cast %parallel_loop3A_2077 : i32 to index
      %parallel_loop3A_2090 = arith.constant 0 : index
      %parallel_loop3A_2091 = tpu.vector_load %parallel_loop3A_2088[%parallel_loop3A_2089, %parallel_loop3A_2090] {strides = array<i32>} : memref<64x128xf32, #tpu.memory_space<vmem>>, vector<16xf32>,
      %parallel_loop3A_2092 = arith.mulf %parallel_loop3A_2084, %parallel_loop3A_2091 : vector<16xf32>
      %parallel_loop3A_2093 = arith.constant 0 : i32
      %parallel_loop3A_2094 = arith.constant 0 : i32
      %parallel_loop3A_2095 = tpu.memref_slice %arg9[%parallel_loop3A_1650, %parallel_loop3A_2093, %parallel_loop3A_2094] : memref<7x64x128xf32, #tpu.memory_space<vmem>> -> memref<1x64x128xf32, #tpu.memory_space<vmem>>
      %parallel_loop3A_2096 = tpu.memref_squeeze %parallel_loop3A_2095 : memref<1x64x128xf32, #tpu.memory_space<vmem>> -> memref<64x128xf32, #tpu.memory_space<vmem>>
      %parallel_loop3A_2097 = arith.index_cast %parallel_loop3A_2077 : i32 to index
      %parallel_loop3A_2098 = arith.constant 16 : index
      %parallel_loop3A_2099 = tpu.vector_load %parallel_loop3A_2096[%parallel_loop3A_2097, %parallel_loop3A_2098] {strides = array<i32>} : memref<64x128xf32, #tpu.memory_space<vmem>>, vector<16xf32>,
      %parallel_loop3A_2100 = arith.constant 0 : i32
      %parallel_loop3A_2101 = arith.constant 0 : i32
      %parallel_loop3A_2102 = tpu.memref_slice %arg10[%parallel_loop3A_1651, %parallel_loop3A_2100, %parallel_loop3A_2101] : memref<7x64x128xf32, #tpu.memory_space<vmem>> -> memref<1x64x128xf32, #tpu.memory_space<vmem>>
      %parallel_loop3A_2103 = tpu.memref_squeeze %parallel_loop3A_2102 : memref<1x64x128xf32, #tpu.memory_space<vmem>> -> memref<64x128xf32, #tpu.memory_space<vmem>>
      %parallel_loop3A_2104 = arith.index_cast %parallel_loop3A_2077 : i32 to index
      %parallel_loop3A_2105 = arith.constant 16 : index
      %parallel_loop3A_2106 = tpu.vector_load %parallel_loop3A_2103[%parallel_loop3A_2104, %parallel_loop3A_2105] {strides = array<i32>} : memref<64x128xf32, #tpu.memory_space<vmem>>, vector<16xf32>,
      %parallel_loop3A_2107 = arith.mulf %parallel_loop3A_2099, %parallel_loop3A_2106 : vector<16xf32>
      %parallel_loop3A_2108 = arith.constant 0 : i32
      %parallel_loop3A_2109 = arith.constant 0 : i32
      %parallel_loop3A_2110 = tpu.memref_slice %arg9[%parallel_loop3A_1650, %parallel_loop3A_2108, %parallel_loop3A_2109] : memref<7x64x128xf32, #tpu.memory_space<vmem>> -> memref<1x64x128xf32, #tpu.memory_space<vmem>>
      %parallel_loop3A_2111 = tpu.memref_squeeze %parallel_loop3A_2110 : memref<1x64x128xf32, #tpu.memory_space<vmem>> -> memref<64x128xf32, #tpu.memory_space<vmem>>
      %parallel_loop3A_2112 = arith.index_cast %parallel_loop3A_2077 : i32 to index
      %parallel_loop3A_2113 = arith.constant 32 : index
      %parallel_loop3A_2114 = tpu.vector_load %parallel_loop3A_2111[%parallel_loop3A_2112, %parallel_loop3A_2113] {strides = array<i32>} : memref<64x128xf32, #tpu.memory_space<vmem>>, vector<16xf32>,
      %parallel_loop3A_2115 = arith.constant 0 : i32
      %parallel_loop3A_2116 = arith.constant 0 : i32
      %parallel_loop3A_2117 = tpu.memref_slice %arg10[%parallel_loop3A_1651, %parallel_loop3A_2115, %parallel_loop3A_2116] : memref<7x64x128xf32, #tpu.memory_space<vmem>> -> memref<1x64x128xf32, #tpu.memory_space<vmem>>
      %parallel_loop3A_2118 = tpu.memref_squeeze %parallel_loop3A_2117 : memref<1x64x128xf32, #tpu.memory_space<vmem>> -> memref<64x128xf32, #tpu.memory_space<vmem>>
      %parallel_loop3A_2119 = arith.index_cast %parallel_loop3A_2077 : i32 to index
      %parallel_loop3A_2120 = arith.constant 32 : index
      %parallel_loop3A_2121 = tpu.vector_load %parallel_loop3A_2118[%parallel_loop3A_2119, %parallel_loop3A_2120] {strides = array<i32>} : memref<64x128xf32, #tpu.memory_space<vmem>>, vector<16xf32>,
      %parallel_loop3A_2122 = arith.mulf %parallel_loop3A_2114, %parallel_loop3A_2121 : vector<16xf32>
      %parallel_loop3A_2123 = arith.constant 0 : i32
      %parallel_loop3A_2124 = arith.constant 0 : i32
      %parallel_loop3A_2125 = tpu.memref_slice %arg9[%parallel_loop3A_1650, %parallel_loop3A_2123, %parallel_loop3A_2124] : memref<7x64x128xf32, #tpu.memory_space<vmem>> -> memref<1x64x128xf32, #tpu.memory_space<vmem>>
      %parallel_loop3A_2126 = tpu.memref_squeeze %parallel_loop3A_2125 : memref<1x64x128xf32, #tpu.memory_space<vmem>> -> memref<64x128xf32, #tpu.memory_space<vmem>>
      %parallel_loop3A_2127 = arith.index_cast %parallel_loop3A_2077 : i32 to index
      %parallel_loop3A_2128 = arith.constant 48 : index
      %parallel_loop3A_2129 = tpu.vector_load %parallel_loop3A_2126[%parallel_loop3A_2127, %parallel_loop3A_2128] {strides = array<i32>} : memref<64x128xf32, #tpu.memory_space<vmem>>, vector<16xf32>,
      %parallel_loop3A_2130 = arith.constant 0 : i32
      %parallel_loop3A_2131 = arith.constant 0 : i32
      %parallel_loop3A_2132 = tpu.memref_slice %arg10[%parallel_loop3A_1651, %parallel_loop3A_2130, %parallel_loop3A_2131] : memref<7x64x128xf32, #tpu.memory_space<vmem>> -> memref<1x64x128xf32, #tpu.memory_space<vmem>>
      %parallel_loop3A_2133 = tpu.memref_squeeze %parallel_loop3A_2132 : memref<1x64x128xf32, #tpu.memory_space<vmem>> -> memref<64x128xf32, #tpu.memory_space<vmem>>
      %parallel_loop3A_2134 = arith.index_cast %parallel_loop3A_2077 : i32 to index
      %parallel_loop3A_2135 = arith.constant 48 : index
      %parallel_loop3A_2136 = tpu.vector_load %parallel_loop3A_2133[%parallel_loop3A_2134, %parallel_loop3A_2135] {strides = array<i32>} : memref<64x128xf32, #tpu.memory_space<vmem>>, vector<16xf32>,
      %parallel_loop3A_2137 = arith.mulf %parallel_loop3A_2129, %parallel_loop3A_2136 : vector<16xf32>
      %parallel_loop3A_2138 = arith.constant 0 : i32
      %parallel_loop3A_2139 = arith.constant 0 : i32
      %parallel_loop3A_2140 = tpu.memref_slice %arg9[%parallel_loop3A_1650, %parallel_loop3A_2138, %parallel_loop3A_2139] : memref<7x64x128xf32, #tpu.memory_space<vmem>> -> memref<1x64x128xf32, #tpu.memory_space<vmem>>
      %parallel_loop3A_2141 = tpu.memref_squeeze %parallel_loop3A_2140 : memref<1x64x128xf32, #tpu.memory_space<vmem>> -> memref<64x128xf32, #tpu.memory_space<vmem>>
      %parallel_loop3A_2142 = arith.index_cast %parallel_loop3A_2077 : i32 to index
      %parallel_loop3A_2143 = arith.constant 64 : index
      %parallel_loop3A_2144 = tpu.vector_load %parallel_loop3A_2141[%parallel_loop3A_2142, %parallel_loop3A_2143] {strides = array<i32>} : memref<64x128xf32, #tpu.memory_space<vmem>>, vector<16xf32>,
      %parallel_loop3A_2145 = arith.constant 0 : i32
      %parallel_loop3A_2146 = arith.constant 0 : i32
      %parallel_loop3A_2147 = tpu.memref_slice %arg10[%parallel_loop3A_1651, %parallel_loop3A_2145, %parallel_loop3A_2146] : memref<7x64x128xf32, #tpu.memory_space<vmem>> -> memref<1x64x128xf32, #tpu.memory_space<vmem>>
      %parallel_loop3A_2148 = tpu.memref_squeeze %parallel_loop3A_2147 : memref<1x64x128xf32, #tpu.memory_space<vmem>> -> memref<64x128xf32, #tpu.memory_space<vmem>>
      %parallel_loop3A_2149 = arith.index_cast %parallel_loop3A_2077 : i32 to index
      %parallel_loop3A_2150 = arith.constant 64 : index
      %parallel_loop3A_2151 = tpu.vector_load %parallel_loop3A_2148[%parallel_loop3A_2149, %parallel_loop3A_2150] {strides = array<i32>} : memref<64x128xf32, #tpu.memory_space<vmem>>, vector<16xf32>,
      %parallel_loop3A_2152 = arith.mulf %parallel_loop3A_2144, %parallel_loop3A_2151 : vector<16xf32>
      %parallel_loop3A_2153 = arith.constant 0 : i32
      %parallel_loop3A_2154 = arith.constant 0 : i32
      %parallel_loop3A_2155 = tpu.memref_slice %arg9[%parallel_loop3A_1650, %parallel_loop3A_2153, %parallel_loop3A_2154] : memref<7x64x128xf32, #tpu.memory_space<vmem>> -> memref<1x64x128xf32, #tpu.memory_space<vmem>>
      %parallel_loop3A_2156 = tpu.memref_squeeze %parallel_loop3A_2155 : memref<1x64x128xf32, #tpu.memory_space<vmem>> -> memref<64x128xf32, #tpu.memory_space<vmem>>
      %parallel_loop3A_2157 = arith.index_cast %parallel_loop3A_2077 : i32 to index
      %parallel_loop3A_2158 = arith.constant 80 : index
      %parallel_loop3A_2159 = tpu.vector_load %parallel_loop3A_2156[%parallel_loop3A_2157, %parallel_loop3A_2158] {strides = array<i32>} : memref<64x128xf32, #tpu.memory_space<vmem>>, vector<16xf32>,
      %parallel_loop3A_2160 = arith.constant 0 : i32
      %parallel_loop3A_2161 = arith.constant 0 : i32
      %parallel_loop3A_2162 = tpu.memref_slice %arg10[%parallel_loop3A_1651, %parallel_loop3A_2160, %parallel_loop3A_2161] : memref<7x64x128xf32, #tpu.memory_space<vmem>> -> memref<1x64x128xf32, #tpu.memory_space<vmem>>
      %parallel_loop3A_2163 = tpu.memref_squeeze %parallel_loop3A_2162 : memref<1x64x128xf32, #tpu.memory_space<vmem>> -> memref<64x128xf32, #tpu.memory_space<vmem>>
      %parallel_loop3A_2164 = arith.index_cast %parallel_loop3A_2077 : i32 to index
      %parallel_loop3A_2165 = arith.constant 80 : index
      %parallel_loop3A_2166 = tpu.vector_load %parallel_loop3A_2163[%parallel_loop3A_2164, %parallel_loop3A_2165] {strides = array<i32>} : memref<64x128xf32, #tpu.memory_space<vmem>>, vector<16xf32>,
      %parallel_loop3A_2167 = arith.mulf %parallel_loop3A_2159, %parallel_loop3A_2166 : vector<16xf32>
      %parallel_loop3A_2168 = arith.constant 0 : i32
      %parallel_loop3A_2169 = arith.constant 0 : i32
      %parallel_loop3A_2170 = tpu.memref_slice %arg9[%parallel_loop3A_1650, %parallel_loop3A_2168, %parallel_loop3A_2169] : memref<7x64x128xf32, #tpu.memory_space<vmem>> -> memref<1x64x128xf32, #tpu.memory_space<vmem>>
      %parallel_loop3A_2171 = tpu.memref_squeeze %parallel_loop3A_2170 : memref<1x64x128xf32, #tpu.memory_space<vmem>> -> memref<64x128xf32, #tpu.memory_space<vmem>>
      %parallel_loop3A_2172 = arith.index_cast %parallel_loop3A_2077 : i32 to index
      %parallel_loop3A_2173 = arith.constant 96 : index
      %parallel_loop3A_2174 = tpu.vector_load %parallel_loop3A_2171[%parallel_loop3A_2172, %parallel_loop3A_2173] {strides = array<i32>} : memref<64x128xf32, #tpu.memory_space<vmem>>, vector<16xf32>,
      %parallel_loop3A_2175 = arith.constant 0 : i32
      %parallel_loop3A_2176 = arith.constant 0 : i32
      %parallel_loop3A_2177 = tpu.memref_slice %arg10[%parallel_loop3A_1651, %parallel_loop3A_2175, %parallel_loop3A_2176] : memref<7x64x128xf32, #tpu.memory_space<vmem>> -> memref<1x64x128xf32, #tpu.memory_space<vmem>>
      %parallel_loop3A_2178 = tpu.memref_squeeze %parallel_loop3A_2177 : memref<1x64x128xf32, #tpu.memory_space<vmem>> -> memref<64x128xf32, #tpu.memory_space<vmem>>
      %parallel_loop3A_2179 = arith.index_cast %parallel_loop3A_2077 : i32 to index
      %parallel_loop3A_2180 = arith.constant 96 : index
      %parallel_loop3A_2181 = tpu.vector_load %parallel_loop3A_2178[%parallel_loop3A_2179, %parallel_loop3A_2180] {strides = array<i32>} : memref<64x128xf32, #tpu.memory_space<vmem>>, vector<16xf32>,
      %parallel_loop3A_2182 = arith.mulf %parallel_loop3A_2174, %parallel_loop3A_2181 : vector<16xf32>
      %parallel_loop3A_2183 = arith.constant 0 : i32
      %parallel_loop3A_2184 = arith.constant 0 : i32
      %parallel_loop3A_2185 = tpu.memref_slice %arg9[%parallel_loop3A_1650, %parallel_loop3A_2183, %parallel_loop3A_2184] : memref<7x64x128xf32, #tpu.memory_space<vmem>> -> memref<1x64x128xf32, #tpu.memory_space<vmem>>
      %parallel_loop3A_2186 = tpu.memref_squeeze %parallel_loop3A_2185 : memref<1x64x128xf32, #tpu.memory_space<vmem>> -> memref<64x128xf32, #tpu.memory_space<vmem>>
      %parallel_loop3A_2187 = arith.index_cast %parallel_loop3A_2077 : i32 to index
      %parallel_loop3A_2188 = arith.constant 112 : index
      %parallel_loop3A_2189 = tpu.vector_load %parallel_loop3A_2186[%parallel_loop3A_2187, %parallel_loop3A_2188] {strides = array<i32>} : memref<64x128xf32, #tpu.memory_space<vmem>>, vector<16xf32>,
      %parallel_loop3A_2190 = arith.constant 0 : i32
      %parallel_loop3A_2191 = arith.constant 0 : i32
      %parallel_loop3A_2192 = tpu.memref_slice %arg10[%parallel_loop3A_1651, %parallel_loop3A_2190, %parallel_loop3A_2191] : memref<7x64x128xf32, #tpu.memory_space<vmem>> -> memref<1x64x128xf32, #tpu.memory_space<vmem>>
      %parallel_loop3A_2193 = tpu.memref_squeeze %parallel_loop3A_2192 : memref<1x64x128xf32, #tpu.memory_space<vmem>> -> memref<64x128xf32, #tpu.memory_space<vmem>>
      %parallel_loop3A_2194 = arith.index_cast %parallel_loop3A_2077 : i32 to index
      %parallel_loop3A_2195 = arith.constant 112 : index
      %parallel_loop3A_2196 = tpu.vector_load %parallel_loop3A_2193[%parallel_loop3A_2194, %parallel_loop3A_2195] {strides = array<i32>} : memref<64x128xf32, #tpu.memory_space<vmem>>, vector<16xf32>,
      %parallel_loop3A_2197 = arith.mulf %parallel_loop3A_2189, %parallel_loop3A_2196 : vector<16xf32>
      %parallel_loop3A_2198 = arith.addf %parallel_loop3A_2092, %parallel_loop3A_2107 : vector<16xf32>
      %parallel_loop3A_2199 = arith.addf %parallel_loop3A_2122, %parallel_loop3A_2137 : vector<16xf32>
      %parallel_loop3A_2200 = arith.addf %parallel_loop3A_2152, %parallel_loop3A_2167 : vector<16xf32>
      %parallel_loop3A_2201 = arith.addf %parallel_loop3A_2182, %parallel_loop3A_2197 : vector<16xf32>
      %parallel_loop3A_2202 = arith.addf %parallel_loop3A_2198, %parallel_loop3A_2199 : vector<16xf32>
      %parallel_loop3A_2203 = arith.addf %parallel_loop3A_2200, %parallel_loop3A_2201 : vector<16xf32>
      %parallel_loop3A_2204 = arith.addf %parallel_loop3A_2202, %parallel_loop3A_2203 : vector<16xf32>
      %parallel_loop3A_2205 = vector.broadcast %parallel_loop3A_2077 : i32 to vector<16xi32>
      %parallel_loop3A_2206 = arith.addi %mul3A_23, %parallel_loop3A_2205 : vector<16xi32>
      tpu.vector_store_idx %arg11[%parallel_loop3A_2206], %parallel_loop3A_2204 : memref<1040xf32, #tpu.memory_space<vmem>>[vector<16xi32>], vector<16xf32>,
    } {sc.loop_unroll_factor = 1 : i64, sc.parallel_access}
    %get3A_1652 = arith.constant 0 : index
    %get3A_1653 = tpu.vector_load %arg11[%get3A_1652] {strides = array<i32>} : memref<1040xf32, #tpu.memory_space<vmem>>, vector<16xf32>,
    %get3A_1654 = arith.constant 65 : index
    %get3A_1655 = tpu.vector_load %arg11[%get3A_1654] {strides = array<i32>} : memref<1040xf32, #tpu.memory_space<vmem>>, vector<16xf32>,
    %add3A_1656 = arith.addf %get3A_1653, %get3A_1655 : vector<16xf32>
    %get3A_1657 = arith.constant 130 : index
    %get3A_1658 = tpu.vector_load %arg11[%get3A_1657] {strides = array<i32>} : memref<1040xf32, #tpu.memory_space<vmem>>, vector<16xf32>,
    %add3A_1659 = arith.addf %add3A_1656, %get3A_1658 : vector<16xf32>
    %get3A_1660 = arith.constant 195 : index
    %get3A_1661 = tpu.vector_load %arg11[%get3A_1660] {strides = array<i32>} : memref<1040xf32, #tpu.memory_space<vmem>>, vector<16xf32>,
    %add3A_1662 = arith.addf %add3A_1659, %get3A_1661 : vector<16xf32>
    %get3A_1663 = arith.constant 260 : index
    %get3A_1664 = tpu.vector_load %arg11[%get3A_1663] {strides = array<i32>} : memref<1040xf32, #tpu.memory_space<vmem>>, vector<16xf32>,
    %add3A_1665 = arith.addf %add3A_1662, %get3A_1664 : vector<16xf32>
    %get3A_1666 = arith.constant 325 : index
    %get3A_1667 = tpu.vector_load %arg11[%get3A_1666] {strides = array<i32>} : memref<1040xf32, #tpu.memory_space<vmem>>, vector<16xf32>,
    %add3A_1668 = arith.addf %add3A_1665, %get3A_1667 : vector<16xf32>
    %get3A_1669 = arith.constant 390 : index
    %get3A_1670 = tpu.vector_load %arg11[%get3A_1669] {strides = array<i32>} : memref<1040xf32, #tpu.memory_space<vmem>>, vector<16xf32>,
    %add3A_1671 = arith.addf %add3A_1668, %get3A_1670 : vector<16xf32>
    %get3A_1672 = arith.constant 455 : index
    %get3A_1673 = tpu.vector_load %arg11[%get3A_1672] {strides = array<i32>} : memref<1040xf32, #tpu.memory_space<vmem>>, vector<16xf32>,
    %add3A_1674 = arith.addf %add3A_1671, %get3A_1673 : vector<16xf32>
    %get3A_1675 = arith.constant 520 : index
    %get3A_1676 = tpu.vector_load %arg11[%get3A_1675] {strides = array<i32>} : memref<1040xf32, #tpu.memory_space<vmem>>, vector<16xf32>,
    %add3A_1677 = arith.addf %add3A_1674, %get3A_1676 : vector<16xf32>
    %get3A_1678 = arith.constant 585 : index
    %get3A_1679 = tpu.vector_load %arg11[%get3A_1678] {strides = array<i32>} : memref<1040xf32, #tpu.memory_space<vmem>>, vector<16xf32>,
    %add3A_1680 = arith.addf %add3A_1677, %get3A_1679 : vector<16xf32>
    %get3A_1681 = arith.constant 650 : index
    %get3A_1682 = tpu.vector_load %arg11[%get3A_1681] {strides = array<i32>} : memref<1040xf32, #tpu.memory_space<vmem>>, vector<16xf32>,
    %add3A_1683 = arith.addf %add3A_1680, %get3A_1682 : vector<16xf32>
    %get3A_1684 = arith.constant 715 : index
    %get3A_1685 = tpu.vector_load %arg11[%get3A_1684] {strides = array<i32>} : memref<1040xf32, #tpu.memory_space<vmem>>, vector<16xf32>,
    %add3A_1686 = arith.addf %add3A_1683, %get3A_1685 : vector<16xf32>
    %get3A_1687 = arith.constant 780 : index
    %get3A_1688 = tpu.vector_load %arg11[%get3A_1687] {strides = array<i32>} : memref<1040xf32, #tpu.memory_space<vmem>>, vector<16xf32>,
    %add3A_1689 = arith.addf %add3A_1686, %get3A_1688 : vector<16xf32>
    %get3A_1690 = arith.constant 845 : index
    %get3A_1691 = tpu.vector_load %arg11[%get3A_1690] {strides = array<i32>} : memref<1040xf32, #tpu.memory_space<vmem>>, vector<16xf32>,
    %add3A_1692 = arith.addf %add3A_1689, %get3A_1691 : vector<16xf32>
    %get3A_1693 = arith.constant 910 : index
    %get3A_1694 = tpu.vector_load %arg11[%get3A_1693] {strides = array<i32>} : memref<1040xf32, #tpu.memory_space<vmem>>, vector<16xf32>,
    %add3A_1695 = arith.addf %add3A_1692, %get3A_1694 : vector<16xf32>
    %get3A_1696 = arith.constant 975 : index
    %get3A_1697 = tpu.vector_load %arg11[%get3A_1696] {strides = array<i32>} : memref<1040xf32, #tpu.memory_space<vmem>>, vector<16xf32>,
    %add3A_1698 = arith.addf %add3A_1695, %get3A_1697 : vector<16xf32>
    %swap3A_1699 = arith.constant 384 : index
    %swap3A_1700 = tpu.vector_load %arg12[%swap3A_1699] {strides = array<i32>} : memref<512xf32, #tpu.memory_space<vmem>>, vector<16xf32>,
    tpu.vector_store %arg12[%swap3A_1699], %add3A_1698 {strides = array<i32>} : memref<512xf32, #tpu.memory_space<vmem>>, vector<16xf32>,
    %get3A_1701 = arith.constant 16 : index
    %get3A_1702 = tpu.vector_load %arg11[%get3A_1701] {strides = array<i32>} : memref<1040xf32, #tpu.memory_space<vmem>>, vector<16xf32>,
    %get3A_1703 = arith.constant 81 : index
    %get3A_1704 = tpu.vector_load %arg11[%get3A_1703] {strides = array<i32>} : memref<1040xf32, #tpu.memory_space<vmem>>, vector<16xf32>,
    %add3A_1705 = arith.addf %get3A_1702, %get3A_1704 : vector<16xf32>
    %get3A_1706 = arith.constant 146 : index
    %get3A_1707 = tpu.vector_load %arg11[%get3A_1706] {strides = array<i32>} : memref<1040xf32, #tpu.memory_space<vmem>>, vector<16xf32>,
    %add3A_1708 = arith.addf %add3A_1705, %get3A_1707 : vector<16xf32>
    %get3A_1709 = arith.constant 211 : index
    %get3A_1710 = tpu.vector_load %arg11[%get3A_1709] {strides = array<i32>} : memref<1040xf32, #tpu.memory_space<vmem>>, vector<16xf32>,
    %add3A_1711 = arith.addf %add3A_1708, %get3A_1710 : vector<16xf32>
    %get3A_1712 = arith.constant 276 : index
    %get3A_1713 = tpu.vector_load %arg11[%get3A_1712] {strides = array<i32>} : memref<1040xf32, #tpu.memory_space<vmem>>, vector<16xf32>,
    %add3A_1714 = arith.addf %add3A_1711, %get3A_1713 : vector<16xf32>
    %get3A_1715 = arith.constant 341 : index
    %get3A_1716 = tpu.vector_load %arg11[%get3A_1715] {strides = array<i32>} : memref<1040xf32, #tpu.memory_space<vmem>>, vector<16xf32>,
    %add3A_1717 = arith.addf %add3A_1714, %get3A_1716 : vector<16xf32>
    %get3A_1718 = arith.constant 406 : index
    %get3A_1719 = tpu.vector_load %arg11[%get3A_1718] {strides = array<i32>} : memref<1040xf32, #tpu.memory_space<vmem>>, vector<16xf32>,
    %add3A_1720 = arith.addf %add3A_1717, %get3A_1719 : vector<16xf32>
    %get3A_1721 = arith.constant 471 : index
    %get3A_1722 = tpu.vector_load %arg11[%get3A_1721] {strides = array<i32>} : memref<1040xf32, #tpu.memory_space<vmem>>, vector<16xf32>,
    %add3A_1723 = arith.addf %add3A_1720, %get3A_1722 : vector<16xf32>
    %get3A_1724 = arith.constant 536 : index
    %get3A_1725 = tpu.vector_load %arg11[%get3A_1724] {strides = array<i32>} : memref<1040xf32, #tpu.memory_space<vmem>>, vector<16xf32>,
    %add3A_1726 = arith.addf %add3A_1723, %get3A_1725 : vector<16xf32>
    %get3A_1727 = arith.constant 601 : index
    %get3A_1728 = tpu.vector_load %arg11[%get3A_1727] {strides = array<i32>} : memref<1040xf32, #tpu.memory_space<vmem>>, vector<16xf32>,
    %add3A_1729 = arith.addf %add3A_1726, %get3A_1728 : vector<16xf32>
    %get3A_1730 = arith.constant 666 : index
    %get3A_1731 = tpu.vector_load %arg11[%get3A_1730] {strides = array<i32>} : memref<1040xf32, #tpu.memory_space<vmem>>, vector<16xf32>,
    %add3A_1732 = arith.addf %add3A_1729, %get3A_1731 : vector<16xf32>
    %get3A_1733 = arith.constant 731 : index
    %get3A_1734 = tpu.vector_load %arg11[%get3A_1733] {strides = array<i32>} : memref<1040xf32, #tpu.memory_space<vmem>>, vector<16xf32>,
    %add3A_1735 = arith.addf %add3A_1732, %get3A_1734 : vector<16xf32>
    %get3A_1736 = arith.constant 796 : index
    %get3A_1737 = tpu.vector_load %arg11[%get3A_1736] {strides = array<i32>} : memref<1040xf32, #tpu.memory_space<vmem>>, vector<16xf32>,
    %add3A_1738 = arith.addf %add3A_1735, %get3A_1737 : vector<16xf32>
    %get3A_1739 = arith.constant 861 : index
    %get3A_1740 = tpu.vector_load %arg11[%get3A_1739] {strides = array<i32>} : memref<1040xf32, #tpu.memory_space<vmem>>, vector<16xf32>,
    %add3A_1741 = arith.addf %add3A_1738, %get3A_1740 : vector<16xf32>
    %get3A_1742 = arith.constant 926 : index
    %get3A_1743 = tpu.vector_load %arg11[%get3A_1742] {strides = array<i32>} : memref<1040xf32, #tpu.memory_space<vmem>>, vector<16xf32>,
    %add3A_1744 = arith.addf %add3A_1741, %get3A_1743 : vector<16xf32>
    %get3A_1745 = arith.constant 991 : index
    %get3A_1746 = tpu.vector_load %arg11[%get3A_1745] {strides = array<i32>} : memref<1040xf32, #tpu.memory_space<vmem>>, vector<16xf32>,
    %add3A_1747 = arith.addf %add3A_1744, %get3A_1746 : vector<16xf32>
    %swap3A_1748 = arith.constant 400 : index
    %swap3A_1749 = tpu.vector_load %arg12[%swap3A_1748] {strides = array<i32>} : memref<512xf32, #tpu.memory_space<vmem>>, vector<16xf32>,
    tpu.vector_store %arg12[%swap3A_1748], %add3A_1747 {strides = array<i32>} : memref<512xf32, #tpu.memory_space<vmem>>, vector<16xf32>,
    %get3A_1750 = arith.constant 32 : index
    %get3A_1751 = tpu.vector_load %arg11[%get3A_1750] {strides = array<i32>} : memref<1040xf32, #tpu.memory_space<vmem>>, vector<16xf32>,
    %get3A_1752 = arith.constant 97 : index
    %get3A_1753 = tpu.vector_load %arg11[%get3A_1752] {strides = array<i32>} : memref<1040xf32, #tpu.memory_space<vmem>>, vector<16xf32>,
    %add3A_1754 = arith.addf %get3A_1751, %get3A_1753 : vector<16xf32>
    %get3A_1755 = arith.constant 162 : index
    %get3A_1756 = tpu.vector_load %arg11[%get3A_1755] {strides = array<i32>} : memref<1040xf32, #tpu.memory_space<vmem>>, vector<16xf32>,
    %add3A_1757 = arith.addf %add3A_1754, %get3A_1756 : vector<16xf32>
    %get3A_1758 = arith.constant 227 : index
    %get3A_1759 = tpu.vector_load %arg11[%get3A_1758] {strides = array<i32>} : memref<1040xf32, #tpu.memory_space<vmem>>, vector<16xf32>,
    %add3A_1760 = arith.addf %add3A_1757, %get3A_1759 : vector<16xf32>
    %get3A_1761 = arith.constant 292 : index
    %get3A_1762 = tpu.vector_load %arg11[%get3A_1761] {strides = array<i32>} : memref<1040xf32, #tpu.memory_space<vmem>>, vector<16xf32>,
    %add3A_1763 = arith.addf %add3A_1760, %get3A_1762 : vector<16xf32>
    %get3A_1764 = arith.constant 357 : index
    %get3A_1765 = tpu.vector_load %arg11[%get3A_1764] {strides = array<i32>} : memref<1040xf32, #tpu.memory_space<vmem>>, vector<16xf32>,
    %add3A_1766 = arith.addf %add3A_1763, %get3A_1765 : vector<16xf32>
    %get3A_1767 = arith.constant 422 : index
    %get3A_1768 = tpu.vector_load %arg11[%get3A_1767] {strides = array<i32>} : memref<1040xf32, #tpu.memory_space<vmem>>, vector<16xf32>,
    %add3A_1769 = arith.addf %add3A_1766, %get3A_1768 : vector<16xf32>
    %get3A_1770 = arith.constant 487 : index
    %get3A_1771 = tpu.vector_load %arg11[%get3A_1770] {strides = array<i32>} : memref<1040xf32, #tpu.memory_space<vmem>>, vector<16xf32>,
    %add3A_1772 = arith.addf %add3A_1769, %get3A_1771 : vector<16xf32>
    %get3A_1773 = arith.constant 552 : index
    %get3A_1774 = tpu.vector_load %arg11[%get3A_1773] {strides = array<i32>} : memref<1040xf32, #tpu.memory_space<vmem>>, vector<16xf32>,
    %add3A_1775 = arith.addf %add3A_1772, %get3A_1774 : vector<16xf32>
    %get3A_1776 = arith.constant 617 : index
    %get3A_1777 = tpu.vector_load %arg11[%get3A_1776] {strides = array<i32>} : memref<1040xf32, #tpu.memory_space<vmem>>, vector<16xf32>,
    %add3A_1778 = arith.addf %add3A_1775, %get3A_1777 : vector<16xf32>
    %get3A_1779 = arith.constant 682 : index
    %get3A_1780 = tpu.vector_load %arg11[%get3A_1779] {strides = array<i32>} : memref<1040xf32, #tpu.memory_space<vmem>>, vector<16xf32>,
    %add3A_1781 = arith.addf %add3A_1778, %get3A_1780 : vector<16xf32>
    %get3A_1782 = arith.constant 747 : index
    %get3A_1783 = tpu.vector_load %arg11[%get3A_1782] {strides = array<i32>} : memref<1040xf32, #tpu.memory_space<vmem>>, vector<16xf32>,
    %add3A_1784 = arith.addf %add3A_1781, %get3A_1783 : vector<16xf32>
    %get3A_1785 = arith.constant 812 : index
    %get3A_1786 = tpu.vector_load %arg11[%get3A_1785] {strides = array<i32>} : memref<1040xf32, #tpu.memory_space<vmem>>, vector<16xf32>,
    %add3A_1787 = arith.addf %add3A_1784, %get3A_1786 : vector<16xf32>
    %get3A_1788 = arith.constant 877 : index
    %get3A_1789 = tpu.vector_load %arg11[%get3A_1788] {strides = array<i32>} : memref<1040xf32, #tpu.memory_space<vmem>>, vector<16xf32>,
    %add3A_1790 = arith.addf %add3A_1787, %get3A_1789 : vector<16xf32>
    %get3A_1791 = arith.constant 942 : index
    %get3A_1792 = tpu.vector_load %arg11[%get3A_1791] {strides = array<i32>} : memref<1040xf32, #tpu.memory_space<vmem>>, vector<16xf32>,
    %add3A_1793 = arith.addf %add3A_1790, %get3A_1792 : vector<16xf32>
    %get3A_1794 = arith.constant 1007 : index
    %get3A_1795 = tpu.vector_load %arg11[%get3A_1794] {strides = array<i32>} : memref<1040xf32, #tpu.memory_space<vmem>>, vector<16xf32>,
    %add3A_1796 = arith.addf %add3A_1793, %get3A_1795 : vector<16xf32>
    %swap3A_1797 = arith.constant 416 : index
    %swap3A_1798 = tpu.vector_load %arg12[%swap3A_1797] {strides = array<i32>} : memref<512xf32, #tpu.memory_space<vmem>>, vector<16xf32>,
    tpu.vector_store %arg12[%swap3A_1797], %add3A_1796 {strides = array<i32>} : memref<512xf32, #tpu.memory_space<vmem>>, vector<16xf32>,
    %get3A_1799 = arith.constant 48 : index
    %get3A_1800 = tpu.vector_load %arg11[%get3A_1799] {strides = array<i32>} : memref<1040xf32, #tpu.memory_space<vmem>>, vector<16xf32>,
    %get3A_1801 = arith.constant 113 : index
    %get3A_1802 = tpu.vector_load %arg11[%get3A_1801] {strides = array<i32>} : memref<1040xf32, #tpu.memory_space<vmem>>, vector<16xf32>,
    %add3A_1803 = arith.addf %get3A_1800, %get3A_1802 : vector<16xf32>
    %get3A_1804 = arith.constant 178 : index
    %get3A_1805 = tpu.vector_load %arg11[%get3A_1804] {strides = array<i32>} : memref<1040xf32, #tpu.memory_space<vmem>>, vector<16xf32>,
    %add3A_1806 = arith.addf %add3A_1803, %get3A_1805 : vector<16xf32>
    %get3A_1807 = arith.constant 243 : index
    %get3A_1808 = tpu.vector_load %arg11[%get3A_1807] {strides = array<i32>} : memref<1040xf32, #tpu.memory_space<vmem>>, vector<16xf32>,
    %add3A_1809 = arith.addf %add3A_1806, %get3A_1808 : vector<16xf32>
    %get3A_1810 = arith.constant 308 : index
    %get3A_1811 = tpu.vector_load %arg11[%get3A_1810] {strides = array<i32>} : memref<1040xf32, #tpu.memory_space<vmem>>, vector<16xf32>,
    %add3A_1812 = arith.addf %add3A_1809, %get3A_1811 : vector<16xf32>
    %get3A_1813 = arith.constant 373 : index
    %get3A_1814 = tpu.vector_load %arg11[%get3A_1813] {strides = array<i32>} : memref<1040xf32, #tpu.memory_space<vmem>>, vector<16xf32>,
    %add3A_1815 = arith.addf %add3A_1812, %get3A_1814 : vector<16xf32>
    %get3A_1816 = arith.constant 438 : index
    %get3A_1817 = tpu.vector_load %arg11[%get3A_1816] {strides = array<i32>} : memref<1040xf32, #tpu.memory_space<vmem>>, vector<16xf32>,
    %add3A_1818 = arith.addf %add3A_1815, %get3A_1817 : vector<16xf32>
    %get3A_1819 = arith.constant 503 : index
    %get3A_1820 = tpu.vector_load %arg11[%get3A_1819] {strides = array<i32>} : memref<1040xf32, #tpu.memory_space<vmem>>, vector<16xf32>,
    %add3A_1821 = arith.addf %add3A_1818, %get3A_1820 : vector<16xf32>
    %get3A_1822 = arith.constant 568 : index
    %get3A_1823 = tpu.vector_load %arg11[%get3A_1822] {strides = array<i32>} : memref<1040xf32, #tpu.memory_space<vmem>>, vector<16xf32>,
    %add3A_1824 = arith.addf %add3A_1821, %get3A_1823 : vector<16xf32>
    %get3A_1825 = arith.constant 633 : index
    %get3A_1826 = tpu.vector_load %arg11[%get3A_1825] {strides = array<i32>} : memref<1040xf32, #tpu.memory_space<vmem>>, vector<16xf32>,
    %add3A_1827 = arith.addf %add3A_1824, %get3A_1826 : vector<16xf32>
    %get3A_1828 = arith.constant 698 : index
    %get3A_1829 = tpu.vector_load %arg11[%get3A_1828] {strides = array<i32>} : memref<1040xf32, #tpu.memory_space<vmem>>, vector<16xf32>,
    %add3A_1830 = arith.addf %add3A_1827, %get3A_1829 : vector<16xf32>
    %get3A_1831 = arith.constant 763 : index
    %get3A_1832 = tpu.vector_load %arg11[%get3A_1831] {strides = array<i32>} : memref<1040xf32, #tpu.memory_space<vmem>>, vector<16xf32>,
    %add3A_1833 = arith.addf %add3A_1830, %get3A_1832 : vector<16xf32>
    %get3A_1834 = arith.constant 828 : index
    %get3A_1835 = tpu.vector_load %arg11[%get3A_1834] {strides = array<i32>} : memref<1040xf32, #tpu.memory_space<vmem>>, vector<16xf32>,
    %add3A_1836 = arith.addf %add3A_1833, %get3A_1835 : vector<16xf32>
    %get3A_1837 = arith.constant 893 : index
    %get3A_1838 = tpu.vector_load %arg11[%get3A_1837] {strides = array<i32>} : memref<1040xf32, #tpu.memory_space<vmem>>, vector<16xf32>,
    %add3A_1839 = arith.addf %add3A_1836, %get3A_1838 : vector<16xf32>
    %get3A_1840 = arith.constant 958 : index
    %get3A_1841 = tpu.vector_load %arg11[%get3A_1840] {strides = array<i32>} : memref<1040xf32, #tpu.memory_space<vmem>>, vector<16xf32>,
    %add3A_1842 = arith.addf %add3A_1839, %get3A_1841 : vector<16xf32>
    %get3A_1843 = arith.constant 1023 : index
    %get3A_1844 = tpu.vector_load %arg11[%get3A_1843] {strides = array<i32>} : memref<1040xf32, #tpu.memory_space<vmem>>, vector<16xf32>,
    %add3A_1845 = arith.addf %add3A_1842, %get3A_1844 : vector<16xf32>
    %swap3A_1846 = arith.constant 432 : index
    %swap3A_1847 = tpu.vector_load %arg12[%swap3A_1846] {strides = array<i32>} : memref<512xf32, #tpu.memory_space<vmem>>, vector<16xf32>,
    tpu.vector_store %arg12[%swap3A_1846], %add3A_1845 {strides = array<i32>} : memref<512xf32, #tpu.memory_space<vmem>>, vector<16xf32>,
    %dma_wait3A_1848 = arith.constant 0 : i32
    %dma_wait3A_1849 = arith.constant 0 : i32
    %dma_wait3A_1850 = arith.constant 0 : i32
    %dma_wait3A_1851 = arith.constant 0 : i32
    %dma_wait3A_1852 = arith.constant 0 : i32
    %dma_wait3A_1853 = tpu.memref_slice %arg9[%dma_wait3A_1848, %dma_wait3A_1851, %dma_wait3A_1852] : memref<7x64x128xf32, #tpu.memory_space<vmem>> -> memref<1x64x128xf32, #tpu.memory_space<vmem>>
    %dma_wait3A_1854 = tpu.memref_squeeze %dma_wait3A_1853 : memref<1x64x128xf32, #tpu.memory_space<vmem>> -> memref<64x128xf32, #tpu.memory_space<vmem>>
    %dma_wait3A_1855 = arith.constant 448 : i32
    %dma_wait3A_1856 = tpu.memref_slice %arg7[%dma_wait3A_1855] : memref<512xi32, #tpu.memory_space<vmem>> -> memref<64xi32, #tpu.memory_space<vmem>>
    %dma_wait3A_1857 = arith.constant 0 : i32
    %dma_wait3A_1858 = arith.constant 0 : i32
    %dma_wait3A_1859 = tpu.memref_slice %arg4[%dma_wait3A_1857, %dma_wait3A_1858] : memref<100000x128xf32, #tpu.memory_space<hbm>> -> memref<100000x128xf32, #tpu.memory_space<hbm>>
    %dma_wait3A_1860 = tpu.memref_slice %arg13[%dma_wait3A_1849, %dma_wait3A_1850] : memref<7x2x!tpu.dma_semaphore, #tpu.memory_space<semaphore_mem>> -> memref<1x1x!tpu.dma_semaphore, #tpu.memory_space<semaphore_mem>>
    %dma_wait3A_1861 = tpu.memref_squeeze %dma_wait3A_1860 : memref<1x1x!tpu.dma_semaphore, #tpu.memory_space<semaphore_mem>> -> memref<!tpu.dma_semaphore, #tpu.memory_space<semaphore_mem>>
    tpu.wait_indirect_dma semaphore(%dma_wait3A_1861 : memref<!tpu.dma_semaphore, #tpu.memory_space<semaphore_mem>>) src(%dma_wait3A_1859 : memref<100000x128xf32, #tpu.memory_space<hbm>>) dst(%dma_wait3A_1854 : memref<64x128xf32, #tpu.memory_space<vmem>>)
    %dma_wait3A_1862 = arith.constant 0 : i32
    %dma_wait3A_1863 = arith.constant 0 : i32
    %dma_wait3A_1864 = arith.constant 1 : i32
    %dma_wait3A_1865 = arith.constant 0 : i32
    %dma_wait3A_1866 = arith.constant 0 : i32
    %dma_wait3A_1867 = tpu.memref_slice %arg10[%dma_wait3A_1862, %dma_wait3A_1865, %dma_wait3A_1866] : memref<7x64x128xf32, #tpu.memory_space<vmem>> -> memref<1x64x128xf32, #tpu.memory_space<vmem>>
    %dma_wait3A_1868 = tpu.memref_squeeze %dma_wait3A_1867 : memref<1x64x128xf32, #tpu.memory_space<vmem>> -> memref<64x128xf32, #tpu.memory_space<vmem>>
    %dma_wait3A_1869 = arith.constant 448 : i32
    %dma_wait3A_1870 = tpu.memref_slice %arg8[%dma_wait3A_1869] : memref<512xi32, #tpu.memory_space<vmem>> -> memref<64xi32, #tpu.memory_space<vmem>>
    %dma_wait3A_1871 = arith.constant 0 : i32
    %dma_wait3A_1872 = arith.constant 0 : i32
    %dma_wait3A_1873 = tpu.memref_slice %arg5[%dma_wait3A_1871, %dma_wait3A_1872] : memref<1000000x128xf32, #tpu.memory_space<hbm>> -> memref<1000000x128xf32, #tpu.memory_space<hbm>>
    %dma_wait3A_1874 = tpu.memref_slice %arg13[%dma_wait3A_1863, %dma_wait3A_1864] : memref<7x2x!tpu.dma_semaphore, #tpu.memory_space<semaphore_mem>> -> memref<1x1x!tpu.dma_semaphore, #tpu.memory_space<semaphore_mem>>
    %dma_wait3A_1875 = tpu.memref_squeeze %dma_wait3A_1874 : memref<1x1x!tpu.dma_semaphore, #tpu.memory_space<semaphore_mem>> -> memref<!tpu.dma_semaphore, #tpu.memory_space<semaphore_mem>>
    tpu.wait_indirect_dma semaphore(%dma_wait3A_1875 : memref<!tpu.dma_semaphore, #tpu.memory_space<semaphore_mem>>) src(%dma_wait3A_1873 : memref<1000000x128xf32, #tpu.memory_space<hbm>>) dst(%dma_wait3A_1868 : memref<64x128xf32, #tpu.memory_space<vmem>>)
    %parallel_loop3A_1876 = arith.constant 0 : i32
    %parallel_loop3A_1877 = arith.constant 64 : i32
    %parallel_loop3A_1878 = arith.constant 1 : i32
    %parallel_loop3A_1879 = arith.constant 0 : i32
    %parallel_loop3A_1880 = arith.constant 0 : i32
    scf.for %parallel_loop3A_2077 = %parallel_loop3A_1876 to %parallel_loop3A_1877 step %parallel_loop3A_1878  : i32 {
      %parallel_loop3A_2078 = arith.constant 0 : i32
      %parallel_loop3A_2079 = arith.constant 0 : i32
      %parallel_loop3A_2080 = tpu.memref_slice %arg9[%parallel_loop3A_1879, %parallel_loop3A_2078, %parallel_loop3A_2079] : memref<7x64x128xf32, #tpu.memory_space<vmem>> -> memref<1x64x128xf32, #tpu.memory_space<vmem>>
      %parallel_loop3A_2081 = tpu.memref_squeeze %parallel_loop3A_2080 : memref<1x64x128xf32, #tpu.memory_space<vmem>> -> memref<64x128xf32, #tpu.memory_space<vmem>>
      %parallel_loop3A_2082 = arith.index_cast %parallel_loop3A_2077 : i32 to index
      %parallel_loop3A_2083 = arith.constant 0 : index
      %parallel_loop3A_2084 = tpu.vector_load %parallel_loop3A_2081[%parallel_loop3A_2082, %parallel_loop3A_2083] {strides = array<i32>} : memref<64x128xf32, #tpu.memory_space<vmem>>, vector<16xf32>,
      %parallel_loop3A_2085 = arith.constant 0 : i32
      %parallel_loop3A_2086 = arith.constant 0 : i32
      %parallel_loop3A_2087 = tpu.memref_slice %arg10[%parallel_loop3A_1880, %parallel_loop3A_2085, %parallel_loop3A_2086] : memref<7x64x128xf32, #tpu.memory_space<vmem>> -> memref<1x64x128xf32, #tpu.memory_space<vmem>>
      %parallel_loop3A_2088 = tpu.memref_squeeze %parallel_loop3A_2087 : memref<1x64x128xf32, #tpu.memory_space<vmem>> -> memref<64x128xf32, #tpu.memory_space<vmem>>
      %parallel_loop3A_2089 = arith.index_cast %parallel_loop3A_2077 : i32 to index
      %parallel_loop3A_2090 = arith.constant 0 : index
      %parallel_loop3A_2091 = tpu.vector_load %parallel_loop3A_2088[%parallel_loop3A_2089, %parallel_loop3A_2090] {strides = array<i32>} : memref<64x128xf32, #tpu.memory_space<vmem>>, vector<16xf32>,
      %parallel_loop3A_2092 = arith.mulf %parallel_loop3A_2084, %parallel_loop3A_2091 : vector<16xf32>
      %parallel_loop3A_2093 = arith.constant 0 : i32
      %parallel_loop3A_2094 = arith.constant 0 : i32
      %parallel_loop3A_2095 = tpu.memref_slice %arg9[%parallel_loop3A_1879, %parallel_loop3A_2093, %parallel_loop3A_2094] : memref<7x64x128xf32, #tpu.memory_space<vmem>> -> memref<1x64x128xf32, #tpu.memory_space<vmem>>
      %parallel_loop3A_2096 = tpu.memref_squeeze %parallel_loop3A_2095 : memref<1x64x128xf32, #tpu.memory_space<vmem>> -> memref<64x128xf32, #tpu.memory_space<vmem>>
      %parallel_loop3A_2097 = arith.index_cast %parallel_loop3A_2077 : i32 to index
      %parallel_loop3A_2098 = arith.constant 16 : index
      %parallel_loop3A_2099 = tpu.vector_load %parallel_loop3A_2096[%parallel_loop3A_2097, %parallel_loop3A_2098] {strides = array<i32>} : memref<64x128xf32, #tpu.memory_space<vmem>>, vector<16xf32>,
      %parallel_loop3A_2100 = arith.constant 0 : i32
      %parallel_loop3A_2101 = arith.constant 0 : i32
      %parallel_loop3A_2102 = tpu.memref_slice %arg10[%parallel_loop3A_1880, %parallel_loop3A_2100, %parallel_loop3A_2101] : memref<7x64x128xf32, #tpu.memory_space<vmem>> -> memref<1x64x128xf32, #tpu.memory_space<vmem>>
      %parallel_loop3A_2103 = tpu.memref_squeeze %parallel_loop3A_2102 : memref<1x64x128xf32, #tpu.memory_space<vmem>> -> memref<64x128xf32, #tpu.memory_space<vmem>>
      %parallel_loop3A_2104 = arith.index_cast %parallel_loop3A_2077 : i32 to index
      %parallel_loop3A_2105 = arith.constant 16 : index
      %parallel_loop3A_2106 = tpu.vector_load %parallel_loop3A_2103[%parallel_loop3A_2104, %parallel_loop3A_2105] {strides = array<i32>} : memref<64x128xf32, #tpu.memory_space<vmem>>, vector<16xf32>,
      %parallel_loop3A_2107 = arith.mulf %parallel_loop3A_2099, %parallel_loop3A_2106 : vector<16xf32>
      %parallel_loop3A_2108 = arith.constant 0 : i32
      %parallel_loop3A_2109 = arith.constant 0 : i32
      %parallel_loop3A_2110 = tpu.memref_slice %arg9[%parallel_loop3A_1879, %parallel_loop3A_2108, %parallel_loop3A_2109] : memref<7x64x128xf32, #tpu.memory_space<vmem>> -> memref<1x64x128xf32, #tpu.memory_space<vmem>>
      %parallel_loop3A_2111 = tpu.memref_squeeze %parallel_loop3A_2110 : memref<1x64x128xf32, #tpu.memory_space<vmem>> -> memref<64x128xf32, #tpu.memory_space<vmem>>
      %parallel_loop3A_2112 = arith.index_cast %parallel_loop3A_2077 : i32 to index
      %parallel_loop3A_2113 = arith.constant 32 : index
      %parallel_loop3A_2114 = tpu.vector_load %parallel_loop3A_2111[%parallel_loop3A_2112, %parallel_loop3A_2113] {strides = array<i32>} : memref<64x128xf32, #tpu.memory_space<vmem>>, vector<16xf32>,
      %parallel_loop3A_2115 = arith.constant 0 : i32
      %parallel_loop3A_2116 = arith.constant 0 : i32
      %parallel_loop3A_2117 = tpu.memref_slice %arg10[%parallel_loop3A_1880, %parallel_loop3A_2115, %parallel_loop3A_2116] : memref<7x64x128xf32, #tpu.memory_space<vmem>> -> memref<1x64x128xf32, #tpu.memory_space<vmem>>
      %parallel_loop3A_2118 = tpu.memref_squeeze %parallel_loop3A_2117 : memref<1x64x128xf32, #tpu.memory_space<vmem>> -> memref<64x128xf32, #tpu.memory_space<vmem>>
      %parallel_loop3A_2119 = arith.index_cast %parallel_loop3A_2077 : i32 to index
      %parallel_loop3A_2120 = arith.constant 32 : index
      %parallel_loop3A_2121 = tpu.vector_load %parallel_loop3A_2118[%parallel_loop3A_2119, %parallel_loop3A_2120] {strides = array<i32>} : memref<64x128xf32, #tpu.memory_space<vmem>>, vector<16xf32>,
      %parallel_loop3A_2122 = arith.mulf %parallel_loop3A_2114, %parallel_loop3A_2121 : vector<16xf32>
      %parallel_loop3A_2123 = arith.constant 0 : i32
      %parallel_loop3A_2124 = arith.constant 0 : i32
      %parallel_loop3A_2125 = tpu.memref_slice %arg9[%parallel_loop3A_1879, %parallel_loop3A_2123, %parallel_loop3A_2124] : memref<7x64x128xf32, #tpu.memory_space<vmem>> -> memref<1x64x128xf32, #tpu.memory_space<vmem>>
      %parallel_loop3A_2126 = tpu.memref_squeeze %parallel_loop3A_2125 : memref<1x64x128xf32, #tpu.memory_space<vmem>> -> memref<64x128xf32, #tpu.memory_space<vmem>>
      %parallel_loop3A_2127 = arith.index_cast %parallel_loop3A_2077 : i32 to index
      %parallel_loop3A_2128 = arith.constant 48 : index
      %parallel_loop3A_2129 = tpu.vector_load %parallel_loop3A_2126[%parallel_loop3A_2127, %parallel_loop3A_2128] {strides = array<i32>} : memref<64x128xf32, #tpu.memory_space<vmem>>, vector<16xf32>,
      %parallel_loop3A_2130 = arith.constant 0 : i32
      %parallel_loop3A_2131 = arith.constant 0 : i32
      %parallel_loop3A_2132 = tpu.memref_slice %arg10[%parallel_loop3A_1880, %parallel_loop3A_2130, %parallel_loop3A_2131] : memref<7x64x128xf32, #tpu.memory_space<vmem>> -> memref<1x64x128xf32, #tpu.memory_space<vmem>>
      %parallel_loop3A_2133 = tpu.memref_squeeze %parallel_loop3A_2132 : memref<1x64x128xf32, #tpu.memory_space<vmem>> -> memref<64x128xf32, #tpu.memory_space<vmem>>
      %parallel_loop3A_2134 = arith.index_cast %parallel_loop3A_2077 : i32 to index
      %parallel_loop3A_2135 = arith.constant 48 : index
      %parallel_loop3A_2136 = tpu.vector_load %parallel_loop3A_2133[%parallel_loop3A_2134, %parallel_loop3A_2135] {strides = array<i32>} : memref<64x128xf32, #tpu.memory_space<vmem>>, vector<16xf32>,
      %parallel_loop3A_2137 = arith.mulf %parallel_loop3A_2129, %parallel_loop3A_2136 : vector<16xf32>
      %parallel_loop3A_2138 = arith.constant 0 : i32
      %parallel_loop3A_2139 = arith.constant 0 : i32
      %parallel_loop3A_2140 = tpu.memref_slice %arg9[%parallel_loop3A_1879, %parallel_loop3A_2138, %parallel_loop3A_2139] : memref<7x64x128xf32, #tpu.memory_space<vmem>> -> memref<1x64x128xf32, #tpu.memory_space<vmem>>
      %parallel_loop3A_2141 = tpu.memref_squeeze %parallel_loop3A_2140 : memref<1x64x128xf32, #tpu.memory_space<vmem>> -> memref<64x128xf32, #tpu.memory_space<vmem>>
      %parallel_loop3A_2142 = arith.index_cast %parallel_loop3A_2077 : i32 to index
      %parallel_loop3A_2143 = arith.constant 64 : index
      %parallel_loop3A_2144 = tpu.vector_load %parallel_loop3A_2141[%parallel_loop3A_2142, %parallel_loop3A_2143] {strides = array<i32>} : memref<64x128xf32, #tpu.memory_space<vmem>>, vector<16xf32>,
      %parallel_loop3A_2145 = arith.constant 0 : i32
      %parallel_loop3A_2146 = arith.constant 0 : i32
      %parallel_loop3A_2147 = tpu.memref_slice %arg10[%parallel_loop3A_1880, %parallel_loop3A_2145, %parallel_loop3A_2146] : memref<7x64x128xf32, #tpu.memory_space<vmem>> -> memref<1x64x128xf32, #tpu.memory_space<vmem>>
      %parallel_loop3A_2148 = tpu.memref_squeeze %parallel_loop3A_2147 : memref<1x64x128xf32, #tpu.memory_space<vmem>> -> memref<64x128xf32, #tpu.memory_space<vmem>>
      %parallel_loop3A_2149 = arith.index_cast %parallel_loop3A_2077 : i32 to index
      %parallel_loop3A_2150 = arith.constant 64 : index
      %parallel_loop3A_2151 = tpu.vector_load %parallel_loop3A_2148[%parallel_loop3A_2149, %parallel_loop3A_2150] {strides = array<i32>} : memref<64x128xf32, #tpu.memory_space<vmem>>, vector<16xf32>,
      %parallel_loop3A_2152 = arith.mulf %parallel_loop3A_2144, %parallel_loop3A_2151 : vector<16xf32>
      %parallel_loop3A_2153 = arith.constant 0 : i32
      %parallel_loop3A_2154 = arith.constant 0 : i32
      %parallel_loop3A_2155 = tpu.memref_slice %arg9[%parallel_loop3A_1879, %parallel_loop3A_2153, %parallel_loop3A_2154] : memref<7x64x128xf32, #tpu.memory_space<vmem>> -> memref<1x64x128xf32, #tpu.memory_space<vmem>>
      %parallel_loop3A_2156 = tpu.memref_squeeze %parallel_loop3A_2155 : memref<1x64x128xf32, #tpu.memory_space<vmem>> -> memref<64x128xf32, #tpu.memory_space<vmem>>
      %parallel_loop3A_2157 = arith.index_cast %parallel_loop3A_2077 : i32 to index
      %parallel_loop3A_2158 = arith.constant 80 : index
      %parallel_loop3A_2159 = tpu.vector_load %parallel_loop3A_2156[%parallel_loop3A_2157, %parallel_loop3A_2158] {strides = array<i32>} : memref<64x128xf32, #tpu.memory_space<vmem>>, vector<16xf32>,
      %parallel_loop3A_2160 = arith.constant 0 : i32
      %parallel_loop3A_2161 = arith.constant 0 : i32
      %parallel_loop3A_2162 = tpu.memref_slice %arg10[%parallel_loop3A_1880, %parallel_loop3A_2160, %parallel_loop3A_2161] : memref<7x64x128xf32, #tpu.memory_space<vmem>> -> memref<1x64x128xf32, #tpu.memory_space<vmem>>
      %parallel_loop3A_2163 = tpu.memref_squeeze %parallel_loop3A_2162 : memref<1x64x128xf32, #tpu.memory_space<vmem>> -> memref<64x128xf32, #tpu.memory_space<vmem>>
      %parallel_loop3A_2164 = arith.index_cast %parallel_loop3A_2077 : i32 to index
      %parallel_loop3A_2165 = arith.constant 80 : index
      %parallel_loop3A_2166 = tpu.vector_load %parallel_loop3A_2163[%parallel_loop3A_2164, %parallel_loop3A_2165] {strides = array<i32>} : memref<64x128xf32, #tpu.memory_space<vmem>>, vector<16xf32>,
      %parallel_loop3A_2167 = arith.mulf %parallel_loop3A_2159, %parallel_loop3A_2166 : vector<16xf32>
      %parallel_loop3A_2168 = arith.constant 0 : i32
      %parallel_loop3A_2169 = arith.constant 0 : i32
      %parallel_loop3A_2170 = tpu.memref_slice %arg9[%parallel_loop3A_1879, %parallel_loop3A_2168, %parallel_loop3A_2169] : memref<7x64x128xf32, #tpu.memory_space<vmem>> -> memref<1x64x128xf32, #tpu.memory_space<vmem>>
      %parallel_loop3A_2171 = tpu.memref_squeeze %parallel_loop3A_2170 : memref<1x64x128xf32, #tpu.memory_space<vmem>> -> memref<64x128xf32, #tpu.memory_space<vmem>>
      %parallel_loop3A_2172 = arith.index_cast %parallel_loop3A_2077 : i32 to index
      %parallel_loop3A_2173 = arith.constant 96 : index
      %parallel_loop3A_2174 = tpu.vector_load %parallel_loop3A_2171[%parallel_loop3A_2172, %parallel_loop3A_2173] {strides = array<i32>} : memref<64x128xf32, #tpu.memory_space<vmem>>, vector<16xf32>,
      %parallel_loop3A_2175 = arith.constant 0 : i32
      %parallel_loop3A_2176 = arith.constant 0 : i32
      %parallel_loop3A_2177 = tpu.memref_slice %arg10[%parallel_loop3A_1880, %parallel_loop3A_2175, %parallel_loop3A_2176] : memref<7x64x128xf32, #tpu.memory_space<vmem>> -> memref<1x64x128xf32, #tpu.memory_space<vmem>>
      %parallel_loop3A_2178 = tpu.memref_squeeze %parallel_loop3A_2177 : memref<1x64x128xf32, #tpu.memory_space<vmem>> -> memref<64x128xf32, #tpu.memory_space<vmem>>
      %parallel_loop3A_2179 = arith.index_cast %parallel_loop3A_2077 : i32 to index
      %parallel_loop3A_2180 = arith.constant 96 : index
      %parallel_loop3A_2181 = tpu.vector_load %parallel_loop3A_2178[%parallel_loop3A_2179, %parallel_loop3A_2180] {strides = array<i32>} : memref<64x128xf32, #tpu.memory_space<vmem>>, vector<16xf32>,
      %parallel_loop3A_2182 = arith.mulf %parallel_loop3A_2174, %parallel_loop3A_2181 : vector<16xf32>
      %parallel_loop3A_2183 = arith.constant 0 : i32
      %parallel_loop3A_2184 = arith.constant 0 : i32
      %parallel_loop3A_2185 = tpu.memref_slice %arg9[%parallel_loop3A_1879, %parallel_loop3A_2183, %parallel_loop3A_2184] : memref<7x64x128xf32, #tpu.memory_space<vmem>> -> memref<1x64x128xf32, #tpu.memory_space<vmem>>
      %parallel_loop3A_2186 = tpu.memref_squeeze %parallel_loop3A_2185 : memref<1x64x128xf32, #tpu.memory_space<vmem>> -> memref<64x128xf32, #tpu.memory_space<vmem>>
      %parallel_loop3A_2187 = arith.index_cast %parallel_loop3A_2077 : i32 to index
      %parallel_loop3A_2188 = arith.constant 112 : index
      %parallel_loop3A_2189 = tpu.vector_load %parallel_loop3A_2186[%parallel_loop3A_2187, %parallel_loop3A_2188] {strides = array<i32>} : memref<64x128xf32, #tpu.memory_space<vmem>>, vector<16xf32>,
      %parallel_loop3A_2190 = arith.constant 0 : i32
      %parallel_loop3A_2191 = arith.constant 0 : i32
      %parallel_loop3A_2192 = tpu.memref_slice %arg10[%parallel_loop3A_1880, %parallel_loop3A_2190, %parallel_loop3A_2191] : memref<7x64x128xf32, #tpu.memory_space<vmem>> -> memref<1x64x128xf32, #tpu.memory_space<vmem>>
      %parallel_loop3A_2193 = tpu.memref_squeeze %parallel_loop3A_2192 : memref<1x64x128xf32, #tpu.memory_space<vmem>> -> memref<64x128xf32, #tpu.memory_space<vmem>>
      %parallel_loop3A_2194 = arith.index_cast %parallel_loop3A_2077 : i32 to index
      %parallel_loop3A_2195 = arith.constant 112 : index
      %parallel_loop3A_2196 = tpu.vector_load %parallel_loop3A_2193[%parallel_loop3A_2194, %parallel_loop3A_2195] {strides = array<i32>} : memref<64x128xf32, #tpu.memory_space<vmem>>, vector<16xf32>,
      %parallel_loop3A_2197 = arith.mulf %parallel_loop3A_2189, %parallel_loop3A_2196 : vector<16xf32>
      %parallel_loop3A_2198 = arith.addf %parallel_loop3A_2092, %parallel_loop3A_2107 : vector<16xf32>
      %parallel_loop3A_2199 = arith.addf %parallel_loop3A_2122, %parallel_loop3A_2137 : vector<16xf32>
      %parallel_loop3A_2200 = arith.addf %parallel_loop3A_2152, %parallel_loop3A_2167 : vector<16xf32>
      %parallel_loop3A_2201 = arith.addf %parallel_loop3A_2182, %parallel_loop3A_2197 : vector<16xf32>
      %parallel_loop3A_2202 = arith.addf %parallel_loop3A_2198, %parallel_loop3A_2199 : vector<16xf32>
      %parallel_loop3A_2203 = arith.addf %parallel_loop3A_2200, %parallel_loop3A_2201 : vector<16xf32>
      %parallel_loop3A_2204 = arith.addf %parallel_loop3A_2202, %parallel_loop3A_2203 : vector<16xf32>
      %parallel_loop3A_2205 = vector.broadcast %parallel_loop3A_2077 : i32 to vector<16xi32>
      %parallel_loop3A_2206 = arith.addi %mul3A_23, %parallel_loop3A_2205 : vector<16xi32>
      tpu.vector_store_idx %arg11[%parallel_loop3A_2206], %parallel_loop3A_2204 : memref<1040xf32, #tpu.memory_space<vmem>>[vector<16xi32>], vector<16xf32>,
    } {sc.loop_unroll_factor = 1 : i64, sc.parallel_access}
    %get3A_1881 = arith.constant 0 : index
    %get3A_1882 = tpu.vector_load %arg11[%get3A_1881] {strides = array<i32>} : memref<1040xf32, #tpu.memory_space<vmem>>, vector<16xf32>,
    %get3A_1883 = arith.constant 65 : index
    %get3A_1884 = tpu.vector_load %arg11[%get3A_1883] {strides = array<i32>} : memref<1040xf32, #tpu.memory_space<vmem>>, vector<16xf32>,
    %add3A_1885 = arith.addf %get3A_1882, %get3A_1884 : vector<16xf32>
    %get3A_1886 = arith.constant 130 : index
    %get3A_1887 = tpu.vector_load %arg11[%get3A_1886] {strides = array<i32>} : memref<1040xf32, #tpu.memory_space<vmem>>, vector<16xf32>,
    %add3A_1888 = arith.addf %add3A_1885, %get3A_1887 : vector<16xf32>
    %get3A_1889 = arith.constant 195 : index
    %get3A_1890 = tpu.vector_load %arg11[%get3A_1889] {strides = array<i32>} : memref<1040xf32, #tpu.memory_space<vmem>>, vector<16xf32>,
    %add3A_1891 = arith.addf %add3A_1888, %get3A_1890 : vector<16xf32>
    %get3A_1892 = arith.constant 260 : index
    %get3A_1893 = tpu.vector_load %arg11[%get3A_1892] {strides = array<i32>} : memref<1040xf32, #tpu.memory_space<vmem>>, vector<16xf32>,
    %add3A_1894 = arith.addf %add3A_1891, %get3A_1893 : vector<16xf32>
    %get3A_1895 = arith.constant 325 : index
    %get3A_1896 = tpu.vector_load %arg11[%get3A_1895] {strides = array<i32>} : memref<1040xf32, #tpu.memory_space<vmem>>, vector<16xf32>,
    %add3A_1897 = arith.addf %add3A_1894, %get3A_1896 : vector<16xf32>
    %get3A_1898 = arith.constant 390 : index
    %get3A_1899 = tpu.vector_load %arg11[%get3A_1898] {strides = array<i32>} : memref<1040xf32, #tpu.memory_space<vmem>>, vector<16xf32>,
    %add3A_1900 = arith.addf %add3A_1897, %get3A_1899 : vector<16xf32>
    %get3A_1901 = arith.constant 455 : index
    %get3A_1902 = tpu.vector_load %arg11[%get3A_1901] {strides = array<i32>} : memref<1040xf32, #tpu.memory_space<vmem>>, vector<16xf32>,
    %add3A_1903 = arith.addf %add3A_1900, %get3A_1902 : vector<16xf32>
    %get3A_1904 = arith.constant 520 : index
    %get3A_1905 = tpu.vector_load %arg11[%get3A_1904] {strides = array<i32>} : memref<1040xf32, #tpu.memory_space<vmem>>, vector<16xf32>,
    %add3A_1906 = arith.addf %add3A_1903, %get3A_1905 : vector<16xf32>
    %get3A_1907 = arith.constant 585 : index
    %get3A_1908 = tpu.vector_load %arg11[%get3A_1907] {strides = array<i32>} : memref<1040xf32, #tpu.memory_space<vmem>>, vector<16xf32>,
    %add3A_1909 = arith.addf %add3A_1906, %get3A_1908 : vector<16xf32>
    %get3A_1910 = arith.constant 650 : index
    %get3A_1911 = tpu.vector_load %arg11[%get3A_1910] {strides = array<i32>} : memref<1040xf32, #tpu.memory_space<vmem>>, vector<16xf32>,
    %add3A_1912 = arith.addf %add3A_1909, %get3A_1911 : vector<16xf32>
    %get3A_1913 = arith.constant 715 : index
    %get3A_1914 = tpu.vector_load %arg11[%get3A_1913] {strides = array<i32>} : memref<1040xf32, #tpu.memory_space<vmem>>, vector<16xf32>,
    %add3A_1915 = arith.addf %add3A_1912, %get3A_1914 : vector<16xf32>
    %get3A_1916 = arith.constant 780 : index
    %get3A_1917 = tpu.vector_load %arg11[%get3A_1916] {strides = array<i32>} : memref<1040xf32, #tpu.memory_space<vmem>>, vector<16xf32>,
    %add3A_1918 = arith.addf %add3A_1915, %get3A_1917 : vector<16xf32>
    %get3A_1919 = arith.constant 845 : index
    %get3A_1920 = tpu.vector_load %arg11[%get3A_1919] {strides = array<i32>} : memref<1040xf32, #tpu.memory_space<vmem>>, vector<16xf32>,
    %add3A_1921 = arith.addf %add3A_1918, %get3A_1920 : vector<16xf32>
    %get3A_1922 = arith.constant 910 : index
    %get3A_1923 = tpu.vector_load %arg11[%get3A_1922] {strides = array<i32>} : memref<1040xf32, #tpu.memory_space<vmem>>, vector<16xf32>,
    %add3A_1924 = arith.addf %add3A_1921, %get3A_1923 : vector<16xf32>
    %get3A_1925 = arith.constant 975 : index
    %get3A_1926 = tpu.vector_load %arg11[%get3A_1925] {strides = array<i32>} : memref<1040xf32, #tpu.memory_space<vmem>>, vector<16xf32>,
    %add3A_1927 = arith.addf %add3A_1924, %get3A_1926 : vector<16xf32>
    %swap3A_1928 = arith.constant 448 : index
    %swap3A_1929 = tpu.vector_load %arg12[%swap3A_1928] {strides = array<i32>} : memref<512xf32, #tpu.memory_space<vmem>>, vector<16xf32>,
    tpu.vector_store %arg12[%swap3A_1928], %add3A_1927 {strides = array<i32>} : memref<512xf32, #tpu.memory_space<vmem>>, vector<16xf32>,
    %get3A_1930 = arith.constant 16 : index
    %get3A_1931 = tpu.vector_load %arg11[%get3A_1930] {strides = array<i32>} : memref<1040xf32, #tpu.memory_space<vmem>>, vector<16xf32>,
    %get3A_1932 = arith.constant 81 : index
    %get3A_1933 = tpu.vector_load %arg11[%get3A_1932] {strides = array<i32>} : memref<1040xf32, #tpu.memory_space<vmem>>, vector<16xf32>,
    %add3A_1934 = arith.addf %get3A_1931, %get3A_1933 : vector<16xf32>
    %get3A_1935 = arith.constant 146 : index
    %get3A_1936 = tpu.vector_load %arg11[%get3A_1935] {strides = array<i32>} : memref<1040xf32, #tpu.memory_space<vmem>>, vector<16xf32>,
    %add3A_1937 = arith.addf %add3A_1934, %get3A_1936 : vector<16xf32>
    %get3A_1938 = arith.constant 211 : index
    %get3A_1939 = tpu.vector_load %arg11[%get3A_1938] {strides = array<i32>} : memref<1040xf32, #tpu.memory_space<vmem>>, vector<16xf32>,
    %add3A_1940 = arith.addf %add3A_1937, %get3A_1939 : vector<16xf32>
    %get3A_1941 = arith.constant 276 : index
    %get3A_1942 = tpu.vector_load %arg11[%get3A_1941] {strides = array<i32>} : memref<1040xf32, #tpu.memory_space<vmem>>, vector<16xf32>,
    %add3A_1943 = arith.addf %add3A_1940, %get3A_1942 : vector<16xf32>
    %get3A_1944 = arith.constant 341 : index
    %get3A_1945 = tpu.vector_load %arg11[%get3A_1944] {strides = array<i32>} : memref<1040xf32, #tpu.memory_space<vmem>>, vector<16xf32>,
    %add3A_1946 = arith.addf %add3A_1943, %get3A_1945 : vector<16xf32>
    %get3A_1947 = arith.constant 406 : index
    %get3A_1948 = tpu.vector_load %arg11[%get3A_1947] {strides = array<i32>} : memref<1040xf32, #tpu.memory_space<vmem>>, vector<16xf32>,
    %add3A_1949 = arith.addf %add3A_1946, %get3A_1948 : vector<16xf32>
    %get3A_1950 = arith.constant 471 : index
    %get3A_1951 = tpu.vector_load %arg11[%get3A_1950] {strides = array<i32>} : memref<1040xf32, #tpu.memory_space<vmem>>, vector<16xf32>,
    %add3A_1952 = arith.addf %add3A_1949, %get3A_1951 : vector<16xf32>
    %get3A_1953 = arith.constant 536 : index
    %get3A_1954 = tpu.vector_load %arg11[%get3A_1953] {strides = array<i32>} : memref<1040xf32, #tpu.memory_space<vmem>>, vector<16xf32>,
    %add3A_1955 = arith.addf %add3A_1952, %get3A_1954 : vector<16xf32>
    %get3A_1956 = arith.constant 601 : index
    %get3A_1957 = tpu.vector_load %arg11[%get3A_1956] {strides = array<i32>} : memref<1040xf32, #tpu.memory_space<vmem>>, vector<16xf32>,
    %add3A_1958 = arith.addf %add3A_1955, %get3A_1957 : vector<16xf32>
    %get3A_1959 = arith.constant 666 : index
    %get3A_1960 = tpu.vector_load %arg11[%get3A_1959] {strides = array<i32>} : memref<1040xf32, #tpu.memory_space<vmem>>, vector<16xf32>,
    %add3A_1961 = arith.addf %add3A_1958, %get3A_1960 : vector<16xf32>
    %get3A_1962 = arith.constant 731 : index
    %get3A_1963 = tpu.vector_load %arg11[%get3A_1962] {strides = array<i32>} : memref<1040xf32, #tpu.memory_space<vmem>>, vector<16xf32>,
    %add3A_1964 = arith.addf %add3A_1961, %get3A_1963 : vector<16xf32>
    %get3A_1965 = arith.constant 796 : index
    %get3A_1966 = tpu.vector_load %arg11[%get3A_1965] {strides = array<i32>} : memref<1040xf32, #tpu.memory_space<vmem>>, vector<16xf32>,
    %add3A_1967 = arith.addf %add3A_1964, %get3A_1966 : vector<16xf32>
    %get3A_1968 = arith.constant 861 : index
    %get3A_1969 = tpu.vector_load %arg11[%get3A_1968] {strides = array<i32>} : memref<1040xf32, #tpu.memory_space<vmem>>, vector<16xf32>,
    %add3A_1970 = arith.addf %add3A_1967, %get3A_1969 : vector<16xf32>
    %get3A_1971 = arith.constant 926 : index
    %get3A_1972 = tpu.vector_load %arg11[%get3A_1971] {strides = array<i32>} : memref<1040xf32, #tpu.memory_space<vmem>>, vector<16xf32>,
    %add3A_1973 = arith.addf %add3A_1970, %get3A_1972 : vector<16xf32>
    %get3A_1974 = arith.constant 991 : index
    %get3A_1975 = tpu.vector_load %arg11[%get3A_1974] {strides = array<i32>} : memref<1040xf32, #tpu.memory_space<vmem>>, vector<16xf32>,
    %add3A_1976 = arith.addf %add3A_1973, %get3A_1975 : vector<16xf32>
    %swap3A_1977 = arith.constant 464 : index
    %swap3A_1978 = tpu.vector_load %arg12[%swap3A_1977] {strides = array<i32>} : memref<512xf32, #tpu.memory_space<vmem>>, vector<16xf32>,
    tpu.vector_store %arg12[%swap3A_1977], %add3A_1976 {strides = array<i32>} : memref<512xf32, #tpu.memory_space<vmem>>, vector<16xf32>,
    %get3A_1979 = arith.constant 32 : index
    %get3A_1980 = tpu.vector_load %arg11[%get3A_1979] {strides = array<i32>} : memref<1040xf32, #tpu.memory_space<vmem>>, vector<16xf32>,
    %get3A_1981 = arith.constant 97 : index
    %get3A_1982 = tpu.vector_load %arg11[%get3A_1981] {strides = array<i32>} : memref<1040xf32, #tpu.memory_space<vmem>>, vector<16xf32>,
    %add3A_1983 = arith.addf %get3A_1980, %get3A_1982 : vector<16xf32>
    %get3A_1984 = arith.constant 162 : index
    %get3A_1985 = tpu.vector_load %arg11[%get3A_1984] {strides = array<i32>} : memref<1040xf32, #tpu.memory_space<vmem>>, vector<16xf32>,
    %add3A_1986 = arith.addf %add3A_1983, %get3A_1985 : vector<16xf32>
    %get3A_1987 = arith.constant 227 : index
    %get3A_1988 = tpu.vector_load %arg11[%get3A_1987] {strides = array<i32>} : memref<1040xf32, #tpu.memory_space<vmem>>, vector<16xf32>,
    %add3A_1989 = arith.addf %add3A_1986, %get3A_1988 : vector<16xf32>
    %get3A_1990 = arith.constant 292 : index
    %get3A_1991 = tpu.vector_load %arg11[%get3A_1990] {strides = array<i32>} : memref<1040xf32, #tpu.memory_space<vmem>>, vector<16xf32>,
    %add3A_1992 = arith.addf %add3A_1989, %get3A_1991 : vector<16xf32>
    %get3A_1993 = arith.constant 357 : index
    %get3A_1994 = tpu.vector_load %arg11[%get3A_1993] {strides = array<i32>} : memref<1040xf32, #tpu.memory_space<vmem>>, vector<16xf32>,
    %add3A_1995 = arith.addf %add3A_1992, %get3A_1994 : vector<16xf32>
    %get3A_1996 = arith.constant 422 : index
    %get3A_1997 = tpu.vector_load %arg11[%get3A_1996] {strides = array<i32>} : memref<1040xf32, #tpu.memory_space<vmem>>, vector<16xf32>,
    %add3A_1998 = arith.addf %add3A_1995, %get3A_1997 : vector<16xf32>
    %get3A_1999 = arith.constant 487 : index
    %get3A_2000 = tpu.vector_load %arg11[%get3A_1999] {strides = array<i32>} : memref<1040xf32, #tpu.memory_space<vmem>>, vector<16xf32>,
    %add3A_2001 = arith.addf %add3A_1998, %get3A_2000 : vector<16xf32>
    %get3A_2002 = arith.constant 552 : index
    %get3A_2003 = tpu.vector_load %arg11[%get3A_2002] {strides = array<i32>} : memref<1040xf32, #tpu.memory_space<vmem>>, vector<16xf32>,
    %add3A_2004 = arith.addf %add3A_2001, %get3A_2003 : vector<16xf32>
    %get3A_2005 = arith.constant 617 : index
    %get3A_2006 = tpu.vector_load %arg11[%get3A_2005] {strides = array<i32>} : memref<1040xf32, #tpu.memory_space<vmem>>, vector<16xf32>,
    %add3A_2007 = arith.addf %add3A_2004, %get3A_2006 : vector<16xf32>
    %get3A_2008 = arith.constant 682 : index
    %get3A_2009 = tpu.vector_load %arg11[%get3A_2008] {strides = array<i32>} : memref<1040xf32, #tpu.memory_space<vmem>>, vector<16xf32>,
    %add3A_2010 = arith.addf %add3A_2007, %get3A_2009 : vector<16xf32>
    %get3A_2011 = arith.constant 747 : index
    %get3A_2012 = tpu.vector_load %arg11[%get3A_2011] {strides = array<i32>} : memref<1040xf32, #tpu.memory_space<vmem>>, vector<16xf32>,
    %add3A_2013 = arith.addf %add3A_2010, %get3A_2012 : vector<16xf32>
    %get3A_2014 = arith.constant 812 : index
    %get3A_2015 = tpu.vector_load %arg11[%get3A_2014] {strides = array<i32>} : memref<1040xf32, #tpu.memory_space<vmem>>, vector<16xf32>,
    %add3A_2016 = arith.addf %add3A_2013, %get3A_2015 : vector<16xf32>
    %get3A_2017 = arith.constant 877 : index
    %get3A_2018 = tpu.vector_load %arg11[%get3A_2017] {strides = array<i32>} : memref<1040xf32, #tpu.memory_space<vmem>>, vector<16xf32>,
    %add3A_2019 = arith.addf %add3A_2016, %get3A_2018 : vector<16xf32>
    %get3A_2020 = arith.constant 942 : index
    %get3A_2021 = tpu.vector_load %arg11[%get3A_2020] {strides = array<i32>} : memref<1040xf32, #tpu.memory_space<vmem>>, vector<16xf32>,
    %add3A_2022 = arith.addf %add3A_2019, %get3A_2021 : vector<16xf32>
    %get3A_2023 = arith.constant 1007 : index
    %get3A_2024 = tpu.vector_load %arg11[%get3A_2023] {strides = array<i32>} : memref<1040xf32, #tpu.memory_space<vmem>>, vector<16xf32>,
    %add3A_2025 = arith.addf %add3A_2022, %get3A_2024 : vector<16xf32>
    %swap3A_2026 = arith.constant 480 : index
    %swap3A_2027 = tpu.vector_load %arg12[%swap3A_2026] {strides = array<i32>} : memref<512xf32, #tpu.memory_space<vmem>>, vector<16xf32>,
    tpu.vector_store %arg12[%swap3A_2026], %add3A_2025 {strides = array<i32>} : memref<512xf32, #tpu.memory_space<vmem>>, vector<16xf32>,
    %get3A_2028 = arith.constant 48 : index
    %get3A_2029 = tpu.vector_load %arg11[%get3A_2028] {strides = array<i32>} : memref<1040xf32, #tpu.memory_space<vmem>>, vector<16xf32>,
    %get3A_2030 = arith.constant 113 : index
    %get3A_2031 = tpu.vector_load %arg11[%get3A_2030] {strides = array<i32>} : memref<1040xf32, #tpu.memory_space<vmem>>, vector<16xf32>,
    %add3A_2032 = arith.addf %get3A_2029, %get3A_2031 : vector<16xf32>
    %get3A_2033 = arith.constant 178 : index
    %get3A_2034 = tpu.vector_load %arg11[%get3A_2033] {strides = array<i32>} : memref<1040xf32, #tpu.memory_space<vmem>>, vector<16xf32>,
    %add3A_2035 = arith.addf %add3A_2032, %get3A_2034 : vector<16xf32>
    %get3A_2036 = arith.constant 243 : index
    %get3A_2037 = tpu.vector_load %arg11[%get3A_2036] {strides = array<i32>} : memref<1040xf32, #tpu.memory_space<vmem>>, vector<16xf32>,
    %add3A_2038 = arith.addf %add3A_2035, %get3A_2037 : vector<16xf32>
    %get3A_2039 = arith.constant 308 : index
    %get3A_2040 = tpu.vector_load %arg11[%get3A_2039] {strides = array<i32>} : memref<1040xf32, #tpu.memory_space<vmem>>, vector<16xf32>,
    %add3A_2041 = arith.addf %add3A_2038, %get3A_2040 : vector<16xf32>
    %get3A_2042 = arith.constant 373 : index
    %get3A_2043 = tpu.vector_load %arg11[%get3A_2042] {strides = array<i32>} : memref<1040xf32, #tpu.memory_space<vmem>>, vector<16xf32>,
    %add3A_2044 = arith.addf %add3A_2041, %get3A_2043 : vector<16xf32>
    %get3A_2045 = arith.constant 438 : index
    %get3A_2046 = tpu.vector_load %arg11[%get3A_2045] {strides = array<i32>} : memref<1040xf32, #tpu.memory_space<vmem>>, vector<16xf32>,
    %add3A_2047 = arith.addf %add3A_2044, %get3A_2046 : vector<16xf32>
    %get3A_2048 = arith.constant 503 : index
    %get3A_2049 = tpu.vector_load %arg11[%get3A_2048] {strides = array<i32>} : memref<1040xf32, #tpu.memory_space<vmem>>, vector<16xf32>,
    %add3A_2050 = arith.addf %add3A_2047, %get3A_2049 : vector<16xf32>
    %get3A_2051 = arith.constant 568 : index
    %get3A_2052 = tpu.vector_load %arg11[%get3A_2051] {strides = array<i32>} : memref<1040xf32, #tpu.memory_space<vmem>>, vector<16xf32>,
    %add3A_2053 = arith.addf %add3A_2050, %get3A_2052 : vector<16xf32>
    %get3A_2054 = arith.constant 633 : index
    %get3A_2055 = tpu.vector_load %arg11[%get3A_2054] {strides = array<i32>} : memref<1040xf32, #tpu.memory_space<vmem>>, vector<16xf32>,
    %add3A_2056 = arith.addf %add3A_2053, %get3A_2055 : vector<16xf32>
    %get3A_2057 = arith.constant 698 : index
    %get3A_2058 = tpu.vector_load %arg11[%get3A_2057] {strides = array<i32>} : memref<1040xf32, #tpu.memory_space<vmem>>, vector<16xf32>,
    %add3A_2059 = arith.addf %add3A_2056, %get3A_2058 : vector<16xf32>
    %get3A_2060 = arith.constant 763 : index
    %get3A_2061 = tpu.vector_load %arg11[%get3A_2060] {strides = array<i32>} : memref<1040xf32, #tpu.memory_space<vmem>>, vector<16xf32>,
    %add3A_2062 = arith.addf %add3A_2059, %get3A_2061 : vector<16xf32>
    %get3A_2063 = arith.constant 828 : index
    %get3A_2064 = tpu.vector_load %arg11[%get3A_2063] {strides = array<i32>} : memref<1040xf32, #tpu.memory_space<vmem>>, vector<16xf32>,
    %add3A_2065 = arith.addf %add3A_2062, %get3A_2064 : vector<16xf32>
    %get3A_2066 = arith.constant 893 : index
    %get3A_2067 = tpu.vector_load %arg11[%get3A_2066] {strides = array<i32>} : memref<1040xf32, #tpu.memory_space<vmem>>, vector<16xf32>,
    %add3A_2068 = arith.addf %add3A_2065, %get3A_2067 : vector<16xf32>
    %get3A_2069 = arith.constant 958 : index
    %get3A_2070 = tpu.vector_load %arg11[%get3A_2069] {strides = array<i32>} : memref<1040xf32, #tpu.memory_space<vmem>>, vector<16xf32>,
    %add3A_2071 = arith.addf %add3A_2068, %get3A_2070 : vector<16xf32>
    %get3A_2072 = arith.constant 1023 : index
    %get3A_2073 = tpu.vector_load %arg11[%get3A_2072] {strides = array<i32>} : memref<1040xf32, #tpu.memory_space<vmem>>, vector<16xf32>,
    %add3A_2074 = arith.addf %add3A_2071, %get3A_2073 : vector<16xf32>
    %swap3A_2075 = arith.constant 496 : index
    %swap3A_2076 = tpu.vector_load %arg12[%swap3A_2075] {strides = array<i32>} : memref<512xf32, #tpu.memory_space<vmem>>, vector<16xf32>,
    tpu.vector_store %arg12[%swap3A_2075], %add3A_2074 {strides = array<i32>} : memref<512xf32, #tpu.memory_space<vmem>>, vector<16xf32>,
    "tpu.region"() ({
      %run_scoped3A = tpu.sem_alloc : memref<!tpu.dma_semaphore, #tpu.memory_space<semaphore_mem>>
      %dma_start3A_2077 = tpu.memref_slice %arg6[%mul3A_2] : memref<16384xf32, #tpu.memory_space<hbm>> -> memref<512xf32, #tpu.memory_space<hbm>>
      %dma_start3A_2078 = tpu.memref_slice %arg6[%mul3A_2] : memref<16384xf32, #tpu.memory_space<hbm>> -> memref<512xf32, #tpu.memory_space<hbm>>
      tpu.enqueue_dma source(%arg12 : memref<512xf32, #tpu.memory_space<vmem>>) target(%dma_start3A_2078 : memref<512xf32, #tpu.memory_space<hbm>>) target_semaphore(%run_scoped3A : memref<!tpu.dma_semaphore, #tpu.memory_space<semaphore_mem>>)
      %dma_wait3A_2079 = tpu.memref_slice %arg6[%mul3A_2] : memref<16384xf32, #tpu.memory_space<hbm>> -> memref<512xf32, #tpu.memory_space<hbm>>
      %dma_wait3A_2080 = tpu.memref_slice %arg6[%mul3A_2] : memref<16384xf32, #tpu.memory_space<hbm>> -> memref<512xf32, #tpu.memory_space<hbm>>
      tpu.wait_dma2 semaphore(%run_scoped3A : memref<!tpu.dma_semaphore, #tpu.memory_space<semaphore_mem>>) src(%arg12 : memref<512xf32, #tpu.memory_space<vmem>>) dst(%dma_wait3A_2080 : memref<512xf32, #tpu.memory_space<hbm>>)
      tpu.yield
    }) : () -> ()
    return
  }
}

</mosaic_0001>

<sc_bundles>
// kernel: kernel.3.cloned.1.call-start
scs
__scs_entry_jumppad:
0x0: {  	(pc) =	sbr.rel $0x88, $3  }
0x1: {  	(tag) =	ssettag $0x0;
	lr =	simm.s32 $0x1  }
0x2: {  	[smem:$0x3F9D] =	sst lr;
	_ =	strace $0xD0000000  }
0x3: {  	_ = 	snop  }
0x4: {  	_ = 	snop  }
0x5: {  	_ = 	snop  }
0x6: {  	_ = 	snop  }
0x7: {  	_ = 	snop  }
__scs_overlays_trampoline_lowered:
0x8: {  	[smem:$0x3FAC] =	sst s0  }
0x9: {  	[smem:$0x3FAD] =	sst s1  }
0xa: {  	[smem:$0x3FAE] =	sst s2  }
0xb: {  	[smem:$0x3FAF] =	sst s3  }
0xc: {  	[smem:$0x3FB0] =	sst s4  }
0xd: {  	[smem:$0x3FB1] =	sst s5  }
0xe: {  	[smem:$0x3FB2] =	sst s6  }
0xf: {  	[smem:$0x3FB3] =	sst s7  }
0x10: {  	[smem:$0x3FB4] =	sst s8  }
0x11: {  	[smem:$0x3FB5] =	sst s9;
	s0 =	simm.s32 @!p0 $0x0  }
0x12: {  	s1 =	sld [smem:$0x3F9B];
	s0 =	simm.s32 @p0 $0x1  }
0x13: {  	[smem:$0x3FB6] =	sst s0;
	s0 =	simm.s32 @!p1 $0x0  }
0x14: {  	s2 =	sld [smem:$0x3F9A];
	s0 =	simm.s32 @p1 $0x1  }
0x15: {  	[smem:$0x3FB7] =	sst s0;
	s0 =	simm.s32 @!p2 $0x0  }
0x16: {  	s3 =	sld [smem:$0x3FDB];
	s0 =	simm.s32 @p2 $0x1  }
0x17: {  	s4 =	simm.s32 $0x1BF5;
	[smem:$0x3FB9] =	sst s0  }
0x18: {  	s0 =	sld [smem:$0x3F9C];
	_ =	swait.ge [sflag:s4], $0x0  }
0x19: {  	s7 =	sld [smem:$0x3F9D]  }
0x1a: {  	s8 =	sadd.s32 $0xFFFFE003, lr  }
0x1b: {  	s9 =	sadd.s32 $0xFFFFFEF7, lr;
	s5 =	simm.s32 $0xFFFFFFFF;
	p2 =	slt.u32 s8, $0xFFFFF086  }
0x1c: {  	p1 =	slt.u32 s9, $0xF7A;
	s5 =	simm.s32 @!p2 $0x0  }
0x1d: {  	s5 =	simm.s32 @p1 $0x1;
	p0 =	seq.s32 s7, s2  }
0x1e: {  	s7 =	smul.u32 @!p0 $0xF7A, s2;
	p2 =	seq.s32 @!p0 s5, $0x0  }
0x1f: {  	s9 =	smul.u32 $0xF7A, s1;
	s8 =	simm.s32 @!p0 $0x1BF5;
	p2 =	por !p2, p0  }
0x20: {  	[sflag:s8] =	ssyncset.s32 @!p0 $0xFFFFF086;
	s6 =	sadd.s32 @!p0 s3, s7;
	s7 =	simm.s32 @!p0 $0x108  }
0x21: {  	s3 =	sadd.s32 s3, s9;
	s6 =	sadd.s32 @!p0 $0x88, s6;
	s7 =	simm.s32 @p2 $0x1082  }
0x22: {  	[simem:s7], [sflag:s8] =	dma.local @!p0 [hbm:s6], $0xF7A  }
0x23: {  	s9 =	sor.u32 $0xD0000000, s2;
	s6 =	simm.s32 $0x108;
	_ =	swait.ge @!p0 [sflag:s8], $0x0  }
0x24: {  	s3 =	sadd.s32 $0x88, s3;
	s6 =	simm.s32 @!p1 $0x1082;
	[sflag:s4] =	ssyncset.s32 $0xFFFFF086  }
0x25: {  	[simem:s6], [sflag:s4] =	dma.local [hbm:s3], $0xF7A  }
0x26: {  	[smem:$0x3F9D] =	sst s1;
	(tag) =	ssettag s2;
	_ =	strace s9  }
0x27: {  	s1 =	sld [smem:$0x3FAD]  }
0x28: {  	s2 =	sld [smem:$0x3FAE]  }
0x29: {  	s4 =	sld [smem:$0x3FB0]  }
0x2a: {  	p0 =	seq.s32 s5, $0x0;
	s5 =	sld [smem:$0x3FB1]  }
0x2b: {  	s6 =	sld [smem:$0x3FB2]  }
0x2c: {  	s7 =	sld [smem:$0x3FB3]  }
0x2d: {  	s3 =	simm.s32 $0x108;
	s8 =	sld [smem:$0x3FB4]  }
0x2e: {  	s3 =	simm.s32 @!p0 $0x1082;
	s9 =	sld [smem:$0x3FB5]  }
0x2f: {  	lr =	sadd.s32 s0, s3;
	s0 =	sld [smem:$0x3FAC]  }
0x30: {  	s3 =	sld [smem:$0x3FAF]  }
0x31: {  	[smem:$0x3FB8] =	sst s10  }
0x32: {  	s10 =	sld [smem:$0x3FB6];
	_ =	sdelay $0x3  }
0x33: {  	p0 =	seq.s32 s10, $0x1;
	s10 =	sld [smem:$0x3FB8];
	_ =	sdelay $0x3  }
0x34: {  	[smem:$0x3FB8] =	sst s10  }
0x35: {  	s10 =	sld [smem:$0x3FB7];
	_ =	sdelay $0x3  }
0x36: {  	p1 =	seq.s32 s10, $0x1;
	s10 =	sld [smem:$0x3FB8];
	_ =	sdelay $0x3  }
0x37: {  	[smem:$0x3FB8] =	sst s10  }
0x38: {  	s10 =	sld [smem:$0x3FB9]  }
0x39: {  	_ = 	snop;
	(pc) =	sbr.ind lr, $3  }
0x3a: {  	_ = 	snop  }
0x3b: {  	_ = 	snop  }
0x3c: {  	p2 =	seq.s32 s10, $0x1;
	s10 =	sld [smem:$0x3FB8]  }
0x3d: {  	_ =	shalt  }
0x3e: {  	_ =	shalt  }
0x3f: {  	_ =	shalt  }
0x40: {  	_ =	shalt  }
0x41: {  	_ =	shalt  }
0x42: {  	_ =	shalt  }
0x43: {  	_ =	shalt  }
0x44: {  	_ =	shalt  }
0x45: {  	_ =	shalt  }
0x46: {  	_ =	shalt  }
0x47: {  	_ =	shalt  }
0x48: {  	_ =	shalt  }
0x49: {  	_ =	shalt  }
0x4a: {  	_ =	shalt  }
0x4b: {  	_ =	shalt  }
0x4c: {  	_ =	shalt  }
0x4d: {  	_ =	shalt  }
0x4e: {  	_ =	shalt  }
0x4f: {  	_ =	shalt  }
0x50: {  	_ =	shalt  }
0x51: {  	_ =	shalt  }
0x52: {  	_ =	shalt  }
0x53: {  	_ =	shalt  }
0x54: {  	_ =	shalt  }
0x55: {  	_ =	shalt  }
0x56: {  	_ =	shalt  }
0x57: {  	_ =	shalt  }
0x58: {  	_ =	shalt  }
0x59: {  	_ =	shalt  }
0x5a: {  	_ =	shalt  }
0x5b: {  	_ =	shalt  }
0x5c: {  	_ =	shalt  }
0x5d: {  	_ =	shalt  }
0x5e: {  	_ =	shalt  }
0x5f: {  	_ =	shalt  }
0x60: {  	_ =	shalt  }
0x61: {  	_ =	shalt  }
0x62: {  	_ =	shalt  }
0x63: {  	_ =	shalt  }
0x64: {  	_ =	shalt  }
0x65: {  	_ =	shalt  }
0x66: {  	_ =	shalt  }
0x67: {  	_ =	shalt  }
0x68: {  	_ =	shalt  }
0x69: {  	_ =	shalt  }
0x6a: {  	_ =	shalt  }
0x6b: {  	_ =	shalt  }
0x6c: {  	_ =	shalt  }
0x6d: {  	_ =	shalt  }
0x6e: {  	_ =	shalt  }
0x6f: {  	_ =	shalt  }
0x70: {  	_ =	shalt  }
0x71: {  	_ =	shalt  }
0x72: {  	_ =	shalt  }
0x73: {  	_ =	shalt  }
0x74: {  	_ =	shalt  }
0x75: {  	_ =	shalt  }
0x76: {  	_ =	shalt  }
0x77: {  	_ =	shalt  }
0x78: {  	_ =	shalt  }
0x79: {  	_ =	shalt  }
0x7a: {  	_ =	shalt  }
0x7b: {  	_ =	shalt  }
0x7c: {  	_ =	shalt  }
0x7d: {  	_ =	shalt  }
0x7e: {  	_ =	shalt  }
0x7f: {  	_ =	shalt  }
0x80: {  	_ =	shalt  }
0x81: {  	_ =	shalt  }
0x82: {  	_ =	shalt  }
0x83: {  	_ =	shalt  }
0x84: {  	_ =	shalt  }
0x85: {  	_ =	shalt  }
0x86: {  	_ =	shalt  }
0x87: {  	_ =	shalt  }
.Lfunc_end0:
.L_simem_size_0:
called_computation_lowered:
.L_overlay_start_0:
0x88: {  	s2 =	sld [smem:$0x3FD9]  }
0x89: {  	s3 =	sld [smem:$0x3FFE];
	_ =	sdelay $0x1  }
0x8a: {  	s1 =	srdreg.scid  }
0x8b: {  	s0 =	sand.u32 $0x1, s1  }
0x8c: {  	s18 =	sshll.u32 s0, $0xA;
	s2 =	sadd.s32 s3, s2  }
0x8d: {  	s2 =	sadd.s32 s2, s18  }
0x8e: {  	[smem:$0x3FC4] =	sst s2  }
0x8f: {  	_ = 	snop  }
0x90: {  	s2 =	sld [smem:$0x3FC9]  }
0x91: {  	s19 =	sld [smem:$0x3FC8]  }
0x92: {  	s4 =	sld [smem:$0x3FC7]  }
0x93: {  	s5 =	sld [smem:$0x3FC6]  }
0x94: {  	s6 =	sld [smem:$0x3FD0];
	(tm) =	ssettm $0x1  }
0x95: {  	s7 =	sld [smem:$0x3FFB];
	_ =	sdelay $0x3  }
0x96: {  	_ =	strace s7  }
0x97: {  	s7 =	sld [smem:$0x3FFC];
	_ =	sdelay $0x3  }
0x98: {  	_ =	strace s7  }
0x99: {  	s7 =	sld [smem:$0x3FFD];
	_ =	sdelay $0x3  }
0x9a: {  	_ =	strace s7  }
0x9b: {  	_ =	strace $0x8FFFFFFF  }
0x9c: {  	s20 =	sld [smem:$0x3FDB];
	_ =	sdelay $0x1  }
0x9d: {  	s8 =	simm.s32 $_scs_section_size  }
0x9e: {  	s9 =	simm.s32 $_size__tile_overlayer_lowered;
	s10 =	simm.s32 $_tile_overlayer_lowered  }
0x9f: {  	s23 =	simm.s32 $0x1BFF;
	s22 =	sshll.u32 s10, $0x1;
	s7 =	sadd.s32 s8, s20  }
0xa0: {  	s11 =	simm.s32 $0x0;
	s21 =	sshll.u32 s9, $0x1;
	s9 =	sadd.s32 s22, s7  }
0xa1: {  	[timem:s11], [sflag:s23] =	dma.local [hbm:s9], s21  }
0xa2: {  	_ =	swait.ge [sflag:s23], s21  }
0xa3: {  	s8 =	ssub.s32 $0x0, s21;
	[sflag:s23] =	ssyncset.done $0x0  }
0xa4: {  	[sflag:s23] =	ssyncadd.s32 s8;
	_ =	sdelay $0x1  }
0xa5: {  	s24 =	simm.s32 $0x1B8B  }
0xa6: {  	_ =	swait.ge [sflag:s24], $0x1  }
0xa7: {  	[sflag:s24] =	ssyncset.done $0x0  }
0xa8: {  	s25 =	simm.s32 $0x1B8E;
	[sflag:s24] =	ssyncadd.s32 $0xFFFFFFFF  }
0xa9: {  	s26 =	simm.s32 $execute0_lowered;
	[smem:$0x3FD2] =	sst s25  }
0xaa: {  	s8 =	sshll.u32 s26, $0x1;
	_ =	strace $0x80000046;
	[dreg:$0x1] =	wrdreg $0xFFFFFFFF  }
0xab: {  	s28 =	simm.s32 $_size_execute0_lowered;
	s7 =	sadd.s32 s7, s8;
	[dreg:$0x0] =	wrdreg $0x0  }
0xac: {  	s8 =	sshll.u32 s28, $0x1;
	[dreg:$0x2] =	wrdreg s7  }
0xad: {  	[dreg:$0x3] =	wrdreg s8  }
0xae: {  	[dreg:$0x4] =	wrdreg $0xC0  }
0xaf: {  	_ =	task [dreg:s11], $0x5FFFF  }
0xb0: {  	[dreg:$0x1] =	wrdreg $0xFFFFFFFF  }
0xb1: {  	[dreg:$0x0] =	wrdreg $0x60  }
0xb2: {  	[dreg:$0x2] =	wrdreg s2  }
0xb3: {  	[dreg:$0x3] =	wrdreg s19  }
0xb4: {  	[dreg:$0x4] =	wrdreg s4  }
0xb5: {  	[dreg:$0x5] =	wrdreg s5  }
0xb6: {  	[dreg:$0x6] =	wrdreg s6  }
0xb7: {  	[dreg:$0x7] =	wrdreg $0x9  }
0xb8: {  	_ =	task.clear_ibuf [dreg:s11], $0x8FFFF;
	_ =	strace $0x90000046  }
0xb9: {  	s29 =	simm.s32 $0x9;
	_ =	strace $0x80000048  }
0xba: {  	_ =	swait.ge [sflag:s29], $0x1  }
0xbb: {  	[sflag:s29] =	ssyncadd.s32 $0xFFFFFFFF  }
0xbc: {  	_ =	strace $0x90000048  }
0xbd: {  	_ =	sfence  }
0xbe: {  	s30 =	sld [smem:$0x0];
	_ =	sdelay $0x2  }
0xbf: {  	s31 =	sshll.u32 s1, $0xD;
	s1 =	sshrl.u32 s1, $0x2  }
0xc0: {  	s3 =	sand.u32 $0x4000, s31;
	s1 =	sadd.s32 s1, s30  }
0xc1: {  	s0 =	sor.u32 s3, s0;
	s1 =	sshll.u32 s1, $0x11  }
0xc2: {  	s0 =	sor.u32 s1, s0  }
0xc3: {  	s0 =	sadd.s32 $0x8F2B, s0  }
0xc4: {  	[sflag:s0] =	ssyncadd.remote.s32 $0x1  }
0xc5: {  	_ =	sfence.sel $0xFFFF  }
0xc6: {  	[dreg:$0x0] =	wrdreg $0xFFFFFFFF;
	(pc) =	sbr.abs _section_cstart, $3  }
0xc7: {  	[dreg:$0x1] =	wrdreg $0xFFFFFFFF  }
0xc8: {  	_ =	task.clear_ibuf [dreg:s11], $0x2FFFF;
	_ =	strace $0x9FFFFFFF  }
0xc9: {  	(tm) =	ssettm $0x7FFFFFFF  }
tec
execute0_lowered:
.L_overlay_start_1:
0x0: {  	(tag) =	ssettag $0x1  }
0x1: {  	s0 =	rddreg [dreg:$0x0]  }
0x2: {  	s3 =	rddreg [dreg:$0x1]  }
0x3: {  	s1 =	rddreg [dreg:$0x2]  }
0x4: {  	s2 =	rddreg [dreg:$0x3]  }
0x5: {  	s7 =	rddreg [dreg:$0x4]  }
0x6: {  	s4 =	simm.s32 $0x0;
	s5 =	srdreg.scid;
	s8 =	stileid.u32  }
0x7: {  	s10 =	simm.s32 $0xF;
	s11 =	simm.s32 $0x10;
	s12 =	simm.s32 $0x40  }
0x8: {  	s20 =	simm.s32 $0x1;
	s21 =	simm.s32 $0x2;
	s22 =	simm.s32 $0x1C400  }
0x9: {  	s25 =	simm.s32 $0x3;
	s26 =	simm.s32 $0x4;
	s28 =	simm.s32 $0x5  }
0xa: {  	s29 =	simm.s32 $0x6;
	s30 =	simm.s32 $0x7;
	s31 =	simm.s32 $0x8  }
0xb: {  	s15 =	simm.s32 $0xB;
	s16 =	simm.s32 $0xC;
	s17 =	simm.s32 $0xD  }
0xc: {  	s18 =	simm.s32 $0xE;
	s23 =	simm.s32 $0x11;
	s5 =	sand.u32 $0x1, s5  }
0xd: {  	s24 =	simm.s32 $0x0;
	[smem:$0x7FF] =	sst s4;
	s6 =	ssub.s32 $0x2, s5  }
0xe: {  	s8 =	sshll.u32 s8, $0x7;
	s5 =	sshll.u32 s5, $0x6;
	s9 =	sshrl.u32 s6, $0x1  }
0xf: {  	_ =	strace $0x80000047;
	s8 =	sor.u32 s5, s8;
	s9 =	ssub.s32 s6, s9  }
0x10: {  	v0 =	vlaneseq.u32;
	s5 =	sadd.s32 s0, s8;
	s6 =	sadd.s32 s3, s8;
	s7 =	sadd.s32 s7, s8  }
0x11: {  	v0 =	vmul.u32 $0x41, v0;
	s0 =	simm.s32 $0x9;
	s3 =	simm.s32 $0xA;
	s8 =	smax.u32 s9, $0x1  }
.LBB2_1:
0x12: {  	[tilespmem:s4], [sflag:$0xF] =	stream.linear.gather [hbm4b:s5+s4], $0x200, $0x38;
	[tilespmem:$0x1CA80] =	vst v63  }
0x13: {  	s9 =	simm.s32 $0x200  }
0x14: {  	[tilespmem:s9], [sflag:$0x10] =	stream.linear.gather [hbm4b:s6+s4], $0x200, $0x38;
	[tilespmem:$0x1CA80] =	vst v63  }
0x15: {  	_ =	swait.ge [sflag:s10], $0x200  }
0x16: {  	[sflag:s10] =	ssyncset.done $0x0  }
0x17: {  	[sflag:s10] =	ssyncadd.s32 $0xFFFFFE00  }
0x18: {  	_ =	swait.ge [sflag:s11], $0x200  }
0x19: {  	[sflag:s11] =	ssyncset.done $0x0  }
0x1a: {  	s13 =	simm.s32 $0x400;
	[sflag:s11] =	ssyncadd.s32 $0xFFFFFE00  }
0x1b: {  	[tilespmem:s13], [sflag:$0x1] =	stream.indirect.gather [hbm4b:s1+s12], $0x80, s4, s12, $0xb8;
	[tilespmem:$0x1CA80] =	vst v63  }
0x1c: {  	s19 =	simm.s32 $0xE400  }
0x1d: {  	[tilespmem:s19], [sflag:$0x2] =	stream.indirect.gather [hbm4b:s2+s12], $0x80, s9, s12, $0xb8;
	[tilespmem:$0x1CA80] =	vst v63  }
0x1e: {  	s13 =	simm.s32 $0x2400  }
0x1f: {  	[tilespmem:s13], [sflag:$0x3] =	stream.indirect.gather [hbm4b:s1+s12], $0x80, s12, s12, $0xb8;
	[tilespmem:$0x1CA80] =	vst v63  }
0x20: {  	s14 =	simm.s32 $0x240;
	s19 =	simm.s32 $0x10400  }
0x21: {  	[tilespmem:s19], [sflag:$0x4] =	stream.indirect.gather [hbm4b:s2+s12], $0x80, s14, s12, $0xb8;
	[tilespmem:$0x1CA80] =	vst v63  }
0x22: {  	s14 =	simm.s32 $0x80;
	s19 =	simm.s32 $0x4400  }
0x23: {  	[tilespmem:s19], [sflag:$0x5] =	stream.indirect.gather [hbm4b:s1+s12], $0x80, s14, s12, $0xb8;
	[tilespmem:$0x1CA80] =	vst v63  }
0x24: {  	s14 =	simm.s32 $0x280;
	s19 =	simm.s32 $0x12400  }
0x25: {  	[tilespmem:s19], [sflag:$0x6] =	stream.indirect.gather [hbm4b:s2+s12], $0x80, s14, s12, $0xb8;
	[tilespmem:$0x1CA80] =	vst v63  }
0x26: {  	s14 =	simm.s32 $0xC0;
	s19 =	simm.s32 $0x6400  }
0x27: {  	[tilespmem:s19], [sflag:$0x7] =	stream.indirect.gather [hbm4b:s1+s12], $0x80, s14, s12, $0xb8;
	[tilespmem:$0x1CA80] =	vst v63  }
0x28: {  	s14 =	simm.s32 $0x2C0;
	s19 =	simm.s32 $0x14400  }
0x29: {  	[tilespmem:s19], [sflag:$0x8] =	stream.indirect.gather [hbm4b:s2+s12], $0x80, s14, s12, $0xb8;
	[tilespmem:$0x1CA80] =	vst v63  }
0x2a: {  	s14 =	simm.s32 $0x100;
	s19 =	simm.s32 $0x8400  }
0x2b: {  	[tilespmem:s19], [sflag:$0x9] =	stream.indirect.gather [hbm4b:s1+s12], $0x80, s14, s12, $0xb8;
	[tilespmem:$0x1CA80] =	vst v63  }
0x2c: {  	s14 =	simm.s32 $0x300;
	s19 =	simm.s32 $0x16400  }
0x2d: {  	[tilespmem:s19], [sflag:$0xA] =	stream.indirect.gather [hbm4b:s2+s12], $0x80, s14, s12, $0xb8;
	[tilespmem:$0x1CA80] =	vst v63  }
0x2e: {  	s14 =	simm.s32 $0x140;
	s19 =	simm.s32 $0xA400  }
0x2f: {  	[tilespmem:s19], [sflag:$0xB] =	stream.indirect.gather [hbm4b:s1+s12], $0x80, s14, s12, $0xb8;
	[tilespmem:$0x1CA80] =	vst v63  }
0x30: {  	s14 =	simm.s32 $0x340;
	s19 =	simm.s32 $0x18400  }
0x31: {  	[tilespmem:s19], [sflag:$0xC] =	stream.indirect.gather [hbm4b:s2+s12], $0x80, s14, s12, $0xb8;
	[tilespmem:$0x1CA80] =	vst v63  }
0x32: {  	s14 =	simm.s32 $0x180;
	s19 =	simm.s32 $0xC400  }
0x33: {  	[tilespmem:s19], [sflag:$0xD] =	stream.indirect.gather [hbm4b:s1+s12], $0x80, s14, s12, $0xb8;
	[tilespmem:$0x1CA80] =	vst v63  }
0x34: {  	s13 =	simm.s32 $0x380;
	s14 =	simm.s32 $0x1A400  }
0x35: {  	[tilespmem:s14], [sflag:$0xE] =	stream.indirect.gather [hbm4b:s2+s12], $0x80, s13, s12, $0xb8;
	[tilespmem:$0x1CA80] =	vst v63  }
0x36: {  	_ =	swait.ge [sflag:s20], $0x2000  }
0x37: {  	[sflag:s20] =	ssyncset.done $0x0  }
0x38: {  	[sflag:s20] =	ssyncadd.s32 $0xFFFFE000  }
0x39: {  	_ =	swait.ge [sflag:s21], $0x2000  }
0x3a: {  	[sflag:s21] =	ssyncset.done $0x0  }
0x3b: {  	s19 =	simm.s32 $0x440;
	[sflag:s21] =	ssyncadd.s32 $0xFFFFE000  }
0x3c: {  	s9 =	simm.s32 $0xE440;
	v7 =	vld [tilespmem:s19+$0xFFFFFFC0]  }
0x3d: {  	v1 =	vld [tilespmem:s9+$0xFFFFFFC0]  }
0x3e: {  	v2 =	vld [tilespmem:s19+$0xFFFFFFD0]  }
0x3f: {  	v3 =	vld [tilespmem:s9+$0xFFFFFFD0]  }
0x40: {  	v4 =	vld [tilespmem:s19+$0xFFFFFFE0]  }
0x41: {  	v5 =	vld [tilespmem:s9+$0xFFFFFFE0]  }
0x42: {  	v6 =	vld [tilespmem:s19+$0xFFFFFFF0]  }
0x43: {  	v8 =	vld [tilespmem:s9+$0xFFFFFFF0]  }
0x44: {  	v9 =	vld [tilespmem:s19+$0x0]  }
0x45: {  	v10 =	vld [tilespmem:s9+$0x0]  }
0x46: {  	v11 =	vld [tilespmem:s19+$0x10]  }
0x47: {  	v13 =	vld [tilespmem:s9+$0x10]  }
0x48: {  	v12 =	vld [tilespmem:s19+$0x20]  }
0x49: {  	v14 =	vld [tilespmem:s9+$0x20]  }
0x4a: {  	v15 =	vld [tilespmem:s19+$0x30]  }
0x4b: {  	s13 =	simm.s32 $0x4C0;
	s14 =	simm.s32 $0x1;
	v16 =	vld [tilespmem:s9+$0x30];
	s19 =	simm.s32 $0x0  }
.LBB2_2:
0x4c: {  	v17 =	vld [tilespmem:s13+$0xFFFFFFC0];
	p0 =	sne.s32 s14, $0x3F;
	s9 =	sadd.s32 $0x80, s9  }
0x4d: {  	v7 =	vmul.f32 v1, v7;
	v18 =	vmul.f32 v3, v2;
	v1 =	vld [tilespmem:s9+$0xFFFFFFC0]  }
0x4e: {  	v19 =	vmul.f32 v5, v4;
	v6 =	vmul.f32 v8, v6;
	v2 =	vld [tilespmem:s13+$0xFFFFFFD0]  }
0x4f: {  	v8 =	vmul.f32 v10, v9;
	v9 =	vmul.f32 v13, v11;
	v3 =	vld [tilespmem:s9+$0xFFFFFFD0]  }
0x50: {  	v10 =	vmul.f32 v14, v12;
	v4 =	vld [tilespmem:s13+$0xFFFFFFE0];
	v11 =	vmul.f32 v16, v15  }
0x51: {  	v12 =	vadd.f32 v18, v7;
	v13 =	vadd.f32 v6, v19;
	v5 =	vld [tilespmem:s9+$0xFFFFFFE0];
	v7 =	vmov v17  }
0x52: {  	v14 =	vadd.f32 v9, v8;
	v6 =	vld [tilespmem:s13+$0xFFFFFFF0];
	v10 =	vadd.f32 v11, v10  }
0x53: {  	v15 =	vadd.s32 s19, v0;
	s19 =	smov.u32 s14;
	v8 =	vld [tilespmem:s9+$0xFFFFFFF0]  }
0x54: {  	v12 =	vadd.f32 v13, v12;
	v9 =	vld [tilespmem:s13+$0x0];
	v13 =	vadd.f32 v10, v14  }
0x55: {  	v10 =	vld [tilespmem:s9+$0x0]  }
0x56: {  	v11 =	vld [tilespmem:s13+$0x10];
	v14 =	vadd.f32 v13, v12  }
.Ltmp0:
0x57: {  	v13 =	vld [tilespmem:s9+$0x10];
	(pc) =	sbr.rel @p0 .LBB2_2-.Ltmp0, $4  }
0x58: {  	v12 =	vld [tilespmem:s13+$0x20];
	[tilespmem:v15+s22+$0x0] =	vst.idx.msk $0xffff, v14  }
0x59: {  	v14 =	vld [tilespmem:s9+$0x20]  }
0x5a: {  	v15 =	vld [tilespmem:s13+$0x30]  }
0x5b: {  	s14 =	sadd.s32 $0x1, s14;
	s13 =	sadd.s32 $0x80, s13;
	v16 =	vld [tilespmem:s9+$0x30]  }
0x5c: {  	_ = 	snop  }
0x5d: {  	v1 =	vmul.f32 v1, v7;
	v2 =	vmul.f32 v3, v2  }
0x5e: {  	v3 =	vmul.f32 v5, v4;
	v4 =	vmul.f32 v8, v6  }
0x5f: {  	v5 =	vmul.f32 v10, v9;
	v6 =	vmul.f32 v13, v11  }
0x60: {  	v7 =	vmul.f32 v14, v12;
	v8 =	vmul.f32 v16, v15  }
0x61: {  	v1 =	vadd.f32 v2, v1;
	v2 =	vadd.f32 v4, v3  }
0x62: {  	v3 =	vadd.f32 v6, v5;
	v4 =	vadd.f32 v8, v7  }
0x63: {  	v5 =	vadd.s32 s19, v0  }
0x64: {  	v1 =	vadd.f32 v2, v1;
	v2 =	vadd.f32 v4, v3;
	_ =	sdelay $0x1  }
0x65: {  	v1 =	vadd.f32 v2, v1;
	_ =	sdelay $0x1  }
0x66: {  	[tilespmem:v5+s22+$0x0] =	vst.idx.msk $0xffff, v1  }
0x67: {  	v1 =	vld [tilespmem:$0x1C400]  }
0x68: {  	v2 =	vld [tilespmem:$0x1C441]  }
0x69: {  	v3 =	vld [tilespmem:$0x1C482]  }
0x6a: {  	v4 =	vld [tilespmem:$0x1C4C3]  }
0x6b: {  	v5 =	vld [tilespmem:$0x1C504]  }
0x6c: {  	v6 =	vld [tilespmem:$0x1C545]  }
0x6d: {  	v7 =	vld [tilespmem:$0x1C586]  }
0x6e: {  	v8 =	vld [tilespmem:$0x1C5C7]  }
0x6f: {  	v9 =	vld [tilespmem:$0x1C608]  }
0x70: {  	v10 =	vld [tilespmem:$0x1C649]  }
0x71: {  	v11 =	vld [tilespmem:$0x1C68A]  }
0x72: {  	v12 =	vld [tilespmem:$0x1C6CB]  }
0x73: {  	v13 =	vld [tilespmem:$0x1C70C]  }
0x74: {  	v14 =	vld [tilespmem:$0x1C74D]  }
0x75: {  	v15 =	vld [tilespmem:$0x1C78E]  }
0x76: {  	v16 =	vld [tilespmem:$0x1C7CF]  }
0x77: {  	v17 =	vld [tilespmem:$0x1C410]  }
0x78: {  	v18 =	vld [tilespmem:$0x1C451]  }
0x79: {  	v19 =	vld [tilespmem:$0x1C492]  }
0x7a: {  	v20 =	vld [tilespmem:$0x1C4D3]  }
0x7b: {  	v21 =	vld [tilespmem:$0x1C514]  }
0x7c: {  	v22 =	vld [tilespmem:$0x1C555]  }
0x7d: {  	v23 =	vld [tilespmem:$0x1C596]  }
0x7e: {  	v24 =	vld [tilespmem:$0x1C5D7]  }
0x7f: {  	v25 =	vld [tilespmem:$0x1C618]  }
0x80: {  	v26 =	vld [tilespmem:$0x1C659]  }
0x81: {  	v27 =	vld [tilespmem:$0x1C69A]  }
0x82: {  	v28 =	vld [tilespmem:$0x1C6DB]  }
0x83: {  	v29 =	vld [tilespmem:$0x1C71C]  }
0x84: {  	v30 =	vld [tilespmem:$0x1C75D]  }
0x85: {  	v31 =	vld [tilespmem:$0x1C79E]  }
0x86: {  	v32 =	vld [tilespmem:$0x1C7DF]  }
0x87: {  	v33 =	vld [tilespmem:$0x1C420]  }
0x88: {  	v34 =	vld [tilespmem:$0x1C461]  }
0x89: {  	v35 =	vld [tilespmem:$0x1C430]  }
0x8a: {  	v36 =	vld [tilespmem:$0x1C471]  }
0x8b: {  	v37 =	vld [tilespmem:$0x1C4A2]  }
0x8c: {  	v1 =	vadd.f32 v2, v1;
	v2 =	vld [tilespmem:$0x1C4B2]  }
0x8d: {  	v17 =	vadd.f32 v18, v17;
	v18 =	vld [tilespmem:$0x1C4E3]  }
0x8e: {  	v62 =	vld [tilespmem:$0x1C4F3];
	v1 =	vadd.f32 v3, v1;
	v3 =	vadd.f32 v34, v33  }
0x8f: {  	v63 =	vld [tilespmem:$0x1C524];
	v17 =	vadd.f32 v19, v17;
	v19 =	vadd.f32 v36, v35  }
0x90: {  	v1 =	vadd.f32 v4, v1;
	v3 =	vadd.f32 v37, v3;
	v4 =	vld [tilespmem:$0x1C534]  }
0x91: {  	v17 =	vadd.f32 v20, v17;
	v2 =	vadd.f32 v2, v19;
	v19 =	vld [tilespmem:$0x1C565]  }
0x92: {  	v1 =	vadd.f32 v5, v1;
	v3 =	vadd.f32 v18, v3;
	v5 =	vld [tilespmem:$0x1C575]  }
0x93: {  	v17 =	vadd.f32 v21, v17;
	v18 =	vld [tilespmem:$0x1C5A6];
	v2 =	vadd.f32 v62, v2  }
0x94: {  	v1 =	vadd.f32 v6, v1;
	v3 =	vadd.f32 v63, v3;
	v6 =	vld [tilespmem:$0x1C5B6]  }
0x95: {  	v17 =	vadd.f32 v22, v17;
	v2 =	vadd.f32 v4, v2;
	v4 =	vld [tilespmem:$0x1C5E7]  }
0x96: {  	v1 =	vadd.f32 v7, v1;
	v3 =	vadd.f32 v19, v3;
	v7 =	vld [tilespmem:$0x1C5F7]  }
0x97: {  	v17 =	vadd.f32 v23, v17;
	v2 =	vadd.f32 v5, v2;
	v5 =	vld [tilespmem:$0x1C628]  }
0x98: {  	v1 =	vadd.f32 v8, v1;
	v3 =	vadd.f32 v18, v3;
	v8 =	vld [tilespmem:$0x1C638]  }
0x99: {  	v17 =	vadd.f32 v24, v17;
	v2 =	vadd.f32 v6, v2;
	v6 =	vld [tilespmem:$0x1C669]  }
0x9a: {  	v1 =	vadd.f32 v9, v1;
	v3 =	vadd.f32 v4, v3;
	v4 =	vld [tilespmem:$0x1C679]  }
0x9b: {  	v9 =	vadd.f32 v25, v17;
	v2 =	vadd.f32 v7, v2;
	v7 =	vld [tilespmem:$0x1C6AA]  }
0x9c: {  	v1 =	vadd.f32 v10, v1;
	v3 =	vadd.f32 v5, v3;
	v5 =	vld [tilespmem:$0x1C6BA]  }
0x9d: {  	v9 =	vadd.f32 v26, v9;
	v2 =	vadd.f32 v8, v2;
	v8 =	vld [tilespmem:$0x1C6EB]  }
0x9e: {  	v1 =	vadd.f32 v11, v1;
	v3 =	vadd.f32 v6, v3;
	v6 =	vld [tilespmem:$0x1C6FB]  }
0x9f: {  	v9 =	vadd.f32 v27, v9;
	v2 =	vadd.f32 v4, v2;
	v4 =	vld [tilespmem:$0x1C72C]  }
0xa0: {  	v1 =	vadd.f32 v12, v1;
	v3 =	vadd.f32 v7, v3;
	v7 =	vld [tilespmem:$0x1C73C]  }
0xa1: {  	v9 =	vadd.f32 v28, v9;
	v2 =	vadd.f32 v5, v2;
	v5 =	vld [tilespmem:$0x1C76D]  }
0xa2: {  	v1 =	vadd.f32 v13, v1;
	v3 =	vadd.f32 v8, v3;
	v8 =	vld [tilespmem:$0x1C77D]  }
0xa3: {  	v10 =	vld [tilespmem:$0x1C7AE];
	v9 =	vadd.f32 v29, v9;
	v2 =	vadd.f32 v6, v2  }
0xa4: {  	v1 =	vadd.f32 v14, v1;
	v3 =	vadd.f32 v4, v3;
	v4 =	vld [tilespmem:$0x1C7BE]  }
0xa5: {  	v6 =	vadd.f32 v30, v9;
	v9 =	vld [tilespmem:$0x1C7EF];
	v2 =	vadd.f32 v7, v2  }
0xa6: {  	v1 =	vadd.f32 v15, v1;
	v3 =	vadd.f32 v5, v3;
	v5 =	vld [tilespmem:$0x1C7FF]  }
0xa7: {  	v6 =	vadd.f32 v31, v6;
	v2 =	vadd.f32 v8, v2  }
0xa8: {  	v1 =	vadd.f32 v16, v1;
	v3 =	vadd.f32 v10, v3  }
0xa9: {  	v6 =	vadd.f32 v32, v6;
	v2 =	vadd.f32 v4, v2  }
0xaa: {  	[tilespmem:$0x1C880] =	vst v1;
	v1 =	vadd.f32 v9, v3  }
0xab: {  	[tilespmem:$0x1C890] =	vst v6;
	v2 =	vadd.f32 v5, v2  }
0xac: {  	[tilespmem:$0x1C8A0] =	vst v1  }
0xad: {  	s9 =	simm.s32 $0x400;
	s13 =	simm.s32 $0x1C0;
	[tilespmem:$0x1C8B0] =	vst v2  }
0xae: {  	[tilespmem:s9], [sflag:$0x1] =	stream.indirect.gather [hbm4b:s1+s12], $0x80, s13, s12, $0xb8;
	[tilespmem:$0x1CA80] =	vst v63  }
0xaf: {  	s14 =	simm.s32 $0x3C0;
	s13 =	simm.s32 $0xE400  }
0xb0: {  	[tilespmem:s13], [sflag:$0x2] =	stream.indirect.gather [hbm4b:s2+s12], $0x80, s14, s12, $0xb8;
	[tilespmem:$0x1CA80] =	vst v63  }
0xb1: {  	_ =	swait.ge [sflag:s25], $0x2000  }
0xb2: {  	[sflag:s25] =	ssyncset.done $0x0  }
0xb3: {  	[sflag:s25] =	ssyncadd.s32 $0xFFFFE000  }
0xb4: {  	_ =	swait.ge [sflag:s26], $0x2000  }
0xb5: {  	[sflag:s26] =	ssyncset.done $0x0  }
0xb6: {  	s19 =	simm.s32 $0x2470;
	[sflag:s26] =	ssyncadd.s32 $0xFFFFE000  }
0xb7: {  	s9 =	simm.s32 $0x10470;
	v7 =	vld [tilespmem:s19+$0xFFFFFF90]  }
0xb8: {  	v1 =	vld [tilespmem:s9+$0xFFFFFF90]  }
0xb9: {  	v2 =	vld [tilespmem:s19+$0xFFFFFFA0]  }
0xba: {  	v3 =	vld [tilespmem:s9+$0xFFFFFFA0]  }
0xbb: {  	v4 =	vld [tilespmem:s19+$0xFFFFFFB0]  }
0xbc: {  	v5 =	vld [tilespmem:s9+$0xFFFFFFB0]  }
0xbd: {  	v6 =	vld [tilespmem:s19+$0xFFFFFFC0]  }
0xbe: {  	v8 =	vld [tilespmem:s9+$0xFFFFFFC0]  }
0xbf: {  	v9 =	vld [tilespmem:s19+$0xFFFFFFD0]  }
0xc0: {  	v10 =	vld [tilespmem:s9+$0xFFFFFFD0]  }
0xc1: {  	v11 =	vld [tilespmem:s19+$0xFFFFFFE0]  }
0xc2: {  	v13 =	vld [tilespmem:s9+$0xFFFFFFE0]  }
0xc3: {  	v12 =	vld [tilespmem:s19+$0xFFFFFFF0]  }
0xc4: {  	v14 =	vld [tilespmem:s9+$0xFFFFFFF0]  }
0xc5: {  	v15 =	vld [tilespmem:s19+$0x0]  }
0xc6: {  	s13 =	simm.s32 $0x24F0;
	s14 =	simm.s32 $0x1;
	s19 =	simm.s32 $0x0;
	v16 =	vld [tilespmem:s9+$0x0]  }
.LBB2_4:
0xc7: {  	v17 =	vld [tilespmem:s13+$0xFFFFFF90];
	p0 =	sne.s32 s14, $0x3F;
	s9 =	sadd.s32 $0x80, s9  }
0xc8: {  	v7 =	vmul.f32 v1, v7;
	v18 =	vmul.f32 v3, v2;
	v1 =	vld [tilespmem:s9+$0xFFFFFF90]  }
0xc9: {  	v19 =	vmul.f32 v5, v4;
	v6 =	vmul.f32 v8, v6;
	v2 =	vld [tilespmem:s13+$0xFFFFFFA0]  }
0xca: {  	v8 =	vmul.f32 v10, v9;
	v9 =	vmul.f32 v13, v11;
	v3 =	vld [tilespmem:s9+$0xFFFFFFA0]  }
0xcb: {  	v10 =	vmul.f32 v14, v12;
	v4 =	vld [tilespmem:s13+$0xFFFFFFB0];
	v11 =	vmul.f32 v16, v15  }
0xcc: {  	v12 =	vadd.f32 v18, v7;
	v13 =	vadd.f32 v6, v19;
	v5 =	vld [tilespmem:s9+$0xFFFFFFB0];
	v7 =	vmov v17  }
0xcd: {  	v14 =	vadd.f32 v9, v8;
	v6 =	vld [tilespmem:s13+$0xFFFFFFC0];
	v10 =	vadd.f32 v11, v10  }
0xce: {  	v15 =	vadd.s32 s19, v0;
	s19 =	smov.u32 s14;
	v8 =	vld [tilespmem:s9+$0xFFFFFFC0]  }
0xcf: {  	v12 =	vadd.f32 v13, v12;
	v9 =	vld [tilespmem:s13+$0xFFFFFFD0];
	v13 =	vadd.f32 v10, v14  }
0xd0: {  	v10 =	vld [tilespmem:s9+$0xFFFFFFD0]  }
0xd1: {  	v11 =	vld [tilespmem:s13+$0xFFFFFFE0];
	v14 =	vadd.f32 v13, v12  }
.Ltmp1:
0xd2: {  	v13 =	vld [tilespmem:s9+$0xFFFFFFE0];
	(pc) =	sbr.rel @p0 .LBB2_4-.Ltmp1, $4  }
0xd3: {  	v12 =	vld [tilespmem:s13+$0xFFFFFFF0];
	[tilespmem:v15+s22+$0x0] =	vst.idx.msk $0xffff, v14  }
0xd4: {  	v14 =	vld [tilespmem:s9+$0xFFFFFFF0]  }
0xd5: {  	v15 =	vld [tilespmem:s13+$0x0]  }
0xd6: {  	s14 =	sadd.s32 $0x1, s14;
	s13 =	sadd.s32 $0x80, s13;
	v16 =	vld [tilespmem:s9+$0x0]  }
0xd7: {  	_ = 	snop  }
0xd8: {  	v1 =	vmul.f32 v1, v7;
	v2 =	vmul.f32 v3, v2  }
0xd9: {  	v3 =	vmul.f32 v5, v4;
	v4 =	vmul.f32 v8, v6  }
0xda: {  	v5 =	vmul.f32 v10, v9;
	v6 =	vmul.f32 v13, v11  }
0xdb: {  	v7 =	vmul.f32 v14, v12;
	v8 =	vmul.f32 v16, v15  }
0xdc: {  	v1 =	vadd.f32 v2, v1;
	v2 =	vadd.f32 v4, v3  }
0xdd: {  	v3 =	vadd.f32 v6, v5;
	v4 =	vadd.f32 v8, v7  }
0xde: {  	v5 =	vadd.s32 s19, v0  }
0xdf: {  	v1 =	vadd.f32 v2, v1;
	v2 =	vadd.f32 v4, v3;
	_ =	sdelay $0x1  }
0xe0: {  	v1 =	vadd.f32 v2, v1;
	_ =	sdelay $0x1  }
0xe1: {  	[tilespmem:v5+s22+$0x0] =	vst.idx.msk $0xffff, v1  }
0xe2: {  	v1 =	vld [tilespmem:$0x1C400]  }
0xe3: {  	v2 =	vld [tilespmem:$0x1C441]  }
0xe4: {  	v3 =	vld [tilespmem:$0x1C482]  }
0xe5: {  	v4 =	vld [tilespmem:$0x1C4C3]  }
0xe6: {  	v5 =	vld [tilespmem:$0x1C504]  }
0xe7: {  	v6 =	vld [tilespmem:$0x1C545]  }
0xe8: {  	v7 =	vld [tilespmem:$0x1C586]  }
0xe9: {  	v8 =	vld [tilespmem:$0x1C5C7]  }
0xea: {  	v9 =	vld [tilespmem:$0x1C608]  }
0xeb: {  	v10 =	vld [tilespmem:$0x1C649]  }
0xec: {  	v11 =	vld [tilespmem:$0x1C68A]  }
0xed: {  	v12 =	vld [tilespmem:$0x1C6CB]  }
0xee: {  	v13 =	vld [tilespmem:$0x1C70C]  }
0xef: {  	v14 =	vld [tilespmem:$0x1C74D]  }
0xf0: {  	v15 =	vld [tilespmem:$0x1C78E]  }
0xf1: {  	v16 =	vld [tilespmem:$0x1C7CF]  }
0xf2: {  	v17 =	vld [tilespmem:$0x1C410]  }
0xf3: {  	v18 =	vld [tilespmem:$0x1C451]  }
0xf4: {  	v19 =	vld [tilespmem:$0x1C492]  }
0xf5: {  	v20 =	vld [tilespmem:$0x1C4D3]  }
0xf6: {  	v21 =	vld [tilespmem:$0x1C514]  }
0xf7: {  	v22 =	vld [tilespmem:$0x1C555]  }
0xf8: {  	v23 =	vld [tilespmem:$0x1C596]  }
0xf9: {  	v24 =	vld [tilespmem:$0x1C5D7]  }
0xfa: {  	v25 =	vld [tilespmem:$0x1C618]  }
0xfb: {  	v26 =	vld [tilespmem:$0x1C659]  }
0xfc: {  	v27 =	vld [tilespmem:$0x1C69A]  }
0xfd: {  	v28 =	vld [tilespmem:$0x1C6DB]  }
0xfe: {  	v29 =	vld [tilespmem:$0x1C71C]  }
0xff: {  	v30 =	vld [tilespmem:$0x1C75D]  }
0x100: {  	v31 =	vld [tilespmem:$0x1C79E]  }
0x101: {  	v32 =	vld [tilespmem:$0x1C7DF]  }
0x102: {  	v33 =	vld [tilespmem:$0x1C420]  }
0x103: {  	v34 =	vld [tilespmem:$0x1C461]  }
0x104: {  	v35 =	vld [tilespmem:$0x1C430]  }
0x105: {  	v36 =	vld [tilespmem:$0x1C471]  }
0x106: {  	v37 =	vld [tilespmem:$0x1C4A2]  }
0x107: {  	v1 =	vadd.f32 v2, v1;
	v2 =	vld [tilespmem:$0x1C4B2]  }
0x108: {  	v54 =	vld [tilespmem:$0x1C4E3];
	v17 =	vadd.f32 v18, v17  }
0x109: {  	v55 =	vld [tilespmem:$0x1C4F3];
	v1 =	vadd.f32 v3, v1;
	v3 =	vadd.f32 v34, v33  }
0x10a: {  	v57 =	vld [tilespmem:$0x1C524];
	v56 =	vadd.f32 v36, v35;
	v17 =	vadd.f32 v19, v17  }
0x10b: {  	v1 =	vadd.f32 v4, v1;
	v3 =	vadd.f32 v37, v3;
	v4 =	vld [tilespmem:$0x1C534]  }
0x10c: {  	v58 =	vld [tilespmem:$0x1C565];
	v17 =	vadd.f32 v20, v17;
	v2 =	vadd.f32 v2, v56  }
0x10d: {  	v1 =	vadd.f32 v5, v1;
	v3 =	vadd.f32 v54, v3;
	v5 =	vld [tilespmem:$0x1C575]  }
0x10e: {  	v59 =	vld [tilespmem:$0x1C5A6];
	v17 =	vadd.f32 v21, v17;
	v2 =	vadd.f32 v55, v2  }
0x10f: {  	v1 =	vadd.f32 v6, v1;
	v3 =	vadd.f32 v57, v3;
	v6 =	vld [tilespmem:$0x1C5B6]  }
0x110: {  	v17 =	vadd.f32 v22, v17;
	v2 =	vadd.f32 v4, v2;
	v4 =	vld [tilespmem:$0x1C5E7]  }
0x111: {  	v1 =	vadd.f32 v7, v1;
	v3 =	vadd.f32 v58, v3;
	v7 =	vld [tilespmem:$0x1C5F7]  }
0x112: {  	v17 =	vadd.f32 v23, v17;
	v2 =	vadd.f32 v5, v2;
	v5 =	vld [tilespmem:$0x1C628]  }
0x113: {  	v1 =	vadd.f32 v8, v1;
	v3 =	vadd.f32 v59, v3;
	v8 =	vld [tilespmem:$0x1C638]  }
0x114: {  	v17 =	vadd.f32 v24, v17;
	v2 =	vadd.f32 v6, v2;
	v6 =	vld [tilespmem:$0x1C669]  }
0x115: {  	v1 =	vadd.f32 v9, v1;
	v3 =	vadd.f32 v4, v3;
	v4 =	vld [tilespmem:$0x1C679]  }
0x116: {  	v9 =	vadd.f32 v25, v17;
	v2 =	vadd.f32 v7, v2;
	v7 =	vld [tilespmem:$0x1C6AA]  }
0x117: {  	v1 =	vadd.f32 v10, v1;
	v3 =	vadd.f32 v5, v3;
	v5 =	vld [tilespmem:$0x1C6BA]  }
0x118: {  	v9 =	vadd.f32 v26, v9;
	v2 =	vadd.f32 v8, v2;
	v8 =	vld [tilespmem:$0x1C6EB]  }
0x119: {  	v1 =	vadd.f32 v11, v1;
	v3 =	vadd.f32 v6, v3;
	v6 =	vld [tilespmem:$0x1C6FB]  }
0x11a: {  	v9 =	vadd.f32 v27, v9;
	v2 =	vadd.f32 v4, v2;
	v4 =	vld [tilespmem:$0x1C72C]  }
0x11b: {  	v1 =	vadd.f32 v12, v1;
	v3 =	vadd.f32 v7, v3;
	v7 =	vld [tilespmem:$0x1C73C]  }
0x11c: {  	v10 =	vld [tilespmem:$0x1C76D];
	v9 =	vadd.f32 v28, v9;
	v2 =	vadd.f32 v5, v2  }
0x11d: {  	v5 =	vld [tilespmem:$0x1C77D];
	v1 =	vadd.f32 v13, v1;
	v3 =	vadd.f32 v8, v3  }
0x11e: {  	v8 =	vadd.f32 v29, v9;
	v9 =	vld [tilespmem:$0x1C7AE];
	v2 =	vadd.f32 v6, v2  }
0x11f: {  	v1 =	vadd.f32 v14, v1;
	v3 =	vadd.f32 v4, v3;
	v4 =	vld [tilespmem:$0x1C7BE]  }
0x120: {  	v6 =	vadd.f32 v30, v8;
	v8 =	vld [tilespmem:$0x1C7EF];
	v2 =	vadd.f32 v7, v2  }
0x121: {  	v7 =	vld [tilespmem:$0x1C7FF];
	v1 =	vadd.f32 v15, v1;
	v3 =	vadd.f32 v10, v3  }
0x122: {  	v6 =	vadd.f32 v31, v6;
	v2 =	vadd.f32 v5, v2  }
0x123: {  	v1 =	vadd.f32 v16, v1;
	v3 =	vadd.f32 v9, v3  }
0x124: {  	v5 =	vadd.f32 v32, v6;
	v2 =	vadd.f32 v4, v2  }
0x125: {  	[tilespmem:$0x1C8C0] =	vst v1;
	v1 =	vadd.f32 v8, v3  }
0x126: {  	[tilespmem:$0x1C8D0] =	vst v5;
	v2 =	vadd.f32 v7, v2  }
0x127: {  	[tilespmem:$0x1C8E0] =	vst v1  }
0x128: {  	[tilespmem:$0x1C8F0] =	vst v2  }
0x129: {  	_ =	swait.ge [sflag:s28], $0x2000  }
0x12a: {  	[sflag:s28] =	ssyncset.done $0x0  }
0x12b: {  	[sflag:s28] =	ssyncadd.s32 $0xFFFFE000  }
0x12c: {  	_ =	swait.ge [sflag:s29], $0x2000  }
0x12d: {  	[sflag:s29] =	ssyncset.done $0x0  }
0x12e: {  	s9 =	simm.s32 $0x0;
	[sflag:s29] =	ssyncadd.s32 $0xFFFFE000  }
0x12f: {  	v3 =	vld [tilespmem:s9+$0x4400]  }
0x130: {  	v4 =	vld [tilespmem:s9+$0x12400]  }
0x131: {  	v6 =	vld [tilespmem:s9+$0x4410]  }
0x132: {  	v7 =	vld [tilespmem:s9+$0x12410]  }
0x133: {  	v8 =	vld [tilespmem:s9+$0x4420]  }
0x134: {  	v9 =	vld [tilespmem:s9+$0x12420]  }
0x135: {  	v10 =	vld [tilespmem:s9+$0x4430]  }
0x136: {  	v11 =	vld [tilespmem:s9+$0x12430]  }
0x137: {  	v12 =	vld [tilespmem:s9+$0x4440]  }
0x138: {  	v13 =	vld [tilespmem:s9+$0x12440]  }
0x139: {  	v14 =	vld [tilespmem:s9+$0x4450]  }
0x13a: {  	v15 =	vld [tilespmem:s9+$0x12450]  }
0x13b: {  	v16 =	vld [tilespmem:s9+$0x4460]  }
0x13c: {  	v17 =	vld [tilespmem:s9+$0x12460]  }
0x13d: {  	v60 =	vld [tilespmem:s9+$0x4470]  }
0x13e: {  	s19 =	simm.s32 $0x80;
	v61 =	vld [tilespmem:s9+$0x12470]  }
0x13f: {  	v5 =	vld [tilespmem:s19+$0x4400]  }
0x140: {  	v1 =	vld [tilespmem:s19+$0x12400]  }
0x141: {  	v2 =	vld [tilespmem:s19+$0x4410]  }
0x142: {  	v62 =	vmul.f32 v4, v3;
	v63 =	vmul.f32 v7, v6;
	v3 =	vld [tilespmem:s19+$0x12410]  }
0x143: {  	v8 =	vmul.f32 v9, v8;
	v9 =	vmul.f32 v11, v10;
	v4 =	vld [tilespmem:s19+$0x4420]  }
0x144: {  	v10 =	vmul.f32 v13, v12;
	v11 =	vmul.f32 v15, v14;
	v6 =	vld [tilespmem:s19+$0x12420]  }
0x145: {  	v12 =	vmul.f32 v17, v16;
	v13 =	vmul.f32 v61, v60;
	v7 =	vld [tilespmem:s19+$0x4430]  }
0x146: {  	v14 =	vadd.f32 v63, v62;
	v15 =	vadd.f32 v9, v8;
	v8 =	vld [tilespmem:s19+$0x12430]  }
0x147: {  	s9 =	simm.s32 $0x0;
	v11 =	vadd.f32 v11, v10;
	v12 =	vadd.f32 v13, v12;
	v9 =	vld [tilespmem:s19+$0x4440]  }
0x148: {  	v16 =	vadd.s32 s9, v0;
	v10 =	vld [tilespmem:s19+$0x12440]  }
0x149: {  	v13 =	vadd.f32 v15, v14;
	v14 =	vadd.f32 v12, v11;
	v11 =	vld [tilespmem:s19+$0x4450]  }
0x14a: {  	v12 =	vld [tilespmem:s19+$0x12450]  }
0x14b: {  	v15 =	vadd.f32 v14, v13;
	v13 =	vld [tilespmem:s19+$0x4460]  }
0x14c: {  	v14 =	vld [tilespmem:s19+$0x12460]  }
0x14d: {  	s13 =	simm.s32 $0x400;
	[tilespmem:v16+s22+$0x0] =	vst.idx.msk $0xffff, v15;
	v15 =	vld [tilespmem:s19+$0x4470]  }
.LBB2_6:
0x14e: {  	p0 =	sne.s32 s13, $0x7E00;
	v16 =	vld [tilespmem:s19+$0x12470];
	s19 =	sshra.s32 s13, $0x2  }
0x14f: {  	v17 =	vld [tilespmem:s19+$0x4400]  }
0x150: {  	v5 =	vmul.f32 v1, v5;
	v18 =	vmul.f32 v3, v2;
	v1 =	vld [tilespmem:s19+$0x12400]  }
0x151: {  	v19 =	vmul.f32 v6, v4;
	v7 =	vmul.f32 v8, v7;
	v2 =	vld [tilespmem:s19+$0x4410]  }
0x152: {  	v8 =	vmul.f32 v10, v9;
	v9 =	vmul.f32 v12, v11;
	v3 =	vld [tilespmem:s19+$0x12410]  }
0x153: {  	v10 =	vmul.f32 v14, v13;
	v4 =	vld [tilespmem:s19+$0x4420];
	v11 =	vmul.f32 v16, v15  }
0x154: {  	v12 =	vadd.f32 v18, v5;
	v13 =	vadd.f32 v7, v19;
	v6 =	vld [tilespmem:s19+$0x12420];
	v5 =	vmov v17  }
0x155: {  	s9 =	sadd.s32 $0x1, s9;
	v14 =	vadd.f32 v9, v8;
	v7 =	vld [tilespmem:s19+$0x4430];
	v10 =	vadd.f32 v11, v10  }
0x156: {  	v15 =	vadd.s32 s9, v0;
	v8 =	vld [tilespmem:s19+$0x12430]  }
0x157: {  	v12 =	vadd.f32 v13, v12;
	v9 =	vld [tilespmem:s19+$0x4440];
	v13 =	vadd.f32 v10, v14  }
0x158: {  	v10 =	vld [tilespmem:s19+$0x12440]  }
.Ltmp2:
0x159: {  	v11 =	vld [tilespmem:s19+$0x4450];
	v14 =	vadd.f32 v13, v12;
	(pc) =	sbr.rel @p0 .LBB2_6-.Ltmp2, $4  }
0x15a: {  	v12 =	vld [tilespmem:s19+$0x12450]  }
0x15b: {  	v13 =	vld [tilespmem:s19+$0x4460];
	[tilespmem:v15+s22+$0x0] =	vst.idx.msk $0xffff, v14  }
0x15c: {  	v14 =	vld [tilespmem:s19+$0x12460]  }
0x15d: {  	s13 =	sadd.s32 $0x200, s13;
	v15 =	vld [tilespmem:s19+$0x4470]  }
0x15e: {  	v16 =	vld [tilespmem:s19+$0x12470];
	_ =	sdelay $0x1  }
0x15f: {  	v1 =	vmul.f32 v1, v5;
	v2 =	vmul.f32 v3, v2  }
0x160: {  	v3 =	vmul.f32 v6, v4;
	v4 =	vmul.f32 v8, v7  }
0x161: {  	v5 =	vmul.f32 v10, v9;
	v6 =	vmul.f32 v12, v11  }
0x162: {  	v7 =	vmul.f32 v14, v13;
	v8 =	vmul.f32 v16, v15  }
0x163: {  	v1 =	vadd.f32 v2, v1;
	v2 =	vadd.f32 v4, v3  }
0x164: {  	s9 =	sadd.s32 $0x1, s9;
	v3 =	vadd.f32 v6, v5;
	v4 =	vadd.f32 v8, v7  }
0x165: {  	v5 =	vadd.s32 s9, v0  }
0x166: {  	v1 =	vadd.f32 v2, v1;
	v2 =	vadd.f32 v4, v3;
	_ =	sdelay $0x1  }
0x167: {  	v1 =	vadd.f32 v2, v1;
	_ =	sdelay $0x1  }
0x168: {  	[tilespmem:v5+s22+$0x0] =	vst.idx.msk $0xffff, v1  }
0x169: {  	v1 =	vld [tilespmem:$0x1C400]  }
0x16a: {  	v2 =	vld [tilespmem:$0x1C441]  }
0x16b: {  	v3 =	vld [tilespmem:$0x1C482]  }
0x16c: {  	v4 =	vld [tilespmem:$0x1C4C3]  }
0x16d: {  	v5 =	vld [tilespmem:$0x1C504]  }
0x16e: {  	v6 =	vld [tilespmem:$0x1C545]  }
0x16f: {  	v7 =	vld [tilespmem:$0x1C586]  }
0x170: {  	v8 =	vld [tilespmem:$0x1C5C7]  }
0x171: {  	v9 =	vld [tilespmem:$0x1C608]  }
0x172: {  	v10 =	vld [tilespmem:$0x1C649]  }
0x173: {  	v11 =	vld [tilespmem:$0x1C68A]  }
0x174: {  	v12 =	vld [tilespmem:$0x1C6CB]  }
0x175: {  	v13 =	vld [tilespmem:$0x1C70C]  }
0x176: {  	v14 =	vld [tilespmem:$0x1C74D]  }
0x177: {  	v15 =	vld [tilespmem:$0x1C78E]  }
0x178: {  	v16 =	vld [tilespmem:$0x1C7CF]  }
0x179: {  	v17 =	vld [tilespmem:$0x1C410]  }
0x17a: {  	v18 =	vld [tilespmem:$0x1C451]  }
0x17b: {  	v19 =	vld [tilespmem:$0x1C492]  }
0x17c: {  	v20 =	vld [tilespmem:$0x1C4D3]  }
0x17d: {  	v21 =	vld [tilespmem:$0x1C514]  }
0x17e: {  	v22 =	vld [tilespmem:$0x1C555]  }
0x17f: {  	v23 =	vld [tilespmem:$0x1C596]  }
0x180: {  	v24 =	vld [tilespmem:$0x1C5D7]  }
0x181: {  	v25 =	vld [tilespmem:$0x1C618]  }
0x182: {  	v26 =	vld [tilespmem:$0x1C659]  }
0x183: {  	v27 =	vld [tilespmem:$0x1C69A]  }
0x184: {  	v28 =	vld [tilespmem:$0x1C6DB]  }
0x185: {  	v29 =	vld [tilespmem:$0x1C71C]  }
0x186: {  	v30 =	vld [tilespmem:$0x1C75D]  }
0x187: {  	v31 =	vld [tilespmem:$0x1C79E]  }
0x188: {  	v32 =	vld [tilespmem:$0x1C7DF]  }
0x189: {  	v33 =	vld [tilespmem:$0x1C420]  }
0x18a: {  	v34 =	vld [tilespmem:$0x1C461]  }
0x18b: {  	v35 =	vld [tilespmem:$0x1C430]  }
0x18c: {  	v36 =	vld [tilespmem:$0x1C471]  }
0x18d: {  	v37 =	vld [tilespmem:$0x1C4A2]  }
0x18e: {  	v1 =	vadd.f32 v2, v1;
	v2 =	vld [tilespmem:$0x1C4B2]  }
0x18f: {  	v54 =	vld [tilespmem:$0x1C4E3];
	v17 =	vadd.f32 v18, v17  }
0x190: {  	v55 =	vld [tilespmem:$0x1C4F3];
	v1 =	vadd.f32 v3, v1;
	v3 =	vadd.f32 v34, v33  }
0x191: {  	v57 =	vld [tilespmem:$0x1C524];
	v56 =	vadd.f32 v36, v35;
	v17 =	vadd.f32 v19, v17  }
0x192: {  	v1 =	vadd.f32 v4, v1;
	v3 =	vadd.f32 v37, v3;
	v4 =	vld [tilespmem:$0x1C534]  }
0x193: {  	v58 =	vld [tilespmem:$0x1C565];
	v17 =	vadd.f32 v20, v17;
	v2 =	vadd.f32 v2, v56  }
0x194: {  	v1 =	vadd.f32 v5, v1;
	v3 =	vadd.f32 v54, v3;
	v5 =	vld [tilespmem:$0x1C575]  }
0x195: {  	v59 =	vld [tilespmem:$0x1C5A6];
	v17 =	vadd.f32 v21, v17;
	v2 =	vadd.f32 v55, v2  }
0x196: {  	v1 =	vadd.f32 v6, v1;
	v3 =	vadd.f32 v57, v3;
	v6 =	vld [tilespmem:$0x1C5B6]  }
0x197: {  	v17 =	vadd.f32 v22, v17;
	v2 =	vadd.f32 v4, v2;
	v4 =	vld [tilespmem:$0x1C5E7]  }
0x198: {  	v1 =	vadd.f32 v7, v1;
	v3 =	vadd.f32 v58, v3;
	v7 =	vld [tilespmem:$0x1C5F7]  }
0x199: {  	v17 =	vadd.f32 v23, v17;
	v2 =	vadd.f32 v5, v2;
	v5 =	vld [tilespmem:$0x1C628]  }
0x19a: {  	v1 =	vadd.f32 v8, v1;
	v3 =	vadd.f32 v59, v3;
	v8 =	vld [tilespmem:$0x1C638]  }
0x19b: {  	v17 =	vadd.f32 v24, v17;
	v2 =	vadd.f32 v6, v2;
	v6 =	vld [tilespmem:$0x1C669]  }
0x19c: {  	v1 =	vadd.f32 v9, v1;
	v3 =	vadd.f32 v4, v3;
	v4 =	vld [tilespmem:$0x1C679]  }
0x19d: {  	v9 =	vadd.f32 v25, v17;
	v2 =	vadd.f32 v7, v2;
	v7 =	vld [tilespmem:$0x1C6AA]  }
0x19e: {  	v1 =	vadd.f32 v10, v1;
	v3 =	vadd.f32 v5, v3;
	v5 =	vld [tilespmem:$0x1C6BA]  }
0x19f: {  	v9 =	vadd.f32 v26, v9;
	v2 =	vadd.f32 v8, v2;
	v8 =	vld [tilespmem:$0x1C6EB]  }
0x1a0: {  	v1 =	vadd.f32 v11, v1;
	v3 =	vadd.f32 v6, v3;
	v6 =	vld [tilespmem:$0x1C6FB]  }
0x1a1: {  	v9 =	vadd.f32 v27, v9;
	v2 =	vadd.f32 v4, v2;
	v4 =	vld [tilespmem:$0x1C72C]  }
0x1a2: {  	v1 =	vadd.f32 v12, v1;
	v3 =	vadd.f32 v7, v3;
	v7 =	vld [tilespmem:$0x1C73C]  }
0x1a3: {  	v10 =	vld [tilespmem:$0x1C76D];
	v9 =	vadd.f32 v28, v9;
	v2 =	vadd.f32 v5, v2  }
0x1a4: {  	v5 =	vld [tilespmem:$0x1C77D];
	v1 =	vadd.f32 v13, v1;
	v3 =	vadd.f32 v8, v3  }
0x1a5: {  	v8 =	vadd.f32 v29, v9;
	v9 =	vld [tilespmem:$0x1C7AE];
	v2 =	vadd.f32 v6, v2  }
0x1a6: {  	v1 =	vadd.f32 v14, v1;
	v3 =	vadd.f32 v4, v3;
	v4 =	vld [tilespmem:$0x1C7BE]  }
0x1a7: {  	v6 =	vadd.f32 v30, v8;
	v8 =	vld [tilespmem:$0x1C7EF];
	v2 =	vadd.f32 v7, v2  }
0x1a8: {  	v7 =	vld [tilespmem:$0x1C7FF];
	v1 =	vadd.f32 v15, v1;
	v3 =	vadd.f32 v10, v3  }
0x1a9: {  	v6 =	vadd.f32 v31, v6;
	v2 =	vadd.f32 v5, v2  }
0x1aa: {  	v1 =	vadd.f32 v16, v1;
	v3 =	vadd.f32 v9, v3  }
0x1ab: {  	v5 =	vadd.f32 v32, v6;
	v2 =	vadd.f32 v4, v2  }
0x1ac: {  	[tilespmem:$0x1C900] =	vst v1;
	v1 =	vadd.f32 v8, v3  }
0x1ad: {  	[tilespmem:$0x1C910] =	vst v5;
	v2 =	vadd.f32 v7, v2  }
0x1ae: {  	[tilespmem:$0x1C920] =	vst v1  }
0x1af: {  	[tilespmem:$0x1C930] =	vst v2  }
0x1b0: {  	_ =	swait.ge [sflag:s30], $0x2000  }
0x1b1: {  	[sflag:s30] =	ssyncset.done $0x0  }
0x1b2: {  	[sflag:s30] =	ssyncadd.s32 $0xFFFFE000  }
0x1b3: {  	_ =	swait.ge [sflag:s31], $0x2000  }
0x1b4: {  	[sflag:s31] =	ssyncset.done $0x0  }
0x1b5: {  	s14 =	simm.s32 $0x0;
	[sflag:s31] =	ssyncadd.s32 $0xFFFFE000  }
0x1b6: {  	v3 =	vld [tilespmem:s14+$0x6400]  }
0x1b7: {  	v4 =	vld [tilespmem:s14+$0x14400]  }
0x1b8: {  	v6 =	vld [tilespmem:s14+$0x6410]  }
0x1b9: {  	v7 =	vld [tilespmem:s14+$0x14410]  }
0x1ba: {  	v8 =	vld [tilespmem:s14+$0x6420]  }
0x1bb: {  	v9 =	vld [tilespmem:s14+$0x14420]  }
0x1bc: {  	v10 =	vld [tilespmem:s14+$0x6430]  }
0x1bd: {  	v11 =	vld [tilespmem:s14+$0x14430]  }
0x1be: {  	v12 =	vld [tilespmem:s14+$0x6440]  }
0x1bf: {  	v13 =	vld [tilespmem:s14+$0x14440]  }
0x1c0: {  	v14 =	vld [tilespmem:s14+$0x6450]  }
0x1c1: {  	v15 =	vld [tilespmem:s14+$0x14450]  }
0x1c2: {  	v16 =	vld [tilespmem:s14+$0x6460]  }
0x1c3: {  	v17 =	vld [tilespmem:s14+$0x14460]  }
0x1c4: {  	v60 =	vld [tilespmem:s14+$0x6470]  }
0x1c5: {  	s19 =	simm.s32 $0x80;
	v61 =	vld [tilespmem:s14+$0x14470]  }
0x1c6: {  	v5 =	vld [tilespmem:s19+$0x6400]  }
0x1c7: {  	v1 =	vld [tilespmem:s19+$0x14400]  }
0x1c8: {  	v2 =	vld [tilespmem:s19+$0x6410]  }
0x1c9: {  	v62 =	vmul.f32 v4, v3;
	v63 =	vmul.f32 v7, v6;
	v3 =	vld [tilespmem:s19+$0x14410]  }
0x1ca: {  	v8 =	vmul.f32 v9, v8;
	v9 =	vmul.f32 v11, v10;
	v4 =	vld [tilespmem:s19+$0x6420]  }
0x1cb: {  	v10 =	vmul.f32 v13, v12;
	v11 =	vmul.f32 v15, v14;
	v6 =	vld [tilespmem:s19+$0x14420]  }
0x1cc: {  	v12 =	vmul.f32 v17, v16;
	v13 =	vmul.f32 v61, v60;
	v7 =	vld [tilespmem:s19+$0x6430]  }
0x1cd: {  	v14 =	vadd.f32 v63, v62;
	v15 =	vadd.f32 v9, v8;
	v8 =	vld [tilespmem:s19+$0x14430]  }
0x1ce: {  	s9 =	simm.s32 $0x0;
	v11 =	vadd.f32 v11, v10;
	v12 =	vadd.f32 v13, v12;
	v9 =	vld [tilespmem:s19+$0x6440]  }
0x1cf: {  	v16 =	vadd.s32 s9, v0;
	v10 =	vld [tilespmem:s19+$0x14440]  }
0x1d0: {  	v13 =	vadd.f32 v15, v14;
	v14 =	vadd.f32 v12, v11;
	v11 =	vld [tilespmem:s19+$0x6450]  }
0x1d1: {  	v12 =	vld [tilespmem:s19+$0x14450]  }
0x1d2: {  	v15 =	vadd.f32 v14, v13;
	v13 =	vld [tilespmem:s19+$0x6460]  }
0x1d3: {  	v14 =	vld [tilespmem:s19+$0x14460]  }
0x1d4: {  	s13 =	simm.s32 $0x400;
	[tilespmem:v16+s22+$0x0] =	vst.idx.msk $0xffff, v15;
	v15 =	vld [tilespmem:s19+$0x6470]  }
.LBB2_8:
0x1d5: {  	p0 =	sne.s32 s13, $0x7E00;
	v16 =	vld [tilespmem:s19+$0x14470];
	s19 =	sshra.s32 s13, $0x2  }
0x1d6: {  	v17 =	vld [tilespmem:s19+$0x6400]  }
0x1d7: {  	v5 =	vmul.f32 v1, v5;
	v18 =	vmul.f32 v3, v2;
	v1 =	vld [tilespmem:s19+$0x14400]  }
0x1d8: {  	v19 =	vmul.f32 v6, v4;
	v7 =	vmul.f32 v8, v7;
	v2 =	vld [tilespmem:s19+$0x6410]  }
0x1d9: {  	v8 =	vmul.f32 v10, v9;
	v9 =	vmul.f32 v12, v11;
	v3 =	vld [tilespmem:s19+$0x14410]  }
0x1da: {  	v10 =	vmul.f32 v14, v13;
	v4 =	vld [tilespmem:s19+$0x6420];
	v11 =	vmul.f32 v16, v15  }
0x1db: {  	v12 =	vadd.f32 v18, v5;
	v13 =	vadd.f32 v7, v19;
	v6 =	vld [tilespmem:s19+$0x14420];
	v5 =	vmov v17  }
0x1dc: {  	s9 =	sadd.s32 $0x1, s9;
	v14 =	vadd.f32 v9, v8;
	v7 =	vld [tilespmem:s19+$0x6430];
	v10 =	vadd.f32 v11, v10  }
0x1dd: {  	v15 =	vadd.s32 s9, v0;
	v8 =	vld [tilespmem:s19+$0x14430]  }
0x1de: {  	v12 =	vadd.f32 v13, v12;
	v9 =	vld [tilespmem:s19+$0x6440];
	v13 =	vadd.f32 v10, v14  }
0x1df: {  	v10 =	vld [tilespmem:s19+$0x14440]  }
.Ltmp3:
0x1e0: {  	v11 =	vld [tilespmem:s19+$0x6450];
	v14 =	vadd.f32 v13, v12;
	(pc) =	sbr.rel @p0 .LBB2_8-.Ltmp3, $4  }
0x1e1: {  	v12 =	vld [tilespmem:s19+$0x14450]  }
0x1e2: {  	v13 =	vld [tilespmem:s19+$0x6460];
	[tilespmem:v15+s22+$0x0] =	vst.idx.msk $0xffff, v14  }
0x1e3: {  	v14 =	vld [tilespmem:s19+$0x14460]  }
0x1e4: {  	s13 =	sadd.s32 $0x200, s13;
	v15 =	vld [tilespmem:s19+$0x6470]  }
0x1e5: {  	v16 =	vld [tilespmem:s19+$0x14470];
	_ =	sdelay $0x1  }
0x1e6: {  	v1 =	vmul.f32 v1, v5;
	v2 =	vmul.f32 v3, v2  }
0x1e7: {  	v3 =	vmul.f32 v6, v4;
	v4 =	vmul.f32 v8, v7  }
0x1e8: {  	v5 =	vmul.f32 v10, v9;
	v6 =	vmul.f32 v12, v11  }
0x1e9: {  	v7 =	vmul.f32 v14, v13;
	v8 =	vmul.f32 v16, v15  }
0x1ea: {  	v1 =	vadd.f32 v2, v1;
	v2 =	vadd.f32 v4, v3  }
0x1eb: {  	s9 =	sadd.s32 $0x1, s9;
	v3 =	vadd.f32 v6, v5;
	v4 =	vadd.f32 v8, v7  }
0x1ec: {  	v5 =	vadd.s32 s9, v0  }
0x1ed: {  	v1 =	vadd.f32 v2, v1;
	v2 =	vadd.f32 v4, v3;
	_ =	sdelay $0x1  }
0x1ee: {  	v1 =	vadd.f32 v2, v1;
	_ =	sdelay $0x1  }
0x1ef: {  	[tilespmem:v5+s22+$0x0] =	vst.idx.msk $0xffff, v1  }
0x1f0: {  	v1 =	vld [tilespmem:$0x1C400]  }
0x1f1: {  	v2 =	vld [tilespmem:$0x1C441]  }
0x1f2: {  	v3 =	vld [tilespmem:$0x1C482]  }
0x1f3: {  	v4 =	vld [tilespmem:$0x1C4C3]  }
0x1f4: {  	v5 =	vld [tilespmem:$0x1C504]  }
0x1f5: {  	v6 =	vld [tilespmem:$0x1C545]  }
0x1f6: {  	v7 =	vld [tilespmem:$0x1C586]  }
0x1f7: {  	v8 =	vld [tilespmem:$0x1C5C7]  }
0x1f8: {  	v9 =	vld [tilespmem:$0x1C608]  }
0x1f9: {  	v10 =	vld [tilespmem:$0x1C649]  }
0x1fa: {  	v11 =	vld [tilespmem:$0x1C68A]  }
0x1fb: {  	v12 =	vld [tilespmem:$0x1C6CB]  }
0x1fc: {  	v13 =	vld [tilespmem:$0x1C70C]  }
0x1fd: {  	v14 =	vld [tilespmem:$0x1C74D]  }
0x1fe: {  	v15 =	vld [tilespmem:$0x1C78E]  }
0x1ff: {  	v16 =	vld [tilespmem:$0x1C7CF]  }
0x200: {  	v17 =	vld [tilespmem:$0x1C410]  }
0x201: {  	v18 =	vld [tilespmem:$0x1C451]  }
0x202: {  	v19 =	vld [tilespmem:$0x1C492]  }
0x203: {  	v20 =	vld [tilespmem:$0x1C4D3]  }
0x204: {  	v21 =	vld [tilespmem:$0x1C514]  }
0x205: {  	v22 =	vld [tilespmem:$0x1C555]  }
0x206: {  	v23 =	vld [tilespmem:$0x1C596]  }
0x207: {  	v24 =	vld [tilespmem:$0x1C5D7]  }
0x208: {  	v25 =	vld [tilespmem:$0x1C618]  }
0x209: {  	v26 =	vld [tilespmem:$0x1C659]  }
0x20a: {  	v27 =	vld [tilespmem:$0x1C69A]  }
0x20b: {  	v28 =	vld [tilespmem:$0x1C6DB]  }
0x20c: {  	v29 =	vld [tilespmem:$0x1C71C]  }
0x20d: {  	v30 =	vld [tilespmem:$0x1C75D]  }
0x20e: {  	v31 =	vld [tilespmem:$0x1C79E]  }
0x20f: {  	v32 =	vld [tilespmem:$0x1C7DF]  }
0x210: {  	v33 =	vld [tilespmem:$0x1C420]  }
0x211: {  	v34 =	vld [tilespmem:$0x1C461]  }
0x212: {  	v35 =	vld [tilespmem:$0x1C430]  }
0x213: {  	v36 =	vld [tilespmem:$0x1C471]  }
0x214: {  	v37 =	vld [tilespmem:$0x1C4A2]  }
0x215: {  	v1 =	vadd.f32 v2, v1;
	v2 =	vld [tilespmem:$0x1C4B2]  }
0x216: {  	v54 =	vld [tilespmem:$0x1C4E3];
	v17 =	vadd.f32 v18, v17  }
0x217: {  	v55 =	vld [tilespmem:$0x1C4F3];
	v1 =	vadd.f32 v3, v1;
	v3 =	vadd.f32 v34, v33  }
0x218: {  	v57 =	vld [tilespmem:$0x1C524];
	v56 =	vadd.f32 v36, v35;
	v17 =	vadd.f32 v19, v17  }
0x219: {  	v1 =	vadd.f32 v4, v1;
	v3 =	vadd.f32 v37, v3;
	v4 =	vld [tilespmem:$0x1C534]  }
0x21a: {  	v58 =	vld [tilespmem:$0x1C565];
	v17 =	vadd.f32 v20, v17;
	v2 =	vadd.f32 v2, v56  }
0x21b: {  	v1 =	vadd.f32 v5, v1;
	v3 =	vadd.f32 v54, v3;
	v5 =	vld [tilespmem:$0x1C575]  }
0x21c: {  	v59 =	vld [tilespmem:$0x1C5A6];
	v17 =	vadd.f32 v21, v17;
	v2 =	vadd.f32 v55, v2  }
0x21d: {  	v1 =	vadd.f32 v6, v1;
	v3 =	vadd.f32 v57, v3;
	v6 =	vld [tilespmem:$0x1C5B6]  }
0x21e: {  	v17 =	vadd.f32 v22, v17;
	v2 =	vadd.f32 v4, v2;
	v4 =	vld [tilespmem:$0x1C5E7]  }
0x21f: {  	v1 =	vadd.f32 v7, v1;
	v3 =	vadd.f32 v58, v3;
	v7 =	vld [tilespmem:$0x1C5F7]  }
0x220: {  	v17 =	vadd.f32 v23, v17;
	v2 =	vadd.f32 v5, v2;
	v5 =	vld [tilespmem:$0x1C628]  }
0x221: {  	v1 =	vadd.f32 v8, v1;
	v3 =	vadd.f32 v59, v3;
	v8 =	vld [tilespmem:$0x1C638]  }
0x222: {  	v17 =	vadd.f32 v24, v17;
	v2 =	vadd.f32 v6, v2;
	v6 =	vld [tilespmem:$0x1C669]  }
0x223: {  	v1 =	vadd.f32 v9, v1;
	v3 =	vadd.f32 v4, v3;
	v4 =	vld [tilespmem:$0x1C679]  }
0x224: {  	v9 =	vadd.f32 v25, v17;
	v2 =	vadd.f32 v7, v2;
	v7 =	vld [tilespmem:$0x1C6AA]  }
0x225: {  	v1 =	vadd.f32 v10, v1;
	v3 =	vadd.f32 v5, v3;
	v5 =	vld [tilespmem:$0x1C6BA]  }
0x226: {  	v9 =	vadd.f32 v26, v9;
	v2 =	vadd.f32 v8, v2;
	v8 =	vld [tilespmem:$0x1C6EB]  }
0x227: {  	v1 =	vadd.f32 v11, v1;
	v3 =	vadd.f32 v6, v3;
	v6 =	vld [tilespmem:$0x1C6FB]  }
0x228: {  	v9 =	vadd.f32 v27, v9;
	v2 =	vadd.f32 v4, v2;
	v4 =	vld [tilespmem:$0x1C72C]  }
0x229: {  	v1 =	vadd.f32 v12, v1;
	v3 =	vadd.f32 v7, v3;
	v7 =	vld [tilespmem:$0x1C73C]  }
0x22a: {  	v10 =	vld [tilespmem:$0x1C76D];
	v9 =	vadd.f32 v28, v9;
	v2 =	vadd.f32 v5, v2  }
0x22b: {  	v5 =	vld [tilespmem:$0x1C77D];
	v1 =	vadd.f32 v13, v1;
	v3 =	vadd.f32 v8, v3  }
0x22c: {  	v8 =	vadd.f32 v29, v9;
	v9 =	vld [tilespmem:$0x1C7AE];
	v2 =	vadd.f32 v6, v2  }
0x22d: {  	v1 =	vadd.f32 v14, v1;
	v3 =	vadd.f32 v4, v3;
	v4 =	vld [tilespmem:$0x1C7BE]  }
0x22e: {  	v6 =	vadd.f32 v30, v8;
	v8 =	vld [tilespmem:$0x1C7EF];
	v2 =	vadd.f32 v7, v2  }
0x22f: {  	v7 =	vld [tilespmem:$0x1C7FF];
	v1 =	vadd.f32 v15, v1;
	v3 =	vadd.f32 v10, v3  }
0x230: {  	v6 =	vadd.f32 v31, v6;
	v2 =	vadd.f32 v5, v2  }
0x231: {  	v1 =	vadd.f32 v16, v1;
	v3 =	vadd.f32 v9, v3  }
0x232: {  	v5 =	vadd.f32 v32, v6;
	v2 =	vadd.f32 v4, v2  }
0x233: {  	[tilespmem:$0x1C940] =	vst v1;
	v1 =	vadd.f32 v8, v3  }
0x234: {  	[tilespmem:$0x1C950] =	vst v5;
	v2 =	vadd.f32 v7, v2  }
0x235: {  	[tilespmem:$0x1C960] =	vst v1  }
0x236: {  	[tilespmem:$0x1C970] =	vst v2  }
0x237: {  	_ =	swait.ge [sflag:s0], $0x2000  }
0x238: {  	[sflag:s0] =	ssyncset.done $0x0  }
0x239: {  	[sflag:s0] =	ssyncadd.s32 $0xFFFFE000  }
0x23a: {  	_ =	swait.ge [sflag:s3], $0x2000  }
0x23b: {  	[sflag:s3] =	ssyncset.done $0x0  }
0x23c: {  	s14 =	simm.s32 $0x0;
	[sflag:s3] =	ssyncadd.s32 $0xFFFFE000  }
0x23d: {  	v3 =	vld [tilespmem:s14+$0x8400]  }
0x23e: {  	v4 =	vld [tilespmem:s14+$0x16400]  }
0x23f: {  	v6 =	vld [tilespmem:s14+$0x8410]  }
0x240: {  	v7 =	vld [tilespmem:s14+$0x16410]  }
0x241: {  	v8 =	vld [tilespmem:s14+$0x8420]  }
0x242: {  	v9 =	vld [tilespmem:s14+$0x16420]  }
0x243: {  	v10 =	vld [tilespmem:s14+$0x8430]  }
0x244: {  	v11 =	vld [tilespmem:s14+$0x16430]  }
0x245: {  	v12 =	vld [tilespmem:s14+$0x8440]  }
0x246: {  	v13 =	vld [tilespmem:s14+$0x16440]  }
0x247: {  	v14 =	vld [tilespmem:s14+$0x8450]  }
0x248: {  	v15 =	vld [tilespmem:s14+$0x16450]  }
0x249: {  	v16 =	vld [tilespmem:s14+$0x8460]  }
0x24a: {  	v17 =	vld [tilespmem:s14+$0x16460]  }
0x24b: {  	v60 =	vld [tilespmem:s14+$0x8470]  }
0x24c: {  	s19 =	simm.s32 $0x80;
	v61 =	vld [tilespmem:s14+$0x16470]  }
0x24d: {  	v5 =	vld [tilespmem:s19+$0x8400]  }
0x24e: {  	v1 =	vld [tilespmem:s19+$0x16400]  }
0x24f: {  	v2 =	vld [tilespmem:s19+$0x8410]  }
0x250: {  	v62 =	vmul.f32 v4, v3;
	v63 =	vmul.f32 v7, v6;
	v3 =	vld [tilespmem:s19+$0x16410]  }
0x251: {  	v8 =	vmul.f32 v9, v8;
	v9 =	vmul.f32 v11, v10;
	v4 =	vld [tilespmem:s19+$0x8420]  }
0x252: {  	v10 =	vmul.f32 v13, v12;
	v11 =	vmul.f32 v15, v14;
	v6 =	vld [tilespmem:s19+$0x16420]  }
0x253: {  	v12 =	vmul.f32 v17, v16;
	v13 =	vmul.f32 v61, v60;
	v7 =	vld [tilespmem:s19+$0x8430]  }
0x254: {  	v14 =	vadd.f32 v63, v62;
	v15 =	vadd.f32 v9, v8;
	v8 =	vld [tilespmem:s19+$0x16430]  }
0x255: {  	s9 =	simm.s32 $0x0;
	v11 =	vadd.f32 v11, v10;
	v12 =	vadd.f32 v13, v12;
	v9 =	vld [tilespmem:s19+$0x8440]  }
0x256: {  	v16 =	vadd.s32 s9, v0;
	v10 =	vld [tilespmem:s19+$0x16440]  }
0x257: {  	v13 =	vadd.f32 v15, v14;
	v14 =	vadd.f32 v12, v11;
	v11 =	vld [tilespmem:s19+$0x8450]  }
0x258: {  	v12 =	vld [tilespmem:s19+$0x16450]  }
0x259: {  	v15 =	vadd.f32 v14, v13;
	v13 =	vld [tilespmem:s19+$0x8460]  }
0x25a: {  	v14 =	vld [tilespmem:s19+$0x16460]  }
0x25b: {  	s13 =	simm.s32 $0x400;
	[tilespmem:v16+s22+$0x0] =	vst.idx.msk $0xffff, v15;
	v15 =	vld [tilespmem:s19+$0x8470]  }
.LBB2_10:
0x25c: {  	p0 =	sne.s32 s13, $0x7E00;
	v16 =	vld [tilespmem:s19+$0x16470];
	s19 =	sshra.s32 s13, $0x2  }
0x25d: {  	v17 =	vld [tilespmem:s19+$0x8400]  }
0x25e: {  	v5 =	vmul.f32 v1, v5;
	v18 =	vmul.f32 v3, v2;
	v1 =	vld [tilespmem:s19+$0x16400]  }
0x25f: {  	v19 =	vmul.f32 v6, v4;
	v7 =	vmul.f32 v8, v7;
	v2 =	vld [tilespmem:s19+$0x8410]  }
0x260: {  	v8 =	vmul.f32 v10, v9;
	v9 =	vmul.f32 v12, v11;
	v3 =	vld [tilespmem:s19+$0x16410]  }
0x261: {  	v10 =	vmul.f32 v14, v13;
	v4 =	vld [tilespmem:s19+$0x8420];
	v11 =	vmul.f32 v16, v15  }
0x262: {  	v12 =	vadd.f32 v18, v5;
	v13 =	vadd.f32 v7, v19;
	v6 =	vld [tilespmem:s19+$0x16420];
	v5 =	vmov v17  }
0x263: {  	s9 =	sadd.s32 $0x1, s9;
	v14 =	vadd.f32 v9, v8;
	v7 =	vld [tilespmem:s19+$0x8430];
	v10 =	vadd.f32 v11, v10  }
0x264: {  	v15 =	vadd.s32 s9, v0;
	v8 =	vld [tilespmem:s19+$0x16430]  }
0x265: {  	v12 =	vadd.f32 v13, v12;
	v9 =	vld [tilespmem:s19+$0x8440];
	v13 =	vadd.f32 v10, v14  }
0x266: {  	v10 =	vld [tilespmem:s19+$0x16440]  }
.Ltmp4:
0x267: {  	v11 =	vld [tilespmem:s19+$0x8450];
	v14 =	vadd.f32 v13, v12;
	(pc) =	sbr.rel @p0 .LBB2_10-.Ltmp4, $4  }
0x268: {  	v12 =	vld [tilespmem:s19+$0x16450]  }
0x269: {  	v13 =	vld [tilespmem:s19+$0x8460];
	[tilespmem:v15+s22+$0x0] =	vst.idx.msk $0xffff, v14  }
0x26a: {  	v14 =	vld [tilespmem:s19+$0x16460]  }
0x26b: {  	s13 =	sadd.s32 $0x200, s13;
	v15 =	vld [tilespmem:s19+$0x8470]  }
0x26c: {  	v16 =	vld [tilespmem:s19+$0x16470];
	_ =	sdelay $0x1  }
0x26d: {  	v1 =	vmul.f32 v1, v5;
	v2 =	vmul.f32 v3, v2  }
0x26e: {  	v3 =	vmul.f32 v6, v4;
	v4 =	vmul.f32 v8, v7  }
0x26f: {  	v5 =	vmul.f32 v10, v9;
	v6 =	vmul.f32 v12, v11  }
0x270: {  	v7 =	vmul.f32 v14, v13;
	v8 =	vmul.f32 v16, v15  }
0x271: {  	v1 =	vadd.f32 v2, v1;
	v2 =	vadd.f32 v4, v3  }
0x272: {  	s9 =	sadd.s32 $0x1, s9;
	v3 =	vadd.f32 v6, v5;
	v4 =	vadd.f32 v8, v7  }
0x273: {  	v5 =	vadd.s32 s9, v0  }
0x274: {  	v1 =	vadd.f32 v2, v1;
	v2 =	vadd.f32 v4, v3;
	_ =	sdelay $0x1  }
0x275: {  	v1 =	vadd.f32 v2, v1;
	_ =	sdelay $0x1  }
0x276: {  	[tilespmem:v5+s22+$0x0] =	vst.idx.msk $0xffff, v1  }
0x277: {  	v1 =	vld [tilespmem:$0x1C400]  }
0x278: {  	v2 =	vld [tilespmem:$0x1C441]  }
0x279: {  	v3 =	vld [tilespmem:$0x1C482]  }
0x27a: {  	v4 =	vld [tilespmem:$0x1C4C3]  }
0x27b: {  	v5 =	vld [tilespmem:$0x1C504]  }
0x27c: {  	v6 =	vld [tilespmem:$0x1C545]  }
0x27d: {  	v7 =	vld [tilespmem:$0x1C586]  }
0x27e: {  	v8 =	vld [tilespmem:$0x1C5C7]  }
0x27f: {  	v9 =	vld [tilespmem:$0x1C608]  }
0x280: {  	v10 =	vld [tilespmem:$0x1C649]  }
0x281: {  	v11 =	vld [tilespmem:$0x1C68A]  }
0x282: {  	v12 =	vld [tilespmem:$0x1C6CB]  }
0x283: {  	v13 =	vld [tilespmem:$0x1C70C]  }
0x284: {  	v14 =	vld [tilespmem:$0x1C74D]  }
0x285: {  	v15 =	vld [tilespmem:$0x1C78E]  }
0x286: {  	v16 =	vld [tilespmem:$0x1C7CF]  }
0x287: {  	v17 =	vld [tilespmem:$0x1C410]  }
0x288: {  	v18 =	vld [tilespmem:$0x1C451]  }
0x289: {  	v19 =	vld [tilespmem:$0x1C492]  }
0x28a: {  	v20 =	vld [tilespmem:$0x1C4D3]  }
0x28b: {  	v21 =	vld [tilespmem:$0x1C514]  }
0x28c: {  	v22 =	vld [tilespmem:$0x1C555]  }
0x28d: {  	v23 =	vld [tilespmem:$0x1C596]  }
0x28e: {  	v24 =	vld [tilespmem:$0x1C5D7]  }
0x28f: {  	v25 =	vld [tilespmem:$0x1C618]  }
0x290: {  	v26 =	vld [tilespmem:$0x1C659]  }
0x291: {  	v27 =	vld [tilespmem:$0x1C69A]  }
0x292: {  	v28 =	vld [tilespmem:$0x1C6DB]  }
0x293: {  	v29 =	vld [tilespmem:$0x1C71C]  }
0x294: {  	v30 =	vld [tilespmem:$0x1C75D]  }
0x295: {  	v31 =	vld [tilespmem:$0x1C79E]  }
0x296: {  	v32 =	vld [tilespmem:$0x1C7DF]  }
0x297: {  	v33 =	vld [tilespmem:$0x1C420]  }
0x298: {  	v34 =	vld [tilespmem:$0x1C461]  }
0x299: {  	v35 =	vld [tilespmem:$0x1C430]  }
0x29a: {  	v36 =	vld [tilespmem:$0x1C471]  }
0x29b: {  	v37 =	vld [tilespmem:$0x1C4A2]  }
0x29c: {  	v1 =	vadd.f32 v2, v1;
	v2 =	vld [tilespmem:$0x1C4B2]  }
0x29d: {  	v54 =	vld [tilespmem:$0x1C4E3];
	v17 =	vadd.f32 v18, v17  }
0x29e: {  	v55 =	vld [tilespmem:$0x1C4F3];
	v1 =	vadd.f32 v3, v1;
	v3 =	vadd.f32 v34, v33  }
0x29f: {  	v57 =	vld [tilespmem:$0x1C524];
	v56 =	vadd.f32 v36, v35;
	v17 =	vadd.f32 v19, v17  }
0x2a0: {  	v1 =	vadd.f32 v4, v1;
	v3 =	vadd.f32 v37, v3;
	v4 =	vld [tilespmem:$0x1C534]  }
0x2a1: {  	v58 =	vld [tilespmem:$0x1C565];
	v17 =	vadd.f32 v20, v17;
	v2 =	vadd.f32 v2, v56  }
0x2a2: {  	v1 =	vadd.f32 v5, v1;
	v3 =	vadd.f32 v54, v3;
	v5 =	vld [tilespmem:$0x1C575]  }
0x2a3: {  	v59 =	vld [tilespmem:$0x1C5A6];
	v17 =	vadd.f32 v21, v17;
	v2 =	vadd.f32 v55, v2  }
0x2a4: {  	v1 =	vadd.f32 v6, v1;
	v3 =	vadd.f32 v57, v3;
	v6 =	vld [tilespmem:$0x1C5B6]  }
0x2a5: {  	v17 =	vadd.f32 v22, v17;
	v2 =	vadd.f32 v4, v2;
	v4 =	vld [tilespmem:$0x1C5E7]  }
0x2a6: {  	v1 =	vadd.f32 v7, v1;
	v3 =	vadd.f32 v58, v3;
	v7 =	vld [tilespmem:$0x1C5F7]  }
0x2a7: {  	v17 =	vadd.f32 v23, v17;
	v2 =	vadd.f32 v5, v2;
	v5 =	vld [tilespmem:$0x1C628]  }
0x2a8: {  	v1 =	vadd.f32 v8, v1;
	v3 =	vadd.f32 v59, v3;
	v8 =	vld [tilespmem:$0x1C638]  }
0x2a9: {  	v17 =	vadd.f32 v24, v17;
	v2 =	vadd.f32 v6, v2;
	v6 =	vld [tilespmem:$0x1C669]  }
0x2aa: {  	v1 =	vadd.f32 v9, v1;
	v3 =	vadd.f32 v4, v3;
	v4 =	vld [tilespmem:$0x1C679]  }
0x2ab: {  	v9 =	vadd.f32 v25, v17;
	v2 =	vadd.f32 v7, v2;
	v7 =	vld [tilespmem:$0x1C6AA]  }
0x2ac: {  	v1 =	vadd.f32 v10, v1;
	v3 =	vadd.f32 v5, v3;
	v5 =	vld [tilespmem:$0x1C6BA]  }
0x2ad: {  	v9 =	vadd.f32 v26, v9;
	v2 =	vadd.f32 v8, v2;
	v8 =	vld [tilespmem:$0x1C6EB]  }
0x2ae: {  	v1 =	vadd.f32 v11, v1;
	v3 =	vadd.f32 v6, v3;
	v6 =	vld [tilespmem:$0x1C6FB]  }
0x2af: {  	v9 =	vadd.f32 v27, v9;
	v2 =	vadd.f32 v4, v2;
	v4 =	vld [tilespmem:$0x1C72C]  }
0x2b0: {  	v1 =	vadd.f32 v12, v1;
	v3 =	vadd.f32 v7, v3;
	v7 =	vld [tilespmem:$0x1C73C]  }
0x2b1: {  	v10 =	vld [tilespmem:$0x1C76D];
	v9 =	vadd.f32 v28, v9;
	v2 =	vadd.f32 v5, v2  }
0x2b2: {  	v5 =	vld [tilespmem:$0x1C77D];
	v1 =	vadd.f32 v13, v1;
	v3 =	vadd.f32 v8, v3  }
0x2b3: {  	v8 =	vadd.f32 v29, v9;
	v9 =	vld [tilespmem:$0x1C7AE];
	v2 =	vadd.f32 v6, v2  }
0x2b4: {  	v1 =	vadd.f32 v14, v1;
	v3 =	vadd.f32 v4, v3;
	v4 =	vld [tilespmem:$0x1C7BE]  }
0x2b5: {  	v6 =	vadd.f32 v30, v8;
	v8 =	vld [tilespmem:$0x1C7EF];
	v2 =	vadd.f32 v7, v2  }
0x2b6: {  	v7 =	vld [tilespmem:$0x1C7FF];
	v1 =	vadd.f32 v15, v1;
	v3 =	vadd.f32 v10, v3  }
0x2b7: {  	v6 =	vadd.f32 v31, v6;
	v2 =	vadd.f32 v5, v2  }
0x2b8: {  	v1 =	vadd.f32 v16, v1;
	v3 =	vadd.f32 v9, v3  }
0x2b9: {  	v5 =	vadd.f32 v32, v6;
	v2 =	vadd.f32 v4, v2  }
0x2ba: {  	[tilespmem:$0x1C980] =	vst v1;
	v1 =	vadd.f32 v8, v3  }
0x2bb: {  	[tilespmem:$0x1C990] =	vst v5;
	v2 =	vadd.f32 v7, v2  }
0x2bc: {  	[tilespmem:$0x1C9A0] =	vst v1  }
0x2bd: {  	[tilespmem:$0x1C9B0] =	vst v2  }
0x2be: {  	_ =	swait.ge [sflag:s15], $0x2000  }
0x2bf: {  	[sflag:s15] =	ssyncset.done $0x0  }
0x2c0: {  	[sflag:s15] =	ssyncadd.s32 $0xFFFFE000  }
0x2c1: {  	_ =	swait.ge [sflag:s16], $0x2000  }
0x2c2: {  	[sflag:s16] =	ssyncset.done $0x0  }
0x2c3: {  	s14 =	simm.s32 $0x0;
	[sflag:s16] =	ssyncadd.s32 $0xFFFFE000  }
0x2c4: {  	v3 =	vld [tilespmem:s14+$0xA400]  }
0x2c5: {  	v4 =	vld [tilespmem:s14+$0x18400]  }
0x2c6: {  	v6 =	vld [tilespmem:s14+$0xA410]  }
0x2c7: {  	v7 =	vld [tilespmem:s14+$0x18410]  }
0x2c8: {  	v8 =	vld [tilespmem:s14+$0xA420]  }
0x2c9: {  	v9 =	vld [tilespmem:s14+$0x18420]  }
0x2ca: {  	v10 =	vld [tilespmem:s14+$0xA430]  }
0x2cb: {  	v11 =	vld [tilespmem:s14+$0x18430]  }
0x2cc: {  	v12 =	vld [tilespmem:s14+$0xA440]  }
0x2cd: {  	v13 =	vld [tilespmem:s14+$0x18440]  }
0x2ce: {  	v14 =	vld [tilespmem:s14+$0xA450]  }
0x2cf: {  	v15 =	vld [tilespmem:s14+$0x18450]  }
0x2d0: {  	v16 =	vld [tilespmem:s14+$0xA460]  }
0x2d1: {  	v17 =	vld [tilespmem:s14+$0x18460]  }
0x2d2: {  	v60 =	vld [tilespmem:s14+$0xA470]  }
0x2d3: {  	s19 =	simm.s32 $0x80;
	v61 =	vld [tilespmem:s14+$0x18470]  }
0x2d4: {  	v5 =	vld [tilespmem:s19+$0xA400]  }
0x2d5: {  	v1 =	vld [tilespmem:s19+$0x18400]  }
0x2d6: {  	v2 =	vld [tilespmem:s19+$0xA410]  }
0x2d7: {  	v62 =	vmul.f32 v4, v3;
	v63 =	vmul.f32 v7, v6;
	v3 =	vld [tilespmem:s19+$0x18410]  }
0x2d8: {  	v8 =	vmul.f32 v9, v8;
	v9 =	vmul.f32 v11, v10;
	v4 =	vld [tilespmem:s19+$0xA420]  }
0x2d9: {  	v10 =	vmul.f32 v13, v12;
	v11 =	vmul.f32 v15, v14;
	v6 =	vld [tilespmem:s19+$0x18420]  }
0x2da: {  	v12 =	vmul.f32 v17, v16;
	v13 =	vmul.f32 v61, v60;
	v7 =	vld [tilespmem:s19+$0xA430]  }
0x2db: {  	v14 =	vadd.f32 v63, v62;
	v15 =	vadd.f32 v9, v8;
	v8 =	vld [tilespmem:s19+$0x18430]  }
0x2dc: {  	s9 =	simm.s32 $0x0;
	v11 =	vadd.f32 v11, v10;
	v12 =	vadd.f32 v13, v12;
	v9 =	vld [tilespmem:s19+$0xA440]  }
0x2dd: {  	v16 =	vadd.s32 s9, v0;
	v10 =	vld [tilespmem:s19+$0x18440]  }
0x2de: {  	v13 =	vadd.f32 v15, v14;
	v14 =	vadd.f32 v12, v11;
	v11 =	vld [tilespmem:s19+$0xA450]  }
0x2df: {  	v12 =	vld [tilespmem:s19+$0x18450]  }
0x2e0: {  	v15 =	vadd.f32 v14, v13;
	v13 =	vld [tilespmem:s19+$0xA460]  }
0x2e1: {  	v14 =	vld [tilespmem:s19+$0x18460]  }
0x2e2: {  	s13 =	simm.s32 $0x400;
	[tilespmem:v16+s22+$0x0] =	vst.idx.msk $0xffff, v15;
	v15 =	vld [tilespmem:s19+$0xA470]  }
.LBB2_12:
0x2e3: {  	p0 =	sne.s32 s13, $0x7E00;
	v16 =	vld [tilespmem:s19+$0x18470];
	s19 =	sshra.s32 s13, $0x2  }
0x2e4: {  	v17 =	vld [tilespmem:s19+$0xA400]  }
0x2e5: {  	v5 =	vmul.f32 v1, v5;
	v18 =	vmul.f32 v3, v2;
	v1 =	vld [tilespmem:s19+$0x18400]  }
0x2e6: {  	v19 =	vmul.f32 v6, v4;
	v7 =	vmul.f32 v8, v7;
	v2 =	vld [tilespmem:s19+$0xA410]  }
0x2e7: {  	v8 =	vmul.f32 v10, v9;
	v9 =	vmul.f32 v12, v11;
	v3 =	vld [tilespmem:s19+$0x18410]  }
0x2e8: {  	v10 =	vmul.f32 v14, v13;
	v4 =	vld [tilespmem:s19+$0xA420];
	v11 =	vmul.f32 v16, v15  }
0x2e9: {  	v12 =	vadd.f32 v18, v5;
	v13 =	vadd.f32 v7, v19;
	v6 =	vld [tilespmem:s19+$0x18420];
	v5 =	vmov v17  }
0x2ea: {  	s9 =	sadd.s32 $0x1, s9;
	v14 =	vadd.f32 v9, v8;
	v7 =	vld [tilespmem:s19+$0xA430];
	v10 =	vadd.f32 v11, v10  }
0x2eb: {  	v15 =	vadd.s32 s9, v0;
	v8 =	vld [tilespmem:s19+$0x18430]  }
0x2ec: {  	v12 =	vadd.f32 v13, v12;
	v9 =	vld [tilespmem:s19+$0xA440];
	v13 =	vadd.f32 v10, v14  }
0x2ed: {  	v10 =	vld [tilespmem:s19+$0x18440]  }
.Ltmp5:
0x2ee: {  	v11 =	vld [tilespmem:s19+$0xA450];
	v14 =	vadd.f32 v13, v12;
	(pc) =	sbr.rel @p0 .LBB2_12-.Ltmp5, $4  }
0x2ef: {  	v12 =	vld [tilespmem:s19+$0x18450]  }
0x2f0: {  	v13 =	vld [tilespmem:s19+$0xA460];
	[tilespmem:v15+s22+$0x0] =	vst.idx.msk $0xffff, v14  }
0x2f1: {  	v14 =	vld [tilespmem:s19+$0x18460]  }
0x2f2: {  	s13 =	sadd.s32 $0x200, s13;
	v15 =	vld [tilespmem:s19+$0xA470]  }
0x2f3: {  	v16 =	vld [tilespmem:s19+$0x18470];
	_ =	sdelay $0x1  }
0x2f4: {  	v1 =	vmul.f32 v1, v5;
	v2 =	vmul.f32 v3, v2  }
0x2f5: {  	v3 =	vmul.f32 v6, v4;
	v4 =	vmul.f32 v8, v7  }
0x2f6: {  	v5 =	vmul.f32 v10, v9;
	v6 =	vmul.f32 v12, v11  }
0x2f7: {  	v7 =	vmul.f32 v14, v13;
	v8 =	vmul.f32 v16, v15  }
0x2f8: {  	v1 =	vadd.f32 v2, v1;
	v2 =	vadd.f32 v4, v3  }
0x2f9: {  	s9 =	sadd.s32 $0x1, s9;
	v3 =	vadd.f32 v6, v5;
	v4 =	vadd.f32 v8, v7  }
0x2fa: {  	v5 =	vadd.s32 s9, v0  }
0x2fb: {  	v1 =	vadd.f32 v2, v1;
	v2 =	vadd.f32 v4, v3;
	_ =	sdelay $0x1  }
0x2fc: {  	v1 =	vadd.f32 v2, v1;
	_ =	sdelay $0x1  }
0x2fd: {  	[tilespmem:v5+s22+$0x0] =	vst.idx.msk $0xffff, v1  }
0x2fe: {  	v1 =	vld [tilespmem:$0x1C400]  }
0x2ff: {  	v2 =	vld [tilespmem:$0x1C441]  }
0x300: {  	v3 =	vld [tilespmem:$0x1C482]  }
0x301: {  	v4 =	vld [tilespmem:$0x1C4C3]  }
0x302: {  	v5 =	vld [tilespmem:$0x1C504]  }
0x303: {  	v6 =	vld [tilespmem:$0x1C545]  }
0x304: {  	v7 =	vld [tilespmem:$0x1C586]  }
0x305: {  	v8 =	vld [tilespmem:$0x1C5C7]  }
0x306: {  	v9 =	vld [tilespmem:$0x1C608]  }
0x307: {  	v10 =	vld [tilespmem:$0x1C649]  }
0x308: {  	v11 =	vld [tilespmem:$0x1C68A]  }
0x309: {  	v12 =	vld [tilespmem:$0x1C6CB]  }
0x30a: {  	v13 =	vld [tilespmem:$0x1C70C]  }
0x30b: {  	v14 =	vld [tilespmem:$0x1C74D]  }
0x30c: {  	v15 =	vld [tilespmem:$0x1C78E]  }
0x30d: {  	v16 =	vld [tilespmem:$0x1C7CF]  }
0x30e: {  	v17 =	vld [tilespmem:$0x1C410]  }
0x30f: {  	v18 =	vld [tilespmem:$0x1C451]  }
0x310: {  	v19 =	vld [tilespmem:$0x1C492]  }
0x311: {  	v20 =	vld [tilespmem:$0x1C4D3]  }
0x312: {  	v21 =	vld [tilespmem:$0x1C514]  }
0x313: {  	v22 =	vld [tilespmem:$0x1C555]  }
0x314: {  	v23 =	vld [tilespmem:$0x1C596]  }
0x315: {  	v24 =	vld [tilespmem:$0x1C5D7]  }
0x316: {  	v25 =	vld [tilespmem:$0x1C618]  }
0x317: {  	v26 =	vld [tilespmem:$0x1C659]  }
0x318: {  	v27 =	vld [tilespmem:$0x1C69A]  }
0x319: {  	v28 =	vld [tilespmem:$0x1C6DB]  }
0x31a: {  	v29 =	vld [tilespmem:$0x1C71C]  }
0x31b: {  	v30 =	vld [tilespmem:$0x1C75D]  }
0x31c: {  	v31 =	vld [tilespmem:$0x1C79E]  }
0x31d: {  	v32 =	vld [tilespmem:$0x1C7DF]  }
0x31e: {  	v33 =	vld [tilespmem:$0x1C420]  }
0x31f: {  	v34 =	vld [tilespmem:$0x1C461]  }
0x320: {  	v35 =	vld [tilespmem:$0x1C430]  }
0x321: {  	v36 =	vld [tilespmem:$0x1C471]  }
0x322: {  	v37 =	vld [tilespmem:$0x1C4A2]  }
0x323: {  	v1 =	vadd.f32 v2, v1;
	v2 =	vld [tilespmem:$0x1C4B2]  }
0x324: {  	v54 =	vld [tilespmem:$0x1C4E3];
	v17 =	vadd.f32 v18, v17  }
0x325: {  	v55 =	vld [tilespmem:$0x1C4F3];
	v1 =	vadd.f32 v3, v1;
	v3 =	vadd.f32 v34, v33  }
0x326: {  	v57 =	vld [tilespmem:$0x1C524];
	v56 =	vadd.f32 v36, v35;
	v17 =	vadd.f32 v19, v17  }
0x327: {  	v1 =	vadd.f32 v4, v1;
	v3 =	vadd.f32 v37, v3;
	v4 =	vld [tilespmem:$0x1C534]  }
0x328: {  	v58 =	vld [tilespmem:$0x1C565];
	v17 =	vadd.f32 v20, v17;
	v2 =	vadd.f32 v2, v56  }
0x329: {  	v1 =	vadd.f32 v5, v1;
	v3 =	vadd.f32 v54, v3;
	v5 =	vld [tilespmem:$0x1C575]  }
0x32a: {  	v59 =	vld [tilespmem:$0x1C5A6];
	v17 =	vadd.f32 v21, v17;
	v2 =	vadd.f32 v55, v2  }
0x32b: {  	v1 =	vadd.f32 v6, v1;
	v3 =	vadd.f32 v57, v3;
	v6 =	vld [tilespmem:$0x1C5B6]  }
0x32c: {  	v17 =	vadd.f32 v22, v17;
	v2 =	vadd.f32 v4, v2;
	v4 =	vld [tilespmem:$0x1C5E7]  }
0x32d: {  	v1 =	vadd.f32 v7, v1;
	v3 =	vadd.f32 v58, v3;
	v7 =	vld [tilespmem:$0x1C5F7]  }
0x32e: {  	v17 =	vadd.f32 v23, v17;
	v2 =	vadd.f32 v5, v2;
	v5 =	vld [tilespmem:$0x1C628]  }
0x32f: {  	v1 =	vadd.f32 v8, v1;
	v3 =	vadd.f32 v59, v3;
	v8 =	vld [tilespmem:$0x1C638]  }
0x330: {  	v17 =	vadd.f32 v24, v17;
	v2 =	vadd.f32 v6, v2;
	v6 =	vld [tilespmem:$0x1C669]  }
0x331: {  	v1 =	vadd.f32 v9, v1;
	v3 =	vadd.f32 v4, v3;
	v4 =	vld [tilespmem:$0x1C679]  }
0x332: {  	v9 =	vadd.f32 v25, v17;
	v2 =	vadd.f32 v7, v2;
	v7 =	vld [tilespmem:$0x1C6AA]  }
0x333: {  	v1 =	vadd.f32 v10, v1;
	v3 =	vadd.f32 v5, v3;
	v5 =	vld [tilespmem:$0x1C6BA]  }
0x334: {  	v9 =	vadd.f32 v26, v9;
	v2 =	vadd.f32 v8, v2;
	v8 =	vld [tilespmem:$0x1C6EB]  }
0x335: {  	v1 =	vadd.f32 v11, v1;
	v3 =	vadd.f32 v6, v3;
	v6 =	vld [tilespmem:$0x1C6FB]  }
0x336: {  	v9 =	vadd.f32 v27, v9;
	v2 =	vadd.f32 v4, v2;
	v4 =	vld [tilespmem:$0x1C72C]  }
0x337: {  	v1 =	vadd.f32 v12, v1;
	v3 =	vadd.f32 v7, v3;
	v7 =	vld [tilespmem:$0x1C73C]  }
0x338: {  	v10 =	vld [tilespmem:$0x1C76D];
	v9 =	vadd.f32 v28, v9;
	v2 =	vadd.f32 v5, v2  }
0x339: {  	v5 =	vld [tilespmem:$0x1C77D];
	v1 =	vadd.f32 v13, v1;
	v3 =	vadd.f32 v8, v3  }
0x33a: {  	v8 =	vadd.f32 v29, v9;
	v9 =	vld [tilespmem:$0x1C7AE];
	v2 =	vadd.f32 v6, v2  }
0x33b: {  	v1 =	vadd.f32 v14, v1;
	v3 =	vadd.f32 v4, v3;
	v4 =	vld [tilespmem:$0x1C7BE]  }
0x33c: {  	v6 =	vadd.f32 v30, v8;
	v8 =	vld [tilespmem:$0x1C7EF];
	v2 =	vadd.f32 v7, v2  }
0x33d: {  	v7 =	vld [tilespmem:$0x1C7FF];
	v1 =	vadd.f32 v15, v1;
	v3 =	vadd.f32 v10, v3  }
0x33e: {  	v6 =	vadd.f32 v31, v6;
	v2 =	vadd.f32 v5, v2  }
0x33f: {  	v1 =	vadd.f32 v16, v1;
	v3 =	vadd.f32 v9, v3  }
0x340: {  	v5 =	vadd.f32 v32, v6;
	v2 =	vadd.f32 v4, v2  }
0x341: {  	[tilespmem:$0x1C9C0] =	vst v1;
	v1 =	vadd.f32 v8, v3  }
0x342: {  	[tilespmem:$0x1C9D0] =	vst v5;
	v2 =	vadd.f32 v7, v2  }
0x343: {  	[tilespmem:$0x1C9E0] =	vst v1  }
0x344: {  	[tilespmem:$0x1C9F0] =	vst v2  }
0x345: {  	_ =	swait.ge [sflag:s17], $0x2000  }
0x346: {  	[sflag:s17] =	ssyncset.done $0x0  }
0x347: {  	[sflag:s17] =	ssyncadd.s32 $0xFFFFE000  }
0x348: {  	_ =	swait.ge [sflag:s18], $0x2000  }
0x349: {  	[sflag:s18] =	ssyncset.done $0x0  }
0x34a: {  	s14 =	simm.s32 $0x0;
	[sflag:s18] =	ssyncadd.s32 $0xFFFFE000  }
0x34b: {  	v3 =	vld [tilespmem:s14+$0xC400]  }
0x34c: {  	v4 =	vld [tilespmem:s14+$0x1A400]  }
0x34d: {  	v6 =	vld [tilespmem:s14+$0xC410]  }
0x34e: {  	v7 =	vld [tilespmem:s14+$0x1A410]  }
0x34f: {  	v8 =	vld [tilespmem:s14+$0xC420]  }
0x350: {  	v9 =	vld [tilespmem:s14+$0x1A420]  }
0x351: {  	v10 =	vld [tilespmem:s14+$0xC430]  }
0x352: {  	v11 =	vld [tilespmem:s14+$0x1A430]  }
0x353: {  	v12 =	vld [tilespmem:s14+$0xC440]  }
0x354: {  	v13 =	vld [tilespmem:s14+$0x1A440]  }
0x355: {  	v14 =	vld [tilespmem:s14+$0xC450]  }
0x356: {  	v15 =	vld [tilespmem:s14+$0x1A450]  }
0x357: {  	v16 =	vld [tilespmem:s14+$0xC460]  }
0x358: {  	v17 =	vld [tilespmem:s14+$0x1A460]  }
0x359: {  	v60 =	vld [tilespmem:s14+$0xC470]  }
0x35a: {  	s19 =	simm.s32 $0x80;
	v61 =	vld [tilespmem:s14+$0x1A470]  }
0x35b: {  	v5 =	vld [tilespmem:s19+$0xC400]  }
0x35c: {  	v1 =	vld [tilespmem:s19+$0x1A400]  }
0x35d: {  	v2 =	vld [tilespmem:s19+$0xC410]  }
0x35e: {  	v62 =	vmul.f32 v4, v3;
	v63 =	vmul.f32 v7, v6;
	v3 =	vld [tilespmem:s19+$0x1A410]  }
0x35f: {  	v8 =	vmul.f32 v9, v8;
	v9 =	vmul.f32 v11, v10;
	v4 =	vld [tilespmem:s19+$0xC420]  }
0x360: {  	v10 =	vmul.f32 v13, v12;
	v11 =	vmul.f32 v15, v14;
	v6 =	vld [tilespmem:s19+$0x1A420]  }
0x361: {  	v12 =	vmul.f32 v17, v16;
	v13 =	vmul.f32 v61, v60;
	v7 =	vld [tilespmem:s19+$0xC430]  }
0x362: {  	v14 =	vadd.f32 v63, v62;
	v15 =	vadd.f32 v9, v8;
	v8 =	vld [tilespmem:s19+$0x1A430]  }
0x363: {  	s9 =	simm.s32 $0x0;
	v11 =	vadd.f32 v11, v10;
	v12 =	vadd.f32 v13, v12;
	v9 =	vld [tilespmem:s19+$0xC440]  }
0x364: {  	v16 =	vadd.s32 s9, v0;
	v10 =	vld [tilespmem:s19+$0x1A440]  }
0x365: {  	v13 =	vadd.f32 v15, v14;
	v14 =	vadd.f32 v12, v11;
	v11 =	vld [tilespmem:s19+$0xC450]  }
0x366: {  	v12 =	vld [tilespmem:s19+$0x1A450]  }
0x367: {  	v15 =	vadd.f32 v14, v13;
	v13 =	vld [tilespmem:s19+$0xC460]  }
0x368: {  	v14 =	vld [tilespmem:s19+$0x1A460]  }
0x369: {  	s13 =	simm.s32 $0x400;
	[tilespmem:v16+s22+$0x0] =	vst.idx.msk $0xffff, v15;
	v15 =	vld [tilespmem:s19+$0xC470]  }
.LBB2_14:
0x36a: {  	p0 =	sne.s32 s13, $0x7E00;
	v16 =	vld [tilespmem:s19+$0x1A470];
	s19 =	sshra.s32 s13, $0x2  }
0x36b: {  	v17 =	vld [tilespmem:s19+$0xC400]  }
0x36c: {  	v5 =	vmul.f32 v1, v5;
	v18 =	vmul.f32 v3, v2;
	v1 =	vld [tilespmem:s19+$0x1A400]  }
0x36d: {  	v19 =	vmul.f32 v6, v4;
	v7 =	vmul.f32 v8, v7;
	v2 =	vld [tilespmem:s19+$0xC410]  }
0x36e: {  	v8 =	vmul.f32 v10, v9;
	v9 =	vmul.f32 v12, v11;
	v3 =	vld [tilespmem:s19+$0x1A410]  }
0x36f: {  	v10 =	vmul.f32 v14, v13;
	v4 =	vld [tilespmem:s19+$0xC420];
	v11 =	vmul.f32 v16, v15  }
0x370: {  	v12 =	vadd.f32 v18, v5;
	v13 =	vadd.f32 v7, v19;
	v6 =	vld [tilespmem:s19+$0x1A420];
	v5 =	vmov v17  }
0x371: {  	s9 =	sadd.s32 $0x1, s9;
	v14 =	vadd.f32 v9, v8;
	v7 =	vld [tilespmem:s19+$0xC430];
	v10 =	vadd.f32 v11, v10  }
0x372: {  	v15 =	vadd.s32 s9, v0;
	v8 =	vld [tilespmem:s19+$0x1A430]  }
0x373: {  	v12 =	vadd.f32 v13, v12;
	v9 =	vld [tilespmem:s19+$0xC440];
	v13 =	vadd.f32 v10, v14  }
0x374: {  	v10 =	vld [tilespmem:s19+$0x1A440]  }
.Ltmp6:
0x375: {  	v11 =	vld [tilespmem:s19+$0xC450];
	v14 =	vadd.f32 v13, v12;
	(pc) =	sbr.rel @p0 .LBB2_14-.Ltmp6, $4  }
0x376: {  	v12 =	vld [tilespmem:s19+$0x1A450]  }
0x377: {  	v13 =	vld [tilespmem:s19+$0xC460];
	[tilespmem:v15+s22+$0x0] =	vst.idx.msk $0xffff, v14  }
0x378: {  	v14 =	vld [tilespmem:s19+$0x1A460]  }
0x379: {  	s13 =	sadd.s32 $0x200, s13;
	v15 =	vld [tilespmem:s19+$0xC470]  }
0x37a: {  	v16 =	vld [tilespmem:s19+$0x1A470];
	_ =	sdelay $0x1  }
0x37b: {  	v1 =	vmul.f32 v1, v5;
	v2 =	vmul.f32 v3, v2  }
0x37c: {  	v3 =	vmul.f32 v6, v4;
	v4 =	vmul.f32 v8, v7  }
0x37d: {  	v5 =	vmul.f32 v10, v9;
	v6 =	vmul.f32 v12, v11  }
0x37e: {  	v7 =	vmul.f32 v14, v13;
	v8 =	vmul.f32 v16, v15  }
0x37f: {  	v1 =	vadd.f32 v2, v1;
	v2 =	vadd.f32 v4, v3  }
0x380: {  	s9 =	sadd.s32 $0x1, s9;
	v3 =	vadd.f32 v6, v5;
	v4 =	vadd.f32 v8, v7  }
0x381: {  	v5 =	vadd.s32 s9, v0  }
0x382: {  	v1 =	vadd.f32 v2, v1;
	v2 =	vadd.f32 v4, v3;
	_ =	sdelay $0x1  }
0x383: {  	v1 =	vadd.f32 v2, v1;
	_ =	sdelay $0x1  }
0x384: {  	[tilespmem:v5+s22+$0x0] =	vst.idx.msk $0xffff, v1  }
0x385: {  	v1 =	vld [tilespmem:$0x1C400]  }
0x386: {  	v2 =	vld [tilespmem:$0x1C441]  }
0x387: {  	v3 =	vld [tilespmem:$0x1C482]  }
0x388: {  	v4 =	vld [tilespmem:$0x1C4C3]  }
0x389: {  	v5 =	vld [tilespmem:$0x1C504]  }
0x38a: {  	v6 =	vld [tilespmem:$0x1C545]  }
0x38b: {  	v7 =	vld [tilespmem:$0x1C586]  }
0x38c: {  	v8 =	vld [tilespmem:$0x1C5C7]  }
0x38d: {  	v9 =	vld [tilespmem:$0x1C608]  }
0x38e: {  	v10 =	vld [tilespmem:$0x1C649]  }
0x38f: {  	v11 =	vld [tilespmem:$0x1C68A]  }
0x390: {  	v12 =	vld [tilespmem:$0x1C6CB]  }
0x391: {  	v13 =	vld [tilespmem:$0x1C70C]  }
0x392: {  	v14 =	vld [tilespmem:$0x1C74D]  }
0x393: {  	v15 =	vld [tilespmem:$0x1C78E]  }
0x394: {  	v16 =	vld [tilespmem:$0x1C7CF]  }
0x395: {  	v17 =	vld [tilespmem:$0x1C410]  }
0x396: {  	v18 =	vld [tilespmem:$0x1C451]  }
0x397: {  	v19 =	vld [tilespmem:$0x1C492]  }
0x398: {  	v20 =	vld [tilespmem:$0x1C4D3]  }
0x399: {  	v21 =	vld [tilespmem:$0x1C514]  }
0x39a: {  	v22 =	vld [tilespmem:$0x1C555]  }
0x39b: {  	v23 =	vld [tilespmem:$0x1C596]  }
0x39c: {  	v24 =	vld [tilespmem:$0x1C5D7]  }
0x39d: {  	v25 =	vld [tilespmem:$0x1C618]  }
0x39e: {  	v26 =	vld [tilespmem:$0x1C659]  }
0x39f: {  	v27 =	vld [tilespmem:$0x1C69A]  }
0x3a0: {  	v28 =	vld [tilespmem:$0x1C6DB]  }
0x3a1: {  	v29 =	vld [tilespmem:$0x1C71C]  }
0x3a2: {  	v30 =	vld [tilespmem:$0x1C75D]  }
0x3a3: {  	v31 =	vld [tilespmem:$0x1C79E]  }
0x3a4: {  	v32 =	vld [tilespmem:$0x1C7DF]  }
0x3a5: {  	v33 =	vld [tilespmem:$0x1C420]  }
0x3a6: {  	v34 =	vld [tilespmem:$0x1C461]  }
0x3a7: {  	v35 =	vld [tilespmem:$0x1C430]  }
0x3a8: {  	v36 =	vld [tilespmem:$0x1C471]  }
0x3a9: {  	v37 =	vld [tilespmem:$0x1C4A2]  }
0x3aa: {  	v1 =	vadd.f32 v2, v1;
	v2 =	vld [tilespmem:$0x1C4B2]  }
0x3ab: {  	v17 =	vadd.f32 v18, v17;
	v18 =	vld [tilespmem:$0x1C4E3]  }
0x3ac: {  	v62 =	vld [tilespmem:$0x1C4F3];
	v1 =	vadd.f32 v3, v1;
	v3 =	vadd.f32 v34, v33  }
0x3ad: {  	v63 =	vld [tilespmem:$0x1C524];
	v17 =	vadd.f32 v19, v17;
	v19 =	vadd.f32 v36, v35  }
0x3ae: {  	v1 =	vadd.f32 v4, v1;
	v3 =	vadd.f32 v37, v3;
	v4 =	vld [tilespmem:$0x1C534]  }
0x3af: {  	v17 =	vadd.f32 v20, v17;
	v2 =	vadd.f32 v2, v19;
	v19 =	vld [tilespmem:$0x1C565]  }
0x3b0: {  	v1 =	vadd.f32 v5, v1;
	v3 =	vadd.f32 v18, v3;
	v5 =	vld [tilespmem:$0x1C575]  }
0x3b1: {  	v17 =	vadd.f32 v21, v17;
	v18 =	vld [tilespmem:$0x1C5A6];
	v2 =	vadd.f32 v62, v2  }
0x3b2: {  	v1 =	vadd.f32 v6, v1;
	v3 =	vadd.f32 v63, v3;
	v6 =	vld [tilespmem:$0x1C5B6]  }
0x3b3: {  	v17 =	vadd.f32 v22, v17;
	v2 =	vadd.f32 v4, v2;
	v4 =	vld [tilespmem:$0x1C5E7]  }
0x3b4: {  	v1 =	vadd.f32 v7, v1;
	v3 =	vadd.f32 v19, v3;
	v7 =	vld [tilespmem:$0x1C5F7]  }
0x3b5: {  	v17 =	vadd.f32 v23, v17;
	v2 =	vadd.f32 v5, v2;
	v5 =	vld [tilespmem:$0x1C628]  }
0x3b6: {  	v1 =	vadd.f32 v8, v1;
	v3 =	vadd.f32 v18, v3;
	v8 =	vld [tilespmem:$0x1C638]  }
0x3b7: {  	v17 =	vadd.f32 v24, v17;
	v2 =	vadd.f32 v6, v2;
	v6 =	vld [tilespmem:$0x1C669]  }
0x3b8: {  	v1 =	vadd.f32 v9, v1;
	v3 =	vadd.f32 v4, v3;
	v4 =	vld [tilespmem:$0x1C679]  }
0x3b9: {  	v9 =	vadd.f32 v25, v17;
	v2 =	vadd.f32 v7, v2;
	v7 =	vld [tilespmem:$0x1C6AA]  }
0x3ba: {  	v1 =	vadd.f32 v10, v1;
	v3 =	vadd.f32 v5, v3;
	v5 =	vld [tilespmem:$0x1C6BA]  }
0x3bb: {  	v9 =	vadd.f32 v26, v9;
	v2 =	vadd.f32 v8, v2;
	v8 =	vld [tilespmem:$0x1C6EB]  }
0x3bc: {  	v1 =	vadd.f32 v11, v1;
	v3 =	vadd.f32 v6, v3;
	v6 =	vld [tilespmem:$0x1C6FB]  }
0x3bd: {  	v9 =	vadd.f32 v27, v9;
	v2 =	vadd.f32 v4, v2;
	v4 =	vld [tilespmem:$0x1C72C]  }
0x3be: {  	v1 =	vadd.f32 v12, v1;
	v3 =	vadd.f32 v7, v3;
	v7 =	vld [tilespmem:$0x1C73C]  }
0x3bf: {  	v9 =	vadd.f32 v28, v9;
	v2 =	vadd.f32 v5, v2;
	v5 =	vld [tilespmem:$0x1C76D]  }
0x3c0: {  	v1 =	vadd.f32 v13, v1;
	v3 =	vadd.f32 v8, v3;
	v8 =	vld [tilespmem:$0x1C77D]  }
0x3c1: {  	v10 =	vld [tilespmem:$0x1C7AE];
	v9 =	vadd.f32 v29, v9;
	v2 =	vadd.f32 v6, v2  }
0x3c2: {  	v1 =	vadd.f32 v14, v1;
	v3 =	vadd.f32 v4, v3;
	v4 =	vld [tilespmem:$0x1C7BE]  }
0x3c3: {  	v6 =	vadd.f32 v30, v9;
	v9 =	vld [tilespmem:$0x1C7EF];
	v2 =	vadd.f32 v7, v2  }
0x3c4: {  	v1 =	vadd.f32 v15, v1;
	v3 =	vadd.f32 v5, v3;
	v5 =	vld [tilespmem:$0x1C7FF]  }
0x3c5: {  	v6 =	vadd.f32 v31, v6;
	v2 =	vadd.f32 v8, v2  }
0x3c6: {  	v1 =	vadd.f32 v16, v1;
	v3 =	vadd.f32 v10, v3  }
0x3c7: {  	v6 =	vadd.f32 v32, v6;
	v2 =	vadd.f32 v4, v2  }
0x3c8: {  	[tilespmem:$0x1CA00] =	vst v1;
	v1 =	vadd.f32 v9, v3  }
0x3c9: {  	[tilespmem:$0x1CA10] =	vst v6;
	v2 =	vadd.f32 v5, v2  }
0x3ca: {  	[tilespmem:$0x1CA20] =	vst v1  }
0x3cb: {  	[tilespmem:$0x1CA30] =	vst v2  }
0x3cc: {  	_ =	swait.ge [sflag:s20], $0x2000  }
0x3cd: {  	[sflag:s20] =	ssyncset.done $0x0  }
0x3ce: {  	[sflag:s20] =	ssyncadd.s32 $0xFFFFE000  }
0x3cf: {  	_ =	swait.ge [sflag:s21], $0x2000  }
0x3d0: {  	[sflag:s21] =	ssyncset.done $0x0  }
0x3d1: {  	s13 =	simm.s32 $0x440;
	[sflag:s21] =	ssyncadd.s32 $0xFFFFE000  }
0x3d2: {  	s9 =	simm.s32 $0xE440;
	v7 =	vld [tilespmem:s13+$0xFFFFFFC0]  }
0x3d3: {  	v1 =	vld [tilespmem:s9+$0xFFFFFFC0]  }
0x3d4: {  	v2 =	vld [tilespmem:s13+$0xFFFFFFD0]  }
0x3d5: {  	v3 =	vld [tilespmem:s9+$0xFFFFFFD0]  }
0x3d6: {  	v4 =	vld [tilespmem:s13+$0xFFFFFFE0]  }
0x3d7: {  	v5 =	vld [tilespmem:s9+$0xFFFFFFE0]  }
0x3d8: {  	v6 =	vld [tilespmem:s13+$0xFFFFFFF0]  }
0x3d9: {  	v8 =	vld [tilespmem:s9+$0xFFFFFFF0]  }
0x3da: {  	v9 =	vld [tilespmem:s13+$0x0]  }
0x3db: {  	v10 =	vld [tilespmem:s9+$0x0]  }
0x3dc: {  	v11 =	vld [tilespmem:s13+$0x10]  }
0x3dd: {  	v13 =	vld [tilespmem:s9+$0x10]  }
0x3de: {  	v12 =	vld [tilespmem:s13+$0x20]  }
0x3df: {  	v14 =	vld [tilespmem:s9+$0x20]  }
0x3e0: {  	v15 =	vld [tilespmem:s13+$0x30]  }
0x3e1: {  	s19 =	simm.s32 $0x0;
	s14 =	simm.s32 $0x1;
	v16 =	vld [tilespmem:s9+$0x30];
	s13 =	simm.s32 $0x4C0  }
.LBB2_16:
0x3e2: {  	v17 =	vld [tilespmem:s13+$0xFFFFFFC0];
	p0 =	sne.s32 s14, $0x3F;
	s9 =	sadd.s32 $0x80, s9  }
0x3e3: {  	v7 =	vmul.f32 v1, v7;
	v18 =	vmul.f32 v3, v2;
	v1 =	vld [tilespmem:s9+$0xFFFFFFC0]  }
0x3e4: {  	v19 =	vmul.f32 v5, v4;
	v6 =	vmul.f32 v8, v6;
	v2 =	vld [tilespmem:s13+$0xFFFFFFD0]  }
0x3e5: {  	v8 =	vmul.f32 v10, v9;
	v9 =	vmul.f32 v13, v11;
	v3 =	vld [tilespmem:s9+$0xFFFFFFD0]  }
0x3e6: {  	v10 =	vmul.f32 v14, v12;
	v4 =	vld [tilespmem:s13+$0xFFFFFFE0];
	v11 =	vmul.f32 v16, v15  }
0x3e7: {  	v12 =	vadd.f32 v18, v7;
	v13 =	vadd.f32 v6, v19;
	v5 =	vld [tilespmem:s9+$0xFFFFFFE0];
	v7 =	vmov v17  }
0x3e8: {  	v14 =	vadd.f32 v9, v8;
	v6 =	vld [tilespmem:s13+$0xFFFFFFF0];
	v10 =	vadd.f32 v11, v10  }
0x3e9: {  	v15 =	vadd.s32 s19, v0;
	s19 =	smov.u32 s14;
	v8 =	vld [tilespmem:s9+$0xFFFFFFF0]  }
0x3ea: {  	v12 =	vadd.f32 v13, v12;
	v9 =	vld [tilespmem:s13+$0x0];
	v13 =	vadd.f32 v10, v14  }
0x3eb: {  	v10 =	vld [tilespmem:s9+$0x0]  }
0x3ec: {  	v11 =	vld [tilespmem:s13+$0x10];
	v14 =	vadd.f32 v13, v12  }
.Ltmp7:
0x3ed: {  	v13 =	vld [tilespmem:s9+$0x10];
	(pc) =	sbr.rel @p0 .LBB2_16-.Ltmp7, $4  }
0x3ee: {  	v12 =	vld [tilespmem:s13+$0x20];
	[tilespmem:v15+s22+$0x0] =	vst.idx.msk $0xffff, v14  }
0x3ef: {  	v14 =	vld [tilespmem:s9+$0x20]  }
0x3f0: {  	v15 =	vld [tilespmem:s13+$0x30]  }
0x3f1: {  	s14 =	sadd.s32 $0x1, s14;
	s13 =	sadd.s32 $0x80, s13;
	v16 =	vld [tilespmem:s9+$0x30]  }
0x3f2: {  	_ = 	snop  }
0x3f3: {  	v1 =	vmul.f32 v1, v7;
	v2 =	vmul.f32 v3, v2  }
0x3f4: {  	v3 =	vmul.f32 v5, v4;
	v45 =	vmul.f32 v8, v6  }
0x3f5: {  	v46 =	vmul.f32 v10, v9;
	v47 =	vmul.f32 v13, v11  }
0x3f6: {  	v48 =	vmul.f32 v14, v12;
	v49 =	vmul.f32 v16, v15  }
0x3f7: {  	v1 =	vadd.f32 v2, v1;
	v2 =	vadd.f32 v45, v3  }
0x3f8: {  	v3 =	vadd.f32 v47, v46;
	v50 =	vadd.f32 v49, v48  }
0x3f9: {  	v51 =	vadd.s32 s19, v0  }
0x3fa: {  	v1 =	vadd.f32 v2, v1;
	v2 =	vadd.f32 v50, v3;
	_ =	sdelay $0x1  }
0x3fb: {  	v1 =	vadd.f32 v2, v1;
	_ =	sdelay $0x1  }
0x3fc: {  	[tilespmem:v51+s22+$0x0] =	vst.idx.msk $0xffff, v1  }
0x3fd: {  	v1 =	vld [tilespmem:$0x1C400]  }
0x3fe: {  	v2 =	vld [tilespmem:$0x1C441]  }
0x3ff: {  	v3 =	vld [tilespmem:$0x1C482]  }
0x400: {  	v52 =	vld [tilespmem:$0x1C4C3]  }
0x401: {  	v5 =	vld [tilespmem:$0x1C504]  }
0x402: {  	v53 =	vld [tilespmem:$0x1C545]  }
0x403: {  	v54 =	vld [tilespmem:$0x1C586]  }
0x404: {  	v55 =	vld [tilespmem:$0x1C5C7]  }
0x405: {  	v56 =	vld [tilespmem:$0x1C608]  }
0x406: {  	v57 =	vld [tilespmem:$0x1C649]  }
0x407: {  	v58 =	vld [tilespmem:$0x1C68A]  }
0x408: {  	v59 =	vld [tilespmem:$0x1C6CB]  }
0x409: {  	v60 =	vld [tilespmem:$0x1C70C]  }
0x40a: {  	v61 =	vld [tilespmem:$0x1C74D]  }
0x40b: {  	v15 =	vld [tilespmem:$0x1C78E]  }
0x40c: {  	v16 =	vld [tilespmem:$0x1C7CF]  }
0x40d: {  	v17 =	vld [tilespmem:$0x1C410]  }
0x40e: {  	v18 =	vld [tilespmem:$0x1C451]  }
0x40f: {  	v19 =	vld [tilespmem:$0x1C492]  }
0x410: {  	v20 =	vld [tilespmem:$0x1C4D3]  }
0x411: {  	v21 =	vld [tilespmem:$0x1C514]  }
0x412: {  	v22 =	vld [tilespmem:$0x1C555]  }
0x413: {  	v23 =	vld [tilespmem:$0x1C596]  }
0x414: {  	v24 =	vld [tilespmem:$0x1C5D7]  }
0x415: {  	v25 =	vld [tilespmem:$0x1C618]  }
0x416: {  	v26 =	vld [tilespmem:$0x1C659]  }
0x417: {  	v27 =	vld [tilespmem:$0x1C69A]  }
0x418: {  	v28 =	vld [tilespmem:$0x1C6DB]  }
0x419: {  	v29 =	vld [tilespmem:$0x1C71C]  }
0x41a: {  	v30 =	vld [tilespmem:$0x1C75D]  }
0x41b: {  	v31 =	vld [tilespmem:$0x1C79E]  }
0x41c: {  	v32 =	vld [tilespmem:$0x1C7DF]  }
0x41d: {  	v33 =	vld [tilespmem:$0x1C420]  }
0x41e: {  	v34 =	vld [tilespmem:$0x1C461]  }
0x41f: {  	v35 =	vld [tilespmem:$0x1C430]  }
0x420: {  	v36 =	vld [tilespmem:$0x1C471]  }
0x421: {  	v37 =	vld [tilespmem:$0x1C4A2]  }
0x422: {  	v1 =	vadd.f32 v2, v1;
	v2 =	vld [tilespmem:$0x1C4B2]  }
0x423: {  	v62 =	vld [tilespmem:$0x1C4E3];
	v17 =	vadd.f32 v18, v17  }
0x424: {  	v63 =	vld [tilespmem:$0x1C4F3];
	v1 =	vadd.f32 v3, v1;
	v3 =	vadd.f32 v34, v33  }
0x425: {  	v38 =	vld [tilespmem:$0x1C524];
	v36 =	vadd.f32 v36, v35;
	v17 =	vadd.f32 v19, v17  }
0x426: {  	v39 =	vld [tilespmem:$0x1C534];
	v1 =	vadd.f32 v52, v1;
	v3 =	vadd.f32 v37, v3  }
0x427: {  	v40 =	vld [tilespmem:$0x1C565];
	v17 =	vadd.f32 v20, v17;
	v2 =	vadd.f32 v2, v36  }
0x428: {  	v41 =	vld [tilespmem:$0x1C575];
	v1 =	vadd.f32 v5, v1;
	v3 =	vadd.f32 v62, v3  }
0x429: {  	v42 =	vld [tilespmem:$0x1C5A6];
	v17 =	vadd.f32 v21, v17;
	v2 =	vadd.f32 v63, v2  }
0x42a: {  	v43 =	vld [tilespmem:$0x1C5B6];
	v1 =	vadd.f32 v53, v1;
	v3 =	vadd.f32 v38, v3  }
0x42b: {  	v44 =	vld [tilespmem:$0x1C5E7];
	v17 =	vadd.f32 v22, v17;
	v2 =	vadd.f32 v39, v2  }
0x42c: {  	v45 =	vld [tilespmem:$0x1C5F7];
	v1 =	vadd.f32 v54, v1;
	v3 =	vadd.f32 v40, v3  }
0x42d: {  	v46 =	vld [tilespmem:$0x1C628];
	v17 =	vadd.f32 v23, v17;
	v2 =	vadd.f32 v41, v2  }
0x42e: {  	v47 =	vld [tilespmem:$0x1C638];
	v1 =	vadd.f32 v55, v1;
	v3 =	vadd.f32 v42, v3  }
0x42f: {  	v48 =	vld [tilespmem:$0x1C669];
	v17 =	vadd.f32 v24, v17;
	v2 =	vadd.f32 v43, v2  }
0x430: {  	v49 =	vld [tilespmem:$0x1C679];
	v1 =	vadd.f32 v56, v1;
	v3 =	vadd.f32 v44, v3  }
0x431: {  	v51 =	vld [tilespmem:$0x1C6AA];
	v50 =	vadd.f32 v25, v17;
	v2 =	vadd.f32 v45, v2  }
0x432: {  	v52 =	vld [tilespmem:$0x1C6BA];
	v1 =	vadd.f32 v57, v1;
	v3 =	vadd.f32 v46, v3  }
0x433: {  	v53 =	vld [tilespmem:$0x1C6EB];
	v9 =	vadd.f32 v26, v50;
	v2 =	vadd.f32 v47, v2  }
0x434: {  	v54 =	vld [tilespmem:$0x1C6FB];
	v1 =	vadd.f32 v58, v1;
	v3 =	vadd.f32 v48, v3  }
0x435: {  	v55 =	vld [tilespmem:$0x1C72C];
	v9 =	vadd.f32 v27, v9;
	v2 =	vadd.f32 v49, v2  }
0x436: {  	v56 =	vld [tilespmem:$0x1C73C];
	v1 =	vadd.f32 v59, v1;
	v3 =	vadd.f32 v51, v3  }
0x437: {  	v57 =	vld [tilespmem:$0x1C76D];
	v9 =	vadd.f32 v28, v9;
	v2 =	vadd.f32 v52, v2  }
0x438: {  	v58 =	vld [tilespmem:$0x1C77D];
	v1 =	vadd.f32 v60, v1;
	v3 =	vadd.f32 v53, v3  }
0x439: {  	v59 =	vld [tilespmem:$0x1C7AE];
	v9 =	vadd.f32 v29, v9;
	v2 =	vadd.f32 v54, v2  }
0x43a: {  	v60 =	vld [tilespmem:$0x1C7BE];
	v1 =	vadd.f32 v61, v1;
	v3 =	vadd.f32 v55, v3  }
0x43b: {  	v62 =	vld [tilespmem:$0x1C7EF];
	v61 =	vadd.f32 v30, v9;
	v2 =	vadd.f32 v56, v2  }
0x43c: {  	v63 =	vld [tilespmem:$0x1C7FF];
	v1 =	vadd.f32 v15, v1;
	v3 =	vadd.f32 v57, v3  }
0x43d: {  	v6 =	vadd.f32 v31, v61;
	v2 =	vadd.f32 v58, v2  }
0x43e: {  	v1 =	vadd.f32 v16, v1;
	v3 =	vadd.f32 v59, v3  }
0x43f: {  	v6 =	vadd.f32 v32, v6;
	v2 =	vadd.f32 v60, v2  }
0x440: {  	[tilespmem:$0x1CA40] =	vst v1;
	v1 =	vadd.f32 v62, v3  }
0x441: {  	s24 =	sadd.s32 $0x1, s24;
	[tilespmem:$0x1CA50] =	vst v6;
	v2 =	vadd.f32 v63, v2  }
0x442: {  	p0 =	sne.s32 s24, s8;
	[tilespmem:$0x1CA60] =	vst v1  }
.Ltmp8:
0x443: {  	s9 =	simm.s32 $0x1C880;
	[tilespmem:$0x1CA70] =	vst v2;
	(pc) =	sbr.rel @p0 .LBB2_1-.Ltmp8, $4  }
0x444: {  	[hbm4b:s7+s4] =	stream.linear.scatter [tilespmem:s9], [sflag:$0x11], $0x200, $0x38;
	[tilespmem:$0x1CA80] =	vst v63  }
0x445: {  	_ =	swait.ge [sflag:s23], $0x200  }
0x446: {  	[sflag:s23] =	ssyncset.done $0x0  }
0x447: {  	[sflag:s23] =	ssyncadd.s32 $0xFFFFFE00  }
0x448: {  	_ =	sfence.sel $0x180000  }
0x449: {  	[bflag:$0x0] =	sbarrier.arrive $0xFFFF  }
0x44a: {  	_ =	strace $0x90000047  }
0x44b: {  	s0 =	stileid.u32;
	[bflag:$0x2] =	sbarrier.arrive $0xFFFF  }
0x44c: {  	p0 =	sne.s32 s0, $0x0;
	s0 =	rddreg [dreg:$0x5]  }
0x44d: {  	s0 =	sadd.s32 @!p0 $0x100000, s0  }
0x44e: {  	[sflag:s0] =	ssyncadd.tile.s32 @!p0 $0x1;
	_ =	shalt  }
.Lfunc_end2:
_tile_overlayer_lowered:
.L_overlay_start_2:
0x44f: {  	(tag) =	ssettag $0x2  }
0x450: {  	s0 =	rddreg [dreg:$0x0];
	s2 =	stileid.u32  }
0x451: {  	s1 =	rddreg [dreg:$0x1];
	p0 =	sne.s32 s2, $0x0  }
0x452: {  	s3 =	rddreg [dreg:$0x2];
	[bflag:$0x3] =	sbarrier.arrive $0xFFFF;
	s2 =	simm.s32 @!p0 $0x1C11  }
0x453: {  	[timem:s3], [sflag:s2] =	dma.local @!p0 [hbm:s0], s1  }
0x454: {  	s0 =	simm.s32 @!p0 $0x11  }
0x455: {  	_ =	swait.ge @!p0 [sflag:s0], s1  }
0x456: {  	s1 =	ssub.s32 @!p0 $0x0, s1;
	[sflag:s0] =	ssyncset.done @!p0 $0x0  }
0x457: {  	[sflag:s0] =	ssyncadd.s32 @!p0 s1  }
0x458: {  	[bflag:$0x3] =	sbarrier.arrive $0xFFFF  }
0x459: {  	_ =	shalt  }

</sc_bundles>
